<compile_context>
chip_gen: v7x
topology: tpu7x:2x2x1
jax: 0.10.2.dev20260603
libtpu: 0.0.44.dev20260713+nightly
codegen_flags: <defaults>
</compile_context>

<pallas_src>
import dataclasses
import functools

import jax
import jax.numpy as jnp
from jax import lax
from jax.experimental import pallas as pl
from jax.experimental.pallas import tpu as pltpu
from jax.experimental.pallas import tpu_sc as plsc

N_USERS = 5000
N_NODES = 10000
N_EDGES = 160000
HALF = 128
N_LAYERS = 3
NS = 16
CH = 128
NCHUNK = 80
NQ = NCHUNK // 4
EPW = NCHUNK * CH
EPAD = NS * EPW
ACC_ROWS = 10240
DRAIN = ACC_ROWS // NS


def _sc_body(emb_hbm, epk_hbm, vp_hbm, o1, o2, o3,
             ebuf, vbuf, bufA, bufB, acc,
             esem0, esem1, esem2, esem3, gsemA, gsemB, ssemA, ssemB):
    cid = lax.axis_index("c")
    sid = lax.axis_index("s")
    esems = [esem0, esem1, esem2, esem3]
    ep = epk_hbm.at[sid]
    vp = vp_hbm.at[sid]
    z16 = jnp.zeros((16,), jnp.float32)

    def load_idx(j, slot):
        pltpu.async_copy(ep.at[j], ebuf.at[slot], esems[slot])
        pltpu.async_copy(vp.at[j], vbuf.at[slot], esems[slot])

    def wait_idx(slot):
        pltpu.make_async_copy(ep.at[0], ebuf.at[slot], esems[slot]).wait()
        pltpu.make_async_copy(vp.at[0], vbuf.at[slot], esems[slot]).wait()

    def scale(buf, slot):
        sv = jnp.full((16,), slot, jnp.int32)

        @pl.loop(0, CH)
        def _(e):
            ev = jnp.full((16,), e, jnp.int32)
            v = plsc.load_gather(vbuf, [sv, ev])
            for g in range(8):
                sl = pl.ds(g * 16, 16)
                buf[e, sl] = buf[e, sl] * v

    def do_layer(src, dst):
        srcc = src.at[cid]

        @pl.loop(0, CH)
        def _(r):
            for g in range(8):
                bufA[r, pl.ds(g * 16, 16)] = z16

        for z in range(5):
            pltpu.sync_copy(bufA, acc.at[pl.ds(sid * DRAIN + z * CH, CH)])
        plsc.subcore_barrier()

        load_idx(0, 0)
        load_idx(1, 1)
        wait_idx(0)
        pltpu.async_copy(srcc.at[ebuf.at[0, 0]], bufA, gsemA)

        def item(q, i):
            j = 4 * q + i
            if i % 2 == 0:
                bme, gme, sme = bufA, gsemA, ssemA
                bot, got, sot = bufB, gsemB, ssemB
            else:
                bme, gme, sme = bufB, gsemB, ssemB
                bot, got, sot = bufA, gsemA, ssemA
            s_nxt = (i + 1) % 4
            s_pre = (i + 2) % 4

            pltpu.make_async_copy(srcc.at[ebuf.at[i, 0]], bme, gme).wait()
            scale(bme, i)

            if i == 0:
                @pl.when(q > 0)
                def _():
                    pltpu.make_async_copy(bot, acc.at[ebuf.at[3, 1]], sot).wait()
            else:
                pltpu.make_async_copy(bot, acc.at[ebuf.at[i - 1, 1]], sot).wait()

            @pl.when(j + 2 < NCHUNK)
            def _():
                load_idx(j + 2, s_pre)

            @pl.when(j + 1 < NCHUNK)
            def _():
                wait_idx(s_nxt)
                pltpu.async_copy(srcc.at[ebuf.at[s_nxt, 0]], bot, got)

            pltpu.async_copy(bme, acc.at[ebuf.at[i, 1]], sme, add=True)

        @pl.loop(0, NQ)
        def _(q):
            for i in range(4):
                item(q, i)

        pltpu.make_async_copy(bufB, acc.at[ebuf.at[3, 1]], ssemB).wait()
        plsc.subcore_barrier()
        pltpu.sync_copy(acc.at[pl.ds(sid * DRAIN, DRAIN)],
                        dst.at[cid].at[pl.ds(sid * DRAIN, DRAIN)])
        plsc.subcore_barrier()

    do_layer(emb_hbm, o1)
    do_layer(o1, o2)
    do_layer(o2, o3)


def _combine_body(e_ref, a_ref, b_ref, c_ref, o_ref):
    o_ref[...] = (e_ref[...] + a_ref[...] + b_ref[...] + c_ref[...]) * 0.25


def kernel(user_embedding, item_embedding, adj_indices, adj_values):
    f32 = jnp.float32
    all_emb = jnp.concatenate([user_embedding, item_embedding], axis=0)
    emb2 = all_emb.reshape(N_NODES, 2, HALF).transpose(1, 0, 2)
    emb2 = jnp.pad(emb2, ((0, 0), (0, ACC_ROWS - N_NODES), (0, 0)))

    pad = EPAD - N_EDGES
    row = jnp.concatenate([adj_indices[0], jnp.zeros((pad,), jnp.int32)])
    col = jnp.concatenate([adj_indices[1], jnp.zeros((pad,), jnp.int32)])
    val = jnp.concatenate([adj_values, jnp.zeros((pad,), f32)])
    packed = jnp.stack(
        [col.reshape(NS, NCHUNK, CH),
         row.reshape(NS, NCHUNK, CH)], axis=2)
    valp = val.reshape(NS, NCHUNK, CH)

    cp = pltpu.CompilerParams()
    if "needs_layout_passes" in pltpu.CompilerParams.__dataclass_fields__:
        cp = dataclasses.replace(cp, needs_layout_passes=False)

    out_sds = jax.ShapeDtypeStruct((2, ACC_ROWS, HALF), f32)
    sc_fn = pl.kernel(
        _sc_body,
        out_type=[out_sds, out_sds, out_sds],
        mesh=plsc.VectorSubcoreMesh(core_axis_name="c", subcore_axis_name="s"),
        scratch_types=[
            pltpu.VMEM((4, 2, CH), jnp.int32),
            pltpu.VMEM((4, CH), f32),
            pltpu.VMEM((CH, HALF), f32),
            pltpu.VMEM((CH, HALF), f32),
            pltpu.VMEM_SHARED((ACC_ROWS, HALF), f32),
            pltpu.SemaphoreType.DMA,
            pltpu.SemaphoreType.DMA,
            pltpu.SemaphoreType.DMA,
            pltpu.SemaphoreType.DMA,
            pltpu.SemaphoreType.DMA,
            pltpu.SemaphoreType.DMA,
            pltpu.SemaphoreType.DMA,
            pltpu.SemaphoreType.DMA,
        ],
        compiler_params=cp,
    )
    l1, l2, l3 = sc_fn(emb2, packed, valp)

    combined = pl.pallas_call(
        _combine_body,
        out_shape=jax.ShapeDtypeStruct((2, ACC_ROWS, HALF), f32),
        grid=(2, 10),
        in_specs=[pl.BlockSpec((1, ACC_ROWS // 10, HALF),
                               lambda i, j: (i, j, 0))] * 4,
        out_specs=pl.BlockSpec((1, ACC_ROWS // 10, HALF), lambda i, j: (i, j, 0)),
    )(emb2, l1, l2, l3)

    final = combined[:, :N_NODES, :].transpose(1, 0, 2).reshape(N_NODES, 2 * HALF)
    return (final[:N_USERS], final[N_USERS:])

# --- scband reference (transcript-rebuilt; emitter-appended) ---
"""Pipeline reference for scband-light-gcnrecommender-14809047236624 (READ-ONLY COPY).

The authoritative reference and input builder live on the scoring server;
editing this copy changes nothing except your own understanding.
"""

import jax, jax.numpy as jnp
import numpy as np

N_USERS = 5000
N_ITEMS = 5000
N_NODES = N_USERS + N_ITEMS
N_EDGES = 160000
EMBED_DIM = 256
N_LAYERS = 3


def setup_inputs(seed: int = 0) -> dict:
    key = jax.random.key(seed)
    k1, k2, k3, k4 = jax.random.split(key, 4)
    user_embedding = jax.random.normal(k1, (N_USERS, EMBED_DIM), dtype=jnp.float32) * 0.02
    item_embedding = jax.random.normal(k2, (N_ITEMS, EMBED_DIM), dtype=jnp.float32) * 0.02
    # sparse normalized adjacency in COO form: row = indices[0], col = indices[1]
    adj_indices = jax.random.randint(k3, (2, N_EDGES), 0, N_NODES, dtype=jnp.int32)
    # positive normalized edge weights (stand-in for D^-1/2 A D^-1/2 values)
    adj_values = (jax.random.uniform(k4, (N_EDGES,), dtype=jnp.float32) + 0.05) / 16.0
    return {
        "user_embedding": user_embedding,
        "item_embedding": item_embedding,
        "adj_indices": adj_indices,
        "adj_values": adj_values,
    }


def reference(user_embedding, item_embedding, adj_indices, adj_values):
    # LightGCN.forward: layer-wise sparse propagation + mean over layers
    all_embedding = jnp.concatenate([user_embedding, item_embedding], axis=0)
    acc = all_embedding
    cur = all_embedding
    row = adj_indices[0]
    col = adj_indices[1]
    for _ in range(N_LAYERS):
        # torch.sparse.mm(adj, x): out[i] = sum_{(i,j) in E} A_ij * x[j]
        msg = jnp.take(cur, col, axis=0) * adj_values[:, None]
        cur = jax.ops.segment_sum(msg, row, num_segments=N_NODES)
        acc = acc + cur
    final = acc / (N_LAYERS + 1)
    users_emb = final[:N_USERS]
    items_emb = final[N_USERS:]
    return (users_emb, items_emb)

if __name__ == "__main__":
    import jax
    _d = setup_inputs()
    print(jax.jit(kernel)(*tuple(_d.values())))

</pallas_src>

<mosaic_0001>
#map = affine_map<(d0, d1) -> (0, 0, 0)>
#map1 = affine_map<(d0, d1) -> (0, 0, 0, 0)>
module attributes {stable_mosaic.version = 14 : i64} {
  func.func @_sc_body(%arg0: i32, %arg1: i32, %arg2: memref<2x10240x128xf32, #tpu.memory_space<hbm>>, %arg3: memref<16x80x2x128xi32, #tpu.memory_space<hbm>>, %arg4: memref<16x80x128xf32, #tpu.memory_space<hbm>>, %arg5: memref<2x10240x128xf32, #tpu.memory_space<hbm>>, %arg6: memref<2x10240x128xf32, #tpu.memory_space<hbm>>, %arg7: memref<2x10240x128xf32, #tpu.memory_space<hbm>>, %arg8: memref<4x2x128xi32, #tpu.memory_space<vmem>>, %arg9: memref<4x128xf32, #tpu.memory_space<vmem>>, %arg10: memref<128x128xf32, #tpu.memory_space<vmem>>, %arg11: memref<128x128xf32, #tpu.memory_space<vmem>>, %arg12: memref<10240x128xf32, #tpu.memory_space<vmem_shared>>, %arg13: memref<!tpu.dma_semaphore, #tpu.memory_space<semaphore_mem>>, %arg14: memref<!tpu.dma_semaphore, #tpu.memory_space<semaphore_mem>>, %arg15: memref<!tpu.dma_semaphore, #tpu.memory_space<semaphore_mem>>, %arg16: memref<!tpu.dma_semaphore, #tpu.memory_space<semaphore_mem>>, %arg17: memref<!tpu.dma_semaphore, #tpu.memory_space<semaphore_mem>>, %arg18: memref<!tpu.dma_semaphore, #tpu.memory_space<semaphore_mem>>, %arg19: memref<!tpu.dma_semaphore, #tpu.memory_space<semaphore_mem>>, %arg20: memref<!tpu.dma_semaphore, #tpu.memory_space<semaphore_mem>>) attributes {dimension_semantics = [#tpu.dimension_semantics<core_parallel>, #tpu.dimension_semantics<subcore_parallel>], iteration_bounds = array<i64: 2, 16>, scalar_prefetch = 0 : i64, scratch_operands = 13 : i64, tpu.core_type = #tpu.core_type<sc_vector_subcore>, window_params = [{transform_indices = #map}, {transform_indices = #map1}, {transform_indices = #map}, {transform_indices = #map}, {transform_indices = #map}, {transform_indices = #map}]} {
    %broadcast_in_dim3A = arith.constant 0.000000e+00 : f32
    %broadcast_in_dim3A_0 = vector.broadcast %broadcast_in_dim3A : f32 to vector<16xf32>
    %scan3A = arith.constant 0 : i32
    %scan3A_1 = arith.constant 128 : i32
    %scan3A_2 = arith.addi %scan3A, %scan3A_1 : i32
    %scan3A_3 = arith.constant 1 : i32
    scf.for %scan3A_616 = %scan3A to %scan3A_2 step %scan3A_3  : i32 {
      %mul3A_617 = arith.constant 1 : i32
      %mul3A_618 = arith.muli %scan3A_616, %mul3A_617 : i32
      %add3A_619 = arith.constant 0 : i32
      %add3A_620 = arith.addi %add3A_619, %mul3A_618 : i32
      %swap3A = arith.index_cast %add3A_620 : i32 to index
      %swap3A_621 = arith.constant 0 : index
      %swap3A_622 = tpu.vector_load %arg10[%swap3A, %swap3A_621] {strides = array<i32>} : memref<128x128xf32, #tpu.memory_space<vmem>>, vector<16xf32>,
      tpu.vector_store %arg10[%swap3A, %swap3A_621], %broadcast_in_dim3A_0 {strides = array<i32>} : memref<128x128xf32, #tpu.memory_space<vmem>>, vector<16xf32>,
      %swap3A_623 = arith.index_cast %add3A_620 : i32 to index
      %swap3A_624 = arith.constant 16 : index
      %swap3A_625 = tpu.vector_load %arg10[%swap3A_623, %swap3A_624] {strides = array<i32>} : memref<128x128xf32, #tpu.memory_space<vmem>>, vector<16xf32>,
      tpu.vector_store %arg10[%swap3A_623, %swap3A_624], %broadcast_in_dim3A_0 {strides = array<i32>} : memref<128x128xf32, #tpu.memory_space<vmem>>, vector<16xf32>,
      %swap3A_626 = arith.index_cast %add3A_620 : i32 to index
      %swap3A_627 = arith.constant 32 : index
      %swap3A_628 = tpu.vector_load %arg10[%swap3A_626, %swap3A_627] {strides = array<i32>} : memref<128x128xf32, #tpu.memory_space<vmem>>, vector<16xf32>,
      tpu.vector_store %arg10[%swap3A_626, %swap3A_627], %broadcast_in_dim3A_0 {strides = array<i32>} : memref<128x128xf32, #tpu.memory_space<vmem>>, vector<16xf32>,
      %swap3A_629 = arith.index_cast %add3A_620 : i32 to index
      %swap3A_630 = arith.constant 48 : index
      %swap3A_631 = tpu.vector_load %arg10[%swap3A_629, %swap3A_630] {strides = array<i32>} : memref<128x128xf32, #tpu.memory_space<vmem>>, vector<16xf32>,
      tpu.vector_store %arg10[%swap3A_629, %swap3A_630], %broadcast_in_dim3A_0 {strides = array<i32>} : memref<128x128xf32, #tpu.memory_space<vmem>>, vector<16xf32>,
      %swap3A_632 = arith.index_cast %add3A_620 : i32 to index
      %swap3A_633 = arith.constant 64 : index
      %swap3A_634 = tpu.vector_load %arg10[%swap3A_632, %swap3A_633] {strides = array<i32>} : memref<128x128xf32, #tpu.memory_space<vmem>>, vector<16xf32>,
      tpu.vector_store %arg10[%swap3A_632, %swap3A_633], %broadcast_in_dim3A_0 {strides = array<i32>} : memref<128x128xf32, #tpu.memory_space<vmem>>, vector<16xf32>,
      %swap3A_635 = arith.index_cast %add3A_620 : i32 to index
      %swap3A_636 = arith.constant 80 : index
      %swap3A_637 = tpu.vector_load %arg10[%swap3A_635, %swap3A_636] {strides = array<i32>} : memref<128x128xf32, #tpu.memory_space<vmem>>, vector<16xf32>,
      tpu.vector_store %arg10[%swap3A_635, %swap3A_636], %broadcast_in_dim3A_0 {strides = array<i32>} : memref<128x128xf32, #tpu.memory_space<vmem>>, vector<16xf32>,
      %swap3A_638 = arith.index_cast %add3A_620 : i32 to index
      %swap3A_639 = arith.constant 96 : index
      %swap3A_640 = tpu.vector_load %arg10[%swap3A_638, %swap3A_639] {strides = array<i32>} : memref<128x128xf32, #tpu.memory_space<vmem>>, vector<16xf32>,
      tpu.vector_store %arg10[%swap3A_638, %swap3A_639], %broadcast_in_dim3A_0 {strides = array<i32>} : memref<128x128xf32, #tpu.memory_space<vmem>>, vector<16xf32>,
      %swap3A_641 = arith.index_cast %add3A_620 : i32 to index
      %swap3A_642 = arith.constant 112 : index
      %swap3A_643 = tpu.vector_load %arg10[%swap3A_641, %swap3A_642] {strides = array<i32>} : memref<128x128xf32, #tpu.memory_space<vmem>>, vector<16xf32>,
      tpu.vector_store %arg10[%swap3A_641, %swap3A_642], %broadcast_in_dim3A_0 {strides = array<i32>} : memref<128x128xf32, #tpu.memory_space<vmem>>, vector<16xf32>,
    }
    %scan3A_4 = arith.constant 128 : i32
    %mul3A = arith.constant 640 : i32
    %mul3A_5 = arith.muli %arg1, %mul3A : i32
    %add3A = arith.constant 0 : i32
    %add3A_6 = arith.addi %mul3A_5, %add3A : i32
    "tpu.region"() ({
      %run_scoped3A = tpu.sem_alloc : memref<!tpu.dma_semaphore, #tpu.memory_space<semaphore_mem>>
      %dma_start3A_616 = arith.constant 0 : i32
      %dma_start3A_617 = tpu.memref_slice %arg12[%add3A_6, %dma_start3A_616] : memref<10240x128xf32, #tpu.memory_space<vmem_shared>> -> memref<128x128xf32, #tpu.memory_space<vmem_shared>>
      %dma_start3A_618 = arith.constant 0 : i32
      %dma_start3A_619 = tpu.memref_slice %arg12[%add3A_6, %dma_start3A_618] : memref<10240x128xf32, #tpu.memory_space<vmem_shared>> -> memref<128x128xf32, #tpu.memory_space<vmem_shared>>
      tpu.enqueue_dma source(%arg10 : memref<128x128xf32, #tpu.memory_space<vmem>>) target(%dma_start3A_619 : memref<128x128xf32, #tpu.memory_space<vmem_shared>>) target_semaphore(%run_scoped3A : memref<!tpu.dma_semaphore, #tpu.memory_space<semaphore_mem>>)
      %dma_wait3A_620 = arith.constant 0 : i32
      %dma_wait3A_621 = tpu.memref_slice %arg12[%add3A_6, %dma_wait3A_620] : memref<10240x128xf32, #tpu.memory_space<vmem_shared>> -> memref<128x128xf32, #tpu.memory_space<vmem_shared>>
      %dma_wait3A_622 = arith.constant 0 : i32
      %dma_wait3A_623 = tpu.memref_slice %arg12[%add3A_6, %dma_wait3A_622] : memref<10240x128xf32, #tpu.memory_space<vmem_shared>> -> memref<128x128xf32, #tpu.memory_space<vmem_shared>>
      tpu.wait_dma2 semaphore(%run_scoped3A : memref<!tpu.dma_semaphore, #tpu.memory_space<semaphore_mem>>) src(%arg10 : memref<128x128xf32, #tpu.memory_space<vmem>>) dst(%dma_wait3A_623 : memref<128x128xf32, #tpu.memory_space<vmem_shared>>)
      tpu.yield
    }) : () -> ()
    %mul3A_7 = arith.constant 640 : i32
    %mul3A_8 = arith.muli %arg1, %mul3A_7 : i32
    %add3A_9 = arith.constant 128 : i32
    %add3A_10 = arith.addi %mul3A_8, %add3A_9 : i32
    "tpu.region"() ({
      %run_scoped3A = tpu.sem_alloc : memref<!tpu.dma_semaphore, #tpu.memory_space<semaphore_mem>>
      %dma_start3A_616 = arith.constant 0 : i32
      %dma_start3A_617 = tpu.memref_slice %arg12[%add3A_10, %dma_start3A_616] : memref<10240x128xf32, #tpu.memory_space<vmem_shared>> -> memref<128x128xf32, #tpu.memory_space<vmem_shared>>
      %dma_start3A_618 = arith.constant 0 : i32
      %dma_start3A_619 = tpu.memref_slice %arg12[%add3A_10, %dma_start3A_618] : memref<10240x128xf32, #tpu.memory_space<vmem_shared>> -> memref<128x128xf32, #tpu.memory_space<vmem_shared>>
      tpu.enqueue_dma source(%arg10 : memref<128x128xf32, #tpu.memory_space<vmem>>) target(%dma_start3A_619 : memref<128x128xf32, #tpu.memory_space<vmem_shared>>) target_semaphore(%run_scoped3A : memref<!tpu.dma_semaphore, #tpu.memory_space<semaphore_mem>>)
      %dma_wait3A_620 = arith.constant 0 : i32
      %dma_wait3A_621 = tpu.memref_slice %arg12[%add3A_10, %dma_wait3A_620] : memref<10240x128xf32, #tpu.memory_space<vmem_shared>> -> memref<128x128xf32, #tpu.memory_space<vmem_shared>>
      %dma_wait3A_622 = arith.constant 0 : i32
      %dma_wait3A_623 = tpu.memref_slice %arg12[%add3A_10, %dma_wait3A_622] : memref<10240x128xf32, #tpu.memory_space<vmem_shared>> -> memref<128x128xf32, #tpu.memory_space<vmem_shared>>
      tpu.wait_dma2 semaphore(%run_scoped3A : memref<!tpu.dma_semaphore, #tpu.memory_space<semaphore_mem>>) src(%arg10 : memref<128x128xf32, #tpu.memory_space<vmem>>) dst(%dma_wait3A_623 : memref<128x128xf32, #tpu.memory_space<vmem_shared>>)
      tpu.yield
    }) : () -> ()
    %mul3A_11 = arith.constant 640 : i32
    %mul3A_12 = arith.muli %arg1, %mul3A_11 : i32
    %add3A_13 = arith.constant 256 : i32
    %add3A_14 = arith.addi %mul3A_12, %add3A_13 : i32
    "tpu.region"() ({
      %run_scoped3A = tpu.sem_alloc : memref<!tpu.dma_semaphore, #tpu.memory_space<semaphore_mem>>
      %dma_start3A_616 = arith.constant 0 : i32
      %dma_start3A_617 = tpu.memref_slice %arg12[%add3A_14, %dma_start3A_616] : memref<10240x128xf32, #tpu.memory_space<vmem_shared>> -> memref<128x128xf32, #tpu.memory_space<vmem_shared>>
      %dma_start3A_618 = arith.constant 0 : i32
      %dma_start3A_619 = tpu.memref_slice %arg12[%add3A_14, %dma_start3A_618] : memref<10240x128xf32, #tpu.memory_space<vmem_shared>> -> memref<128x128xf32, #tpu.memory_space<vmem_shared>>
      tpu.enqueue_dma source(%arg10 : memref<128x128xf32, #tpu.memory_space<vmem>>) target(%dma_start3A_619 : memref<128x128xf32, #tpu.memory_space<vmem_shared>>) target_semaphore(%run_scoped3A : memref<!tpu.dma_semaphore, #tpu.memory_space<semaphore_mem>>)
      %dma_wait3A_620 = arith.constant 0 : i32
      %dma_wait3A_621 = tpu.memref_slice %arg12[%add3A_14, %dma_wait3A_620] : memref<10240x128xf32, #tpu.memory_space<vmem_shared>> -> memref<128x128xf32, #tpu.memory_space<vmem_shared>>
      %dma_wait3A_622 = arith.constant 0 : i32
      %dma_wait3A_623 = tpu.memref_slice %arg12[%add3A_14, %dma_wait3A_622] : memref<10240x128xf32, #tpu.memory_space<vmem_shared>> -> memref<128x128xf32, #tpu.memory_space<vmem_shared>>
      tpu.wait_dma2 semaphore(%run_scoped3A : memref<!tpu.dma_semaphore, #tpu.memory_space<semaphore_mem>>) src(%arg10 : memref<128x128xf32, #tpu.memory_space<vmem>>) dst(%dma_wait3A_623 : memref<128x128xf32, #tpu.memory_space<vmem_shared>>)
      tpu.yield
    }) : () -> ()
    %mul3A_15 = arith.constant 640 : i32
    %mul3A_16 = arith.muli %arg1, %mul3A_15 : i32
    %add3A_17 = arith.constant 384 : i32
    %add3A_18 = arith.addi %mul3A_16, %add3A_17 : i32
    "tpu.region"() ({
      %run_scoped3A = tpu.sem_alloc : memref<!tpu.dma_semaphore, #tpu.memory_space<semaphore_mem>>
      %dma_start3A_616 = arith.constant 0 : i32
      %dma_start3A_617 = tpu.memref_slice %arg12[%add3A_18, %dma_start3A_616] : memref<10240x128xf32, #tpu.memory_space<vmem_shared>> -> memref<128x128xf32, #tpu.memory_space<vmem_shared>>
      %dma_start3A_618 = arith.constant 0 : i32
      %dma_start3A_619 = tpu.memref_slice %arg12[%add3A_18, %dma_start3A_618] : memref<10240x128xf32, #tpu.memory_space<vmem_shared>> -> memref<128x128xf32, #tpu.memory_space<vmem_shared>>
      tpu.enqueue_dma source(%arg10 : memref<128x128xf32, #tpu.memory_space<vmem>>) target(%dma_start3A_619 : memref<128x128xf32, #tpu.memory_space<vmem_shared>>) target_semaphore(%run_scoped3A : memref<!tpu.dma_semaphore, #tpu.memory_space<semaphore_mem>>)
      %dma_wait3A_620 = arith.constant 0 : i32
      %dma_wait3A_621 = tpu.memref_slice %arg12[%add3A_18, %dma_wait3A_620] : memref<10240x128xf32, #tpu.memory_space<vmem_shared>> -> memref<128x128xf32, #tpu.memory_space<vmem_shared>>
      %dma_wait3A_622 = arith.constant 0 : i32
      %dma_wait3A_623 = tpu.memref_slice %arg12[%add3A_18, %dma_wait3A_622] : memref<10240x128xf32, #tpu.memory_space<vmem_shared>> -> memref<128x128xf32, #tpu.memory_space<vmem_shared>>
      tpu.wait_dma2 semaphore(%run_scoped3A : memref<!tpu.dma_semaphore, #tpu.memory_space<semaphore_mem>>) src(%arg10 : memref<128x128xf32, #tpu.memory_space<vmem>>) dst(%dma_wait3A_623 : memref<128x128xf32, #tpu.memory_space<vmem_shared>>)
      tpu.yield
    }) : () -> ()
    %mul3A_19 = arith.constant 640 : i32
    %mul3A_20 = arith.muli %arg1, %mul3A_19 : i32
    %add3A_21 = arith.constant 512 : i32
    %add3A_22 = arith.addi %mul3A_20, %add3A_21 : i32
    "tpu.region"() ({
      %run_scoped3A = tpu.sem_alloc : memref<!tpu.dma_semaphore, #tpu.memory_space<semaphore_mem>>
      %dma_start3A_616 = arith.constant 0 : i32
      %dma_start3A_617 = tpu.memref_slice %arg12[%add3A_22, %dma_start3A_616] : memref<10240x128xf32, #tpu.memory_space<vmem_shared>> -> memref<128x128xf32, #tpu.memory_space<vmem_shared>>
      %dma_start3A_618 = arith.constant 0 : i32
      %dma_start3A_619 = tpu.memref_slice %arg12[%add3A_22, %dma_start3A_618] : memref<10240x128xf32, #tpu.memory_space<vmem_shared>> -> memref<128x128xf32, #tpu.memory_space<vmem_shared>>
      tpu.enqueue_dma source(%arg10 : memref<128x128xf32, #tpu.memory_space<vmem>>) target(%dma_start3A_619 : memref<128x128xf32, #tpu.memory_space<vmem_shared>>) target_semaphore(%run_scoped3A : memref<!tpu.dma_semaphore, #tpu.memory_space<semaphore_mem>>)
      %dma_wait3A_620 = arith.constant 0 : i32
      %dma_wait3A_621 = tpu.memref_slice %arg12[%add3A_22, %dma_wait3A_620] : memref<10240x128xf32, #tpu.memory_space<vmem_shared>> -> memref<128x128xf32, #tpu.memory_space<vmem_shared>>
      %dma_wait3A_622 = arith.constant 0 : i32
      %dma_wait3A_623 = tpu.memref_slice %arg12[%add3A_22, %dma_wait3A_622] : memref<10240x128xf32, #tpu.memory_space<vmem_shared>> -> memref<128x128xf32, #tpu.memory_space<vmem_shared>>
      tpu.wait_dma2 semaphore(%run_scoped3A : memref<!tpu.dma_semaphore, #tpu.memory_space<semaphore_mem>>) src(%arg10 : memref<128x128xf32, #tpu.memory_space<vmem>>) dst(%dma_wait3A_623 : memref<128x128xf32, #tpu.memory_space<vmem_shared>>)
      tpu.yield
    }) : () -> ()
    %barrier3A = arith.constant 0 : index
    tpu.barrier barrier_id(%barrier3A)
    %dma_start3A = arith.constant 0 : i32
    %dma_start3A_23 = arith.constant 0 : i32
    %dma_start3A_24 = arith.constant 0 : i32
    %dma_start3A_25 = arith.constant 0 : i32
    %dma_start3A_26 = tpu.memref_slice %arg8[%dma_start3A_23, %dma_start3A_24, %dma_start3A_25] : memref<4x2x128xi32, #tpu.memory_space<vmem>> -> memref<1x2x128xi32, #tpu.memory_space<vmem>>
    %dma_start3A_27 = tpu.memref_squeeze %dma_start3A_26 : memref<1x2x128xi32, #tpu.memory_space<vmem>> -> memref<2x128xi32, #tpu.memory_space<vmem>>
    %dma_start3A_28 = arith.constant 0 : i32
    %dma_start3A_29 = arith.constant 0 : i32
    %dma_start3A_30 = arith.constant 0 : i32
    %dma_start3A_31 = tpu.memref_slice %arg3[%arg1, %dma_start3A_28, %dma_start3A_29, %dma_start3A_30] : memref<16x80x2x128xi32, #tpu.memory_space<hbm>> -> memref<1x80x2x128xi32, #tpu.memory_space<hbm>>
    %dma_start3A_32 = tpu.memref_squeeze %dma_start3A_31 : memref<1x80x2x128xi32, #tpu.memory_space<hbm>> -> memref<80x2x128xi32, #tpu.memory_space<hbm>>
    %dma_start3A_33 = arith.constant 0 : i32
    %dma_start3A_34 = arith.constant 0 : i32
    %dma_start3A_35 = tpu.memref_slice %dma_start3A_32[%dma_start3A, %dma_start3A_33, %dma_start3A_34] : memref<80x2x128xi32, #tpu.memory_space<hbm>> -> memref<1x2x128xi32, #tpu.memory_space<hbm>>
    %dma_start3A_36 = tpu.memref_squeeze %dma_start3A_35 : memref<1x2x128xi32, #tpu.memory_space<hbm>> -> memref<2x128xi32, #tpu.memory_space<hbm>>
    %dma_start3A_37 = arith.constant 0 : i32
    %dma_start3A_38 = arith.constant 0 : i32
    %dma_start3A_39 = tpu.memref_slice %arg8[%dma_start3A_23, %dma_start3A_37, %dma_start3A_38] : memref<4x2x128xi32, #tpu.memory_space<vmem>> -> memref<1x2x128xi32, #tpu.memory_space<vmem>>
    %dma_start3A_40 = tpu.memref_squeeze %dma_start3A_39 : memref<1x2x128xi32, #tpu.memory_space<vmem>> -> memref<2x128xi32, #tpu.memory_space<vmem>>
    %dma_start3A_41 = arith.constant 0 : i32
    %dma_start3A_42 = arith.constant 0 : i32
    %dma_start3A_43 = arith.constant 0 : i32
    %dma_start3A_44 = tpu.memref_slice %arg3[%arg1, %dma_start3A_41, %dma_start3A_42, %dma_start3A_43] : memref<16x80x2x128xi32, #tpu.memory_space<hbm>> -> memref<1x80x2x128xi32, #tpu.memory_space<hbm>>
    %dma_start3A_45 = tpu.memref_squeeze %dma_start3A_44 : memref<1x80x2x128xi32, #tpu.memory_space<hbm>> -> memref<80x2x128xi32, #tpu.memory_space<hbm>>
    %dma_start3A_46 = arith.constant 0 : i32
    %dma_start3A_47 = arith.constant 0 : i32
    %dma_start3A_48 = tpu.memref_slice %dma_start3A_45[%dma_start3A, %dma_start3A_46, %dma_start3A_47] : memref<80x2x128xi32, #tpu.memory_space<hbm>> -> memref<1x2x128xi32, #tpu.memory_space<hbm>>
    %dma_start3A_49 = tpu.memref_squeeze %dma_start3A_48 : memref<1x2x128xi32, #tpu.memory_space<hbm>> -> memref<2x128xi32, #tpu.memory_space<hbm>>
    tpu.enqueue_dma source(%dma_start3A_49 : memref<2x128xi32, #tpu.memory_space<hbm>>) target(%dma_start3A_40 : memref<2x128xi32, #tpu.memory_space<vmem>>) target_semaphore(%arg13 : memref<!tpu.dma_semaphore, #tpu.memory_space<semaphore_mem>>)
    %dma_start3A_50 = arith.constant 0 : i32
    %dma_start3A_51 = arith.constant 0 : i32
    %dma_start3A_52 = arith.constant 0 : i32
    %dma_start3A_53 = tpu.memref_slice %arg9[%dma_start3A_51, %dma_start3A_52] : memref<4x128xf32, #tpu.memory_space<vmem>> -> memref<1x128xf32, #tpu.memory_space<vmem>>
    %dma_start3A_54 = tpu.memref_squeeze %dma_start3A_53 : memref<1x128xf32, #tpu.memory_space<vmem>> -> memref<128xf32, #tpu.memory_space<vmem>>
    %dma_start3A_55 = arith.constant 0 : i32
    %dma_start3A_56 = arith.constant 0 : i32
    %dma_start3A_57 = tpu.memref_slice %arg4[%arg1, %dma_start3A_55, %dma_start3A_56] : memref<16x80x128xf32, #tpu.memory_space<hbm>> -> memref<1x80x128xf32, #tpu.memory_space<hbm>>
    %dma_start3A_58 = tpu.memref_squeeze %dma_start3A_57 : memref<1x80x128xf32, #tpu.memory_space<hbm>> -> memref<80x128xf32, #tpu.memory_space<hbm>>
    %dma_start3A_59 = arith.constant 0 : i32
    %dma_start3A_60 = tpu.memref_slice %dma_start3A_58[%dma_start3A_50, %dma_start3A_59] : memref<80x128xf32, #tpu.memory_space<hbm>> -> memref<1x128xf32, #tpu.memory_space<hbm>>
    %dma_start3A_61 = tpu.memref_squeeze %dma_start3A_60 : memref<1x128xf32, #tpu.memory_space<hbm>> -> memref<128xf32, #tpu.memory_space<hbm>>
    %dma_start3A_62 = arith.constant 0 : i32
    %dma_start3A_63 = tpu.memref_slice %arg9[%dma_start3A_51, %dma_start3A_62] : memref<4x128xf32, #tpu.memory_space<vmem>> -> memref<1x128xf32, #tpu.memory_space<vmem>>
    %dma_start3A_64 = tpu.memref_squeeze %dma_start3A_63 : memref<1x128xf32, #tpu.memory_space<vmem>> -> memref<128xf32, #tpu.memory_space<vmem>>
    %dma_start3A_65 = arith.constant 0 : i32
    %dma_start3A_66 = arith.constant 0 : i32
    %dma_start3A_67 = tpu.memref_slice %arg4[%arg1, %dma_start3A_65, %dma_start3A_66] : memref<16x80x128xf32, #tpu.memory_space<hbm>> -> memref<1x80x128xf32, #tpu.memory_space<hbm>>
    %dma_start3A_68 = tpu.memref_squeeze %dma_start3A_67 : memref<1x80x128xf32, #tpu.memory_space<hbm>> -> memref<80x128xf32, #tpu.memory_space<hbm>>
    %dma_start3A_69 = arith.constant 0 : i32
    %dma_start3A_70 = tpu.memref_slice %dma_start3A_68[%dma_start3A_50, %dma_start3A_69] : memref<80x128xf32, #tpu.memory_space<hbm>> -> memref<1x128xf32, #tpu.memory_space<hbm>>
    %dma_start3A_71 = tpu.memref_squeeze %dma_start3A_70 : memref<1x128xf32, #tpu.memory_space<hbm>> -> memref<128xf32, #tpu.memory_space<hbm>>
    tpu.enqueue_dma source(%dma_start3A_71 : memref<128xf32, #tpu.memory_space<hbm>>) target(%dma_start3A_64 : memref<128xf32, #tpu.memory_space<vmem>>) target_semaphore(%arg13 : memref<!tpu.dma_semaphore, #tpu.memory_space<semaphore_mem>>)
    %dma_start3A_72 = arith.constant 1 : i32
    %dma_start3A_73 = arith.constant 1 : i32
    %dma_start3A_74 = arith.constant 0 : i32
    %dma_start3A_75 = arith.constant 0 : i32
    %dma_start3A_76 = tpu.memref_slice %arg8[%dma_start3A_73, %dma_start3A_74, %dma_start3A_75] : memref<4x2x128xi32, #tpu.memory_space<vmem>> -> memref<1x2x128xi32, #tpu.memory_space<vmem>>
    %dma_start3A_77 = tpu.memref_squeeze %dma_start3A_76 : memref<1x2x128xi32, #tpu.memory_space<vmem>> -> memref<2x128xi32, #tpu.memory_space<vmem>>
    %dma_start3A_78 = arith.constant 0 : i32
    %dma_start3A_79 = arith.constant 0 : i32
    %dma_start3A_80 = arith.constant 0 : i32
    %dma_start3A_81 = tpu.memref_slice %arg3[%arg1, %dma_start3A_78, %dma_start3A_79, %dma_start3A_80] : memref<16x80x2x128xi32, #tpu.memory_space<hbm>> -> memref<1x80x2x128xi32, #tpu.memory_space<hbm>>
    %dma_start3A_82 = tpu.memref_squeeze %dma_start3A_81 : memref<1x80x2x128xi32, #tpu.memory_space<hbm>> -> memref<80x2x128xi32, #tpu.memory_space<hbm>>
    %dma_start3A_83 = arith.constant 0 : i32
    %dma_start3A_84 = arith.constant 0 : i32
    %dma_start3A_85 = tpu.memref_slice %dma_start3A_82[%dma_start3A_72, %dma_start3A_83, %dma_start3A_84] : memref<80x2x128xi32, #tpu.memory_space<hbm>> -> memref<1x2x128xi32, #tpu.memory_space<hbm>>
    %dma_start3A_86 = tpu.memref_squeeze %dma_start3A_85 : memref<1x2x128xi32, #tpu.memory_space<hbm>> -> memref<2x128xi32, #tpu.memory_space<hbm>>
    %dma_start3A_87 = arith.constant 0 : i32
    %dma_start3A_88 = arith.constant 0 : i32
    %dma_start3A_89 = tpu.memref_slice %arg8[%dma_start3A_73, %dma_start3A_87, %dma_start3A_88] : memref<4x2x128xi32, #tpu.memory_space<vmem>> -> memref<1x2x128xi32, #tpu.memory_space<vmem>>
    %dma_start3A_90 = tpu.memref_squeeze %dma_start3A_89 : memref<1x2x128xi32, #tpu.memory_space<vmem>> -> memref<2x128xi32, #tpu.memory_space<vmem>>
    %dma_start3A_91 = arith.constant 0 : i32
    %dma_start3A_92 = arith.constant 0 : i32
    %dma_start3A_93 = arith.constant 0 : i32
    %dma_start3A_94 = tpu.memref_slice %arg3[%arg1, %dma_start3A_91, %dma_start3A_92, %dma_start3A_93] : memref<16x80x2x128xi32, #tpu.memory_space<hbm>> -> memref<1x80x2x128xi32, #tpu.memory_space<hbm>>
    %dma_start3A_95 = tpu.memref_squeeze %dma_start3A_94 : memref<1x80x2x128xi32, #tpu.memory_space<hbm>> -> memref<80x2x128xi32, #tpu.memory_space<hbm>>
    %dma_start3A_96 = arith.constant 0 : i32
    %dma_start3A_97 = arith.constant 0 : i32
    %dma_start3A_98 = tpu.memref_slice %dma_start3A_95[%dma_start3A_72, %dma_start3A_96, %dma_start3A_97] : memref<80x2x128xi32, #tpu.memory_space<hbm>> -> memref<1x2x128xi32, #tpu.memory_space<hbm>>
    %dma_start3A_99 = tpu.memref_squeeze %dma_start3A_98 : memref<1x2x128xi32, #tpu.memory_space<hbm>> -> memref<2x128xi32, #tpu.memory_space<hbm>>
    tpu.enqueue_dma source(%dma_start3A_99 : memref<2x128xi32, #tpu.memory_space<hbm>>) target(%dma_start3A_90 : memref<2x128xi32, #tpu.memory_space<vmem>>) target_semaphore(%arg14 : memref<!tpu.dma_semaphore, #tpu.memory_space<semaphore_mem>>)
    %dma_start3A_100 = arith.constant 1 : i32
    %dma_start3A_101 = arith.constant 1 : i32
    %dma_start3A_102 = arith.constant 0 : i32
    %dma_start3A_103 = tpu.memref_slice %arg9[%dma_start3A_101, %dma_start3A_102] : memref<4x128xf32, #tpu.memory_space<vmem>> -> memref<1x128xf32, #tpu.memory_space<vmem>>
    %dma_start3A_104 = tpu.memref_squeeze %dma_start3A_103 : memref<1x128xf32, #tpu.memory_space<vmem>> -> memref<128xf32, #tpu.memory_space<vmem>>
    %dma_start3A_105 = arith.constant 0 : i32
    %dma_start3A_106 = arith.constant 0 : i32
    %dma_start3A_107 = tpu.memref_slice %arg4[%arg1, %dma_start3A_105, %dma_start3A_106] : memref<16x80x128xf32, #tpu.memory_space<hbm>> -> memref<1x80x128xf32, #tpu.memory_space<hbm>>
    %dma_start3A_108 = tpu.memref_squeeze %dma_start3A_107 : memref<1x80x128xf32, #tpu.memory_space<hbm>> -> memref<80x128xf32, #tpu.memory_space<hbm>>
    %dma_start3A_109 = arith.constant 0 : i32
    %dma_start3A_110 = tpu.memref_slice %dma_start3A_108[%dma_start3A_100, %dma_start3A_109] : memref<80x128xf32, #tpu.memory_space<hbm>> -> memref<1x128xf32, #tpu.memory_space<hbm>>
    %dma_start3A_111 = tpu.memref_squeeze %dma_start3A_110 : memref<1x128xf32, #tpu.memory_space<hbm>> -> memref<128xf32, #tpu.memory_space<hbm>>
    %dma_start3A_112 = arith.constant 0 : i32
    %dma_start3A_113 = tpu.memref_slice %arg9[%dma_start3A_101, %dma_start3A_112] : memref<4x128xf32, #tpu.memory_space<vmem>> -> memref<1x128xf32, #tpu.memory_space<vmem>>
    %dma_start3A_114 = tpu.memref_squeeze %dma_start3A_113 : memref<1x128xf32, #tpu.memory_space<vmem>> -> memref<128xf32, #tpu.memory_space<vmem>>
    %dma_start3A_115 = arith.constant 0 : i32
    %dma_start3A_116 = arith.constant 0 : i32
    %dma_start3A_117 = tpu.memref_slice %arg4[%arg1, %dma_start3A_115, %dma_start3A_116] : memref<16x80x128xf32, #tpu.memory_space<hbm>> -> memref<1x80x128xf32, #tpu.memory_space<hbm>>
    %dma_start3A_118 = tpu.memref_squeeze %dma_start3A_117 : memref<1x80x128xf32, #tpu.memory_space<hbm>> -> memref<80x128xf32, #tpu.memory_space<hbm>>
    %dma_start3A_119 = arith.constant 0 : i32
    %dma_start3A_120 = tpu.memref_slice %dma_start3A_118[%dma_start3A_100, %dma_start3A_119] : memref<80x128xf32, #tpu.memory_space<hbm>> -> memref<1x128xf32, #tpu.memory_space<hbm>>
    %dma_start3A_121 = tpu.memref_squeeze %dma_start3A_120 : memref<1x128xf32, #tpu.memory_space<hbm>> -> memref<128xf32, #tpu.memory_space<hbm>>
    tpu.enqueue_dma source(%dma_start3A_121 : memref<128xf32, #tpu.memory_space<hbm>>) target(%dma_start3A_114 : memref<128xf32, #tpu.memory_space<vmem>>) target_semaphore(%arg14 : memref<!tpu.dma_semaphore, #tpu.memory_space<semaphore_mem>>)
    %dma_wait3A = arith.constant 0 : i32
    %dma_wait3A_122 = arith.constant 0 : i32
    %dma_wait3A_123 = arith.constant 0 : i32
    %dma_wait3A_124 = arith.constant 0 : i32
    %dma_wait3A_125 = tpu.memref_slice %arg8[%dma_wait3A_122, %dma_wait3A_123, %dma_wait3A_124] : memref<4x2x128xi32, #tpu.memory_space<vmem>> -> memref<1x2x128xi32, #tpu.memory_space<vmem>>
    %dma_wait3A_126 = tpu.memref_squeeze %dma_wait3A_125 : memref<1x2x128xi32, #tpu.memory_space<vmem>> -> memref<2x128xi32, #tpu.memory_space<vmem>>
    %dma_wait3A_127 = arith.constant 0 : i32
    %dma_wait3A_128 = arith.constant 0 : i32
    %dma_wait3A_129 = arith.constant 0 : i32
    %dma_wait3A_130 = tpu.memref_slice %arg3[%arg1, %dma_wait3A_127, %dma_wait3A_128, %dma_wait3A_129] : memref<16x80x2x128xi32, #tpu.memory_space<hbm>> -> memref<1x80x2x128xi32, #tpu.memory_space<hbm>>
    %dma_wait3A_131 = tpu.memref_squeeze %dma_wait3A_130 : memref<1x80x2x128xi32, #tpu.memory_space<hbm>> -> memref<80x2x128xi32, #tpu.memory_space<hbm>>
    %dma_wait3A_132 = arith.constant 0 : i32
    %dma_wait3A_133 = arith.constant 0 : i32
    %dma_wait3A_134 = tpu.memref_slice %dma_wait3A_131[%dma_wait3A, %dma_wait3A_132, %dma_wait3A_133] : memref<80x2x128xi32, #tpu.memory_space<hbm>> -> memref<1x2x128xi32, #tpu.memory_space<hbm>>
    %dma_wait3A_135 = tpu.memref_squeeze %dma_wait3A_134 : memref<1x2x128xi32, #tpu.memory_space<hbm>> -> memref<2x128xi32, #tpu.memory_space<hbm>>
    %dma_wait3A_136 = arith.constant 0 : i32
    %dma_wait3A_137 = arith.constant 0 : i32
    %dma_wait3A_138 = tpu.memref_slice %arg8[%dma_wait3A_122, %dma_wait3A_136, %dma_wait3A_137] : memref<4x2x128xi32, #tpu.memory_space<vmem>> -> memref<1x2x128xi32, #tpu.memory_space<vmem>>
    %dma_wait3A_139 = tpu.memref_squeeze %dma_wait3A_138 : memref<1x2x128xi32, #tpu.memory_space<vmem>> -> memref<2x128xi32, #tpu.memory_space<vmem>>
    %dma_wait3A_140 = arith.constant 0 : i32
    %dma_wait3A_141 = arith.constant 0 : i32
    %dma_wait3A_142 = arith.constant 0 : i32
    %dma_wait3A_143 = tpu.memref_slice %arg3[%arg1, %dma_wait3A_140, %dma_wait3A_141, %dma_wait3A_142] : memref<16x80x2x128xi32, #tpu.memory_space<hbm>> -> memref<1x80x2x128xi32, #tpu.memory_space<hbm>>
    %dma_wait3A_144 = tpu.memref_squeeze %dma_wait3A_143 : memref<1x80x2x128xi32, #tpu.memory_space<hbm>> -> memref<80x2x128xi32, #tpu.memory_space<hbm>>
    %dma_wait3A_145 = arith.constant 0 : i32
    %dma_wait3A_146 = arith.constant 0 : i32
    %dma_wait3A_147 = tpu.memref_slice %dma_wait3A_144[%dma_wait3A, %dma_wait3A_145, %dma_wait3A_146] : memref<80x2x128xi32, #tpu.memory_space<hbm>> -> memref<1x2x128xi32, #tpu.memory_space<hbm>>
    %dma_wait3A_148 = tpu.memref_squeeze %dma_wait3A_147 : memref<1x2x128xi32, #tpu.memory_space<hbm>> -> memref<2x128xi32, #tpu.memory_space<hbm>>
    tpu.wait_dma2 semaphore(%arg13 : memref<!tpu.dma_semaphore, #tpu.memory_space<semaphore_mem>>) src(%dma_wait3A_148 : memref<2x128xi32, #tpu.memory_space<hbm>>) dst(%dma_wait3A_139 : memref<2x128xi32, #tpu.memory_space<vmem>>)
    %dma_wait3A_149 = arith.constant 0 : i32
    %dma_wait3A_150 = arith.constant 0 : i32
    %dma_wait3A_151 = arith.constant 0 : i32
    %dma_wait3A_152 = tpu.memref_slice %arg9[%dma_wait3A_150, %dma_wait3A_151] : memref<4x128xf32, #tpu.memory_space<vmem>> -> memref<1x128xf32, #tpu.memory_space<vmem>>
    %dma_wait3A_153 = tpu.memref_squeeze %dma_wait3A_152 : memref<1x128xf32, #tpu.memory_space<vmem>> -> memref<128xf32, #tpu.memory_space<vmem>>
    %dma_wait3A_154 = arith.constant 0 : i32
    %dma_wait3A_155 = arith.constant 0 : i32
    %dma_wait3A_156 = tpu.memref_slice %arg4[%arg1, %dma_wait3A_154, %dma_wait3A_155] : memref<16x80x128xf32, #tpu.memory_space<hbm>> -> memref<1x80x128xf32, #tpu.memory_space<hbm>>
    %dma_wait3A_157 = tpu.memref_squeeze %dma_wait3A_156 : memref<1x80x128xf32, #tpu.memory_space<hbm>> -> memref<80x128xf32, #tpu.memory_space<hbm>>
    %dma_wait3A_158 = arith.constant 0 : i32
    %dma_wait3A_159 = tpu.memref_slice %dma_wait3A_157[%dma_wait3A_149, %dma_wait3A_158] : memref<80x128xf32, #tpu.memory_space<hbm>> -> memref<1x128xf32, #tpu.memory_space<hbm>>
    %dma_wait3A_160 = tpu.memref_squeeze %dma_wait3A_159 : memref<1x128xf32, #tpu.memory_space<hbm>> -> memref<128xf32, #tpu.memory_space<hbm>>
    %dma_wait3A_161 = arith.constant 0 : i32
    %dma_wait3A_162 = tpu.memref_slice %arg9[%dma_wait3A_150, %dma_wait3A_161] : memref<4x128xf32, #tpu.memory_space<vmem>> -> memref<1x128xf32, #tpu.memory_space<vmem>>
    %dma_wait3A_163 = tpu.memref_squeeze %dma_wait3A_162 : memref<1x128xf32, #tpu.memory_space<vmem>> -> memref<128xf32, #tpu.memory_space<vmem>>
    %dma_wait3A_164 = arith.constant 0 : i32
    %dma_wait3A_165 = arith.constant 0 : i32
    %dma_wait3A_166 = tpu.memref_slice %arg4[%arg1, %dma_wait3A_164, %dma_wait3A_165] : memref<16x80x128xf32, #tpu.memory_space<hbm>> -> memref<1x80x128xf32, #tpu.memory_space<hbm>>
    %dma_wait3A_167 = tpu.memref_squeeze %dma_wait3A_166 : memref<1x80x128xf32, #tpu.memory_space<hbm>> -> memref<80x128xf32, #tpu.memory_space<hbm>>
    %dma_wait3A_168 = arith.constant 0 : i32
    %dma_wait3A_169 = tpu.memref_slice %dma_wait3A_167[%dma_wait3A_149, %dma_wait3A_168] : memref<80x128xf32, #tpu.memory_space<hbm>> -> memref<1x128xf32, #tpu.memory_space<hbm>>
    %dma_wait3A_170 = tpu.memref_squeeze %dma_wait3A_169 : memref<1x128xf32, #tpu.memory_space<hbm>> -> memref<128xf32, #tpu.memory_space<hbm>>
    tpu.wait_dma2 semaphore(%arg13 : memref<!tpu.dma_semaphore, #tpu.memory_space<semaphore_mem>>) src(%dma_wait3A_170 : memref<128xf32, #tpu.memory_space<hbm>>) dst(%dma_wait3A_163 : memref<128xf32, #tpu.memory_space<vmem>>)
    %dma_start3A_171 = arith.constant 0 : i32
    %dma_start3A_172 = arith.constant 0 : i32
    %dma_start3A_173 = arith.constant 0 : i32
    %dma_start3A_174 = tpu.memref_slice %arg8[%dma_start3A_171, %dma_start3A_172, %dma_start3A_173] : memref<4x2x128xi32, #tpu.memory_space<vmem>> -> memref<1x1x128xi32, #tpu.memory_space<vmem>>
    %dma_start3A_175 = tpu.memref_squeeze %dma_start3A_174 : memref<1x1x128xi32, #tpu.memory_space<vmem>> -> memref<128xi32, #tpu.memory_space<vmem>>
    %dma_start3A_176 = arith.constant 0 : i32
    %dma_start3A_177 = arith.constant 0 : i32
    %dma_start3A_178 = tpu.memref_slice %arg2[%arg0, %dma_start3A_176, %dma_start3A_177] : memref<2x10240x128xf32, #tpu.memory_space<hbm>> -> memref<1x10240x128xf32, #tpu.memory_space<hbm>>
    %dma_start3A_179 = tpu.memref_squeeze %dma_start3A_178 : memref<1x10240x128xf32, #tpu.memory_space<hbm>> -> memref<10240x128xf32, #tpu.memory_space<hbm>>
    %dma_start3A_180 = arith.constant 0 : i32
    %dma_start3A_181 = arith.constant 0 : i32
    %dma_start3A_182 = tpu.memref_slice %dma_start3A_179[%dma_start3A_180, %dma_start3A_181] : memref<10240x128xf32, #tpu.memory_space<hbm>> -> memref<10240x128xf32, #tpu.memory_space<hbm>>
    tpu.enqueue_indirect_dma source(%dma_start3A_182 : memref<10240x128xf32, #tpu.memory_space<hbm>>) target(%arg10 : memref<128x128xf32, #tpu.memory_space<vmem>>) offsets(%dma_start3A_175 : memref<128xi32, #tpu.memory_space<vmem>>) semaphore(%arg17 : memref<!tpu.dma_semaphore, #tpu.memory_space<semaphore_mem>>)
    %scan3A_183 = arith.constant 0 : i32
    %scan3A_184 = arith.constant 20 : i32
    %scan3A_185 = arith.addi %scan3A_183, %scan3A_184 : i32
    %scan3A_186 = arith.constant 1 : i32
    scf.for %scan3A_616 = %scan3A_183 to %scan3A_185 step %scan3A_186  : i32 {
      %mul3A_617 = arith.constant 1 : i32
      %mul3A_618 = arith.muli %scan3A_616, %mul3A_617 : i32
      %add3A_619 = arith.constant 0 : i32
      %add3A_620 = arith.addi %add3A_619, %mul3A_618 : i32
      %mul3A_621 = arith.constant 4 : i32
      %mul3A_622 = arith.muli %mul3A_621, %add3A_620 : i32
      %add3A_623 = arith.constant 0 : i32
      %add3A_624 = arith.addi %mul3A_622, %add3A_623 : i32
      %dma_wait3A_625 = arith.constant 0 : i32
      %dma_wait3A_626 = arith.constant 0 : i32
      %dma_wait3A_627 = arith.constant 0 : i32
      %dma_wait3A_628 = tpu.memref_slice %arg8[%dma_wait3A_625, %dma_wait3A_626, %dma_wait3A_627] : memref<4x2x128xi32, #tpu.memory_space<vmem>> -> memref<1x1x128xi32, #tpu.memory_space<vmem>>
      %dma_wait3A_629 = tpu.memref_squeeze %dma_wait3A_628 : memref<1x1x128xi32, #tpu.memory_space<vmem>> -> memref<128xi32, #tpu.memory_space<vmem>>
      %dma_wait3A_630 = arith.constant 0 : i32
      %dma_wait3A_631 = arith.constant 0 : i32
      %dma_wait3A_632 = tpu.memref_slice %arg2[%arg0, %dma_wait3A_630, %dma_wait3A_631] : memref<2x10240x128xf32, #tpu.memory_space<hbm>> -> memref<1x10240x128xf32, #tpu.memory_space<hbm>>
      %dma_wait3A_633 = tpu.memref_squeeze %dma_wait3A_632 : memref<1x10240x128xf32, #tpu.memory_space<hbm>> -> memref<10240x128xf32, #tpu.memory_space<hbm>>
      %dma_wait3A_634 = arith.constant 0 : i32
      %dma_wait3A_635 = arith.constant 0 : i32
      %dma_wait3A_636 = tpu.memref_slice %dma_wait3A_633[%dma_wait3A_634, %dma_wait3A_635] : memref<10240x128xf32, #tpu.memory_space<hbm>> -> memref<10240x128xf32, #tpu.memory_space<hbm>>
      tpu.wait_indirect_dma semaphore(%arg17 : memref<!tpu.dma_semaphore, #tpu.memory_space<semaphore_mem>>) src(%dma_wait3A_636 : memref<10240x128xf32, #tpu.memory_space<hbm>>) dst(%arg10 : memref<128x128xf32, #tpu.memory_space<vmem>>)
      %broadcast_in_dim3A_637 = arith.constant 0 : i32
      %broadcast_in_dim3A_638 = vector.broadcast %broadcast_in_dim3A_637 : i32 to vector<16xi32>
      %scan3A_639 = arith.constant 0 : i32
      %scan3A_640 = arith.constant 128 : i32
      %scan3A_641 = arith.addi %scan3A_639, %scan3A_640 : i32
      %scan3A_642 = arith.constant 1 : i32
      scf.for %scan3A_826 = %scan3A_639 to %scan3A_641 step %scan3A_642  : i32 {
        %mul3A_827 = arith.constant 1 : i32
        %mul3A_828 = arith.muli %scan3A_826, %mul3A_827 : i32
        %add3A_829 = arith.constant 0 : i32
        %add3A_830 = arith.addi %add3A_829, %mul3A_828 : i32
        %broadcast_in_dim3A_831 = vector.broadcast %add3A_830 : i32 to vector<16xi32>
        %gather3A = tpu.vector_load_idx %arg9[%broadcast_in_dim3A_638, %broadcast_in_dim3A_831] : memref<4x128xf32, #tpu.memory_space<vmem>>[vector<16xi32>, vector<16xi32>], vector<16xf32>,
        %get3A = arith.index_cast %add3A_830 : i32 to index
        %get3A_832 = arith.constant 0 : index
        %get3A_833 = tpu.vector_load %arg10[%get3A, %get3A_832] {strides = array<i32>} : memref<128x128xf32, #tpu.memory_space<vmem>>, vector<16xf32>,
        %mul3A_834 = arith.mulf %get3A_833, %gather3A : vector<16xf32>
        %swap3A = arith.index_cast %add3A_830 : i32 to index
        %swap3A_835 = arith.constant 0 : index
        %swap3A_836 = tpu.vector_load %arg10[%swap3A, %swap3A_835] {strides = array<i32>} : memref<128x128xf32, #tpu.memory_space<vmem>>, vector<16xf32>,
        tpu.vector_store %arg10[%swap3A, %swap3A_835], %mul3A_834 {strides = array<i32>} : memref<128x128xf32, #tpu.memory_space<vmem>>, vector<16xf32>,
        %get3A_837 = arith.index_cast %add3A_830 : i32 to index
        %get3A_838 = arith.constant 16 : index
        %get3A_839 = tpu.vector_load %arg10[%get3A_837, %get3A_838] {strides = array<i32>} : memref<128x128xf32, #tpu.memory_space<vmem>>, vector<16xf32>,
        %mul3A_840 = arith.mulf %get3A_839, %gather3A : vector<16xf32>
        %swap3A_841 = arith.index_cast %add3A_830 : i32 to index
        %swap3A_842 = arith.constant 16 : index
        %swap3A_843 = tpu.vector_load %arg10[%swap3A_841, %swap3A_842] {strides = array<i32>} : memref<128x128xf32, #tpu.memory_space<vmem>>, vector<16xf32>,
        tpu.vector_store %arg10[%swap3A_841, %swap3A_842], %mul3A_840 {strides = array<i32>} : memref<128x128xf32, #tpu.memory_space<vmem>>, vector<16xf32>,
        %get3A_844 = arith.index_cast %add3A_830 : i32 to index
        %get3A_845 = arith.constant 32 : index
        %get3A_846 = tpu.vector_load %arg10[%get3A_844, %get3A_845] {strides = array<i32>} : memref<128x128xf32, #tpu.memory_space<vmem>>, vector<16xf32>,
        %mul3A_847 = arith.mulf %get3A_846, %gather3A : vector<16xf32>
        %swap3A_848 = arith.index_cast %add3A_830 : i32 to index
        %swap3A_849 = arith.constant 32 : index
        %swap3A_850 = tpu.vector_load %arg10[%swap3A_848, %swap3A_849] {strides = array<i32>} : memref<128x128xf32, #tpu.memory_space<vmem>>, vector<16xf32>,
        tpu.vector_store %arg10[%swap3A_848, %swap3A_849], %mul3A_847 {strides = array<i32>} : memref<128x128xf32, #tpu.memory_space<vmem>>, vector<16xf32>,
        %get3A_851 = arith.index_cast %add3A_830 : i32 to index
        %get3A_852 = arith.constant 48 : index
        %get3A_853 = tpu.vector_load %arg10[%get3A_851, %get3A_852] {strides = array<i32>} : memref<128x128xf32, #tpu.memory_space<vmem>>, vector<16xf32>,
        %mul3A_854 = arith.mulf %get3A_853, %gather3A : vector<16xf32>
        %swap3A_855 = arith.index_cast %add3A_830 : i32 to index
        %swap3A_856 = arith.constant 48 : index
        %swap3A_857 = tpu.vector_load %arg10[%swap3A_855, %swap3A_856] {strides = array<i32>} : memref<128x128xf32, #tpu.memory_space<vmem>>, vector<16xf32>,
        tpu.vector_store %arg10[%swap3A_855, %swap3A_856], %mul3A_854 {strides = array<i32>} : memref<128x128xf32, #tpu.memory_space<vmem>>, vector<16xf32>,
        %get3A_858 = arith.index_cast %add3A_830 : i32 to index
        %get3A_859 = arith.constant 64 : index
        %get3A_860 = tpu.vector_load %arg10[%get3A_858, %get3A_859] {strides = array<i32>} : memref<128x128xf32, #tpu.memory_space<vmem>>, vector<16xf32>,
        %mul3A_861 = arith.mulf %get3A_860, %gather3A : vector<16xf32>
        %swap3A_862 = arith.index_cast %add3A_830 : i32 to index
        %swap3A_863 = arith.constant 64 : index
        %swap3A_864 = tpu.vector_load %arg10[%swap3A_862, %swap3A_863] {strides = array<i32>} : memref<128x128xf32, #tpu.memory_space<vmem>>, vector<16xf32>,
        tpu.vector_store %arg10[%swap3A_862, %swap3A_863], %mul3A_861 {strides = array<i32>} : memref<128x128xf32, #tpu.memory_space<vmem>>, vector<16xf32>,
        %get3A_865 = arith.index_cast %add3A_830 : i32 to index
        %get3A_866 = arith.constant 80 : index
        %get3A_867 = tpu.vector_load %arg10[%get3A_865, %get3A_866] {strides = array<i32>} : memref<128x128xf32, #tpu.memory_space<vmem>>, vector<16xf32>,
        %mul3A_868 = arith.mulf %get3A_867, %gather3A : vector<16xf32>
        %swap3A_869 = arith.index_cast %add3A_830 : i32 to index
        %swap3A_870 = arith.constant 80 : index
        %swap3A_871 = tpu.vector_load %arg10[%swap3A_869, %swap3A_870] {strides = array<i32>} : memref<128x128xf32, #tpu.memory_space<vmem>>, vector<16xf32>,
        tpu.vector_store %arg10[%swap3A_869, %swap3A_870], %mul3A_868 {strides = array<i32>} : memref<128x128xf32, #tpu.memory_space<vmem>>, vector<16xf32>,
        %get3A_872 = arith.index_cast %add3A_830 : i32 to index
        %get3A_873 = arith.constant 96 : index
        %get3A_874 = tpu.vector_load %arg10[%get3A_872, %get3A_873] {strides = array<i32>} : memref<128x128xf32, #tpu.memory_space<vmem>>, vector<16xf32>,
        %mul3A_875 = arith.mulf %get3A_874, %gather3A : vector<16xf32>
        %swap3A_876 = arith.index_cast %add3A_830 : i32 to index
        %swap3A_877 = arith.constant 96 : index
        %swap3A_878 = tpu.vector_load %arg10[%swap3A_876, %swap3A_877] {strides = array<i32>} : memref<128x128xf32, #tpu.memory_space<vmem>>, vector<16xf32>,
        tpu.vector_store %arg10[%swap3A_876, %swap3A_877], %mul3A_875 {strides = array<i32>} : memref<128x128xf32, #tpu.memory_space<vmem>>, vector<16xf32>,
        %get3A_879 = arith.index_cast %add3A_830 : i32 to index
        %get3A_880 = arith.constant 112 : index
        %get3A_881 = tpu.vector_load %arg10[%get3A_879, %get3A_880] {strides = array<i32>} : memref<128x128xf32, #tpu.memory_space<vmem>>, vector<16xf32>,
        %mul3A_882 = arith.mulf %get3A_881, %gather3A : vector<16xf32>
        %swap3A_883 = arith.index_cast %add3A_830 : i32 to index
        %swap3A_884 = arith.constant 112 : index
        %swap3A_885 = tpu.vector_load %arg10[%swap3A_883, %swap3A_884] {strides = array<i32>} : memref<128x128xf32, #tpu.memory_space<vmem>>, vector<16xf32>,
        tpu.vector_store %arg10[%swap3A_883, %swap3A_884], %mul3A_882 {strides = array<i32>} : memref<128x128xf32, #tpu.memory_space<vmem>>, vector<16xf32>,
      }
      %scan3A_643 = arith.constant 128 : i32
      %gt3A = arith.constant 0 : i32
      %gt3A_644 = arith.cmpi sgt, %add3A_620, %gt3A : i32
      %convert_element_type3A = arith.extui %gt3A_644 : i1 to i32
      %cond3A = arith.constant 0 : i32
      %cond3A_645 = arith.cmpi ne, %convert_element_type3A, %cond3A : i32
      scf.if %cond3A_645 {
        %dma_wait3A_826 = arith.constant 3 : i32
        %dma_wait3A_827 = arith.constant 1 : i32
        %dma_wait3A_828 = arith.constant 0 : i32
        %dma_wait3A_829 = tpu.memref_slice %arg8[%dma_wait3A_826, %dma_wait3A_827, %dma_wait3A_828] : memref<4x2x128xi32, #tpu.memory_space<vmem>> -> memref<1x1x128xi32, #tpu.memory_space<vmem>>
        %dma_wait3A_830 = tpu.memref_squeeze %dma_wait3A_829 : memref<1x1x128xi32, #tpu.memory_space<vmem>> -> memref<128xi32, #tpu.memory_space<vmem>>
        %dma_wait3A_831 = arith.constant 0 : i32
        %dma_wait3A_832 = arith.constant 0 : i32
        %dma_wait3A_833 = tpu.memref_slice %arg12[%dma_wait3A_831, %dma_wait3A_832] : memref<10240x128xf32, #tpu.memory_space<vmem_shared>> -> memref<10240x128xf32, #tpu.memory_space<vmem_shared>>
        tpu.wait_indirect_dma semaphore(%arg20 : memref<!tpu.dma_semaphore, #tpu.memory_space<semaphore_mem>>) src(%arg11 : memref<128x128xf32, #tpu.memory_space<vmem>>) dst(%dma_wait3A_833 : memref<10240x128xf32, #tpu.memory_space<vmem_shared>>)
      } else {
      }
      %add3A_646 = arith.constant 2 : i32
      %add3A_647 = arith.addi %add3A_624, %add3A_646 : i32
      %lt3A = arith.constant 80 : i32
      %lt3A_648 = arith.cmpi slt, %add3A_647, %lt3A : i32
      %convert_element_type3A_649 = arith.extui %lt3A_648 : i1 to i32
      %cond3A_650 = arith.constant 0 : i32
      %cond3A_651 = arith.cmpi ne, %convert_element_type3A_649, %cond3A_650 : i32
      scf.if %cond3A_651 {
        %add3A_826 = arith.constant 2 : i32
        %add3A_827 = arith.addi %add3A_624, %add3A_826 : i32
        %dma_start3A_828 = arith.constant 2 : i32
        %dma_start3A_829 = arith.constant 0 : i32
        %dma_start3A_830 = arith.constant 0 : i32
        %dma_start3A_831 = tpu.memref_slice %arg8[%dma_start3A_828, %dma_start3A_829, %dma_start3A_830] : memref<4x2x128xi32, #tpu.memory_space<vmem>> -> memref<1x2x128xi32, #tpu.memory_space<vmem>>
        %dma_start3A_832 = tpu.memref_squeeze %dma_start3A_831 : memref<1x2x128xi32, #tpu.memory_space<vmem>> -> memref<2x128xi32, #tpu.memory_space<vmem>>
        %dma_start3A_833 = arith.constant 0 : i32
        %dma_start3A_834 = arith.constant 0 : i32
        %dma_start3A_835 = arith.constant 0 : i32
        %dma_start3A_836 = tpu.memref_slice %arg3[%arg1, %dma_start3A_833, %dma_start3A_834, %dma_start3A_835] : memref<16x80x2x128xi32, #tpu.memory_space<hbm>> -> memref<1x80x2x128xi32, #tpu.memory_space<hbm>>
        %dma_start3A_837 = tpu.memref_squeeze %dma_start3A_836 : memref<1x80x2x128xi32, #tpu.memory_space<hbm>> -> memref<80x2x128xi32, #tpu.memory_space<hbm>>
        %dma_start3A_838 = arith.constant 0 : i32
        %dma_start3A_839 = arith.constant 0 : i32
        %dma_start3A_840 = tpu.memref_slice %dma_start3A_837[%add3A_827, %dma_start3A_838, %dma_start3A_839] : memref<80x2x128xi32, #tpu.memory_space<hbm>> -> memref<1x2x128xi32, #tpu.memory_space<hbm>>
        %dma_start3A_841 = tpu.memref_squeeze %dma_start3A_840 : memref<1x2x128xi32, #tpu.memory_space<hbm>> -> memref<2x128xi32, #tpu.memory_space<hbm>>
        %dma_start3A_842 = arith.constant 0 : i32
        %dma_start3A_843 = arith.constant 0 : i32
        %dma_start3A_844 = tpu.memref_slice %arg8[%dma_start3A_828, %dma_start3A_842, %dma_start3A_843] : memref<4x2x128xi32, #tpu.memory_space<vmem>> -> memref<1x2x128xi32, #tpu.memory_space<vmem>>
        %dma_start3A_845 = tpu.memref_squeeze %dma_start3A_844 : memref<1x2x128xi32, #tpu.memory_space<vmem>> -> memref<2x128xi32, #tpu.memory_space<vmem>>
        %dma_start3A_846 = arith.constant 0 : i32
        %dma_start3A_847 = arith.constant 0 : i32
        %dma_start3A_848 = arith.constant 0 : i32
        %dma_start3A_849 = tpu.memref_slice %arg3[%arg1, %dma_start3A_846, %dma_start3A_847, %dma_start3A_848] : memref<16x80x2x128xi32, #tpu.memory_space<hbm>> -> memref<1x80x2x128xi32, #tpu.memory_space<hbm>>
        %dma_start3A_850 = tpu.memref_squeeze %dma_start3A_849 : memref<1x80x2x128xi32, #tpu.memory_space<hbm>> -> memref<80x2x128xi32, #tpu.memory_space<hbm>>
        %dma_start3A_851 = arith.constant 0 : i32
        %dma_start3A_852 = arith.constant 0 : i32
        %dma_start3A_853 = tpu.memref_slice %dma_start3A_850[%add3A_827, %dma_start3A_851, %dma_start3A_852] : memref<80x2x128xi32, #tpu.memory_space<hbm>> -> memref<1x2x128xi32, #tpu.memory_space<hbm>>
        %dma_start3A_854 = tpu.memref_squeeze %dma_start3A_853 : memref<1x2x128xi32, #tpu.memory_space<hbm>> -> memref<2x128xi32, #tpu.memory_space<hbm>>
        tpu.enqueue_dma source(%dma_start3A_854 : memref<2x128xi32, #tpu.memory_space<hbm>>) target(%dma_start3A_845 : memref<2x128xi32, #tpu.memory_space<vmem>>) target_semaphore(%arg15 : memref<!tpu.dma_semaphore, #tpu.memory_space<semaphore_mem>>)
        %dma_start3A_855 = arith.constant 2 : i32
        %dma_start3A_856 = arith.constant 0 : i32
        %dma_start3A_857 = tpu.memref_slice %arg9[%dma_start3A_855, %dma_start3A_856] : memref<4x128xf32, #tpu.memory_space<vmem>> -> memref<1x128xf32, #tpu.memory_space<vmem>>
        %dma_start3A_858 = tpu.memref_squeeze %dma_start3A_857 : memref<1x128xf32, #tpu.memory_space<vmem>> -> memref<128xf32, #tpu.memory_space<vmem>>
        %dma_start3A_859 = arith.constant 0 : i32
        %dma_start3A_860 = arith.constant 0 : i32
        %dma_start3A_861 = tpu.memref_slice %arg4[%arg1, %dma_start3A_859, %dma_start3A_860] : memref<16x80x128xf32, #tpu.memory_space<hbm>> -> memref<1x80x128xf32, #tpu.memory_space<hbm>>
        %dma_start3A_862 = tpu.memref_squeeze %dma_start3A_861 : memref<1x80x128xf32, #tpu.memory_space<hbm>> -> memref<80x128xf32, #tpu.memory_space<hbm>>
        %dma_start3A_863 = arith.constant 0 : i32
        %dma_start3A_864 = tpu.memref_slice %dma_start3A_862[%add3A_827, %dma_start3A_863] : memref<80x128xf32, #tpu.memory_space<hbm>> -> memref<1x128xf32, #tpu.memory_space<hbm>>
        %dma_start3A_865 = tpu.memref_squeeze %dma_start3A_864 : memref<1x128xf32, #tpu.memory_space<hbm>> -> memref<128xf32, #tpu.memory_space<hbm>>
        %dma_start3A_866 = arith.constant 0 : i32
        %dma_start3A_867 = tpu.memref_slice %arg9[%dma_start3A_855, %dma_start3A_866] : memref<4x128xf32, #tpu.memory_space<vmem>> -> memref<1x128xf32, #tpu.memory_space<vmem>>
        %dma_start3A_868 = tpu.memref_squeeze %dma_start3A_867 : memref<1x128xf32, #tpu.memory_space<vmem>> -> memref<128xf32, #tpu.memory_space<vmem>>
        %dma_start3A_869 = arith.constant 0 : i32
        %dma_start3A_870 = arith.constant 0 : i32
        %dma_start3A_871 = tpu.memref_slice %arg4[%arg1, %dma_start3A_869, %dma_start3A_870] : memref<16x80x128xf32, #tpu.memory_space<hbm>> -> memref<1x80x128xf32, #tpu.memory_space<hbm>>
        %dma_start3A_872 = tpu.memref_squeeze %dma_start3A_871 : memref<1x80x128xf32, #tpu.memory_space<hbm>> -> memref<80x128xf32, #tpu.memory_space<hbm>>
        %dma_start3A_873 = arith.constant 0 : i32
        %dma_start3A_874 = tpu.memref_slice %dma_start3A_872[%add3A_827, %dma_start3A_873] : memref<80x128xf32, #tpu.memory_space<hbm>> -> memref<1x128xf32, #tpu.memory_space<hbm>>
        %dma_start3A_875 = tpu.memref_squeeze %dma_start3A_874 : memref<1x128xf32, #tpu.memory_space<hbm>> -> memref<128xf32, #tpu.memory_space<hbm>>
        tpu.enqueue_dma source(%dma_start3A_875 : memref<128xf32, #tpu.memory_space<hbm>>) target(%dma_start3A_868 : memref<128xf32, #tpu.memory_space<vmem>>) target_semaphore(%arg15 : memref<!tpu.dma_semaphore, #tpu.memory_space<semaphore_mem>>)
      } else {
      }
      %add3A_652 = arith.constant 1 : i32
      %add3A_653 = arith.addi %add3A_624, %add3A_652 : i32
      %lt3A_654 = arith.constant 80 : i32
      %lt3A_655 = arith.cmpi slt, %add3A_653, %lt3A_654 : i32
      %convert_element_type3A_656 = arith.extui %lt3A_655 : i1 to i32
      %cond3A_657 = arith.constant 0 : i32
      %cond3A_658 = arith.cmpi ne, %convert_element_type3A_656, %cond3A_657 : i32
      scf.if %cond3A_658 {
        %dma_wait3A_826 = arith.constant 0 : i32
        %dma_wait3A_827 = arith.constant 1 : i32
        %dma_wait3A_828 = arith.constant 0 : i32
        %dma_wait3A_829 = arith.constant 0 : i32
        %dma_wait3A_830 = tpu.memref_slice %arg8[%dma_wait3A_827, %dma_wait3A_828, %dma_wait3A_829] : memref<4x2x128xi32, #tpu.memory_space<vmem>> -> memref<1x2x128xi32, #tpu.memory_space<vmem>>
        %dma_wait3A_831 = tpu.memref_squeeze %dma_wait3A_830 : memref<1x2x128xi32, #tpu.memory_space<vmem>> -> memref<2x128xi32, #tpu.memory_space<vmem>>
        %dma_wait3A_832 = arith.constant 0 : i32
        %dma_wait3A_833 = arith.constant 0 : i32
        %dma_wait3A_834 = arith.constant 0 : i32
        %dma_wait3A_835 = tpu.memref_slice %arg3[%arg1, %dma_wait3A_832, %dma_wait3A_833, %dma_wait3A_834] : memref<16x80x2x128xi32, #tpu.memory_space<hbm>> -> memref<1x80x2x128xi32, #tpu.memory_space<hbm>>
        %dma_wait3A_836 = tpu.memref_squeeze %dma_wait3A_835 : memref<1x80x2x128xi32, #tpu.memory_space<hbm>> -> memref<80x2x128xi32, #tpu.memory_space<hbm>>
        %dma_wait3A_837 = arith.constant 0 : i32
        %dma_wait3A_838 = arith.constant 0 : i32
        %dma_wait3A_839 = tpu.memref_slice %dma_wait3A_836[%dma_wait3A_826, %dma_wait3A_837, %dma_wait3A_838] : memref<80x2x128xi32, #tpu.memory_space<hbm>> -> memref<1x2x128xi32, #tpu.memory_space<hbm>>
        %dma_wait3A_840 = tpu.memref_squeeze %dma_wait3A_839 : memref<1x2x128xi32, #tpu.memory_space<hbm>> -> memref<2x128xi32, #tpu.memory_space<hbm>>
        %dma_wait3A_841 = arith.constant 0 : i32
        %dma_wait3A_842 = arith.constant 0 : i32
        %dma_wait3A_843 = tpu.memref_slice %arg8[%dma_wait3A_827, %dma_wait3A_841, %dma_wait3A_842] : memref<4x2x128xi32, #tpu.memory_space<vmem>> -> memref<1x2x128xi32, #tpu.memory_space<vmem>>
        %dma_wait3A_844 = tpu.memref_squeeze %dma_wait3A_843 : memref<1x2x128xi32, #tpu.memory_space<vmem>> -> memref<2x128xi32, #tpu.memory_space<vmem>>
        %dma_wait3A_845 = arith.constant 0 : i32
        %dma_wait3A_846 = arith.constant 0 : i32
        %dma_wait3A_847 = arith.constant 0 : i32
        %dma_wait3A_848 = tpu.memref_slice %arg3[%arg1, %dma_wait3A_845, %dma_wait3A_846, %dma_wait3A_847] : memref<16x80x2x128xi32, #tpu.memory_space<hbm>> -> memref<1x80x2x128xi32, #tpu.memory_space<hbm>>
        %dma_wait3A_849 = tpu.memref_squeeze %dma_wait3A_848 : memref<1x80x2x128xi32, #tpu.memory_space<hbm>> -> memref<80x2x128xi32, #tpu.memory_space<hbm>>
        %dma_wait3A_850 = arith.constant 0 : i32
        %dma_wait3A_851 = arith.constant 0 : i32
        %dma_wait3A_852 = tpu.memref_slice %dma_wait3A_849[%dma_wait3A_826, %dma_wait3A_850, %dma_wait3A_851] : memref<80x2x128xi32, #tpu.memory_space<hbm>> -> memref<1x2x128xi32, #tpu.memory_space<hbm>>
        %dma_wait3A_853 = tpu.memref_squeeze %dma_wait3A_852 : memref<1x2x128xi32, #tpu.memory_space<hbm>> -> memref<2x128xi32, #tpu.memory_space<hbm>>
        tpu.wait_dma2 semaphore(%arg14 : memref<!tpu.dma_semaphore, #tpu.memory_space<semaphore_mem>>) src(%dma_wait3A_853 : memref<2x128xi32, #tpu.memory_space<hbm>>) dst(%dma_wait3A_844 : memref<2x128xi32, #tpu.memory_space<vmem>>)
        %dma_wait3A_854 = arith.constant 0 : i32
        %dma_wait3A_855 = arith.constant 1 : i32
        %dma_wait3A_856 = arith.constant 0 : i32
        %dma_wait3A_857 = tpu.memref_slice %arg9[%dma_wait3A_855, %dma_wait3A_856] : memref<4x128xf32, #tpu.memory_space<vmem>> -> memref<1x128xf32, #tpu.memory_space<vmem>>
        %dma_wait3A_858 = tpu.memref_squeeze %dma_wait3A_857 : memref<1x128xf32, #tpu.memory_space<vmem>> -> memref<128xf32, #tpu.memory_space<vmem>>
        %dma_wait3A_859 = arith.constant 0 : i32
        %dma_wait3A_860 = arith.constant 0 : i32
        %dma_wait3A_861 = tpu.memref_slice %arg4[%arg1, %dma_wait3A_859, %dma_wait3A_860] : memref<16x80x128xf32, #tpu.memory_space<hbm>> -> memref<1x80x128xf32, #tpu.memory_space<hbm>>
        %dma_wait3A_862 = tpu.memref_squeeze %dma_wait3A_861 : memref<1x80x128xf32, #tpu.memory_space<hbm>> -> memref<80x128xf32, #tpu.memory_space<hbm>>
        %dma_wait3A_863 = arith.constant 0 : i32
        %dma_wait3A_864 = tpu.memref_slice %dma_wait3A_862[%dma_wait3A_854, %dma_wait3A_863] : memref<80x128xf32, #tpu.memory_space<hbm>> -> memref<1x128xf32, #tpu.memory_space<hbm>>
        %dma_wait3A_865 = tpu.memref_squeeze %dma_wait3A_864 : memref<1x128xf32, #tpu.memory_space<hbm>> -> memref<128xf32, #tpu.memory_space<hbm>>
        %dma_wait3A_866 = arith.constant 0 : i32
        %dma_wait3A_867 = tpu.memref_slice %arg9[%dma_wait3A_855, %dma_wait3A_866] : memref<4x128xf32, #tpu.memory_space<vmem>> -> memref<1x128xf32, #tpu.memory_space<vmem>>
        %dma_wait3A_868 = tpu.memref_squeeze %dma_wait3A_867 : memref<1x128xf32, #tpu.memory_space<vmem>> -> memref<128xf32, #tpu.memory_space<vmem>>
        %dma_wait3A_869 = arith.constant 0 : i32
        %dma_wait3A_870 = arith.constant 0 : i32
        %dma_wait3A_871 = tpu.memref_slice %arg4[%arg1, %dma_wait3A_869, %dma_wait3A_870] : memref<16x80x128xf32, #tpu.memory_space<hbm>> -> memref<1x80x128xf32, #tpu.memory_space<hbm>>
        %dma_wait3A_872 = tpu.memref_squeeze %dma_wait3A_871 : memref<1x80x128xf32, #tpu.memory_space<hbm>> -> memref<80x128xf32, #tpu.memory_space<hbm>>
        %dma_wait3A_873 = arith.constant 0 : i32
        %dma_wait3A_874 = tpu.memref_slice %dma_wait3A_872[%dma_wait3A_854, %dma_wait3A_873] : memref<80x128xf32, #tpu.memory_space<hbm>> -> memref<1x128xf32, #tpu.memory_space<hbm>>
        %dma_wait3A_875 = tpu.memref_squeeze %dma_wait3A_874 : memref<1x128xf32, #tpu.memory_space<hbm>> -> memref<128xf32, #tpu.memory_space<hbm>>
        tpu.wait_dma2 semaphore(%arg14 : memref<!tpu.dma_semaphore, #tpu.memory_space<semaphore_mem>>) src(%dma_wait3A_875 : memref<128xf32, #tpu.memory_space<hbm>>) dst(%dma_wait3A_868 : memref<128xf32, #tpu.memory_space<vmem>>)
        %dma_start3A_876 = arith.constant 1 : i32
        %dma_start3A_877 = arith.constant 0 : i32
        %dma_start3A_878 = arith.constant 0 : i32
        %dma_start3A_879 = tpu.memref_slice %arg8[%dma_start3A_876, %dma_start3A_877, %dma_start3A_878] : memref<4x2x128xi32, #tpu.memory_space<vmem>> -> memref<1x1x128xi32, #tpu.memory_space<vmem>>
        %dma_start3A_880 = tpu.memref_squeeze %dma_start3A_879 : memref<1x1x128xi32, #tpu.memory_space<vmem>> -> memref<128xi32, #tpu.memory_space<vmem>>
        %dma_start3A_881 = arith.constant 0 : i32
        %dma_start3A_882 = arith.constant 0 : i32
        %dma_start3A_883 = tpu.memref_slice %arg2[%arg0, %dma_start3A_881, %dma_start3A_882] : memref<2x10240x128xf32, #tpu.memory_space<hbm>> -> memref<1x10240x128xf32, #tpu.memory_space<hbm>>
        %dma_start3A_884 = tpu.memref_squeeze %dma_start3A_883 : memref<1x10240x128xf32, #tpu.memory_space<hbm>> -> memref<10240x128xf32, #tpu.memory_space<hbm>>
        %dma_start3A_885 = arith.constant 0 : i32
        %dma_start3A_886 = arith.constant 0 : i32
        %dma_start3A_887 = tpu.memref_slice %dma_start3A_884[%dma_start3A_885, %dma_start3A_886] : memref<10240x128xf32, #tpu.memory_space<hbm>> -> memref<10240x128xf32, #tpu.memory_space<hbm>>
        tpu.enqueue_indirect_dma source(%dma_start3A_887 : memref<10240x128xf32, #tpu.memory_space<hbm>>) target(%arg11 : memref<128x128xf32, #tpu.memory_space<vmem>>) offsets(%dma_start3A_880 : memref<128xi32, #tpu.memory_space<vmem>>) semaphore(%arg18 : memref<!tpu.dma_semaphore, #tpu.memory_space<semaphore_mem>>)
      } else {
      }
      %dma_start3A_659 = arith.constant 0 : i32
      %dma_start3A_660 = arith.constant 1 : i32
      %dma_start3A_661 = arith.constant 0 : i32
      %dma_start3A_662 = tpu.memref_slice %arg8[%dma_start3A_659, %dma_start3A_660, %dma_start3A_661] : memref<4x2x128xi32, #tpu.memory_space<vmem>> -> memref<1x1x128xi32, #tpu.memory_space<vmem>>
      %dma_start3A_663 = tpu.memref_squeeze %dma_start3A_662 : memref<1x1x128xi32, #tpu.memory_space<vmem>> -> memref<128xi32, #tpu.memory_space<vmem>>
      %dma_start3A_664 = arith.constant 0 : i32
      %dma_start3A_665 = arith.constant 0 : i32
      %dma_start3A_666 = tpu.memref_slice %arg12[%dma_start3A_664, %dma_start3A_665] : memref<10240x128xf32, #tpu.memory_space<vmem_shared>> -> memref<10240x128xf32, #tpu.memory_space<vmem_shared>>
      tpu.enqueue_indirect_dma source(%arg10 : memref<128x128xf32, #tpu.memory_space<vmem>>) target(%dma_start3A_666 : memref<10240x128xf32, #tpu.memory_space<vmem_shared>>) offsets(%dma_start3A_663 : memref<128xi32, #tpu.memory_space<vmem>>) semaphore(%arg19 : memref<!tpu.dma_semaphore, #tpu.memory_space<semaphore_mem>>) {add = true}
      %mul3A_667 = arith.constant 4 : i32
      %mul3A_668 = arith.muli %mul3A_667, %add3A_620 : i32
      %add3A_669 = arith.constant 1 : i32
      %add3A_670 = arith.addi %mul3A_668, %add3A_669 : i32
      %dma_wait3A_671 = arith.constant 1 : i32
      %dma_wait3A_672 = arith.constant 0 : i32
      %dma_wait3A_673 = arith.constant 0 : i32
      %dma_wait3A_674 = tpu.memref_slice %arg8[%dma_wait3A_671, %dma_wait3A_672, %dma_wait3A_673] : memref<4x2x128xi32, #tpu.memory_space<vmem>> -> memref<1x1x128xi32, #tpu.memory_space<vmem>>
      %dma_wait3A_675 = tpu.memref_squeeze %dma_wait3A_674 : memref<1x1x128xi32, #tpu.memory_space<vmem>> -> memref<128xi32, #tpu.memory_space<vmem>>
      %dma_wait3A_676 = arith.constant 0 : i32
      %dma_wait3A_677 = arith.constant 0 : i32
      %dma_wait3A_678 = tpu.memref_slice %arg2[%arg0, %dma_wait3A_676, %dma_wait3A_677] : memref<2x10240x128xf32, #tpu.memory_space<hbm>> -> memref<1x10240x128xf32, #tpu.memory_space<hbm>>
      %dma_wait3A_679 = tpu.memref_squeeze %dma_wait3A_678 : memref<1x10240x128xf32, #tpu.memory_space<hbm>> -> memref<10240x128xf32, #tpu.memory_space<hbm>>
      %dma_wait3A_680 = arith.constant 0 : i32
      %dma_wait3A_681 = arith.constant 0 : i32
      %dma_wait3A_682 = tpu.memref_slice %dma_wait3A_679[%dma_wait3A_680, %dma_wait3A_681] : memref<10240x128xf32, #tpu.memory_space<hbm>> -> memref<10240x128xf32, #tpu.memory_space<hbm>>
      tpu.wait_indirect_dma semaphore(%arg18 : memref<!tpu.dma_semaphore, #tpu.memory_space<semaphore_mem>>) src(%dma_wait3A_682 : memref<10240x128xf32, #tpu.memory_space<hbm>>) dst(%arg11 : memref<128x128xf32, #tpu.memory_space<vmem>>)
      %broadcast_in_dim3A_683 = arith.constant 1 : i32
      %broadcast_in_dim3A_684 = vector.broadcast %broadcast_in_dim3A_683 : i32 to vector<16xi32>
      %scan3A_685 = arith.constant 0 : i32
      %scan3A_686 = arith.constant 128 : i32
      %scan3A_687 = arith.addi %scan3A_685, %scan3A_686 : i32
      %scan3A_688 = arith.constant 1 : i32
      scf.for %scan3A_826 = %scan3A_685 to %scan3A_687 step %scan3A_688  : i32 {
        %mul3A_827 = arith.constant 1 : i32
        %mul3A_828 = arith.muli %scan3A_826, %mul3A_827 : i32
        %add3A_829 = arith.constant 0 : i32
        %add3A_830 = arith.addi %add3A_829, %mul3A_828 : i32
        %broadcast_in_dim3A_831 = vector.broadcast %add3A_830 : i32 to vector<16xi32>
        %gather3A = tpu.vector_load_idx %arg9[%broadcast_in_dim3A_684, %broadcast_in_dim3A_831] : memref<4x128xf32, #tpu.memory_space<vmem>>[vector<16xi32>, vector<16xi32>], vector<16xf32>,
        %get3A = arith.index_cast %add3A_830 : i32 to index
        %get3A_832 = arith.constant 0 : index
        %get3A_833 = tpu.vector_load %arg11[%get3A, %get3A_832] {strides = array<i32>} : memref<128x128xf32, #tpu.memory_space<vmem>>, vector<16xf32>,
        %mul3A_834 = arith.mulf %get3A_833, %gather3A : vector<16xf32>
        %swap3A = arith.index_cast %add3A_830 : i32 to index
        %swap3A_835 = arith.constant 0 : index
        %swap3A_836 = tpu.vector_load %arg11[%swap3A, %swap3A_835] {strides = array<i32>} : memref<128x128xf32, #tpu.memory_space<vmem>>, vector<16xf32>,
        tpu.vector_store %arg11[%swap3A, %swap3A_835], %mul3A_834 {strides = array<i32>} : memref<128x128xf32, #tpu.memory_space<vmem>>, vector<16xf32>,
        %get3A_837 = arith.index_cast %add3A_830 : i32 to index
        %get3A_838 = arith.constant 16 : index
        %get3A_839 = tpu.vector_load %arg11[%get3A_837, %get3A_838] {strides = array<i32>} : memref<128x128xf32, #tpu.memory_space<vmem>>, vector<16xf32>,
        %mul3A_840 = arith.mulf %get3A_839, %gather3A : vector<16xf32>
        %swap3A_841 = arith.index_cast %add3A_830 : i32 to index
        %swap3A_842 = arith.constant 16 : index
        %swap3A_843 = tpu.vector_load %arg11[%swap3A_841, %swap3A_842] {strides = array<i32>} : memref<128x128xf32, #tpu.memory_space<vmem>>, vector<16xf32>,
        tpu.vector_store %arg11[%swap3A_841, %swap3A_842], %mul3A_840 {strides = array<i32>} : memref<128x128xf32, #tpu.memory_space<vmem>>, vector<16xf32>,
        %get3A_844 = arith.index_cast %add3A_830 : i32 to index
        %get3A_845 = arith.constant 32 : index
        %get3A_846 = tpu.vector_load %arg11[%get3A_844, %get3A_845] {strides = array<i32>} : memref<128x128xf32, #tpu.memory_space<vmem>>, vector<16xf32>,
        %mul3A_847 = arith.mulf %get3A_846, %gather3A : vector<16xf32>
        %swap3A_848 = arith.index_cast %add3A_830 : i32 to index
        %swap3A_849 = arith.constant 32 : index
        %swap3A_850 = tpu.vector_load %arg11[%swap3A_848, %swap3A_849] {strides = array<i32>} : memref<128x128xf32, #tpu.memory_space<vmem>>, vector<16xf32>,
        tpu.vector_store %arg11[%swap3A_848, %swap3A_849], %mul3A_847 {strides = array<i32>} : memref<128x128xf32, #tpu.memory_space<vmem>>, vector<16xf32>,
        %get3A_851 = arith.index_cast %add3A_830 : i32 to index
        %get3A_852 = arith.constant 48 : index
        %get3A_853 = tpu.vector_load %arg11[%get3A_851, %get3A_852] {strides = array<i32>} : memref<128x128xf32, #tpu.memory_space<vmem>>, vector<16xf32>,
        %mul3A_854 = arith.mulf %get3A_853, %gather3A : vector<16xf32>
        %swap3A_855 = arith.index_cast %add3A_830 : i32 to index
        %swap3A_856 = arith.constant 48 : index
        %swap3A_857 = tpu.vector_load %arg11[%swap3A_855, %swap3A_856] {strides = array<i32>} : memref<128x128xf32, #tpu.memory_space<vmem>>, vector<16xf32>,
        tpu.vector_store %arg11[%swap3A_855, %swap3A_856], %mul3A_854 {strides = array<i32>} : memref<128x128xf32, #tpu.memory_space<vmem>>, vector<16xf32>,
        %get3A_858 = arith.index_cast %add3A_830 : i32 to index
        %get3A_859 = arith.constant 64 : index
        %get3A_860 = tpu.vector_load %arg11[%get3A_858, %get3A_859] {strides = array<i32>} : memref<128x128xf32, #tpu.memory_space<vmem>>, vector<16xf32>,
        %mul3A_861 = arith.mulf %get3A_860, %gather3A : vector<16xf32>
        %swap3A_862 = arith.index_cast %add3A_830 : i32 to index
        %swap3A_863 = arith.constant 64 : index
        %swap3A_864 = tpu.vector_load %arg11[%swap3A_862, %swap3A_863] {strides = array<i32>} : memref<128x128xf32, #tpu.memory_space<vmem>>, vector<16xf32>,
        tpu.vector_store %arg11[%swap3A_862, %swap3A_863], %mul3A_861 {strides = array<i32>} : memref<128x128xf32, #tpu.memory_space<vmem>>, vector<16xf32>,
        %get3A_865 = arith.index_cast %add3A_830 : i32 to index
        %get3A_866 = arith.constant 80 : index
        %get3A_867 = tpu.vector_load %arg11[%get3A_865, %get3A_866] {strides = array<i32>} : memref<128x128xf32, #tpu.memory_space<vmem>>, vector<16xf32>,
        %mul3A_868 = arith.mulf %get3A_867, %gather3A : vector<16xf32>
        %swap3A_869 = arith.index_cast %add3A_830 : i32 to index
        %swap3A_870 = arith.constant 80 : index
        %swap3A_871 = tpu.vector_load %arg11[%swap3A_869, %swap3A_870] {strides = array<i32>} : memref<128x128xf32, #tpu.memory_space<vmem>>, vector<16xf32>,
        tpu.vector_store %arg11[%swap3A_869, %swap3A_870], %mul3A_868 {strides = array<i32>} : memref<128x128xf32, #tpu.memory_space<vmem>>, vector<16xf32>,
        %get3A_872 = arith.index_cast %add3A_830 : i32 to index
        %get3A_873 = arith.constant 96 : index
        %get3A_874 = tpu.vector_load %arg11[%get3A_872, %get3A_873] {strides = array<i32>} : memref<128x128xf32, #tpu.memory_space<vmem>>, vector<16xf32>,
        %mul3A_875 = arith.mulf %get3A_874, %gather3A : vector<16xf32>
        %swap3A_876 = arith.index_cast %add3A_830 : i32 to index
        %swap3A_877 = arith.constant 96 : index
        %swap3A_878 = tpu.vector_load %arg11[%swap3A_876, %swap3A_877] {strides = array<i32>} : memref<128x128xf32, #tpu.memory_space<vmem>>, vector<16xf32>,
        tpu.vector_store %arg11[%swap3A_876, %swap3A_877], %mul3A_875 {strides = array<i32>} : memref<128x128xf32, #tpu.memory_space<vmem>>, vector<16xf32>,
        %get3A_879 = arith.index_cast %add3A_830 : i32 to index
        %get3A_880 = arith.constant 112 : index
        %get3A_881 = tpu.vector_load %arg11[%get3A_879, %get3A_880] {strides = array<i32>} : memref<128x128xf32, #tpu.memory_space<vmem>>, vector<16xf32>,
        %mul3A_882 = arith.mulf %get3A_881, %gather3A : vector<16xf32>
        %swap3A_883 = arith.index_cast %add3A_830 : i32 to index
        %swap3A_884 = arith.constant 112 : index
        %swap3A_885 = tpu.vector_load %arg11[%swap3A_883, %swap3A_884] {strides = array<i32>} : memref<128x128xf32, #tpu.memory_space<vmem>>, vector<16xf32>,
        tpu.vector_store %arg11[%swap3A_883, %swap3A_884], %mul3A_882 {strides = array<i32>} : memref<128x128xf32, #tpu.memory_space<vmem>>, vector<16xf32>,
      }
      %scan3A_689 = arith.constant 128 : i32
      %dma_wait3A_690 = arith.constant 0 : i32
      %dma_wait3A_691 = arith.constant 1 : i32
      %dma_wait3A_692 = arith.constant 0 : i32
      %dma_wait3A_693 = tpu.memref_slice %arg8[%dma_wait3A_690, %dma_wait3A_691, %dma_wait3A_692] : memref<4x2x128xi32, #tpu.memory_space<vmem>> -> memref<1x1x128xi32, #tpu.memory_space<vmem>>
      %dma_wait3A_694 = tpu.memref_squeeze %dma_wait3A_693 : memref<1x1x128xi32, #tpu.memory_space<vmem>> -> memref<128xi32, #tpu.memory_space<vmem>>
      %dma_wait3A_695 = arith.constant 0 : i32
      %dma_wait3A_696 = arith.constant 0 : i32
      %dma_wait3A_697 = tpu.memref_slice %arg12[%dma_wait3A_695, %dma_wait3A_696] : memref<10240x128xf32, #tpu.memory_space<vmem_shared>> -> memref<10240x128xf32, #tpu.memory_space<vmem_shared>>
      tpu.wait_indirect_dma semaphore(%arg19 : memref<!tpu.dma_semaphore, #tpu.memory_space<semaphore_mem>>) src(%arg10 : memref<128x128xf32, #tpu.memory_space<vmem>>) dst(%dma_wait3A_697 : memref<10240x128xf32, #tpu.memory_space<vmem_shared>>)
      %add3A_698 = arith.constant 2 : i32
      %add3A_699 = arith.addi %add3A_670, %add3A_698 : i32
      %lt3A_700 = arith.constant 80 : i32
      %lt3A_701 = arith.cmpi slt, %add3A_699, %lt3A_700 : i32
      %convert_element_type3A_702 = arith.extui %lt3A_701 : i1 to i32
      %cond3A_703 = arith.constant 0 : i32
      %cond3A_704 = arith.cmpi ne, %convert_element_type3A_702, %cond3A_703 : i32
      scf.if %cond3A_704 {
        %add3A_826 = arith.constant 2 : i32
        %add3A_827 = arith.addi %add3A_670, %add3A_826 : i32
        %dma_start3A_828 = arith.constant 3 : i32
        %dma_start3A_829 = arith.constant 0 : i32
        %dma_start3A_830 = arith.constant 0 : i32
        %dma_start3A_831 = tpu.memref_slice %arg8[%dma_start3A_828, %dma_start3A_829, %dma_start3A_830] : memref<4x2x128xi32, #tpu.memory_space<vmem>> -> memref<1x2x128xi32, #tpu.memory_space<vmem>>
        %dma_start3A_832 = tpu.memref_squeeze %dma_start3A_831 : memref<1x2x128xi32, #tpu.memory_space<vmem>> -> memref<2x128xi32, #tpu.memory_space<vmem>>
        %dma_start3A_833 = arith.constant 0 : i32
        %dma_start3A_834 = arith.constant 0 : i32
        %dma_start3A_835 = arith.constant 0 : i32
        %dma_start3A_836 = tpu.memref_slice %arg3[%arg1, %dma_start3A_833, %dma_start3A_834, %dma_start3A_835] : memref<16x80x2x128xi32, #tpu.memory_space<hbm>> -> memref<1x80x2x128xi32, #tpu.memory_space<hbm>>
        %dma_start3A_837 = tpu.memref_squeeze %dma_start3A_836 : memref<1x80x2x128xi32, #tpu.memory_space<hbm>> -> memref<80x2x128xi32, #tpu.memory_space<hbm>>
        %dma_start3A_838 = arith.constant 0 : i32
        %dma_start3A_839 = arith.constant 0 : i32
        %dma_start3A_840 = tpu.memref_slice %dma_start3A_837[%add3A_827, %dma_start3A_838, %dma_start3A_839] : memref<80x2x128xi32, #tpu.memory_space<hbm>> -> memref<1x2x128xi32, #tpu.memory_space<hbm>>
        %dma_start3A_841 = tpu.memref_squeeze %dma_start3A_840 : memref<1x2x128xi32, #tpu.memory_space<hbm>> -> memref<2x128xi32, #tpu.memory_space<hbm>>
        %dma_start3A_842 = arith.constant 0 : i32
        %dma_start3A_843 = arith.constant 0 : i32
        %dma_start3A_844 = tpu.memref_slice %arg8[%dma_start3A_828, %dma_start3A_842, %dma_start3A_843] : memref<4x2x128xi32, #tpu.memory_space<vmem>> -> memref<1x2x128xi32, #tpu.memory_space<vmem>>
        %dma_start3A_845 = tpu.memref_squeeze %dma_start3A_844 : memref<1x2x128xi32, #tpu.memory_space<vmem>> -> memref<2x128xi32, #tpu.memory_space<vmem>>
        %dma_start3A_846 = arith.constant 0 : i32
        %dma_start3A_847 = arith.constant 0 : i32
        %dma_start3A_848 = arith.constant 0 : i32
        %dma_start3A_849 = tpu.memref_slice %arg3[%arg1, %dma_start3A_846, %dma_start3A_847, %dma_start3A_848] : memref<16x80x2x128xi32, #tpu.memory_space<hbm>> -> memref<1x80x2x128xi32, #tpu.memory_space<hbm>>
        %dma_start3A_850 = tpu.memref_squeeze %dma_start3A_849 : memref<1x80x2x128xi32, #tpu.memory_space<hbm>> -> memref<80x2x128xi32, #tpu.memory_space<hbm>>
        %dma_start3A_851 = arith.constant 0 : i32
        %dma_start3A_852 = arith.constant 0 : i32
        %dma_start3A_853 = tpu.memref_slice %dma_start3A_850[%add3A_827, %dma_start3A_851, %dma_start3A_852] : memref<80x2x128xi32, #tpu.memory_space<hbm>> -> memref<1x2x128xi32, #tpu.memory_space<hbm>>
        %dma_start3A_854 = tpu.memref_squeeze %dma_start3A_853 : memref<1x2x128xi32, #tpu.memory_space<hbm>> -> memref<2x128xi32, #tpu.memory_space<hbm>>
        tpu.enqueue_dma source(%dma_start3A_854 : memref<2x128xi32, #tpu.memory_space<hbm>>) target(%dma_start3A_845 : memref<2x128xi32, #tpu.memory_space<vmem>>) target_semaphore(%arg16 : memref<!tpu.dma_semaphore, #tpu.memory_space<semaphore_mem>>)
        %dma_start3A_855 = arith.constant 3 : i32
        %dma_start3A_856 = arith.constant 0 : i32
        %dma_start3A_857 = tpu.memref_slice %arg9[%dma_start3A_855, %dma_start3A_856] : memref<4x128xf32, #tpu.memory_space<vmem>> -> memref<1x128xf32, #tpu.memory_space<vmem>>
        %dma_start3A_858 = tpu.memref_squeeze %dma_start3A_857 : memref<1x128xf32, #tpu.memory_space<vmem>> -> memref<128xf32, #tpu.memory_space<vmem>>
        %dma_start3A_859 = arith.constant 0 : i32
        %dma_start3A_860 = arith.constant 0 : i32
        %dma_start3A_861 = tpu.memref_slice %arg4[%arg1, %dma_start3A_859, %dma_start3A_860] : memref<16x80x128xf32, #tpu.memory_space<hbm>> -> memref<1x80x128xf32, #tpu.memory_space<hbm>>
        %dma_start3A_862 = tpu.memref_squeeze %dma_start3A_861 : memref<1x80x128xf32, #tpu.memory_space<hbm>> -> memref<80x128xf32, #tpu.memory_space<hbm>>
        %dma_start3A_863 = arith.constant 0 : i32
        %dma_start3A_864 = tpu.memref_slice %dma_start3A_862[%add3A_827, %dma_start3A_863] : memref<80x128xf32, #tpu.memory_space<hbm>> -> memref<1x128xf32, #tpu.memory_space<hbm>>
        %dma_start3A_865 = tpu.memref_squeeze %dma_start3A_864 : memref<1x128xf32, #tpu.memory_space<hbm>> -> memref<128xf32, #tpu.memory_space<hbm>>
        %dma_start3A_866 = arith.constant 0 : i32
        %dma_start3A_867 = tpu.memref_slice %arg9[%dma_start3A_855, %dma_start3A_866] : memref<4x128xf32, #tpu.memory_space<vmem>> -> memref<1x128xf32, #tpu.memory_space<vmem>>
        %dma_start3A_868 = tpu.memref_squeeze %dma_start3A_867 : memref<1x128xf32, #tpu.memory_space<vmem>> -> memref<128xf32, #tpu.memory_space<vmem>>
        %dma_start3A_869 = arith.constant 0 : i32
        %dma_start3A_870 = arith.constant 0 : i32
        %dma_start3A_871 = tpu.memref_slice %arg4[%arg1, %dma_start3A_869, %dma_start3A_870] : memref<16x80x128xf32, #tpu.memory_space<hbm>> -> memref<1x80x128xf32, #tpu.memory_space<hbm>>
        %dma_start3A_872 = tpu.memref_squeeze %dma_start3A_871 : memref<1x80x128xf32, #tpu.memory_space<hbm>> -> memref<80x128xf32, #tpu.memory_space<hbm>>
        %dma_start3A_873 = arith.constant 0 : i32
        %dma_start3A_874 = tpu.memref_slice %dma_start3A_872[%add3A_827, %dma_start3A_873] : memref<80x128xf32, #tpu.memory_space<hbm>> -> memref<1x128xf32, #tpu.memory_space<hbm>>
        %dma_start3A_875 = tpu.memref_squeeze %dma_start3A_874 : memref<1x128xf32, #tpu.memory_space<hbm>> -> memref<128xf32, #tpu.memory_space<hbm>>
        tpu.enqueue_dma source(%dma_start3A_875 : memref<128xf32, #tpu.memory_space<hbm>>) target(%dma_start3A_868 : memref<128xf32, #tpu.memory_space<vmem>>) target_semaphore(%arg16 : memref<!tpu.dma_semaphore, #tpu.memory_space<semaphore_mem>>)
      } else {
      }
      %add3A_705 = arith.constant 1 : i32
      %add3A_706 = arith.addi %add3A_670, %add3A_705 : i32
      %lt3A_707 = arith.constant 80 : i32
      %lt3A_708 = arith.cmpi slt, %add3A_706, %lt3A_707 : i32
      %convert_element_type3A_709 = arith.extui %lt3A_708 : i1 to i32
      %cond3A_710 = arith.constant 0 : i32
      %cond3A_711 = arith.cmpi ne, %convert_element_type3A_709, %cond3A_710 : i32
      scf.if %cond3A_711 {
        %dma_wait3A_826 = arith.constant 0 : i32
        %dma_wait3A_827 = arith.constant 2 : i32
        %dma_wait3A_828 = arith.constant 0 : i32
        %dma_wait3A_829 = arith.constant 0 : i32
        %dma_wait3A_830 = tpu.memref_slice %arg8[%dma_wait3A_827, %dma_wait3A_828, %dma_wait3A_829] : memref<4x2x128xi32, #tpu.memory_space<vmem>> -> memref<1x2x128xi32, #tpu.memory_space<vmem>>
        %dma_wait3A_831 = tpu.memref_squeeze %dma_wait3A_830 : memref<1x2x128xi32, #tpu.memory_space<vmem>> -> memref<2x128xi32, #tpu.memory_space<vmem>>
        %dma_wait3A_832 = arith.constant 0 : i32
        %dma_wait3A_833 = arith.constant 0 : i32
        %dma_wait3A_834 = arith.constant 0 : i32
        %dma_wait3A_835 = tpu.memref_slice %arg3[%arg1, %dma_wait3A_832, %dma_wait3A_833, %dma_wait3A_834] : memref<16x80x2x128xi32, #tpu.memory_space<hbm>> -> memref<1x80x2x128xi32, #tpu.memory_space<hbm>>
        %dma_wait3A_836 = tpu.memref_squeeze %dma_wait3A_835 : memref<1x80x2x128xi32, #tpu.memory_space<hbm>> -> memref<80x2x128xi32, #tpu.memory_space<hbm>>
        %dma_wait3A_837 = arith.constant 0 : i32
        %dma_wait3A_838 = arith.constant 0 : i32
        %dma_wait3A_839 = tpu.memref_slice %dma_wait3A_836[%dma_wait3A_826, %dma_wait3A_837, %dma_wait3A_838] : memref<80x2x128xi32, #tpu.memory_space<hbm>> -> memref<1x2x128xi32, #tpu.memory_space<hbm>>
        %dma_wait3A_840 = tpu.memref_squeeze %dma_wait3A_839 : memref<1x2x128xi32, #tpu.memory_space<hbm>> -> memref<2x128xi32, #tpu.memory_space<hbm>>
        %dma_wait3A_841 = arith.constant 0 : i32
        %dma_wait3A_842 = arith.constant 0 : i32
        %dma_wait3A_843 = tpu.memref_slice %arg8[%dma_wait3A_827, %dma_wait3A_841, %dma_wait3A_842] : memref<4x2x128xi32, #tpu.memory_space<vmem>> -> memref<1x2x128xi32, #tpu.memory_space<vmem>>
        %dma_wait3A_844 = tpu.memref_squeeze %dma_wait3A_843 : memref<1x2x128xi32, #tpu.memory_space<vmem>> -> memref<2x128xi32, #tpu.memory_space<vmem>>
        %dma_wait3A_845 = arith.constant 0 : i32
        %dma_wait3A_846 = arith.constant 0 : i32
        %dma_wait3A_847 = arith.constant 0 : i32
        %dma_wait3A_848 = tpu.memref_slice %arg3[%arg1, %dma_wait3A_845, %dma_wait3A_846, %dma_wait3A_847] : memref<16x80x2x128xi32, #tpu.memory_space<hbm>> -> memref<1x80x2x128xi32, #tpu.memory_space<hbm>>
        %dma_wait3A_849 = tpu.memref_squeeze %dma_wait3A_848 : memref<1x80x2x128xi32, #tpu.memory_space<hbm>> -> memref<80x2x128xi32, #tpu.memory_space<hbm>>
        %dma_wait3A_850 = arith.constant 0 : i32
        %dma_wait3A_851 = arith.constant 0 : i32
        %dma_wait3A_852 = tpu.memref_slice %dma_wait3A_849[%dma_wait3A_826, %dma_wait3A_850, %dma_wait3A_851] : memref<80x2x128xi32, #tpu.memory_space<hbm>> -> memref<1x2x128xi32, #tpu.memory_space<hbm>>
        %dma_wait3A_853 = tpu.memref_squeeze %dma_wait3A_852 : memref<1x2x128xi32, #tpu.memory_space<hbm>> -> memref<2x128xi32, #tpu.memory_space<hbm>>
        tpu.wait_dma2 semaphore(%arg15 : memref<!tpu.dma_semaphore, #tpu.memory_space<semaphore_mem>>) src(%dma_wait3A_853 : memref<2x128xi32, #tpu.memory_space<hbm>>) dst(%dma_wait3A_844 : memref<2x128xi32, #tpu.memory_space<vmem>>)
        %dma_wait3A_854 = arith.constant 0 : i32
        %dma_wait3A_855 = arith.constant 2 : i32
        %dma_wait3A_856 = arith.constant 0 : i32
        %dma_wait3A_857 = tpu.memref_slice %arg9[%dma_wait3A_855, %dma_wait3A_856] : memref<4x128xf32, #tpu.memory_space<vmem>> -> memref<1x128xf32, #tpu.memory_space<vmem>>
        %dma_wait3A_858 = tpu.memref_squeeze %dma_wait3A_857 : memref<1x128xf32, #tpu.memory_space<vmem>> -> memref<128xf32, #tpu.memory_space<vmem>>
        %dma_wait3A_859 = arith.constant 0 : i32
        %dma_wait3A_860 = arith.constant 0 : i32
        %dma_wait3A_861 = tpu.memref_slice %arg4[%arg1, %dma_wait3A_859, %dma_wait3A_860] : memref<16x80x128xf32, #tpu.memory_space<hbm>> -> memref<1x80x128xf32, #tpu.memory_space<hbm>>
        %dma_wait3A_862 = tpu.memref_squeeze %dma_wait3A_861 : memref<1x80x128xf32, #tpu.memory_space<hbm>> -> memref<80x128xf32, #tpu.memory_space<hbm>>
        %dma_wait3A_863 = arith.constant 0 : i32
        %dma_wait3A_864 = tpu.memref_slice %dma_wait3A_862[%dma_wait3A_854, %dma_wait3A_863] : memref<80x128xf32, #tpu.memory_space<hbm>> -> memref<1x128xf32, #tpu.memory_space<hbm>>
        %dma_wait3A_865 = tpu.memref_squeeze %dma_wait3A_864 : memref<1x128xf32, #tpu.memory_space<hbm>> -> memref<128xf32, #tpu.memory_space<hbm>>
        %dma_wait3A_866 = arith.constant 0 : i32
        %dma_wait3A_867 = tpu.memref_slice %arg9[%dma_wait3A_855, %dma_wait3A_866] : memref<4x128xf32, #tpu.memory_space<vmem>> -> memref<1x128xf32, #tpu.memory_space<vmem>>
        %dma_wait3A_868 = tpu.memref_squeeze %dma_wait3A_867 : memref<1x128xf32, #tpu.memory_space<vmem>> -> memref<128xf32, #tpu.memory_space<vmem>>
        %dma_wait3A_869 = arith.constant 0 : i32
        %dma_wait3A_870 = arith.constant 0 : i32
        %dma_wait3A_871 = tpu.memref_slice %arg4[%arg1, %dma_wait3A_869, %dma_wait3A_870] : memref<16x80x128xf32, #tpu.memory_space<hbm>> -> memref<1x80x128xf32, #tpu.memory_space<hbm>>
        %dma_wait3A_872 = tpu.memref_squeeze %dma_wait3A_871 : memref<1x80x128xf32, #tpu.memory_space<hbm>> -> memref<80x128xf32, #tpu.memory_space<hbm>>
        %dma_wait3A_873 = arith.constant 0 : i32
        %dma_wait3A_874 = tpu.memref_slice %dma_wait3A_872[%dma_wait3A_854, %dma_wait3A_873] : memref<80x128xf32, #tpu.memory_space<hbm>> -> memref<1x128xf32, #tpu.memory_space<hbm>>
        %dma_wait3A_875 = tpu.memref_squeeze %dma_wait3A_874 : memref<1x128xf32, #tpu.memory_space<hbm>> -> memref<128xf32, #tpu.memory_space<hbm>>
        tpu.wait_dma2 semaphore(%arg15 : memref<!tpu.dma_semaphore, #tpu.memory_space<semaphore_mem>>) src(%dma_wait3A_875 : memref<128xf32, #tpu.memory_space<hbm>>) dst(%dma_wait3A_868 : memref<128xf32, #tpu.memory_space<vmem>>)
        %dma_start3A_876 = arith.constant 2 : i32
        %dma_start3A_877 = arith.constant 0 : i32
        %dma_start3A_878 = arith.constant 0 : i32
        %dma_start3A_879 = tpu.memref_slice %arg8[%dma_start3A_876, %dma_start3A_877, %dma_start3A_878] : memref<4x2x128xi32, #tpu.memory_space<vmem>> -> memref<1x1x128xi32, #tpu.memory_space<vmem>>
        %dma_start3A_880 = tpu.memref_squeeze %dma_start3A_879 : memref<1x1x128xi32, #tpu.memory_space<vmem>> -> memref<128xi32, #tpu.memory_space<vmem>>
        %dma_start3A_881 = arith.constant 0 : i32
        %dma_start3A_882 = arith.constant 0 : i32
        %dma_start3A_883 = tpu.memref_slice %arg2[%arg0, %dma_start3A_881, %dma_start3A_882] : memref<2x10240x128xf32, #tpu.memory_space<hbm>> -> memref<1x10240x128xf32, #tpu.memory_space<hbm>>
        %dma_start3A_884 = tpu.memref_squeeze %dma_start3A_883 : memref<1x10240x128xf32, #tpu.memory_space<hbm>> -> memref<10240x128xf32, #tpu.memory_space<hbm>>
        %dma_start3A_885 = arith.constant 0 : i32
        %dma_start3A_886 = arith.constant 0 : i32
        %dma_start3A_887 = tpu.memref_slice %dma_start3A_884[%dma_start3A_885, %dma_start3A_886] : memref<10240x128xf32, #tpu.memory_space<hbm>> -> memref<10240x128xf32, #tpu.memory_space<hbm>>
        tpu.enqueue_indirect_dma source(%dma_start3A_887 : memref<10240x128xf32, #tpu.memory_space<hbm>>) target(%arg10 : memref<128x128xf32, #tpu.memory_space<vmem>>) offsets(%dma_start3A_880 : memref<128xi32, #tpu.memory_space<vmem>>) semaphore(%arg17 : memref<!tpu.dma_semaphore, #tpu.memory_space<semaphore_mem>>)
      } else {
      }
      %dma_start3A_712 = arith.constant 1 : i32
      %dma_start3A_713 = arith.constant 1 : i32
      %dma_start3A_714 = arith.constant 0 : i32
      %dma_start3A_715 = tpu.memref_slice %arg8[%dma_start3A_712, %dma_start3A_713, %dma_start3A_714] : memref<4x2x128xi32, #tpu.memory_space<vmem>> -> memref<1x1x128xi32, #tpu.memory_space<vmem>>
      %dma_start3A_716 = tpu.memref_squeeze %dma_start3A_715 : memref<1x1x128xi32, #tpu.memory_space<vmem>> -> memref<128xi32, #tpu.memory_space<vmem>>
      %dma_start3A_717 = arith.constant 0 : i32
      %dma_start3A_718 = arith.constant 0 : i32
      %dma_start3A_719 = tpu.memref_slice %arg12[%dma_start3A_717, %dma_start3A_718] : memref<10240x128xf32, #tpu.memory_space<vmem_shared>> -> memref<10240x128xf32, #tpu.memory_space<vmem_shared>>
      tpu.enqueue_indirect_dma source(%arg11 : memref<128x128xf32, #tpu.memory_space<vmem>>) target(%dma_start3A_719 : memref<10240x128xf32, #tpu.memory_space<vmem_shared>>) offsets(%dma_start3A_716 : memref<128xi32, #tpu.memory_space<vmem>>) semaphore(%arg20 : memref<!tpu.dma_semaphore, #tpu.memory_space<semaphore_mem>>) {add = true}
      %mul3A_720 = arith.constant 4 : i32
      %mul3A_721 = arith.muli %mul3A_720, %add3A_620 : i32
      %add3A_722 = arith.constant 2 : i32
      %add3A_723 = arith.addi %mul3A_721, %add3A_722 : i32
      %dma_wait3A_724 = arith.constant 2 : i32
      %dma_wait3A_725 = arith.constant 0 : i32
      %dma_wait3A_726 = arith.constant 0 : i32
      %dma_wait3A_727 = tpu.memref_slice %arg8[%dma_wait3A_724, %dma_wait3A_725, %dma_wait3A_726] : memref<4x2x128xi32, #tpu.memory_space<vmem>> -> memref<1x1x128xi32, #tpu.memory_space<vmem>>
      %dma_wait3A_728 = tpu.memref_squeeze %dma_wait3A_727 : memref<1x1x128xi32, #tpu.memory_space<vmem>> -> memref<128xi32, #tpu.memory_space<vmem>>
      %dma_wait3A_729 = arith.constant 0 : i32
      %dma_wait3A_730 = arith.constant 0 : i32
      %dma_wait3A_731 = tpu.memref_slice %arg2[%arg0, %dma_wait3A_729, %dma_wait3A_730] : memref<2x10240x128xf32, #tpu.memory_space<hbm>> -> memref<1x10240x128xf32, #tpu.memory_space<hbm>>
      %dma_wait3A_732 = tpu.memref_squeeze %dma_wait3A_731 : memref<1x10240x128xf32, #tpu.memory_space<hbm>> -> memref<10240x128xf32, #tpu.memory_space<hbm>>
      %dma_wait3A_733 = arith.constant 0 : i32
      %dma_wait3A_734 = arith.constant 0 : i32
      %dma_wait3A_735 = tpu.memref_slice %dma_wait3A_732[%dma_wait3A_733, %dma_wait3A_734] : memref<10240x128xf32, #tpu.memory_space<hbm>> -> memref<10240x128xf32, #tpu.memory_space<hbm>>
      tpu.wait_indirect_dma semaphore(%arg17 : memref<!tpu.dma_semaphore, #tpu.memory_space<semaphore_mem>>) src(%dma_wait3A_735 : memref<10240x128xf32, #tpu.memory_space<hbm>>) dst(%arg10 : memref<128x128xf32, #tpu.memory_space<vmem>>)
      %broadcast_in_dim3A_736 = arith.constant 2 : i32
      %broadcast_in_dim3A_737 = vector.broadcast %broadcast_in_dim3A_736 : i32 to vector<16xi32>
      %scan3A_738 = arith.constant 0 : i32
      %scan3A_739 = arith.constant 128 : i32
      %scan3A_740 = arith.addi %scan3A_738, %scan3A_739 : i32
      %scan3A_741 = arith.constant 1 : i32
      scf.for %scan3A_826 = %scan3A_738 to %scan3A_740 step %scan3A_741  : i32 {
        %mul3A_827 = arith.constant 1 : i32
        %mul3A_828 = arith.muli %scan3A_826, %mul3A_827 : i32
        %add3A_829 = arith.constant 0 : i32
        %add3A_830 = arith.addi %add3A_829, %mul3A_828 : i32
        %broadcast_in_dim3A_831 = vector.broadcast %add3A_830 : i32 to vector<16xi32>
        %gather3A = tpu.vector_load_idx %arg9[%broadcast_in_dim3A_737, %broadcast_in_dim3A_831] : memref<4x128xf32, #tpu.memory_space<vmem>>[vector<16xi32>, vector<16xi32>], vector<16xf32>,
        %get3A = arith.index_cast %add3A_830 : i32 to index
        %get3A_832 = arith.constant 0 : index
        %get3A_833 = tpu.vector_load %arg10[%get3A, %get3A_832] {strides = array<i32>} : memref<128x128xf32, #tpu.memory_space<vmem>>, vector<16xf32>,
        %mul3A_834 = arith.mulf %get3A_833, %gather3A : vector<16xf32>
        %swap3A = arith.index_cast %add3A_830 : i32 to index
        %swap3A_835 = arith.constant 0 : index
        %swap3A_836 = tpu.vector_load %arg10[%swap3A, %swap3A_835] {strides = array<i32>} : memref<128x128xf32, #tpu.memory_space<vmem>>, vector<16xf32>,
        tpu.vector_store %arg10[%swap3A, %swap3A_835], %mul3A_834 {strides = array<i32>} : memref<128x128xf32, #tpu.memory_space<vmem>>, vector<16xf32>,
        %get3A_837 = arith.index_cast %add3A_830 : i32 to index
        %get3A_838 = arith.constant 16 : index
        %get3A_839 = tpu.vector_load %arg10[%get3A_837, %get3A_838] {strides = array<i32>} : memref<128x128xf32, #tpu.memory_space<vmem>>, vector<16xf32>,
        %mul3A_840 = arith.mulf %get3A_839, %gather3A : vector<16xf32>
        %swap3A_841 = arith.index_cast %add3A_830 : i32 to index
        %swap3A_842 = arith.constant 16 : index
        %swap3A_843 = tpu.vector_load %arg10[%swap3A_841, %swap3A_842] {strides = array<i32>} : memref<128x128xf32, #tpu.memory_space<vmem>>, vector<16xf32>,
        tpu.vector_store %arg10[%swap3A_841, %swap3A_842], %mul3A_840 {strides = array<i32>} : memref<128x128xf32, #tpu.memory_space<vmem>>, vector<16xf32>,
        %get3A_844 = arith.index_cast %add3A_830 : i32 to index
        %get3A_845 = arith.constant 32 : index
        %get3A_846 = tpu.vector_load %arg10[%get3A_844, %get3A_845] {strides = array<i32>} : memref<128x128xf32, #tpu.memory_space<vmem>>, vector<16xf32>,
        %mul3A_847 = arith.mulf %get3A_846, %gather3A : vector<16xf32>
        %swap3A_848 = arith.index_cast %add3A_830 : i32 to index
        %swap3A_849 = arith.constant 32 : index
        %swap3A_850 = tpu.vector_load %arg10[%swap3A_848, %swap3A_849] {strides = array<i32>} : memref<128x128xf32, #tpu.memory_space<vmem>>, vector<16xf32>,
        tpu.vector_store %arg10[%swap3A_848, %swap3A_849], %mul3A_847 {strides = array<i32>} : memref<128x128xf32, #tpu.memory_space<vmem>>, vector<16xf32>,
        %get3A_851 = arith.index_cast %add3A_830 : i32 to index
        %get3A_852 = arith.constant 48 : index
        %get3A_853 = tpu.vector_load %arg10[%get3A_851, %get3A_852] {strides = array<i32>} : memref<128x128xf32, #tpu.memory_space<vmem>>, vector<16xf32>,
        %mul3A_854 = arith.mulf %get3A_853, %gather3A : vector<16xf32>
        %swap3A_855 = arith.index_cast %add3A_830 : i32 to index
        %swap3A_856 = arith.constant 48 : index
        %swap3A_857 = tpu.vector_load %arg10[%swap3A_855, %swap3A_856] {strides = array<i32>} : memref<128x128xf32, #tpu.memory_space<vmem>>, vector<16xf32>,
        tpu.vector_store %arg10[%swap3A_855, %swap3A_856], %mul3A_854 {strides = array<i32>} : memref<128x128xf32, #tpu.memory_space<vmem>>, vector<16xf32>,
        %get3A_858 = arith.index_cast %add3A_830 : i32 to index
        %get3A_859 = arith.constant 64 : index
        %get3A_860 = tpu.vector_load %arg10[%get3A_858, %get3A_859] {strides = array<i32>} : memref<128x128xf32, #tpu.memory_space<vmem>>, vector<16xf32>,
        %mul3A_861 = arith.mulf %get3A_860, %gather3A : vector<16xf32>
        %swap3A_862 = arith.index_cast %add3A_830 : i32 to index
        %swap3A_863 = arith.constant 64 : index
        %swap3A_864 = tpu.vector_load %arg10[%swap3A_862, %swap3A_863] {strides = array<i32>} : memref<128x128xf32, #tpu.memory_space<vmem>>, vector<16xf32>,
        tpu.vector_store %arg10[%swap3A_862, %swap3A_863], %mul3A_861 {strides = array<i32>} : memref<128x128xf32, #tpu.memory_space<vmem>>, vector<16xf32>,
        %get3A_865 = arith.index_cast %add3A_830 : i32 to index
        %get3A_866 = arith.constant 80 : index
        %get3A_867 = tpu.vector_load %arg10[%get3A_865, %get3A_866] {strides = array<i32>} : memref<128x128xf32, #tpu.memory_space<vmem>>, vector<16xf32>,
        %mul3A_868 = arith.mulf %get3A_867, %gather3A : vector<16xf32>
        %swap3A_869 = arith.index_cast %add3A_830 : i32 to index
        %swap3A_870 = arith.constant 80 : index
        %swap3A_871 = tpu.vector_load %arg10[%swap3A_869, %swap3A_870] {strides = array<i32>} : memref<128x128xf32, #tpu.memory_space<vmem>>, vector<16xf32>,
        tpu.vector_store %arg10[%swap3A_869, %swap3A_870], %mul3A_868 {strides = array<i32>} : memref<128x128xf32, #tpu.memory_space<vmem>>, vector<16xf32>,
        %get3A_872 = arith.index_cast %add3A_830 : i32 to index
        %get3A_873 = arith.constant 96 : index
        %get3A_874 = tpu.vector_load %arg10[%get3A_872, %get3A_873] {strides = array<i32>} : memref<128x128xf32, #tpu.memory_space<vmem>>, vector<16xf32>,
        %mul3A_875 = arith.mulf %get3A_874, %gather3A : vector<16xf32>
        %swap3A_876 = arith.index_cast %add3A_830 : i32 to index
        %swap3A_877 = arith.constant 96 : index
        %swap3A_878 = tpu.vector_load %arg10[%swap3A_876, %swap3A_877] {strides = array<i32>} : memref<128x128xf32, #tpu.memory_space<vmem>>, vector<16xf32>,
        tpu.vector_store %arg10[%swap3A_876, %swap3A_877], %mul3A_875 {strides = array<i32>} : memref<128x128xf32, #tpu.memory_space<vmem>>, vector<16xf32>,
        %get3A_879 = arith.index_cast %add3A_830 : i32 to index
        %get3A_880 = arith.constant 112 : index
        %get3A_881 = tpu.vector_load %arg10[%get3A_879, %get3A_880] {strides = array<i32>} : memref<128x128xf32, #tpu.memory_space<vmem>>, vector<16xf32>,
        %mul3A_882 = arith.mulf %get3A_881, %gather3A : vector<16xf32>
        %swap3A_883 = arith.index_cast %add3A_830 : i32 to index
        %swap3A_884 = arith.constant 112 : index
        %swap3A_885 = tpu.vector_load %arg10[%swap3A_883, %swap3A_884] {strides = array<i32>} : memref<128x128xf32, #tpu.memory_space<vmem>>, vector<16xf32>,
        tpu.vector_store %arg10[%swap3A_883, %swap3A_884], %mul3A_882 {strides = array<i32>} : memref<128x128xf32, #tpu.memory_space<vmem>>, vector<16xf32>,
      }
      %scan3A_742 = arith.constant 128 : i32
      %dma_wait3A_743 = arith.constant 1 : i32
      %dma_wait3A_744 = arith.constant 1 : i32
      %dma_wait3A_745 = arith.constant 0 : i32
      %dma_wait3A_746 = tpu.memref_slice %arg8[%dma_wait3A_743, %dma_wait3A_744, %dma_wait3A_745] : memref<4x2x128xi32, #tpu.memory_space<vmem>> -> memref<1x1x128xi32, #tpu.memory_space<vmem>>
      %dma_wait3A_747 = tpu.memref_squeeze %dma_wait3A_746 : memref<1x1x128xi32, #tpu.memory_space<vmem>> -> memref<128xi32, #tpu.memory_space<vmem>>
      %dma_wait3A_748 = arith.constant 0 : i32
      %dma_wait3A_749 = arith.constant 0 : i32
      %dma_wait3A_750 = tpu.memref_slice %arg12[%dma_wait3A_748, %dma_wait3A_749] : memref<10240x128xf32, #tpu.memory_space<vmem_shared>> -> memref<10240x128xf32, #tpu.memory_space<vmem_shared>>
      tpu.wait_indirect_dma semaphore(%arg20 : memref<!tpu.dma_semaphore, #tpu.memory_space<semaphore_mem>>) src(%arg11 : memref<128x128xf32, #tpu.memory_space<vmem>>) dst(%dma_wait3A_750 : memref<10240x128xf32, #tpu.memory_space<vmem_shared>>)
      %add3A_751 = arith.constant 2 : i32
      %add3A_752 = arith.addi %add3A_723, %add3A_751 : i32
      %lt3A_753 = arith.constant 80 : i32
      %lt3A_754 = arith.cmpi slt, %add3A_752, %lt3A_753 : i32
      %convert_element_type3A_755 = arith.extui %lt3A_754 : i1 to i32
      %cond3A_756 = arith.constant 0 : i32
      %cond3A_757 = arith.cmpi ne, %convert_element_type3A_755, %cond3A_756 : i32
      scf.if %cond3A_757 {
        %add3A_826 = arith.constant 2 : i32
        %add3A_827 = arith.addi %add3A_723, %add3A_826 : i32
        %dma_start3A_828 = arith.constant 0 : i32
        %dma_start3A_829 = arith.constant 0 : i32
        %dma_start3A_830 = arith.constant 0 : i32
        %dma_start3A_831 = tpu.memref_slice %arg8[%dma_start3A_828, %dma_start3A_829, %dma_start3A_830] : memref<4x2x128xi32, #tpu.memory_space<vmem>> -> memref<1x2x128xi32, #tpu.memory_space<vmem>>
        %dma_start3A_832 = tpu.memref_squeeze %dma_start3A_831 : memref<1x2x128xi32, #tpu.memory_space<vmem>> -> memref<2x128xi32, #tpu.memory_space<vmem>>
        %dma_start3A_833 = arith.constant 0 : i32
        %dma_start3A_834 = arith.constant 0 : i32
        %dma_start3A_835 = arith.constant 0 : i32
        %dma_start3A_836 = tpu.memref_slice %arg3[%arg1, %dma_start3A_833, %dma_start3A_834, %dma_start3A_835] : memref<16x80x2x128xi32, #tpu.memory_space<hbm>> -> memref<1x80x2x128xi32, #tpu.memory_space<hbm>>
        %dma_start3A_837 = tpu.memref_squeeze %dma_start3A_836 : memref<1x80x2x128xi32, #tpu.memory_space<hbm>> -> memref<80x2x128xi32, #tpu.memory_space<hbm>>
        %dma_start3A_838 = arith.constant 0 : i32
        %dma_start3A_839 = arith.constant 0 : i32
        %dma_start3A_840 = tpu.memref_slice %dma_start3A_837[%add3A_827, %dma_start3A_838, %dma_start3A_839] : memref<80x2x128xi32, #tpu.memory_space<hbm>> -> memref<1x2x128xi32, #tpu.memory_space<hbm>>
        %dma_start3A_841 = tpu.memref_squeeze %dma_start3A_840 : memref<1x2x128xi32, #tpu.memory_space<hbm>> -> memref<2x128xi32, #tpu.memory_space<hbm>>
        %dma_start3A_842 = arith.constant 0 : i32
        %dma_start3A_843 = arith.constant 0 : i32
        %dma_start3A_844 = tpu.memref_slice %arg8[%dma_start3A_828, %dma_start3A_842, %dma_start3A_843] : memref<4x2x128xi32, #tpu.memory_space<vmem>> -> memref<1x2x128xi32, #tpu.memory_space<vmem>>
        %dma_start3A_845 = tpu.memref_squeeze %dma_start3A_844 : memref<1x2x128xi32, #tpu.memory_space<vmem>> -> memref<2x128xi32, #tpu.memory_space<vmem>>
        %dma_start3A_846 = arith.constant 0 : i32
        %dma_start3A_847 = arith.constant 0 : i32
        %dma_start3A_848 = arith.constant 0 : i32
        %dma_start3A_849 = tpu.memref_slice %arg3[%arg1, %dma_start3A_846, %dma_start3A_847, %dma_start3A_848] : memref<16x80x2x128xi32, #tpu.memory_space<hbm>> -> memref<1x80x2x128xi32, #tpu.memory_space<hbm>>
        %dma_start3A_850 = tpu.memref_squeeze %dma_start3A_849 : memref<1x80x2x128xi32, #tpu.memory_space<hbm>> -> memref<80x2x128xi32, #tpu.memory_space<hbm>>
        %dma_start3A_851 = arith.constant 0 : i32
        %dma_start3A_852 = arith.constant 0 : i32
        %dma_start3A_853 = tpu.memref_slice %dma_start3A_850[%add3A_827, %dma_start3A_851, %dma_start3A_852] : memref<80x2x128xi32, #tpu.memory_space<hbm>> -> memref<1x2x128xi32, #tpu.memory_space<hbm>>
        %dma_start3A_854 = tpu.memref_squeeze %dma_start3A_853 : memref<1x2x128xi32, #tpu.memory_space<hbm>> -> memref<2x128xi32, #tpu.memory_space<hbm>>
        tpu.enqueue_dma source(%dma_start3A_854 : memref<2x128xi32, #tpu.memory_space<hbm>>) target(%dma_start3A_845 : memref<2x128xi32, #tpu.memory_space<vmem>>) target_semaphore(%arg13 : memref<!tpu.dma_semaphore, #tpu.memory_space<semaphore_mem>>)
        %dma_start3A_855 = arith.constant 0 : i32
        %dma_start3A_856 = arith.constant 0 : i32
        %dma_start3A_857 = tpu.memref_slice %arg9[%dma_start3A_855, %dma_start3A_856] : memref<4x128xf32, #tpu.memory_space<vmem>> -> memref<1x128xf32, #tpu.memory_space<vmem>>
        %dma_start3A_858 = tpu.memref_squeeze %dma_start3A_857 : memref<1x128xf32, #tpu.memory_space<vmem>> -> memref<128xf32, #tpu.memory_space<vmem>>
        %dma_start3A_859 = arith.constant 0 : i32
        %dma_start3A_860 = arith.constant 0 : i32
        %dma_start3A_861 = tpu.memref_slice %arg4[%arg1, %dma_start3A_859, %dma_start3A_860] : memref<16x80x128xf32, #tpu.memory_space<hbm>> -> memref<1x80x128xf32, #tpu.memory_space<hbm>>
        %dma_start3A_862 = tpu.memref_squeeze %dma_start3A_861 : memref<1x80x128xf32, #tpu.memory_space<hbm>> -> memref<80x128xf32, #tpu.memory_space<hbm>>
        %dma_start3A_863 = arith.constant 0 : i32
        %dma_start3A_864 = tpu.memref_slice %dma_start3A_862[%add3A_827, %dma_start3A_863] : memref<80x128xf32, #tpu.memory_space<hbm>> -> memref<1x128xf32, #tpu.memory_space<hbm>>
        %dma_start3A_865 = tpu.memref_squeeze %dma_start3A_864 : memref<1x128xf32, #tpu.memory_space<hbm>> -> memref<128xf32, #tpu.memory_space<hbm>>
        %dma_start3A_866 = arith.constant 0 : i32
        %dma_start3A_867 = tpu.memref_slice %arg9[%dma_start3A_855, %dma_start3A_866] : memref<4x128xf32, #tpu.memory_space<vmem>> -> memref<1x128xf32, #tpu.memory_space<vmem>>
        %dma_start3A_868 = tpu.memref_squeeze %dma_start3A_867 : memref<1x128xf32, #tpu.memory_space<vmem>> -> memref<128xf32, #tpu.memory_space<vmem>>
        %dma_start3A_869 = arith.constant 0 : i32
        %dma_start3A_870 = arith.constant 0 : i32
        %dma_start3A_871 = tpu.memref_slice %arg4[%arg1, %dma_start3A_869, %dma_start3A_870] : memref<16x80x128xf32, #tpu.memory_space<hbm>> -> memref<1x80x128xf32, #tpu.memory_space<hbm>>
        %dma_start3A_872 = tpu.memref_squeeze %dma_start3A_871 : memref<1x80x128xf32, #tpu.memory_space<hbm>> -> memref<80x128xf32, #tpu.memory_space<hbm>>
        %dma_start3A_873 = arith.constant 0 : i32
        %dma_start3A_874 = tpu.memref_slice %dma_start3A_872[%add3A_827, %dma_start3A_873] : memref<80x128xf32, #tpu.memory_space<hbm>> -> memref<1x128xf32, #tpu.memory_space<hbm>>
        %dma_start3A_875 = tpu.memref_squeeze %dma_start3A_874 : memref<1x128xf32, #tpu.memory_space<hbm>> -> memref<128xf32, #tpu.memory_space<hbm>>
        tpu.enqueue_dma source(%dma_start3A_875 : memref<128xf32, #tpu.memory_space<hbm>>) target(%dma_start3A_868 : memref<128xf32, #tpu.memory_space<vmem>>) target_semaphore(%arg13 : memref<!tpu.dma_semaphore, #tpu.memory_space<semaphore_mem>>)
      } else {
      }
      %add3A_758 = arith.constant 1 : i32
      %add3A_759 = arith.addi %add3A_723, %add3A_758 : i32
      %lt3A_760 = arith.constant 80 : i32
      %lt3A_761 = arith.cmpi slt, %add3A_759, %lt3A_760 : i32
      %convert_element_type3A_762 = arith.extui %lt3A_761 : i1 to i32
      %cond3A_763 = arith.constant 0 : i32
      %cond3A_764 = arith.cmpi ne, %convert_element_type3A_762, %cond3A_763 : i32
      scf.if %cond3A_764 {
        %dma_wait3A_826 = arith.constant 0 : i32
        %dma_wait3A_827 = arith.constant 3 : i32
        %dma_wait3A_828 = arith.constant 0 : i32
        %dma_wait3A_829 = arith.constant 0 : i32
        %dma_wait3A_830 = tpu.memref_slice %arg8[%dma_wait3A_827, %dma_wait3A_828, %dma_wait3A_829] : memref<4x2x128xi32, #tpu.memory_space<vmem>> -> memref<1x2x128xi32, #tpu.memory_space<vmem>>
        %dma_wait3A_831 = tpu.memref_squeeze %dma_wait3A_830 : memref<1x2x128xi32, #tpu.memory_space<vmem>> -> memref<2x128xi32, #tpu.memory_space<vmem>>
        %dma_wait3A_832 = arith.constant 0 : i32
        %dma_wait3A_833 = arith.constant 0 : i32
        %dma_wait3A_834 = arith.constant 0 : i32
        %dma_wait3A_835 = tpu.memref_slice %arg3[%arg1, %dma_wait3A_832, %dma_wait3A_833, %dma_wait3A_834] : memref<16x80x2x128xi32, #tpu.memory_space<hbm>> -> memref<1x80x2x128xi32, #tpu.memory_space<hbm>>
        %dma_wait3A_836 = tpu.memref_squeeze %dma_wait3A_835 : memref<1x80x2x128xi32, #tpu.memory_space<hbm>> -> memref<80x2x128xi32, #tpu.memory_space<hbm>>
        %dma_wait3A_837 = arith.constant 0 : i32
        %dma_wait3A_838 = arith.constant 0 : i32
        %dma_wait3A_839 = tpu.memref_slice %dma_wait3A_836[%dma_wait3A_826, %dma_wait3A_837, %dma_wait3A_838] : memref<80x2x128xi32, #tpu.memory_space<hbm>> -> memref<1x2x128xi32, #tpu.memory_space<hbm>>
        %dma_wait3A_840 = tpu.memref_squeeze %dma_wait3A_839 : memref<1x2x128xi32, #tpu.memory_space<hbm>> -> memref<2x128xi32, #tpu.memory_space<hbm>>
        %dma_wait3A_841 = arith.constant 0 : i32
        %dma_wait3A_842 = arith.constant 0 : i32
        %dma_wait3A_843 = tpu.memref_slice %arg8[%dma_wait3A_827, %dma_wait3A_841, %dma_wait3A_842] : memref<4x2x128xi32, #tpu.memory_space<vmem>> -> memref<1x2x128xi32, #tpu.memory_space<vmem>>
        %dma_wait3A_844 = tpu.memref_squeeze %dma_wait3A_843 : memref<1x2x128xi32, #tpu.memory_space<vmem>> -> memref<2x128xi32, #tpu.memory_space<vmem>>
        %dma_wait3A_845 = arith.constant 0 : i32
        %dma_wait3A_846 = arith.constant 0 : i32
        %dma_wait3A_847 = arith.constant 0 : i32
        %dma_wait3A_848 = tpu.memref_slice %arg3[%arg1, %dma_wait3A_845, %dma_wait3A_846, %dma_wait3A_847] : memref<16x80x2x128xi32, #tpu.memory_space<hbm>> -> memref<1x80x2x128xi32, #tpu.memory_space<hbm>>
        %dma_wait3A_849 = tpu.memref_squeeze %dma_wait3A_848 : memref<1x80x2x128xi32, #tpu.memory_space<hbm>> -> memref<80x2x128xi32, #tpu.memory_space<hbm>>
        %dma_wait3A_850 = arith.constant 0 : i32
        %dma_wait3A_851 = arith.constant 0 : i32
        %dma_wait3A_852 = tpu.memref_slice %dma_wait3A_849[%dma_wait3A_826, %dma_wait3A_850, %dma_wait3A_851] : memref<80x2x128xi32, #tpu.memory_space<hbm>> -> memref<1x2x128xi32, #tpu.memory_space<hbm>>
        %dma_wait3A_853 = tpu.memref_squeeze %dma_wait3A_852 : memref<1x2x128xi32, #tpu.memory_space<hbm>> -> memref<2x128xi32, #tpu.memory_space<hbm>>
        tpu.wait_dma2 semaphore(%arg16 : memref<!tpu.dma_semaphore, #tpu.memory_space<semaphore_mem>>) src(%dma_wait3A_853 : memref<2x128xi32, #tpu.memory_space<hbm>>) dst(%dma_wait3A_844 : memref<2x128xi32, #tpu.memory_space<vmem>>)
        %dma_wait3A_854 = arith.constant 0 : i32
        %dma_wait3A_855 = arith.constant 3 : i32
        %dma_wait3A_856 = arith.constant 0 : i32
        %dma_wait3A_857 = tpu.memref_slice %arg9[%dma_wait3A_855, %dma_wait3A_856] : memref<4x128xf32, #tpu.memory_space<vmem>> -> memref<1x128xf32, #tpu.memory_space<vmem>>
        %dma_wait3A_858 = tpu.memref_squeeze %dma_wait3A_857 : memref<1x128xf32, #tpu.memory_space<vmem>> -> memref<128xf32, #tpu.memory_space<vmem>>
        %dma_wait3A_859 = arith.constant 0 : i32
        %dma_wait3A_860 = arith.constant 0 : i32
        %dma_wait3A_861 = tpu.memref_slice %arg4[%arg1, %dma_wait3A_859, %dma_wait3A_860] : memref<16x80x128xf32, #tpu.memory_space<hbm>> -> memref<1x80x128xf32, #tpu.memory_space<hbm>>
        %dma_wait3A_862 = tpu.memref_squeeze %dma_wait3A_861 : memref<1x80x128xf32, #tpu.memory_space<hbm>> -> memref<80x128xf32, #tpu.memory_space<hbm>>
        %dma_wait3A_863 = arith.constant 0 : i32
        %dma_wait3A_864 = tpu.memref_slice %dma_wait3A_862[%dma_wait3A_854, %dma_wait3A_863] : memref<80x128xf32, #tpu.memory_space<hbm>> -> memref<1x128xf32, #tpu.memory_space<hbm>>
        %dma_wait3A_865 = tpu.memref_squeeze %dma_wait3A_864 : memref<1x128xf32, #tpu.memory_space<hbm>> -> memref<128xf32, #tpu.memory_space<hbm>>
        %dma_wait3A_866 = arith.constant 0 : i32
        %dma_wait3A_867 = tpu.memref_slice %arg9[%dma_wait3A_855, %dma_wait3A_866] : memref<4x128xf32, #tpu.memory_space<vmem>> -> memref<1x128xf32, #tpu.memory_space<vmem>>
        %dma_wait3A_868 = tpu.memref_squeeze %dma_wait3A_867 : memref<1x128xf32, #tpu.memory_space<vmem>> -> memref<128xf32, #tpu.memory_space<vmem>>
        %dma_wait3A_869 = arith.constant 0 : i32
        %dma_wait3A_870 = arith.constant 0 : i32
        %dma_wait3A_871 = tpu.memref_slice %arg4[%arg1, %dma_wait3A_869, %dma_wait3A_870] : memref<16x80x128xf32, #tpu.memory_space<hbm>> -> memref<1x80x128xf32, #tpu.memory_space<hbm>>
        %dma_wait3A_872 = tpu.memref_squeeze %dma_wait3A_871 : memref<1x80x128xf32, #tpu.memory_space<hbm>> -> memref<80x128xf32, #tpu.memory_space<hbm>>
        %dma_wait3A_873 = arith.constant 0 : i32
        %dma_wait3A_874 = tpu.memref_slice %dma_wait3A_872[%dma_wait3A_854, %dma_wait3A_873] : memref<80x128xf32, #tpu.memory_space<hbm>> -> memref<1x128xf32, #tpu.memory_space<hbm>>
        %dma_wait3A_875 = tpu.memref_squeeze %dma_wait3A_874 : memref<1x128xf32, #tpu.memory_space<hbm>> -> memref<128xf32, #tpu.memory_space<hbm>>
        tpu.wait_dma2 semaphore(%arg16 : memref<!tpu.dma_semaphore, #tpu.memory_space<semaphore_mem>>) src(%dma_wait3A_875 : memref<128xf32, #tpu.memory_space<hbm>>) dst(%dma_wait3A_868 : memref<128xf32, #tpu.memory_space<vmem>>)
        %dma_start3A_876 = arith.constant 3 : i32
        %dma_start3A_877 = arith.constant 0 : i32
        %dma_start3A_878 = arith.constant 0 : i32
        %dma_start3A_879 = tpu.memref_slice %arg8[%dma_start3A_876, %dma_start3A_877, %dma_start3A_878] : memref<4x2x128xi32, #tpu.memory_space<vmem>> -> memref<1x1x128xi32, #tpu.memory_space<vmem>>
        %dma_start3A_880 = tpu.memref_squeeze %dma_start3A_879 : memref<1x1x128xi32, #tpu.memory_space<vmem>> -> memref<128xi32, #tpu.memory_space<vmem>>
        %dma_start3A_881 = arith.constant 0 : i32
        %dma_start3A_882 = arith.constant 0 : i32
        %dma_start3A_883 = tpu.memref_slice %arg2[%arg0, %dma_start3A_881, %dma_start3A_882] : memref<2x10240x128xf32, #tpu.memory_space<hbm>> -> memref<1x10240x128xf32, #tpu.memory_space<hbm>>
        %dma_start3A_884 = tpu.memref_squeeze %dma_start3A_883 : memref<1x10240x128xf32, #tpu.memory_space<hbm>> -> memref<10240x128xf32, #tpu.memory_space<hbm>>
        %dma_start3A_885 = arith.constant 0 : i32
        %dma_start3A_886 = arith.constant 0 : i32
        %dma_start3A_887 = tpu.memref_slice %dma_start3A_884[%dma_start3A_885, %dma_start3A_886] : memref<10240x128xf32, #tpu.memory_space<hbm>> -> memref<10240x128xf32, #tpu.memory_space<hbm>>
        tpu.enqueue_indirect_dma source(%dma_start3A_887 : memref<10240x128xf32, #tpu.memory_space<hbm>>) target(%arg11 : memref<128x128xf32, #tpu.memory_space<vmem>>) offsets(%dma_start3A_880 : memref<128xi32, #tpu.memory_space<vmem>>) semaphore(%arg18 : memref<!tpu.dma_semaphore, #tpu.memory_space<semaphore_mem>>)
      } else {
      }
      %dma_start3A_765 = arith.constant 2 : i32
      %dma_start3A_766 = arith.constant 1 : i32
      %dma_start3A_767 = arith.constant 0 : i32
      %dma_start3A_768 = tpu.memref_slice %arg8[%dma_start3A_765, %dma_start3A_766, %dma_start3A_767] : memref<4x2x128xi32, #tpu.memory_space<vmem>> -> memref<1x1x128xi32, #tpu.memory_space<vmem>>
      %dma_start3A_769 = tpu.memref_squeeze %dma_start3A_768 : memref<1x1x128xi32, #tpu.memory_space<vmem>> -> memref<128xi32, #tpu.memory_space<vmem>>
      %dma_start3A_770 = arith.constant 0 : i32
      %dma_start3A_771 = arith.constant 0 : i32
      %dma_start3A_772 = tpu.memref_slice %arg12[%dma_start3A_770, %dma_start3A_771] : memref<10240x128xf32, #tpu.memory_space<vmem_shared>> -> memref<10240x128xf32, #tpu.memory_space<vmem_shared>>
      tpu.enqueue_indirect_dma source(%arg10 : memref<128x128xf32, #tpu.memory_space<vmem>>) target(%dma_start3A_772 : memref<10240x128xf32, #tpu.memory_space<vmem_shared>>) offsets(%dma_start3A_769 : memref<128xi32, #tpu.memory_space<vmem>>) semaphore(%arg19 : memref<!tpu.dma_semaphore, #tpu.memory_space<semaphore_mem>>) {add = true}
      %mul3A_773 = arith.constant 4 : i32
      %mul3A_774 = arith.muli %mul3A_773, %add3A_620 : i32
      %add3A_775 = arith.constant 3 : i32
      %add3A_776 = arith.addi %mul3A_774, %add3A_775 : i32
      %dma_wait3A_777 = arith.constant 3 : i32
      %dma_wait3A_778 = arith.constant 0 : i32
      %dma_wait3A_779 = arith.constant 0 : i32
      %dma_wait3A_780 = tpu.memref_slice %arg8[%dma_wait3A_777, %dma_wait3A_778, %dma_wait3A_779] : memref<4x2x128xi32, #tpu.memory_space<vmem>> -> memref<1x1x128xi32, #tpu.memory_space<vmem>>
      %dma_wait3A_781 = tpu.memref_squeeze %dma_wait3A_780 : memref<1x1x128xi32, #tpu.memory_space<vmem>> -> memref<128xi32, #tpu.memory_space<vmem>>
      %dma_wait3A_782 = arith.constant 0 : i32
      %dma_wait3A_783 = arith.constant 0 : i32
      %dma_wait3A_784 = tpu.memref_slice %arg2[%arg0, %dma_wait3A_782, %dma_wait3A_783] : memref<2x10240x128xf32, #tpu.memory_space<hbm>> -> memref<1x10240x128xf32, #tpu.memory_space<hbm>>
      %dma_wait3A_785 = tpu.memref_squeeze %dma_wait3A_784 : memref<1x10240x128xf32, #tpu.memory_space<hbm>> -> memref<10240x128xf32, #tpu.memory_space<hbm>>
      %dma_wait3A_786 = arith.constant 0 : i32
      %dma_wait3A_787 = arith.constant 0 : i32
      %dma_wait3A_788 = tpu.memref_slice %dma_wait3A_785[%dma_wait3A_786, %dma_wait3A_787] : memref<10240x128xf32, #tpu.memory_space<hbm>> -> memref<10240x128xf32, #tpu.memory_space<hbm>>
      tpu.wait_indirect_dma semaphore(%arg18 : memref<!tpu.dma_semaphore, #tpu.memory_space<semaphore_mem>>) src(%dma_wait3A_788 : memref<10240x128xf32, #tpu.memory_space<hbm>>) dst(%arg11 : memref<128x128xf32, #tpu.memory_space<vmem>>)
      %broadcast_in_dim3A_789 = arith.constant 3 : i32
      %broadcast_in_dim3A_790 = vector.broadcast %broadcast_in_dim3A_789 : i32 to vector<16xi32>
      %scan3A_791 = arith.constant 0 : i32
      %scan3A_792 = arith.constant 128 : i32
      %scan3A_793 = arith.addi %scan3A_791, %scan3A_792 : i32
      %scan3A_794 = arith.constant 1 : i32
      scf.for %scan3A_826 = %scan3A_791 to %scan3A_793 step %scan3A_794  : i32 {
        %mul3A_827 = arith.constant 1 : i32
        %mul3A_828 = arith.muli %scan3A_826, %mul3A_827 : i32
        %add3A_829 = arith.constant 0 : i32
        %add3A_830 = arith.addi %add3A_829, %mul3A_828 : i32
        %broadcast_in_dim3A_831 = vector.broadcast %add3A_830 : i32 to vector<16xi32>
        %gather3A = tpu.vector_load_idx %arg9[%broadcast_in_dim3A_790, %broadcast_in_dim3A_831] : memref<4x128xf32, #tpu.memory_space<vmem>>[vector<16xi32>, vector<16xi32>], vector<16xf32>,
        %get3A = arith.index_cast %add3A_830 : i32 to index
        %get3A_832 = arith.constant 0 : index
        %get3A_833 = tpu.vector_load %arg11[%get3A, %get3A_832] {strides = array<i32>} : memref<128x128xf32, #tpu.memory_space<vmem>>, vector<16xf32>,
        %mul3A_834 = arith.mulf %get3A_833, %gather3A : vector<16xf32>
        %swap3A = arith.index_cast %add3A_830 : i32 to index
        %swap3A_835 = arith.constant 0 : index
        %swap3A_836 = tpu.vector_load %arg11[%swap3A, %swap3A_835] {strides = array<i32>} : memref<128x128xf32, #tpu.memory_space<vmem>>, vector<16xf32>,
        tpu.vector_store %arg11[%swap3A, %swap3A_835], %mul3A_834 {strides = array<i32>} : memref<128x128xf32, #tpu.memory_space<vmem>>, vector<16xf32>,
        %get3A_837 = arith.index_cast %add3A_830 : i32 to index
        %get3A_838 = arith.constant 16 : index
        %get3A_839 = tpu.vector_load %arg11[%get3A_837, %get3A_838] {strides = array<i32>} : memref<128x128xf32, #tpu.memory_space<vmem>>, vector<16xf32>,
        %mul3A_840 = arith.mulf %get3A_839, %gather3A : vector<16xf32>
        %swap3A_841 = arith.index_cast %add3A_830 : i32 to index
        %swap3A_842 = arith.constant 16 : index
        %swap3A_843 = tpu.vector_load %arg11[%swap3A_841, %swap3A_842] {strides = array<i32>} : memref<128x128xf32, #tpu.memory_space<vmem>>, vector<16xf32>,
        tpu.vector_store %arg11[%swap3A_841, %swap3A_842], %mul3A_840 {strides = array<i32>} : memref<128x128xf32, #tpu.memory_space<vmem>>, vector<16xf32>,
        %get3A_844 = arith.index_cast %add3A_830 : i32 to index
        %get3A_845 = arith.constant 32 : index
        %get3A_846 = tpu.vector_load %arg11[%get3A_844, %get3A_845] {strides = array<i32>} : memref<128x128xf32, #tpu.memory_space<vmem>>, vector<16xf32>,
        %mul3A_847 = arith.mulf %get3A_846, %gather3A : vector<16xf32>
        %swap3A_848 = arith.index_cast %add3A_830 : i32 to index
        %swap3A_849 = arith.constant 32 : index
        %swap3A_850 = tpu.vector_load %arg11[%swap3A_848, %swap3A_849] {strides = array<i32>} : memref<128x128xf32, #tpu.memory_space<vmem>>, vector<16xf32>,
        tpu.vector_store %arg11[%swap3A_848, %swap3A_849], %mul3A_847 {strides = array<i32>} : memref<128x128xf32, #tpu.memory_space<vmem>>, vector<16xf32>,
        %get3A_851 = arith.index_cast %add3A_830 : i32 to index
        %get3A_852 = arith.constant 48 : index
        %get3A_853 = tpu.vector_load %arg11[%get3A_851, %get3A_852] {strides = array<i32>} : memref<128x128xf32, #tpu.memory_space<vmem>>, vector<16xf32>,
        %mul3A_854 = arith.mulf %get3A_853, %gather3A : vector<16xf32>
        %swap3A_855 = arith.index_cast %add3A_830 : i32 to index
        %swap3A_856 = arith.constant 48 : index
        %swap3A_857 = tpu.vector_load %arg11[%swap3A_855, %swap3A_856] {strides = array<i32>} : memref<128x128xf32, #tpu.memory_space<vmem>>, vector<16xf32>,
        tpu.vector_store %arg11[%swap3A_855, %swap3A_856], %mul3A_854 {strides = array<i32>} : memref<128x128xf32, #tpu.memory_space<vmem>>, vector<16xf32>,
        %get3A_858 = arith.index_cast %add3A_830 : i32 to index
        %get3A_859 = arith.constant 64 : index
        %get3A_860 = tpu.vector_load %arg11[%get3A_858, %get3A_859] {strides = array<i32>} : memref<128x128xf32, #tpu.memory_space<vmem>>, vector<16xf32>,
        %mul3A_861 = arith.mulf %get3A_860, %gather3A : vector<16xf32>
        %swap3A_862 = arith.index_cast %add3A_830 : i32 to index
        %swap3A_863 = arith.constant 64 : index
        %swap3A_864 = tpu.vector_load %arg11[%swap3A_862, %swap3A_863] {strides = array<i32>} : memref<128x128xf32, #tpu.memory_space<vmem>>, vector<16xf32>,
        tpu.vector_store %arg11[%swap3A_862, %swap3A_863], %mul3A_861 {strides = array<i32>} : memref<128x128xf32, #tpu.memory_space<vmem>>, vector<16xf32>,
        %get3A_865 = arith.index_cast %add3A_830 : i32 to index
        %get3A_866 = arith.constant 80 : index
        %get3A_867 = tpu.vector_load %arg11[%get3A_865, %get3A_866] {strides = array<i32>} : memref<128x128xf32, #tpu.memory_space<vmem>>, vector<16xf32>,
        %mul3A_868 = arith.mulf %get3A_867, %gather3A : vector<16xf32>
        %swap3A_869 = arith.index_cast %add3A_830 : i32 to index
        %swap3A_870 = arith.constant 80 : index
        %swap3A_871 = tpu.vector_load %arg11[%swap3A_869, %swap3A_870] {strides = array<i32>} : memref<128x128xf32, #tpu.memory_space<vmem>>, vector<16xf32>,
        tpu.vector_store %arg11[%swap3A_869, %swap3A_870], %mul3A_868 {strides = array<i32>} : memref<128x128xf32, #tpu.memory_space<vmem>>, vector<16xf32>,
        %get3A_872 = arith.index_cast %add3A_830 : i32 to index
        %get3A_873 = arith.constant 96 : index
        %get3A_874 = tpu.vector_load %arg11[%get3A_872, %get3A_873] {strides = array<i32>} : memref<128x128xf32, #tpu.memory_space<vmem>>, vector<16xf32>,
        %mul3A_875 = arith.mulf %get3A_874, %gather3A : vector<16xf32>
        %swap3A_876 = arith.index_cast %add3A_830 : i32 to index
        %swap3A_877 = arith.constant 96 : index
        %swap3A_878 = tpu.vector_load %arg11[%swap3A_876, %swap3A_877] {strides = array<i32>} : memref<128x128xf32, #tpu.memory_space<vmem>>, vector<16xf32>,
        tpu.vector_store %arg11[%swap3A_876, %swap3A_877], %mul3A_875 {strides = array<i32>} : memref<128x128xf32, #tpu.memory_space<vmem>>, vector<16xf32>,
        %get3A_879 = arith.index_cast %add3A_830 : i32 to index
        %get3A_880 = arith.constant 112 : index
        %get3A_881 = tpu.vector_load %arg11[%get3A_879, %get3A_880] {strides = array<i32>} : memref<128x128xf32, #tpu.memory_space<vmem>>, vector<16xf32>,
        %mul3A_882 = arith.mulf %get3A_881, %gather3A : vector<16xf32>
        %swap3A_883 = arith.index_cast %add3A_830 : i32 to index
        %swap3A_884 = arith.constant 112 : index
        %swap3A_885 = tpu.vector_load %arg11[%swap3A_883, %swap3A_884] {strides = array<i32>} : memref<128x128xf32, #tpu.memory_space<vmem>>, vector<16xf32>,
        tpu.vector_store %arg11[%swap3A_883, %swap3A_884], %mul3A_882 {strides = array<i32>} : memref<128x128xf32, #tpu.memory_space<vmem>>, vector<16xf32>,
      }
      %scan3A_795 = arith.constant 128 : i32
      %dma_wait3A_796 = arith.constant 2 : i32
      %dma_wait3A_797 = arith.constant 1 : i32
      %dma_wait3A_798 = arith.constant 0 : i32
      %dma_wait3A_799 = tpu.memref_slice %arg8[%dma_wait3A_796, %dma_wait3A_797, %dma_wait3A_798] : memref<4x2x128xi32, #tpu.memory_space<vmem>> -> memref<1x1x128xi32, #tpu.memory_space<vmem>>
      %dma_wait3A_800 = tpu.memref_squeeze %dma_wait3A_799 : memref<1x1x128xi32, #tpu.memory_space<vmem>> -> memref<128xi32, #tpu.memory_space<vmem>>
      %dma_wait3A_801 = arith.constant 0 : i32
      %dma_wait3A_802 = arith.constant 0 : i32
      %dma_wait3A_803 = tpu.memref_slice %arg12[%dma_wait3A_801, %dma_wait3A_802] : memref<10240x128xf32, #tpu.memory_space<vmem_shared>> -> memref<10240x128xf32, #tpu.memory_space<vmem_shared>>
      tpu.wait_indirect_dma semaphore(%arg19 : memref<!tpu.dma_semaphore, #tpu.memory_space<semaphore_mem>>) src(%arg10 : memref<128x128xf32, #tpu.memory_space<vmem>>) dst(%dma_wait3A_803 : memref<10240x128xf32, #tpu.memory_space<vmem_shared>>)
      %add3A_804 = arith.constant 2 : i32
      %add3A_805 = arith.addi %add3A_776, %add3A_804 : i32
      %lt3A_806 = arith.constant 80 : i32
      %lt3A_807 = arith.cmpi slt, %add3A_805, %lt3A_806 : i32
      %convert_element_type3A_808 = arith.extui %lt3A_807 : i1 to i32
      %cond3A_809 = arith.constant 0 : i32
      %cond3A_810 = arith.cmpi ne, %convert_element_type3A_808, %cond3A_809 : i32
      scf.if %cond3A_810 {
        %add3A_826 = arith.constant 2 : i32
        %add3A_827 = arith.addi %add3A_776, %add3A_826 : i32
        %dma_start3A_828 = arith.constant 1 : i32
        %dma_start3A_829 = arith.constant 0 : i32
        %dma_start3A_830 = arith.constant 0 : i32
        %dma_start3A_831 = tpu.memref_slice %arg8[%dma_start3A_828, %dma_start3A_829, %dma_start3A_830] : memref<4x2x128xi32, #tpu.memory_space<vmem>> -> memref<1x2x128xi32, #tpu.memory_space<vmem>>
        %dma_start3A_832 = tpu.memref_squeeze %dma_start3A_831 : memref<1x2x128xi32, #tpu.memory_space<vmem>> -> memref<2x128xi32, #tpu.memory_space<vmem>>
        %dma_start3A_833 = arith.constant 0 : i32
        %dma_start3A_834 = arith.constant 0 : i32
        %dma_start3A_835 = arith.constant 0 : i32
        %dma_start3A_836 = tpu.memref_slice %arg3[%arg1, %dma_start3A_833, %dma_start3A_834, %dma_start3A_835] : memref<16x80x2x128xi32, #tpu.memory_space<hbm>> -> memref<1x80x2x128xi32, #tpu.memory_space<hbm>>
        %dma_start3A_837 = tpu.memref_squeeze %dma_start3A_836 : memref<1x80x2x128xi32, #tpu.memory_space<hbm>> -> memref<80x2x128xi32, #tpu.memory_space<hbm>>
        %dma_start3A_838 = arith.constant 0 : i32
        %dma_start3A_839 = arith.constant 0 : i32
        %dma_start3A_840 = tpu.memref_slice %dma_start3A_837[%add3A_827, %dma_start3A_838, %dma_start3A_839] : memref<80x2x128xi32, #tpu.memory_space<hbm>> -> memref<1x2x128xi32, #tpu.memory_space<hbm>>
        %dma_start3A_841 = tpu.memref_squeeze %dma_start3A_840 : memref<1x2x128xi32, #tpu.memory_space<hbm>> -> memref<2x128xi32, #tpu.memory_space<hbm>>
        %dma_start3A_842 = arith.constant 0 : i32
        %dma_start3A_843 = arith.constant 0 : i32
        %dma_start3A_844 = tpu.memref_slice %arg8[%dma_start3A_828, %dma_start3A_842, %dma_start3A_843] : memref<4x2x128xi32, #tpu.memory_space<vmem>> -> memref<1x2x128xi32, #tpu.memory_space<vmem>>
        %dma_start3A_845 = tpu.memref_squeeze %dma_start3A_844 : memref<1x2x128xi32, #tpu.memory_space<vmem>> -> memref<2x128xi32, #tpu.memory_space<vmem>>
        %dma_start3A_846 = arith.constant 0 : i32
        %dma_start3A_847 = arith.constant 0 : i32
        %dma_start3A_848 = arith.constant 0 : i32
        %dma_start3A_849 = tpu.memref_slice %arg3[%arg1, %dma_start3A_846, %dma_start3A_847, %dma_start3A_848] : memref<16x80x2x128xi32, #tpu.memory_space<hbm>> -> memref<1x80x2x128xi32, #tpu.memory_space<hbm>>
        %dma_start3A_850 = tpu.memref_squeeze %dma_start3A_849 : memref<1x80x2x128xi32, #tpu.memory_space<hbm>> -> memref<80x2x128xi32, #tpu.memory_space<hbm>>
        %dma_start3A_851 = arith.constant 0 : i32
        %dma_start3A_852 = arith.constant 0 : i32
        %dma_start3A_853 = tpu.memref_slice %dma_start3A_850[%add3A_827, %dma_start3A_851, %dma_start3A_852] : memref<80x2x128xi32, #tpu.memory_space<hbm>> -> memref<1x2x128xi32, #tpu.memory_space<hbm>>
        %dma_start3A_854 = tpu.memref_squeeze %dma_start3A_853 : memref<1x2x128xi32, #tpu.memory_space<hbm>> -> memref<2x128xi32, #tpu.memory_space<hbm>>
        tpu.enqueue_dma source(%dma_start3A_854 : memref<2x128xi32, #tpu.memory_space<hbm>>) target(%dma_start3A_845 : memref<2x128xi32, #tpu.memory_space<vmem>>) target_semaphore(%arg14 : memref<!tpu.dma_semaphore, #tpu.memory_space<semaphore_mem>>)
        %dma_start3A_855 = arith.constant 1 : i32
        %dma_start3A_856 = arith.constant 0 : i32
        %dma_start3A_857 = tpu.memref_slice %arg9[%dma_start3A_855, %dma_start3A_856] : memref<4x128xf32, #tpu.memory_space<vmem>> -> memref<1x128xf32, #tpu.memory_space<vmem>>
        %dma_start3A_858 = tpu.memref_squeeze %dma_start3A_857 : memref<1x128xf32, #tpu.memory_space<vmem>> -> memref<128xf32, #tpu.memory_space<vmem>>
        %dma_start3A_859 = arith.constant 0 : i32
        %dma_start3A_860 = arith.constant 0 : i32
        %dma_start3A_861 = tpu.memref_slice %arg4[%arg1, %dma_start3A_859, %dma_start3A_860] : memref<16x80x128xf32, #tpu.memory_space<hbm>> -> memref<1x80x128xf32, #tpu.memory_space<hbm>>
        %dma_start3A_862 = tpu.memref_squeeze %dma_start3A_861 : memref<1x80x128xf32, #tpu.memory_space<hbm>> -> memref<80x128xf32, #tpu.memory_space<hbm>>
        %dma_start3A_863 = arith.constant 0 : i32
        %dma_start3A_864 = tpu.memref_slice %dma_start3A_862[%add3A_827, %dma_start3A_863] : memref<80x128xf32, #tpu.memory_space<hbm>> -> memref<1x128xf32, #tpu.memory_space<hbm>>
        %dma_start3A_865 = tpu.memref_squeeze %dma_start3A_864 : memref<1x128xf32, #tpu.memory_space<hbm>> -> memref<128xf32, #tpu.memory_space<hbm>>
        %dma_start3A_866 = arith.constant 0 : i32
        %dma_start3A_867 = tpu.memref_slice %arg9[%dma_start3A_855, %dma_start3A_866] : memref<4x128xf32, #tpu.memory_space<vmem>> -> memref<1x128xf32, #tpu.memory_space<vmem>>
        %dma_start3A_868 = tpu.memref_squeeze %dma_start3A_867 : memref<1x128xf32, #tpu.memory_space<vmem>> -> memref<128xf32, #tpu.memory_space<vmem>>
        %dma_start3A_869 = arith.constant 0 : i32
        %dma_start3A_870 = arith.constant 0 : i32
        %dma_start3A_871 = tpu.memref_slice %arg4[%arg1, %dma_start3A_869, %dma_start3A_870] : memref<16x80x128xf32, #tpu.memory_space<hbm>> -> memref<1x80x128xf32, #tpu.memory_space<hbm>>
        %dma_start3A_872 = tpu.memref_squeeze %dma_start3A_871 : memref<1x80x128xf32, #tpu.memory_space<hbm>> -> memref<80x128xf32, #tpu.memory_space<hbm>>
        %dma_start3A_873 = arith.constant 0 : i32
        %dma_start3A_874 = tpu.memref_slice %dma_start3A_872[%add3A_827, %dma_start3A_873] : memref<80x128xf32, #tpu.memory_space<hbm>> -> memref<1x128xf32, #tpu.memory_space<hbm>>
        %dma_start3A_875 = tpu.memref_squeeze %dma_start3A_874 : memref<1x128xf32, #tpu.memory_space<hbm>> -> memref<128xf32, #tpu.memory_space<hbm>>
        tpu.enqueue_dma source(%dma_start3A_875 : memref<128xf32, #tpu.memory_space<hbm>>) target(%dma_start3A_868 : memref<128xf32, #tpu.memory_space<vmem>>) target_semaphore(%arg14 : memref<!tpu.dma_semaphore, #tpu.memory_space<semaphore_mem>>)
      } else {
      }
      %add3A_811 = arith.constant 1 : i32
      %add3A_812 = arith.addi %add3A_776, %add3A_811 : i32
      %lt3A_813 = arith.constant 80 : i32
      %lt3A_814 = arith.cmpi slt, %add3A_812, %lt3A_813 : i32
      %convert_element_type3A_815 = arith.extui %lt3A_814 : i1 to i32
      %cond3A_816 = arith.constant 0 : i32
      %cond3A_817 = arith.cmpi ne, %convert_element_type3A_815, %cond3A_816 : i32
      scf.if %cond3A_817 {
        %dma_wait3A_826 = arith.constant 0 : i32
        %dma_wait3A_827 = arith.constant 0 : i32
        %dma_wait3A_828 = arith.constant 0 : i32
        %dma_wait3A_829 = arith.constant 0 : i32
        %dma_wait3A_830 = tpu.memref_slice %arg8[%dma_wait3A_827, %dma_wait3A_828, %dma_wait3A_829] : memref<4x2x128xi32, #tpu.memory_space<vmem>> -> memref<1x2x128xi32, #tpu.memory_space<vmem>>
        %dma_wait3A_831 = tpu.memref_squeeze %dma_wait3A_830 : memref<1x2x128xi32, #tpu.memory_space<vmem>> -> memref<2x128xi32, #tpu.memory_space<vmem>>
        %dma_wait3A_832 = arith.constant 0 : i32
        %dma_wait3A_833 = arith.constant 0 : i32
        %dma_wait3A_834 = arith.constant 0 : i32
        %dma_wait3A_835 = tpu.memref_slice %arg3[%arg1, %dma_wait3A_832, %dma_wait3A_833, %dma_wait3A_834] : memref<16x80x2x128xi32, #tpu.memory_space<hbm>> -> memref<1x80x2x128xi32, #tpu.memory_space<hbm>>
        %dma_wait3A_836 = tpu.memref_squeeze %dma_wait3A_835 : memref<1x80x2x128xi32, #tpu.memory_space<hbm>> -> memref<80x2x128xi32, #tpu.memory_space<hbm>>
        %dma_wait3A_837 = arith.constant 0 : i32
        %dma_wait3A_838 = arith.constant 0 : i32
        %dma_wait3A_839 = tpu.memref_slice %dma_wait3A_836[%dma_wait3A_826, %dma_wait3A_837, %dma_wait3A_838] : memref<80x2x128xi32, #tpu.memory_space<hbm>> -> memref<1x2x128xi32, #tpu.memory_space<hbm>>
        %dma_wait3A_840 = tpu.memref_squeeze %dma_wait3A_839 : memref<1x2x128xi32, #tpu.memory_space<hbm>> -> memref<2x128xi32, #tpu.memory_space<hbm>>
        %dma_wait3A_841 = arith.constant 0 : i32
        %dma_wait3A_842 = arith.constant 0 : i32
        %dma_wait3A_843 = tpu.memref_slice %arg8[%dma_wait3A_827, %dma_wait3A_841, %dma_wait3A_842] : memref<4x2x128xi32, #tpu.memory_space<vmem>> -> memref<1x2x128xi32, #tpu.memory_space<vmem>>
        %dma_wait3A_844 = tpu.memref_squeeze %dma_wait3A_843 : memref<1x2x128xi32, #tpu.memory_space<vmem>> -> memref<2x128xi32, #tpu.memory_space<vmem>>
        %dma_wait3A_845 = arith.constant 0 : i32
        %dma_wait3A_846 = arith.constant 0 : i32
        %dma_wait3A_847 = arith.constant 0 : i32
        %dma_wait3A_848 = tpu.memref_slice %arg3[%arg1, %dma_wait3A_845, %dma_wait3A_846, %dma_wait3A_847] : memref<16x80x2x128xi32, #tpu.memory_space<hbm>> -> memref<1x80x2x128xi32, #tpu.memory_space<hbm>>
        %dma_wait3A_849 = tpu.memref_squeeze %dma_wait3A_848 : memref<1x80x2x128xi32, #tpu.memory_space<hbm>> -> memref<80x2x128xi32, #tpu.memory_space<hbm>>
        %dma_wait3A_850 = arith.constant 0 : i32
        %dma_wait3A_851 = arith.constant 0 : i32
        %dma_wait3A_852 = tpu.memref_slice %dma_wait3A_849[%dma_wait3A_826, %dma_wait3A_850, %dma_wait3A_851] : memref<80x2x128xi32, #tpu.memory_space<hbm>> -> memref<1x2x128xi32, #tpu.memory_space<hbm>>
        %dma_wait3A_853 = tpu.memref_squeeze %dma_wait3A_852 : memref<1x2x128xi32, #tpu.memory_space<hbm>> -> memref<2x128xi32, #tpu.memory_space<hbm>>
        tpu.wait_dma2 semaphore(%arg13 : memref<!tpu.dma_semaphore, #tpu.memory_space<semaphore_mem>>) src(%dma_wait3A_853 : memref<2x128xi32, #tpu.memory_space<hbm>>) dst(%dma_wait3A_844 : memref<2x128xi32, #tpu.memory_space<vmem>>)
        %dma_wait3A_854 = arith.constant 0 : i32
        %dma_wait3A_855 = arith.constant 0 : i32
        %dma_wait3A_856 = arith.constant 0 : i32
        %dma_wait3A_857 = tpu.memref_slice %arg9[%dma_wait3A_855, %dma_wait3A_856] : memref<4x128xf32, #tpu.memory_space<vmem>> -> memref<1x128xf32, #tpu.memory_space<vmem>>
        %dma_wait3A_858 = tpu.memref_squeeze %dma_wait3A_857 : memref<1x128xf32, #tpu.memory_space<vmem>> -> memref<128xf32, #tpu.memory_space<vmem>>
        %dma_wait3A_859 = arith.constant 0 : i32
        %dma_wait3A_860 = arith.constant 0 : i32
        %dma_wait3A_861 = tpu.memref_slice %arg4[%arg1, %dma_wait3A_859, %dma_wait3A_860] : memref<16x80x128xf32, #tpu.memory_space<hbm>> -> memref<1x80x128xf32, #tpu.memory_space<hbm>>
        %dma_wait3A_862 = tpu.memref_squeeze %dma_wait3A_861 : memref<1x80x128xf32, #tpu.memory_space<hbm>> -> memref<80x128xf32, #tpu.memory_space<hbm>>
        %dma_wait3A_863 = arith.constant 0 : i32
        %dma_wait3A_864 = tpu.memref_slice %dma_wait3A_862[%dma_wait3A_854, %dma_wait3A_863] : memref<80x128xf32, #tpu.memory_space<hbm>> -> memref<1x128xf32, #tpu.memory_space<hbm>>
        %dma_wait3A_865 = tpu.memref_squeeze %dma_wait3A_864 : memref<1x128xf32, #tpu.memory_space<hbm>> -> memref<128xf32, #tpu.memory_space<hbm>>
        %dma_wait3A_866 = arith.constant 0 : i32
        %dma_wait3A_867 = tpu.memref_slice %arg9[%dma_wait3A_855, %dma_wait3A_866] : memref<4x128xf32, #tpu.memory_space<vmem>> -> memref<1x128xf32, #tpu.memory_space<vmem>>
        %dma_wait3A_868 = tpu.memref_squeeze %dma_wait3A_867 : memref<1x128xf32, #tpu.memory_space<vmem>> -> memref<128xf32, #tpu.memory_space<vmem>>
        %dma_wait3A_869 = arith.constant 0 : i32
        %dma_wait3A_870 = arith.constant 0 : i32
        %dma_wait3A_871 = tpu.memref_slice %arg4[%arg1, %dma_wait3A_869, %dma_wait3A_870] : memref<16x80x128xf32, #tpu.memory_space<hbm>> -> memref<1x80x128xf32, #tpu.memory_space<hbm>>
        %dma_wait3A_872 = tpu.memref_squeeze %dma_wait3A_871 : memref<1x80x128xf32, #tpu.memory_space<hbm>> -> memref<80x128xf32, #tpu.memory_space<hbm>>
        %dma_wait3A_873 = arith.constant 0 : i32
        %dma_wait3A_874 = tpu.memref_slice %dma_wait3A_872[%dma_wait3A_854, %dma_wait3A_873] : memref<80x128xf32, #tpu.memory_space<hbm>> -> memref<1x128xf32, #tpu.memory_space<hbm>>
        %dma_wait3A_875 = tpu.memref_squeeze %dma_wait3A_874 : memref<1x128xf32, #tpu.memory_space<hbm>> -> memref<128xf32, #tpu.memory_space<hbm>>
        tpu.wait_dma2 semaphore(%arg13 : memref<!tpu.dma_semaphore, #tpu.memory_space<semaphore_mem>>) src(%dma_wait3A_875 : memref<128xf32, #tpu.memory_space<hbm>>) dst(%dma_wait3A_868 : memref<128xf32, #tpu.memory_space<vmem>>)
        %dma_start3A_876 = arith.constant 0 : i32
        %dma_start3A_877 = arith.constant 0 : i32
        %dma_start3A_878 = arith.constant 0 : i32
        %dma_start3A_879 = tpu.memref_slice %arg8[%dma_start3A_876, %dma_start3A_877, %dma_start3A_878] : memref<4x2x128xi32, #tpu.memory_space<vmem>> -> memref<1x1x128xi32, #tpu.memory_space<vmem>>
        %dma_start3A_880 = tpu.memref_squeeze %dma_start3A_879 : memref<1x1x128xi32, #tpu.memory_space<vmem>> -> memref<128xi32, #tpu.memory_space<vmem>>
        %dma_start3A_881 = arith.constant 0 : i32
        %dma_start3A_882 = arith.constant 0 : i32
        %dma_start3A_883 = tpu.memref_slice %arg2[%arg0, %dma_start3A_881, %dma_start3A_882] : memref<2x10240x128xf32, #tpu.memory_space<hbm>> -> memref<1x10240x128xf32, #tpu.memory_space<hbm>>
        %dma_start3A_884 = tpu.memref_squeeze %dma_start3A_883 : memref<1x10240x128xf32, #tpu.memory_space<hbm>> -> memref<10240x128xf32, #tpu.memory_space<hbm>>
        %dma_start3A_885 = arith.constant 0 : i32
        %dma_start3A_886 = arith.constant 0 : i32
        %dma_start3A_887 = tpu.memref_slice %dma_start3A_884[%dma_start3A_885, %dma_start3A_886] : memref<10240x128xf32, #tpu.memory_space<hbm>> -> memref<10240x128xf32, #tpu.memory_space<hbm>>
        tpu.enqueue_indirect_dma source(%dma_start3A_887 : memref<10240x128xf32, #tpu.memory_space<hbm>>) target(%arg10 : memref<128x128xf32, #tpu.memory_space<vmem>>) offsets(%dma_start3A_880 : memref<128xi32, #tpu.memory_space<vmem>>) semaphore(%arg17 : memref<!tpu.dma_semaphore, #tpu.memory_space<semaphore_mem>>)
      } else {
      }
      %dma_start3A_818 = arith.constant 3 : i32
      %dma_start3A_819 = arith.constant 1 : i32
      %dma_start3A_820 = arith.constant 0 : i32
      %dma_start3A_821 = tpu.memref_slice %arg8[%dma_start3A_818, %dma_start3A_819, %dma_start3A_820] : memref<4x2x128xi32, #tpu.memory_space<vmem>> -> memref<1x1x128xi32, #tpu.memory_space<vmem>>
      %dma_start3A_822 = tpu.memref_squeeze %dma_start3A_821 : memref<1x1x128xi32, #tpu.memory_space<vmem>> -> memref<128xi32, #tpu.memory_space<vmem>>
      %dma_start3A_823 = arith.constant 0 : i32
      %dma_start3A_824 = arith.constant 0 : i32
      %dma_start3A_825 = tpu.memref_slice %arg12[%dma_start3A_823, %dma_start3A_824] : memref<10240x128xf32, #tpu.memory_space<vmem_shared>> -> memref<10240x128xf32, #tpu.memory_space<vmem_shared>>
      tpu.enqueue_indirect_dma source(%arg11 : memref<128x128xf32, #tpu.memory_space<vmem>>) target(%dma_start3A_825 : memref<10240x128xf32, #tpu.memory_space<vmem_shared>>) offsets(%dma_start3A_822 : memref<128xi32, #tpu.memory_space<vmem>>) semaphore(%arg20 : memref<!tpu.dma_semaphore, #tpu.memory_space<semaphore_mem>>) {add = true}
    }
    %scan3A_187 = arith.constant 20 : i32
    %dma_wait3A_188 = arith.constant 3 : i32
    %dma_wait3A_189 = arith.constant 1 : i32
    %dma_wait3A_190 = arith.constant 0 : i32
    %dma_wait3A_191 = tpu.memref_slice %arg8[%dma_wait3A_188, %dma_wait3A_189, %dma_wait3A_190] : memref<4x2x128xi32, #tpu.memory_space<vmem>> -> memref<1x1x128xi32, #tpu.memory_space<vmem>>
    %dma_wait3A_192 = tpu.memref_squeeze %dma_wait3A_191 : memref<1x1x128xi32, #tpu.memory_space<vmem>> -> memref<128xi32, #tpu.memory_space<vmem>>
    %dma_wait3A_193 = arith.constant 0 : i32
    %dma_wait3A_194 = arith.constant 0 : i32
    %dma_wait3A_195 = tpu.memref_slice %arg12[%dma_wait3A_193, %dma_wait3A_194] : memref<10240x128xf32, #tpu.memory_space<vmem_shared>> -> memref<10240x128xf32, #tpu.memory_space<vmem_shared>>
    tpu.wait_indirect_dma semaphore(%arg20 : memref<!tpu.dma_semaphore, #tpu.memory_space<semaphore_mem>>) src(%arg11 : memref<128x128xf32, #tpu.memory_space<vmem>>) dst(%dma_wait3A_195 : memref<10240x128xf32, #tpu.memory_space<vmem_shared>>)
    %barrier3A_196 = arith.constant 0 : index
    tpu.barrier barrier_id(%barrier3A_196)
    %mul3A_197 = arith.constant 640 : i32
    %mul3A_198 = arith.muli %arg1, %mul3A_197 : i32
    %mul3A_199 = arith.constant 640 : i32
    %mul3A_200 = arith.muli %arg1, %mul3A_199 : i32
    "tpu.region"() ({
      %run_scoped3A = tpu.sem_alloc : memref<!tpu.dma_semaphore, #tpu.memory_space<semaphore_mem>>
      %dma_start3A_616 = arith.constant 0 : i32
      %dma_start3A_617 = arith.constant 0 : i32
      %dma_start3A_618 = tpu.memref_slice %arg5[%arg0, %dma_start3A_616, %dma_start3A_617] : memref<2x10240x128xf32, #tpu.memory_space<hbm>> -> memref<1x10240x128xf32, #tpu.memory_space<hbm>>
      %dma_start3A_619 = tpu.memref_squeeze %dma_start3A_618 : memref<1x10240x128xf32, #tpu.memory_space<hbm>> -> memref<10240x128xf32, #tpu.memory_space<hbm>>
      %dma_start3A_620 = arith.constant 0 : i32
      %dma_start3A_621 = tpu.memref_slice %dma_start3A_619[%mul3A_200, %dma_start3A_620] : memref<10240x128xf32, #tpu.memory_space<hbm>> -> memref<640x128xf32, #tpu.memory_space<hbm>>
      %dma_start3A_622 = arith.constant 0 : i32
      %dma_start3A_623 = tpu.memref_slice %arg12[%mul3A_198, %dma_start3A_622] : memref<10240x128xf32, #tpu.memory_space<vmem_shared>> -> memref<640x128xf32, #tpu.memory_space<vmem_shared>>
      tpu.enqueue_dma source(%dma_start3A_623 : memref<640x128xf32, #tpu.memory_space<vmem_shared>>) target(%dma_start3A_621 : memref<640x128xf32, #tpu.memory_space<hbm>>) target_semaphore(%run_scoped3A : memref<!tpu.dma_semaphore, #tpu.memory_space<semaphore_mem>>)
      %dma_wait3A_624 = arith.constant 0 : i32
      %dma_wait3A_625 = arith.constant 0 : i32
      %dma_wait3A_626 = tpu.memref_slice %arg5[%arg0, %dma_wait3A_624, %dma_wait3A_625] : memref<2x10240x128xf32, #tpu.memory_space<hbm>> -> memref<1x10240x128xf32, #tpu.memory_space<hbm>>
      %dma_wait3A_627 = tpu.memref_squeeze %dma_wait3A_626 : memref<1x10240x128xf32, #tpu.memory_space<hbm>> -> memref<10240x128xf32, #tpu.memory_space<hbm>>
      %dma_wait3A_628 = arith.constant 0 : i32
      %dma_wait3A_629 = tpu.memref_slice %dma_wait3A_627[%mul3A_200, %dma_wait3A_628] : memref<10240x128xf32, #tpu.memory_space<hbm>> -> memref<640x128xf32, #tpu.memory_space<hbm>>
      %dma_wait3A_630 = arith.constant 0 : i32
      %dma_wait3A_631 = tpu.memref_slice %arg12[%mul3A_198, %dma_wait3A_630] : memref<10240x128xf32, #tpu.memory_space<vmem_shared>> -> memref<640x128xf32, #tpu.memory_space<vmem_shared>>
      tpu.wait_dma2 semaphore(%run_scoped3A : memref<!tpu.dma_semaphore, #tpu.memory_space<semaphore_mem>>) src(%dma_wait3A_631 : memref<640x128xf32, #tpu.memory_space<vmem_shared>>) dst(%dma_wait3A_629 : memref<640x128xf32, #tpu.memory_space<hbm>>)
      tpu.yield
    }) : () -> ()
    %barrier3A_201 = arith.constant 0 : index
    tpu.barrier barrier_id(%barrier3A_201)
    %scan3A_202 = arith.constant 0 : i32
    %scan3A_203 = arith.constant 128 : i32
    %scan3A_204 = arith.addi %scan3A_202, %scan3A_203 : i32
    %scan3A_205 = arith.constant 1 : i32
    scf.for %scan3A_616 = %scan3A_202 to %scan3A_204 step %scan3A_205  : i32 {
      %mul3A_617 = arith.constant 1 : i32
      %mul3A_618 = arith.muli %scan3A_616, %mul3A_617 : i32
      %add3A_619 = arith.constant 0 : i32
      %add3A_620 = arith.addi %add3A_619, %mul3A_618 : i32
      %swap3A = arith.index_cast %add3A_620 : i32 to index
      %swap3A_621 = arith.constant 0 : index
      %swap3A_622 = tpu.vector_load %arg10[%swap3A, %swap3A_621] {strides = array<i32>} : memref<128x128xf32, #tpu.memory_space<vmem>>, vector<16xf32>,
      tpu.vector_store %arg10[%swap3A, %swap3A_621], %broadcast_in_dim3A_0 {strides = array<i32>} : memref<128x128xf32, #tpu.memory_space<vmem>>, vector<16xf32>,
      %swap3A_623 = arith.index_cast %add3A_620 : i32 to index
      %swap3A_624 = arith.constant 16 : index
      %swap3A_625 = tpu.vector_load %arg10[%swap3A_623, %swap3A_624] {strides = array<i32>} : memref<128x128xf32, #tpu.memory_space<vmem>>, vector<16xf32>,
      tpu.vector_store %arg10[%swap3A_623, %swap3A_624], %broadcast_in_dim3A_0 {strides = array<i32>} : memref<128x128xf32, #tpu.memory_space<vmem>>, vector<16xf32>,
      %swap3A_626 = arith.index_cast %add3A_620 : i32 to index
      %swap3A_627 = arith.constant 32 : index
      %swap3A_628 = tpu.vector_load %arg10[%swap3A_626, %swap3A_627] {strides = array<i32>} : memref<128x128xf32, #tpu.memory_space<vmem>>, vector<16xf32>,
      tpu.vector_store %arg10[%swap3A_626, %swap3A_627], %broadcast_in_dim3A_0 {strides = array<i32>} : memref<128x128xf32, #tpu.memory_space<vmem>>, vector<16xf32>,
      %swap3A_629 = arith.index_cast %add3A_620 : i32 to index
      %swap3A_630 = arith.constant 48 : index
      %swap3A_631 = tpu.vector_load %arg10[%swap3A_629, %swap3A_630] {strides = array<i32>} : memref<128x128xf32, #tpu.memory_space<vmem>>, vector<16xf32>,
      tpu.vector_store %arg10[%swap3A_629, %swap3A_630], %broadcast_in_dim3A_0 {strides = array<i32>} : memref<128x128xf32, #tpu.memory_space<vmem>>, vector<16xf32>,
      %swap3A_632 = arith.index_cast %add3A_620 : i32 to index
      %swap3A_633 = arith.constant 64 : index
      %swap3A_634 = tpu.vector_load %arg10[%swap3A_632, %swap3A_633] {strides = array<i32>} : memref<128x128xf32, #tpu.memory_space<vmem>>, vector<16xf32>,
      tpu.vector_store %arg10[%swap3A_632, %swap3A_633], %broadcast_in_dim3A_0 {strides = array<i32>} : memref<128x128xf32, #tpu.memory_space<vmem>>, vector<16xf32>,
      %swap3A_635 = arith.index_cast %add3A_620 : i32 to index
      %swap3A_636 = arith.constant 80 : index
      %swap3A_637 = tpu.vector_load %arg10[%swap3A_635, %swap3A_636] {strides = array<i32>} : memref<128x128xf32, #tpu.memory_space<vmem>>, vector<16xf32>,
      tpu.vector_store %arg10[%swap3A_635, %swap3A_636], %broadcast_in_dim3A_0 {strides = array<i32>} : memref<128x128xf32, #tpu.memory_space<vmem>>, vector<16xf32>,
      %swap3A_638 = arith.index_cast %add3A_620 : i32 to index
      %swap3A_639 = arith.constant 96 : index
      %swap3A_640 = tpu.vector_load %arg10[%swap3A_638, %swap3A_639] {strides = array<i32>} : memref<128x128xf32, #tpu.memory_space<vmem>>, vector<16xf32>,
      tpu.vector_store %arg10[%swap3A_638, %swap3A_639], %broadcast_in_dim3A_0 {strides = array<i32>} : memref<128x128xf32, #tpu.memory_space<vmem>>, vector<16xf32>,
      %swap3A_641 = arith.index_cast %add3A_620 : i32 to index
      %swap3A_642 = arith.constant 112 : index
      %swap3A_643 = tpu.vector_load %arg10[%swap3A_641, %swap3A_642] {strides = array<i32>} : memref<128x128xf32, #tpu.memory_space<vmem>>, vector<16xf32>,
      tpu.vector_store %arg10[%swap3A_641, %swap3A_642], %broadcast_in_dim3A_0 {strides = array<i32>} : memref<128x128xf32, #tpu.memory_space<vmem>>, vector<16xf32>,
    }
    %scan3A_206 = arith.constant 128 : i32
    %mul3A_207 = arith.constant 640 : i32
    %mul3A_208 = arith.muli %arg1, %mul3A_207 : i32
    %add3A_209 = arith.constant 0 : i32
    %add3A_210 = arith.addi %mul3A_208, %add3A_209 : i32
    "tpu.region"() ({
      %run_scoped3A = tpu.sem_alloc : memref<!tpu.dma_semaphore, #tpu.memory_space<semaphore_mem>>
      %dma_start3A_616 = arith.constant 0 : i32
      %dma_start3A_617 = tpu.memref_slice %arg12[%add3A_210, %dma_start3A_616] : memref<10240x128xf32, #tpu.memory_space<vmem_shared>> -> memref<128x128xf32, #tpu.memory_space<vmem_shared>>
      %dma_start3A_618 = arith.constant 0 : i32
      %dma_start3A_619 = tpu.memref_slice %arg12[%add3A_210, %dma_start3A_618] : memref<10240x128xf32, #tpu.memory_space<vmem_shared>> -> memref<128x128xf32, #tpu.memory_space<vmem_shared>>
      tpu.enqueue_dma source(%arg10 : memref<128x128xf32, #tpu.memory_space<vmem>>) target(%dma_start3A_619 : memref<128x128xf32, #tpu.memory_space<vmem_shared>>) target_semaphore(%run_scoped3A : memref<!tpu.dma_semaphore, #tpu.memory_space<semaphore_mem>>)
      %dma_wait3A_620 = arith.constant 0 : i32
      %dma_wait3A_621 = tpu.memref_slice %arg12[%add3A_210, %dma_wait3A_620] : memref<10240x128xf32, #tpu.memory_space<vmem_shared>> -> memref<128x128xf32, #tpu.memory_space<vmem_shared>>
      %dma_wait3A_622 = arith.constant 0 : i32
      %dma_wait3A_623 = tpu.memref_slice %arg12[%add3A_210, %dma_wait3A_622] : memref<10240x128xf32, #tpu.memory_space<vmem_shared>> -> memref<128x128xf32, #tpu.memory_space<vmem_shared>>
      tpu.wait_dma2 semaphore(%run_scoped3A : memref<!tpu.dma_semaphore, #tpu.memory_space<semaphore_mem>>) src(%arg10 : memref<128x128xf32, #tpu.memory_space<vmem>>) dst(%dma_wait3A_623 : memref<128x128xf32, #tpu.memory_space<vmem_shared>>)
      tpu.yield
    }) : () -> ()
    %mul3A_211 = arith.constant 640 : i32
    %mul3A_212 = arith.muli %arg1, %mul3A_211 : i32
    %add3A_213 = arith.constant 128 : i32
    %add3A_214 = arith.addi %mul3A_212, %add3A_213 : i32
    "tpu.region"() ({
      %run_scoped3A = tpu.sem_alloc : memref<!tpu.dma_semaphore, #tpu.memory_space<semaphore_mem>>
      %dma_start3A_616 = arith.constant 0 : i32
      %dma_start3A_617 = tpu.memref_slice %arg12[%add3A_214, %dma_start3A_616] : memref<10240x128xf32, #tpu.memory_space<vmem_shared>> -> memref<128x128xf32, #tpu.memory_space<vmem_shared>>
      %dma_start3A_618 = arith.constant 0 : i32
      %dma_start3A_619 = tpu.memref_slice %arg12[%add3A_214, %dma_start3A_618] : memref<10240x128xf32, #tpu.memory_space<vmem_shared>> -> memref<128x128xf32, #tpu.memory_space<vmem_shared>>
      tpu.enqueue_dma source(%arg10 : memref<128x128xf32, #tpu.memory_space<vmem>>) target(%dma_start3A_619 : memref<128x128xf32, #tpu.memory_space<vmem_shared>>) target_semaphore(%run_scoped3A : memref<!tpu.dma_semaphore, #tpu.memory_space<semaphore_mem>>)
      %dma_wait3A_620 = arith.constant 0 : i32
      %dma_wait3A_621 = tpu.memref_slice %arg12[%add3A_214, %dma_wait3A_620] : memref<10240x128xf32, #tpu.memory_space<vmem_shared>> -> memref<128x128xf32, #tpu.memory_space<vmem_shared>>
      %dma_wait3A_622 = arith.constant 0 : i32
      %dma_wait3A_623 = tpu.memref_slice %arg12[%add3A_214, %dma_wait3A_622] : memref<10240x128xf32, #tpu.memory_space<vmem_shared>> -> memref<128x128xf32, #tpu.memory_space<vmem_shared>>
      tpu.wait_dma2 semaphore(%run_scoped3A : memref<!tpu.dma_semaphore, #tpu.memory_space<semaphore_mem>>) src(%arg10 : memref<128x128xf32, #tpu.memory_space<vmem>>) dst(%dma_wait3A_623 : memref<128x128xf32, #tpu.memory_space<vmem_shared>>)
      tpu.yield
    }) : () -> ()
    %mul3A_215 = arith.constant 640 : i32
    %mul3A_216 = arith.muli %arg1, %mul3A_215 : i32
    %add3A_217 = arith.constant 256 : i32
    %add3A_218 = arith.addi %mul3A_216, %add3A_217 : i32
    "tpu.region"() ({
      %run_scoped3A = tpu.sem_alloc : memref<!tpu.dma_semaphore, #tpu.memory_space<semaphore_mem>>
      %dma_start3A_616 = arith.constant 0 : i32
      %dma_start3A_617 = tpu.memref_slice %arg12[%add3A_218, %dma_start3A_616] : memref<10240x128xf32, #tpu.memory_space<vmem_shared>> -> memref<128x128xf32, #tpu.memory_space<vmem_shared>>
      %dma_start3A_618 = arith.constant 0 : i32
      %dma_start3A_619 = tpu.memref_slice %arg12[%add3A_218, %dma_start3A_618] : memref<10240x128xf32, #tpu.memory_space<vmem_shared>> -> memref<128x128xf32, #tpu.memory_space<vmem_shared>>
      tpu.enqueue_dma source(%arg10 : memref<128x128xf32, #tpu.memory_space<vmem>>) target(%dma_start3A_619 : memref<128x128xf32, #tpu.memory_space<vmem_shared>>) target_semaphore(%run_scoped3A : memref<!tpu.dma_semaphore, #tpu.memory_space<semaphore_mem>>)
      %dma_wait3A_620 = arith.constant 0 : i32
      %dma_wait3A_621 = tpu.memref_slice %arg12[%add3A_218, %dma_wait3A_620] : memref<10240x128xf32, #tpu.memory_space<vmem_shared>> -> memref<128x128xf32, #tpu.memory_space<vmem_shared>>
      %dma_wait3A_622 = arith.constant 0 : i32
      %dma_wait3A_623 = tpu.memref_slice %arg12[%add3A_218, %dma_wait3A_622] : memref<10240x128xf32, #tpu.memory_space<vmem_shared>> -> memref<128x128xf32, #tpu.memory_space<vmem_shared>>
      tpu.wait_dma2 semaphore(%run_scoped3A : memref<!tpu.dma_semaphore, #tpu.memory_space<semaphore_mem>>) src(%arg10 : memref<128x128xf32, #tpu.memory_space<vmem>>) dst(%dma_wait3A_623 : memref<128x128xf32, #tpu.memory_space<vmem_shared>>)
      tpu.yield
    }) : () -> ()
    %mul3A_219 = arith.constant 640 : i32
    %mul3A_220 = arith.muli %arg1, %mul3A_219 : i32
    %add3A_221 = arith.constant 384 : i32
    %add3A_222 = arith.addi %mul3A_220, %add3A_221 : i32
    "tpu.region"() ({
      %run_scoped3A = tpu.sem_alloc : memref<!tpu.dma_semaphore, #tpu.memory_space<semaphore_mem>>
      %dma_start3A_616 = arith.constant 0 : i32
      %dma_start3A_617 = tpu.memref_slice %arg12[%add3A_222, %dma_start3A_616] : memref<10240x128xf32, #tpu.memory_space<vmem_shared>> -> memref<128x128xf32, #tpu.memory_space<vmem_shared>>
      %dma_start3A_618 = arith.constant 0 : i32
      %dma_start3A_619 = tpu.memref_slice %arg12[%add3A_222, %dma_start3A_618] : memref<10240x128xf32, #tpu.memory_space<vmem_shared>> -> memref<128x128xf32, #tpu.memory_space<vmem_shared>>
      tpu.enqueue_dma source(%arg10 : memref<128x128xf32, #tpu.memory_space<vmem>>) target(%dma_start3A_619 : memref<128x128xf32, #tpu.memory_space<vmem_shared>>) target_semaphore(%run_scoped3A : memref<!tpu.dma_semaphore, #tpu.memory_space<semaphore_mem>>)
      %dma_wait3A_620 = arith.constant 0 : i32
      %dma_wait3A_621 = tpu.memref_slice %arg12[%add3A_222, %dma_wait3A_620] : memref<10240x128xf32, #tpu.memory_space<vmem_shared>> -> memref<128x128xf32, #tpu.memory_space<vmem_shared>>
      %dma_wait3A_622 = arith.constant 0 : i32
      %dma_wait3A_623 = tpu.memref_slice %arg12[%add3A_222, %dma_wait3A_622] : memref<10240x128xf32, #tpu.memory_space<vmem_shared>> -> memref<128x128xf32, #tpu.memory_space<vmem_shared>>
      tpu.wait_dma2 semaphore(%run_scoped3A : memref<!tpu.dma_semaphore, #tpu.memory_space<semaphore_mem>>) src(%arg10 : memref<128x128xf32, #tpu.memory_space<vmem>>) dst(%dma_wait3A_623 : memref<128x128xf32, #tpu.memory_space<vmem_shared>>)
      tpu.yield
    }) : () -> ()
    %mul3A_223 = arith.constant 640 : i32
    %mul3A_224 = arith.muli %arg1, %mul3A_223 : i32
    %add3A_225 = arith.constant 512 : i32
    %add3A_226 = arith.addi %mul3A_224, %add3A_225 : i32
    "tpu.region"() ({
      %run_scoped3A = tpu.sem_alloc : memref<!tpu.dma_semaphore, #tpu.memory_space<semaphore_mem>>
      %dma_start3A_616 = arith.constant 0 : i32
      %dma_start3A_617 = tpu.memref_slice %arg12[%add3A_226, %dma_start3A_616] : memref<10240x128xf32, #tpu.memory_space<vmem_shared>> -> memref<128x128xf32, #tpu.memory_space<vmem_shared>>
      %dma_start3A_618 = arith.constant 0 : i32
      %dma_start3A_619 = tpu.memref_slice %arg12[%add3A_226, %dma_start3A_618] : memref<10240x128xf32, #tpu.memory_space<vmem_shared>> -> memref<128x128xf32, #tpu.memory_space<vmem_shared>>
      tpu.enqueue_dma source(%arg10 : memref<128x128xf32, #tpu.memory_space<vmem>>) target(%dma_start3A_619 : memref<128x128xf32, #tpu.memory_space<vmem_shared>>) target_semaphore(%run_scoped3A : memref<!tpu.dma_semaphore, #tpu.memory_space<semaphore_mem>>)
      %dma_wait3A_620 = arith.constant 0 : i32
      %dma_wait3A_621 = tpu.memref_slice %arg12[%add3A_226, %dma_wait3A_620] : memref<10240x128xf32, #tpu.memory_space<vmem_shared>> -> memref<128x128xf32, #tpu.memory_space<vmem_shared>>
      %dma_wait3A_622 = arith.constant 0 : i32
      %dma_wait3A_623 = tpu.memref_slice %arg12[%add3A_226, %dma_wait3A_622] : memref<10240x128xf32, #tpu.memory_space<vmem_shared>> -> memref<128x128xf32, #tpu.memory_space<vmem_shared>>
      tpu.wait_dma2 semaphore(%run_scoped3A : memref<!tpu.dma_semaphore, #tpu.memory_space<semaphore_mem>>) src(%arg10 : memref<128x128xf32, #tpu.memory_space<vmem>>) dst(%dma_wait3A_623 : memref<128x128xf32, #tpu.memory_space<vmem_shared>>)
      tpu.yield
    }) : () -> ()
    %barrier3A_227 = arith.constant 0 : index
    tpu.barrier barrier_id(%barrier3A_227)
    %dma_start3A_228 = arith.constant 0 : i32
    %dma_start3A_229 = arith.constant 0 : i32
    %dma_start3A_230 = arith.constant 0 : i32
    %dma_start3A_231 = arith.constant 0 : i32
    %dma_start3A_232 = tpu.memref_slice %arg8[%dma_start3A_229, %dma_start3A_230, %dma_start3A_231] : memref<4x2x128xi32, #tpu.memory_space<vmem>> -> memref<1x2x128xi32, #tpu.memory_space<vmem>>
    %dma_start3A_233 = tpu.memref_squeeze %dma_start3A_232 : memref<1x2x128xi32, #tpu.memory_space<vmem>> -> memref<2x128xi32, #tpu.memory_space<vmem>>
    %dma_start3A_234 = arith.constant 0 : i32
    %dma_start3A_235 = arith.constant 0 : i32
    %dma_start3A_236 = arith.constant 0 : i32
    %dma_start3A_237 = tpu.memref_slice %arg3[%arg1, %dma_start3A_234, %dma_start3A_235, %dma_start3A_236] : memref<16x80x2x128xi32, #tpu.memory_space<hbm>> -> memref<1x80x2x128xi32, #tpu.memory_space<hbm>>
    %dma_start3A_238 = tpu.memref_squeeze %dma_start3A_237 : memref<1x80x2x128xi32, #tpu.memory_space<hbm>> -> memref<80x2x128xi32, #tpu.memory_space<hbm>>
    %dma_start3A_239 = arith.constant 0 : i32
    %dma_start3A_240 = arith.constant 0 : i32
    %dma_start3A_241 = tpu.memref_slice %dma_start3A_238[%dma_start3A_228, %dma_start3A_239, %dma_start3A_240] : memref<80x2x128xi32, #tpu.memory_space<hbm>> -> memref<1x2x128xi32, #tpu.memory_space<hbm>>
    %dma_start3A_242 = tpu.memref_squeeze %dma_start3A_241 : memref<1x2x128xi32, #tpu.memory_space<hbm>> -> memref<2x128xi32, #tpu.memory_space<hbm>>
    %dma_start3A_243 = arith.constant 0 : i32
    %dma_start3A_244 = arith.constant 0 : i32
    %dma_start3A_245 = tpu.memref_slice %arg8[%dma_start3A_229, %dma_start3A_243, %dma_start3A_244] : memref<4x2x128xi32, #tpu.memory_space<vmem>> -> memref<1x2x128xi32, #tpu.memory_space<vmem>>
    %dma_start3A_246 = tpu.memref_squeeze %dma_start3A_245 : memref<1x2x128xi32, #tpu.memory_space<vmem>> -> memref<2x128xi32, #tpu.memory_space<vmem>>
    %dma_start3A_247 = arith.constant 0 : i32
    %dma_start3A_248 = arith.constant 0 : i32
    %dma_start3A_249 = arith.constant 0 : i32
    %dma_start3A_250 = tpu.memref_slice %arg3[%arg1, %dma_start3A_247, %dma_start3A_248, %dma_start3A_249] : memref<16x80x2x128xi32, #tpu.memory_space<hbm>> -> memref<1x80x2x128xi32, #tpu.memory_space<hbm>>
    %dma_start3A_251 = tpu.memref_squeeze %dma_start3A_250 : memref<1x80x2x128xi32, #tpu.memory_space<hbm>> -> memref<80x2x128xi32, #tpu.memory_space<hbm>>
    %dma_start3A_252 = arith.constant 0 : i32
    %dma_start3A_253 = arith.constant 0 : i32
    %dma_start3A_254 = tpu.memref_slice %dma_start3A_251[%dma_start3A_228, %dma_start3A_252, %dma_start3A_253] : memref<80x2x128xi32, #tpu.memory_space<hbm>> -> memref<1x2x128xi32, #tpu.memory_space<hbm>>
    %dma_start3A_255 = tpu.memref_squeeze %dma_start3A_254 : memref<1x2x128xi32, #tpu.memory_space<hbm>> -> memref<2x128xi32, #tpu.memory_space<hbm>>
    tpu.enqueue_dma source(%dma_start3A_255 : memref<2x128xi32, #tpu.memory_space<hbm>>) target(%dma_start3A_246 : memref<2x128xi32, #tpu.memory_space<vmem>>) target_semaphore(%arg13 : memref<!tpu.dma_semaphore, #tpu.memory_space<semaphore_mem>>)
    %dma_start3A_256 = arith.constant 0 : i32
    %dma_start3A_257 = arith.constant 0 : i32
    %dma_start3A_258 = arith.constant 0 : i32
    %dma_start3A_259 = tpu.memref_slice %arg9[%dma_start3A_257, %dma_start3A_258] : memref<4x128xf32, #tpu.memory_space<vmem>> -> memref<1x128xf32, #tpu.memory_space<vmem>>
    %dma_start3A_260 = tpu.memref_squeeze %dma_start3A_259 : memref<1x128xf32, #tpu.memory_space<vmem>> -> memref<128xf32, #tpu.memory_space<vmem>>
    %dma_start3A_261 = arith.constant 0 : i32
    %dma_start3A_262 = arith.constant 0 : i32
    %dma_start3A_263 = tpu.memref_slice %arg4[%arg1, %dma_start3A_261, %dma_start3A_262] : memref<16x80x128xf32, #tpu.memory_space<hbm>> -> memref<1x80x128xf32, #tpu.memory_space<hbm>>
    %dma_start3A_264 = tpu.memref_squeeze %dma_start3A_263 : memref<1x80x128xf32, #tpu.memory_space<hbm>> -> memref<80x128xf32, #tpu.memory_space<hbm>>
    %dma_start3A_265 = arith.constant 0 : i32
    %dma_start3A_266 = tpu.memref_slice %dma_start3A_264[%dma_start3A_256, %dma_start3A_265] : memref<80x128xf32, #tpu.memory_space<hbm>> -> memref<1x128xf32, #tpu.memory_space<hbm>>
    %dma_start3A_267 = tpu.memref_squeeze %dma_start3A_266 : memref<1x128xf32, #tpu.memory_space<hbm>> -> memref<128xf32, #tpu.memory_space<hbm>>
    %dma_start3A_268 = arith.constant 0 : i32
    %dma_start3A_269 = tpu.memref_slice %arg9[%dma_start3A_257, %dma_start3A_268] : memref<4x128xf32, #tpu.memory_space<vmem>> -> memref<1x128xf32, #tpu.memory_space<vmem>>
    %dma_start3A_270 = tpu.memref_squeeze %dma_start3A_269 : memref<1x128xf32, #tpu.memory_space<vmem>> -> memref<128xf32, #tpu.memory_space<vmem>>
    %dma_start3A_271 = arith.constant 0 : i32
    %dma_start3A_272 = arith.constant 0 : i32
    %dma_start3A_273 = tpu.memref_slice %arg4[%arg1, %dma_start3A_271, %dma_start3A_272] : memref<16x80x128xf32, #tpu.memory_space<hbm>> -> memref<1x80x128xf32, #tpu.memory_space<hbm>>
    %dma_start3A_274 = tpu.memref_squeeze %dma_start3A_273 : memref<1x80x128xf32, #tpu.memory_space<hbm>> -> memref<80x128xf32, #tpu.memory_space<hbm>>
    %dma_start3A_275 = arith.constant 0 : i32
    %dma_start3A_276 = tpu.memref_slice %dma_start3A_274[%dma_start3A_256, %dma_start3A_275] : memref<80x128xf32, #tpu.memory_space<hbm>> -> memref<1x128xf32, #tpu.memory_space<hbm>>
    %dma_start3A_277 = tpu.memref_squeeze %dma_start3A_276 : memref<1x128xf32, #tpu.memory_space<hbm>> -> memref<128xf32, #tpu.memory_space<hbm>>
    tpu.enqueue_dma source(%dma_start3A_277 : memref<128xf32, #tpu.memory_space<hbm>>) target(%dma_start3A_270 : memref<128xf32, #tpu.memory_space<vmem>>) target_semaphore(%arg13 : memref<!tpu.dma_semaphore, #tpu.memory_space<semaphore_mem>>)
    %dma_start3A_278 = arith.constant 1 : i32
    %dma_start3A_279 = arith.constant 1 : i32
    %dma_start3A_280 = arith.constant 0 : i32
    %dma_start3A_281 = arith.constant 0 : i32
    %dma_start3A_282 = tpu.memref_slice %arg8[%dma_start3A_279, %dma_start3A_280, %dma_start3A_281] : memref<4x2x128xi32, #tpu.memory_space<vmem>> -> memref<1x2x128xi32, #tpu.memory_space<vmem>>
    %dma_start3A_283 = tpu.memref_squeeze %dma_start3A_282 : memref<1x2x128xi32, #tpu.memory_space<vmem>> -> memref<2x128xi32, #tpu.memory_space<vmem>>
    %dma_start3A_284 = arith.constant 0 : i32
    %dma_start3A_285 = arith.constant 0 : i32
    %dma_start3A_286 = arith.constant 0 : i32
    %dma_start3A_287 = tpu.memref_slice %arg3[%arg1, %dma_start3A_284, %dma_start3A_285, %dma_start3A_286] : memref<16x80x2x128xi32, #tpu.memory_space<hbm>> -> memref<1x80x2x128xi32, #tpu.memory_space<hbm>>
    %dma_start3A_288 = tpu.memref_squeeze %dma_start3A_287 : memref<1x80x2x128xi32, #tpu.memory_space<hbm>> -> memref<80x2x128xi32, #tpu.memory_space<hbm>>
    %dma_start3A_289 = arith.constant 0 : i32
    %dma_start3A_290 = arith.constant 0 : i32
    %dma_start3A_291 = tpu.memref_slice %dma_start3A_288[%dma_start3A_278, %dma_start3A_289, %dma_start3A_290] : memref<80x2x128xi32, #tpu.memory_space<hbm>> -> memref<1x2x128xi32, #tpu.memory_space<hbm>>
    %dma_start3A_292 = tpu.memref_squeeze %dma_start3A_291 : memref<1x2x128xi32, #tpu.memory_space<hbm>> -> memref<2x128xi32, #tpu.memory_space<hbm>>
    %dma_start3A_293 = arith.constant 0 : i32
    %dma_start3A_294 = arith.constant 0 : i32
    %dma_start3A_295 = tpu.memref_slice %arg8[%dma_start3A_279, %dma_start3A_293, %dma_start3A_294] : memref<4x2x128xi32, #tpu.memory_space<vmem>> -> memref<1x2x128xi32, #tpu.memory_space<vmem>>
    %dma_start3A_296 = tpu.memref_squeeze %dma_start3A_295 : memref<1x2x128xi32, #tpu.memory_space<vmem>> -> memref<2x128xi32, #tpu.memory_space<vmem>>
    %dma_start3A_297 = arith.constant 0 : i32
    %dma_start3A_298 = arith.constant 0 : i32
    %dma_start3A_299 = arith.constant 0 : i32
    %dma_start3A_300 = tpu.memref_slice %arg3[%arg1, %dma_start3A_297, %dma_start3A_298, %dma_start3A_299] : memref<16x80x2x128xi32, #tpu.memory_space<hbm>> -> memref<1x80x2x128xi32, #tpu.memory_space<hbm>>
    %dma_start3A_301 = tpu.memref_squeeze %dma_start3A_300 : memref<1x80x2x128xi32, #tpu.memory_space<hbm>> -> memref<80x2x128xi32, #tpu.memory_space<hbm>>
    %dma_start3A_302 = arith.constant 0 : i32
    %dma_start3A_303 = arith.constant 0 : i32
    %dma_start3A_304 = tpu.memref_slice %dma_start3A_301[%dma_start3A_278, %dma_start3A_302, %dma_start3A_303] : memref<80x2x128xi32, #tpu.memory_space<hbm>> -> memref<1x2x128xi32, #tpu.memory_space<hbm>>
    %dma_start3A_305 = tpu.memref_squeeze %dma_start3A_304 : memref<1x2x128xi32, #tpu.memory_space<hbm>> -> memref<2x128xi32, #tpu.memory_space<hbm>>
    tpu.enqueue_dma source(%dma_start3A_305 : memref<2x128xi32, #tpu.memory_space<hbm>>) target(%dma_start3A_296 : memref<2x128xi32, #tpu.memory_space<vmem>>) target_semaphore(%arg14 : memref<!tpu.dma_semaphore, #tpu.memory_space<semaphore_mem>>)
    %dma_start3A_306 = arith.constant 1 : i32
    %dma_start3A_307 = arith.constant 1 : i32
    %dma_start3A_308 = arith.constant 0 : i32
    %dma_start3A_309 = tpu.memref_slice %arg9[%dma_start3A_307, %dma_start3A_308] : memref<4x128xf32, #tpu.memory_space<vmem>> -> memref<1x128xf32, #tpu.memory_space<vmem>>
    %dma_start3A_310 = tpu.memref_squeeze %dma_start3A_309 : memref<1x128xf32, #tpu.memory_space<vmem>> -> memref<128xf32, #tpu.memory_space<vmem>>
    %dma_start3A_311 = arith.constant 0 : i32
    %dma_start3A_312 = arith.constant 0 : i32
    %dma_start3A_313 = tpu.memref_slice %arg4[%arg1, %dma_start3A_311, %dma_start3A_312] : memref<16x80x128xf32, #tpu.memory_space<hbm>> -> memref<1x80x128xf32, #tpu.memory_space<hbm>>
    %dma_start3A_314 = tpu.memref_squeeze %dma_start3A_313 : memref<1x80x128xf32, #tpu.memory_space<hbm>> -> memref<80x128xf32, #tpu.memory_space<hbm>>
    %dma_start3A_315 = arith.constant 0 : i32
    %dma_start3A_316 = tpu.memref_slice %dma_start3A_314[%dma_start3A_306, %dma_start3A_315] : memref<80x128xf32, #tpu.memory_space<hbm>> -> memref<1x128xf32, #tpu.memory_space<hbm>>
    %dma_start3A_317 = tpu.memref_squeeze %dma_start3A_316 : memref<1x128xf32, #tpu.memory_space<hbm>> -> memref<128xf32, #tpu.memory_space<hbm>>
    %dma_start3A_318 = arith.constant 0 : i32
    %dma_start3A_319 = tpu.memref_slice %arg9[%dma_start3A_307, %dma_start3A_318] : memref<4x128xf32, #tpu.memory_space<vmem>> -> memref<1x128xf32, #tpu.memory_space<vmem>>
    %dma_start3A_320 = tpu.memref_squeeze %dma_start3A_319 : memref<1x128xf32, #tpu.memory_space<vmem>> -> memref<128xf32, #tpu.memory_space<vmem>>
    %dma_start3A_321 = arith.constant 0 : i32
    %dma_start3A_322 = arith.constant 0 : i32
    %dma_start3A_323 = tpu.memref_slice %arg4[%arg1, %dma_start3A_321, %dma_start3A_322] : memref<16x80x128xf32, #tpu.memory_space<hbm>> -> memref<1x80x128xf32, #tpu.memory_space<hbm>>
    %dma_start3A_324 = tpu.memref_squeeze %dma_start3A_323 : memref<1x80x128xf32, #tpu.memory_space<hbm>> -> memref<80x128xf32, #tpu.memory_space<hbm>>
    %dma_start3A_325 = arith.constant 0 : i32
    %dma_start3A_326 = tpu.memref_slice %dma_start3A_324[%dma_start3A_306, %dma_start3A_325] : memref<80x128xf32, #tpu.memory_space<hbm>> -> memref<1x128xf32, #tpu.memory_space<hbm>>
    %dma_start3A_327 = tpu.memref_squeeze %dma_start3A_326 : memref<1x128xf32, #tpu.memory_space<hbm>> -> memref<128xf32, #tpu.memory_space<hbm>>
    tpu.enqueue_dma source(%dma_start3A_327 : memref<128xf32, #tpu.memory_space<hbm>>) target(%dma_start3A_320 : memref<128xf32, #tpu.memory_space<vmem>>) target_semaphore(%arg14 : memref<!tpu.dma_semaphore, #tpu.memory_space<semaphore_mem>>)
    %dma_wait3A_328 = arith.constant 0 : i32
    %dma_wait3A_329 = arith.constant 0 : i32
    %dma_wait3A_330 = arith.constant 0 : i32
    %dma_wait3A_331 = arith.constant 0 : i32
    %dma_wait3A_332 = tpu.memref_slice %arg8[%dma_wait3A_329, %dma_wait3A_330, %dma_wait3A_331] : memref<4x2x128xi32, #tpu.memory_space<vmem>> -> memref<1x2x128xi32, #tpu.memory_space<vmem>>
    %dma_wait3A_333 = tpu.memref_squeeze %dma_wait3A_332 : memref<1x2x128xi32, #tpu.memory_space<vmem>> -> memref<2x128xi32, #tpu.memory_space<vmem>>
    %dma_wait3A_334 = arith.constant 0 : i32
    %dma_wait3A_335 = arith.constant 0 : i32
    %dma_wait3A_336 = arith.constant 0 : i32
    %dma_wait3A_337 = tpu.memref_slice %arg3[%arg1, %dma_wait3A_334, %dma_wait3A_335, %dma_wait3A_336] : memref<16x80x2x128xi32, #tpu.memory_space<hbm>> -> memref<1x80x2x128xi32, #tpu.memory_space<hbm>>
    %dma_wait3A_338 = tpu.memref_squeeze %dma_wait3A_337 : memref<1x80x2x128xi32, #tpu.memory_space<hbm>> -> memref<80x2x128xi32, #tpu.memory_space<hbm>>
    %dma_wait3A_339 = arith.constant 0 : i32
    %dma_wait3A_340 = arith.constant 0 : i32
    %dma_wait3A_341 = tpu.memref_slice %dma_wait3A_338[%dma_wait3A_328, %dma_wait3A_339, %dma_wait3A_340] : memref<80x2x128xi32, #tpu.memory_space<hbm>> -> memref<1x2x128xi32, #tpu.memory_space<hbm>>
    %dma_wait3A_342 = tpu.memref_squeeze %dma_wait3A_341 : memref<1x2x128xi32, #tpu.memory_space<hbm>> -> memref<2x128xi32, #tpu.memory_space<hbm>>
    %dma_wait3A_343 = arith.constant 0 : i32
    %dma_wait3A_344 = arith.constant 0 : i32
    %dma_wait3A_345 = tpu.memref_slice %arg8[%dma_wait3A_329, %dma_wait3A_343, %dma_wait3A_344] : memref<4x2x128xi32, #tpu.memory_space<vmem>> -> memref<1x2x128xi32, #tpu.memory_space<vmem>>
    %dma_wait3A_346 = tpu.memref_squeeze %dma_wait3A_345 : memref<1x2x128xi32, #tpu.memory_space<vmem>> -> memref<2x128xi32, #tpu.memory_space<vmem>>
    %dma_wait3A_347 = arith.constant 0 : i32
    %dma_wait3A_348 = arith.constant 0 : i32
    %dma_wait3A_349 = arith.constant 0 : i32
    %dma_wait3A_350 = tpu.memref_slice %arg3[%arg1, %dma_wait3A_347, %dma_wait3A_348, %dma_wait3A_349] : memref<16x80x2x128xi32, #tpu.memory_space<hbm>> -> memref<1x80x2x128xi32, #tpu.memory_space<hbm>>
    %dma_wait3A_351 = tpu.memref_squeeze %dma_wait3A_350 : memref<1x80x2x128xi32, #tpu.memory_space<hbm>> -> memref<80x2x128xi32, #tpu.memory_space<hbm>>
    %dma_wait3A_352 = arith.constant 0 : i32
    %dma_wait3A_353 = arith.constant 0 : i32
    %dma_wait3A_354 = tpu.memref_slice %dma_wait3A_351[%dma_wait3A_328, %dma_wait3A_352, %dma_wait3A_353] : memref<80x2x128xi32, #tpu.memory_space<hbm>> -> memref<1x2x128xi32, #tpu.memory_space<hbm>>
    %dma_wait3A_355 = tpu.memref_squeeze %dma_wait3A_354 : memref<1x2x128xi32, #tpu.memory_space<hbm>> -> memref<2x128xi32, #tpu.memory_space<hbm>>
    tpu.wait_dma2 semaphore(%arg13 : memref<!tpu.dma_semaphore, #tpu.memory_space<semaphore_mem>>) src(%dma_wait3A_355 : memref<2x128xi32, #tpu.memory_space<hbm>>) dst(%dma_wait3A_346 : memref<2x128xi32, #tpu.memory_space<vmem>>)
    %dma_wait3A_356 = arith.constant 0 : i32
    %dma_wait3A_357 = arith.constant 0 : i32
    %dma_wait3A_358 = arith.constant 0 : i32
    %dma_wait3A_359 = tpu.memref_slice %arg9[%dma_wait3A_357, %dma_wait3A_358] : memref<4x128xf32, #tpu.memory_space<vmem>> -> memref<1x128xf32, #tpu.memory_space<vmem>>
    %dma_wait3A_360 = tpu.memref_squeeze %dma_wait3A_359 : memref<1x128xf32, #tpu.memory_space<vmem>> -> memref<128xf32, #tpu.memory_space<vmem>>
    %dma_wait3A_361 = arith.constant 0 : i32
    %dma_wait3A_362 = arith.constant 0 : i32
    %dma_wait3A_363 = tpu.memref_slice %arg4[%arg1, %dma_wait3A_361, %dma_wait3A_362] : memref<16x80x128xf32, #tpu.memory_space<hbm>> -> memref<1x80x128xf32, #tpu.memory_space<hbm>>
    %dma_wait3A_364 = tpu.memref_squeeze %dma_wait3A_363 : memref<1x80x128xf32, #tpu.memory_space<hbm>> -> memref<80x128xf32, #tpu.memory_space<hbm>>
    %dma_wait3A_365 = arith.constant 0 : i32
    %dma_wait3A_366 = tpu.memref_slice %dma_wait3A_364[%dma_wait3A_356, %dma_wait3A_365] : memref<80x128xf32, #tpu.memory_space<hbm>> -> memref<1x128xf32, #tpu.memory_space<hbm>>
    %dma_wait3A_367 = tpu.memref_squeeze %dma_wait3A_366 : memref<1x128xf32, #tpu.memory_space<hbm>> -> memref<128xf32, #tpu.memory_space<hbm>>
    %dma_wait3A_368 = arith.constant 0 : i32
    %dma_wait3A_369 = tpu.memref_slice %arg9[%dma_wait3A_357, %dma_wait3A_368] : memref<4x128xf32, #tpu.memory_space<vmem>> -> memref<1x128xf32, #tpu.memory_space<vmem>>
    %dma_wait3A_370 = tpu.memref_squeeze %dma_wait3A_369 : memref<1x128xf32, #tpu.memory_space<vmem>> -> memref<128xf32, #tpu.memory_space<vmem>>
    %dma_wait3A_371 = arith.constant 0 : i32
    %dma_wait3A_372 = arith.constant 0 : i32
    %dma_wait3A_373 = tpu.memref_slice %arg4[%arg1, %dma_wait3A_371, %dma_wait3A_372] : memref<16x80x128xf32, #tpu.memory_space<hbm>> -> memref<1x80x128xf32, #tpu.memory_space<hbm>>
    %dma_wait3A_374 = tpu.memref_squeeze %dma_wait3A_373 : memref<1x80x128xf32, #tpu.memory_space<hbm>> -> memref<80x128xf32, #tpu.memory_space<hbm>>
    %dma_wait3A_375 = arith.constant 0 : i32
    %dma_wait3A_376 = tpu.memref_slice %dma_wait3A_374[%dma_wait3A_356, %dma_wait3A_375] : memref<80x128xf32, #tpu.memory_space<hbm>> -> memref<1x128xf32, #tpu.memory_space<hbm>>
    %dma_wait3A_377 = tpu.memref_squeeze %dma_wait3A_376 : memref<1x128xf32, #tpu.memory_space<hbm>> -> memref<128xf32, #tpu.memory_space<hbm>>
    tpu.wait_dma2 semaphore(%arg13 : memref<!tpu.dma_semaphore, #tpu.memory_space<semaphore_mem>>) src(%dma_wait3A_377 : memref<128xf32, #tpu.memory_space<hbm>>) dst(%dma_wait3A_370 : memref<128xf32, #tpu.memory_space<vmem>>)
    %dma_start3A_378 = arith.constant 0 : i32
    %dma_start3A_379 = arith.constant 0 : i32
    %dma_start3A_380 = arith.constant 0 : i32
    %dma_start3A_381 = tpu.memref_slice %arg8[%dma_start3A_378, %dma_start3A_379, %dma_start3A_380] : memref<4x2x128xi32, #tpu.memory_space<vmem>> -> memref<1x1x128xi32, #tpu.memory_space<vmem>>
    %dma_start3A_382 = tpu.memref_squeeze %dma_start3A_381 : memref<1x1x128xi32, #tpu.memory_space<vmem>> -> memref<128xi32, #tpu.memory_space<vmem>>
    %dma_start3A_383 = arith.constant 0 : i32
    %dma_start3A_384 = arith.constant 0 : i32
    %dma_start3A_385 = tpu.memref_slice %arg5[%arg0, %dma_start3A_383, %dma_start3A_384] : memref<2x10240x128xf32, #tpu.memory_space<hbm>> -> memref<1x10240x128xf32, #tpu.memory_space<hbm>>
    %dma_start3A_386 = tpu.memref_squeeze %dma_start3A_385 : memref<1x10240x128xf32, #tpu.memory_space<hbm>> -> memref<10240x128xf32, #tpu.memory_space<hbm>>
    %dma_start3A_387 = arith.constant 0 : i32
    %dma_start3A_388 = arith.constant 0 : i32
    %dma_start3A_389 = tpu.memref_slice %dma_start3A_386[%dma_start3A_387, %dma_start3A_388] : memref<10240x128xf32, #tpu.memory_space<hbm>> -> memref<10240x128xf32, #tpu.memory_space<hbm>>
    tpu.enqueue_indirect_dma source(%dma_start3A_389 : memref<10240x128xf32, #tpu.memory_space<hbm>>) target(%arg10 : memref<128x128xf32, #tpu.memory_space<vmem>>) offsets(%dma_start3A_382 : memref<128xi32, #tpu.memory_space<vmem>>) semaphore(%arg17 : memref<!tpu.dma_semaphore, #tpu.memory_space<semaphore_mem>>)
    %scan3A_390 = arith.constant 0 : i32
    %scan3A_391 = arith.constant 20 : i32
    %scan3A_392 = arith.addi %scan3A_390, %scan3A_391 : i32
    %scan3A_393 = arith.constant 1 : i32
    scf.for %scan3A_616 = %scan3A_390 to %scan3A_392 step %scan3A_393  : i32 {
      %mul3A_617 = arith.constant 1 : i32
      %mul3A_618 = arith.muli %scan3A_616, %mul3A_617 : i32
      %add3A_619 = arith.constant 0 : i32
      %add3A_620 = arith.addi %add3A_619, %mul3A_618 : i32
      %mul3A_621 = arith.constant 4 : i32
      %mul3A_622 = arith.muli %mul3A_621, %add3A_620 : i32
      %add3A_623 = arith.constant 0 : i32
      %add3A_624 = arith.addi %mul3A_622, %add3A_623 : i32
      %dma_wait3A_625 = arith.constant 0 : i32
      %dma_wait3A_626 = arith.constant 0 : i32
      %dma_wait3A_627 = arith.constant 0 : i32
      %dma_wait3A_628 = tpu.memref_slice %arg8[%dma_wait3A_625, %dma_wait3A_626, %dma_wait3A_627] : memref<4x2x128xi32, #tpu.memory_space<vmem>> -> memref<1x1x128xi32, #tpu.memory_space<vmem>>
      %dma_wait3A_629 = tpu.memref_squeeze %dma_wait3A_628 : memref<1x1x128xi32, #tpu.memory_space<vmem>> -> memref<128xi32, #tpu.memory_space<vmem>>
      %dma_wait3A_630 = arith.constant 0 : i32
      %dma_wait3A_631 = arith.constant 0 : i32
      %dma_wait3A_632 = tpu.memref_slice %arg5[%arg0, %dma_wait3A_630, %dma_wait3A_631] : memref<2x10240x128xf32, #tpu.memory_space<hbm>> -> memref<1x10240x128xf32, #tpu.memory_space<hbm>>
      %dma_wait3A_633 = tpu.memref_squeeze %dma_wait3A_632 : memref<1x10240x128xf32, #tpu.memory_space<hbm>> -> memref<10240x128xf32, #tpu.memory_space<hbm>>
      %dma_wait3A_634 = arith.constant 0 : i32
      %dma_wait3A_635 = arith.constant 0 : i32
      %dma_wait3A_636 = tpu.memref_slice %dma_wait3A_633[%dma_wait3A_634, %dma_wait3A_635] : memref<10240x128xf32, #tpu.memory_space<hbm>> -> memref<10240x128xf32, #tpu.memory_space<hbm>>
      tpu.wait_indirect_dma semaphore(%arg17 : memref<!tpu.dma_semaphore, #tpu.memory_space<semaphore_mem>>) src(%dma_wait3A_636 : memref<10240x128xf32, #tpu.memory_space<hbm>>) dst(%arg10 : memref<128x128xf32, #tpu.memory_space<vmem>>)
      %broadcast_in_dim3A_637 = arith.constant 0 : i32
      %broadcast_in_dim3A_638 = vector.broadcast %broadcast_in_dim3A_637 : i32 to vector<16xi32>
      %scan3A_639 = arith.constant 0 : i32
      %scan3A_640 = arith.constant 128 : i32
      %scan3A_641 = arith.addi %scan3A_639, %scan3A_640 : i32
      %scan3A_642 = arith.constant 1 : i32
      scf.for %scan3A_826 = %scan3A_639 to %scan3A_641 step %scan3A_642  : i32 {
        %mul3A_827 = arith.constant 1 : i32
        %mul3A_828 = arith.muli %scan3A_826, %mul3A_827 : i32
        %add3A_829 = arith.constant 0 : i32
        %add3A_830 = arith.addi %add3A_829, %mul3A_828 : i32
        %broadcast_in_dim3A_831 = vector.broadcast %add3A_830 : i32 to vector<16xi32>
        %gather3A = tpu.vector_load_idx %arg9[%broadcast_in_dim3A_638, %broadcast_in_dim3A_831] : memref<4x128xf32, #tpu.memory_space<vmem>>[vector<16xi32>, vector<16xi32>], vector<16xf32>,
        %get3A = arith.index_cast %add3A_830 : i32 to index
        %get3A_832 = arith.constant 0 : index
        %get3A_833 = tpu.vector_load %arg10[%get3A, %get3A_832] {strides = array<i32>} : memref<128x128xf32, #tpu.memory_space<vmem>>, vector<16xf32>,
        %mul3A_834 = arith.mulf %get3A_833, %gather3A : vector<16xf32>
        %swap3A = arith.index_cast %add3A_830 : i32 to index
        %swap3A_835 = arith.constant 0 : index
        %swap3A_836 = tpu.vector_load %arg10[%swap3A, %swap3A_835] {strides = array<i32>} : memref<128x128xf32, #tpu.memory_space<vmem>>, vector<16xf32>,
        tpu.vector_store %arg10[%swap3A, %swap3A_835], %mul3A_834 {strides = array<i32>} : memref<128x128xf32, #tpu.memory_space<vmem>>, vector<16xf32>,
        %get3A_837 = arith.index_cast %add3A_830 : i32 to index
        %get3A_838 = arith.constant 16 : index
        %get3A_839 = tpu.vector_load %arg10[%get3A_837, %get3A_838] {strides = array<i32>} : memref<128x128xf32, #tpu.memory_space<vmem>>, vector<16xf32>,
        %mul3A_840 = arith.mulf %get3A_839, %gather3A : vector<16xf32>
        %swap3A_841 = arith.index_cast %add3A_830 : i32 to index
        %swap3A_842 = arith.constant 16 : index
        %swap3A_843 = tpu.vector_load %arg10[%swap3A_841, %swap3A_842] {strides = array<i32>} : memref<128x128xf32, #tpu.memory_space<vmem>>, vector<16xf32>,
        tpu.vector_store %arg10[%swap3A_841, %swap3A_842], %mul3A_840 {strides = array<i32>} : memref<128x128xf32, #tpu.memory_space<vmem>>, vector<16xf32>,
        %get3A_844 = arith.index_cast %add3A_830 : i32 to index
        %get3A_845 = arith.constant 32 : index
        %get3A_846 = tpu.vector_load %arg10[%get3A_844, %get3A_845] {strides = array<i32>} : memref<128x128xf32, #tpu.memory_space<vmem>>, vector<16xf32>,
        %mul3A_847 = arith.mulf %get3A_846, %gather3A : vector<16xf32>
        %swap3A_848 = arith.index_cast %add3A_830 : i32 to index
        %swap3A_849 = arith.constant 32 : index
        %swap3A_850 = tpu.vector_load %arg10[%swap3A_848, %swap3A_849] {strides = array<i32>} : memref<128x128xf32, #tpu.memory_space<vmem>>, vector<16xf32>,
        tpu.vector_store %arg10[%swap3A_848, %swap3A_849], %mul3A_847 {strides = array<i32>} : memref<128x128xf32, #tpu.memory_space<vmem>>, vector<16xf32>,
        %get3A_851 = arith.index_cast %add3A_830 : i32 to index
        %get3A_852 = arith.constant 48 : index
        %get3A_853 = tpu.vector_load %arg10[%get3A_851, %get3A_852] {strides = array<i32>} : memref<128x128xf32, #tpu.memory_space<vmem>>, vector<16xf32>,
        %mul3A_854 = arith.mulf %get3A_853, %gather3A : vector<16xf32>
        %swap3A_855 = arith.index_cast %add3A_830 : i32 to index
        %swap3A_856 = arith.constant 48 : index
        %swap3A_857 = tpu.vector_load %arg10[%swap3A_855, %swap3A_856] {strides = array<i32>} : memref<128x128xf32, #tpu.memory_space<vmem>>, vector<16xf32>,
        tpu.vector_store %arg10[%swap3A_855, %swap3A_856], %mul3A_854 {strides = array<i32>} : memref<128x128xf32, #tpu.memory_space<vmem>>, vector<16xf32>,
        %get3A_858 = arith.index_cast %add3A_830 : i32 to index
        %get3A_859 = arith.constant 64 : index
        %get3A_860 = tpu.vector_load %arg10[%get3A_858, %get3A_859] {strides = array<i32>} : memref<128x128xf32, #tpu.memory_space<vmem>>, vector<16xf32>,
        %mul3A_861 = arith.mulf %get3A_860, %gather3A : vector<16xf32>
        %swap3A_862 = arith.index_cast %add3A_830 : i32 to index
        %swap3A_863 = arith.constant 64 : index
        %swap3A_864 = tpu.vector_load %arg10[%swap3A_862, %swap3A_863] {strides = array<i32>} : memref<128x128xf32, #tpu.memory_space<vmem>>, vector<16xf32>,
        tpu.vector_store %arg10[%swap3A_862, %swap3A_863], %mul3A_861 {strides = array<i32>} : memref<128x128xf32, #tpu.memory_space<vmem>>, vector<16xf32>,
        %get3A_865 = arith.index_cast %add3A_830 : i32 to index
        %get3A_866 = arith.constant 80 : index
        %get3A_867 = tpu.vector_load %arg10[%get3A_865, %get3A_866] {strides = array<i32>} : memref<128x128xf32, #tpu.memory_space<vmem>>, vector<16xf32>,
        %mul3A_868 = arith.mulf %get3A_867, %gather3A : vector<16xf32>
        %swap3A_869 = arith.index_cast %add3A_830 : i32 to index
        %swap3A_870 = arith.constant 80 : index
        %swap3A_871 = tpu.vector_load %arg10[%swap3A_869, %swap3A_870] {strides = array<i32>} : memref<128x128xf32, #tpu.memory_space<vmem>>, vector<16xf32>,
        tpu.vector_store %arg10[%swap3A_869, %swap3A_870], %mul3A_868 {strides = array<i32>} : memref<128x128xf32, #tpu.memory_space<vmem>>, vector<16xf32>,
        %get3A_872 = arith.index_cast %add3A_830 : i32 to index
        %get3A_873 = arith.constant 96 : index
        %get3A_874 = tpu.vector_load %arg10[%get3A_872, %get3A_873] {strides = array<i32>} : memref<128x128xf32, #tpu.memory_space<vmem>>, vector<16xf32>,
        %mul3A_875 = arith.mulf %get3A_874, %gather3A : vector<16xf32>
        %swap3A_876 = arith.index_cast %add3A_830 : i32 to index
        %swap3A_877 = arith.constant 96 : index
        %swap3A_878 = tpu.vector_load %arg10[%swap3A_876, %swap3A_877] {strides = array<i32>} : memref<128x128xf32, #tpu.memory_space<vmem>>, vector<16xf32>,
        tpu.vector_store %arg10[%swap3A_876, %swap3A_877], %mul3A_875 {strides = array<i32>} : memref<128x128xf32, #tpu.memory_space<vmem>>, vector<16xf32>,
        %get3A_879 = arith.index_cast %add3A_830 : i32 to index
        %get3A_880 = arith.constant 112 : index
        %get3A_881 = tpu.vector_load %arg10[%get3A_879, %get3A_880] {strides = array<i32>} : memref<128x128xf32, #tpu.memory_space<vmem>>, vector<16xf32>,
        %mul3A_882 = arith.mulf %get3A_881, %gather3A : vector<16xf32>
        %swap3A_883 = arith.index_cast %add3A_830 : i32 to index
        %swap3A_884 = arith.constant 112 : index
        %swap3A_885 = tpu.vector_load %arg10[%swap3A_883, %swap3A_884] {strides = array<i32>} : memref<128x128xf32, #tpu.memory_space<vmem>>, vector<16xf32>,
        tpu.vector_store %arg10[%swap3A_883, %swap3A_884], %mul3A_882 {strides = array<i32>} : memref<128x128xf32, #tpu.memory_space<vmem>>, vector<16xf32>,
      }
      %scan3A_643 = arith.constant 128 : i32
      %gt3A = arith.constant 0 : i32
      %gt3A_644 = arith.cmpi sgt, %add3A_620, %gt3A : i32
      %convert_element_type3A = arith.extui %gt3A_644 : i1 to i32
      %cond3A = arith.constant 0 : i32
      %cond3A_645 = arith.cmpi ne, %convert_element_type3A, %cond3A : i32
      scf.if %cond3A_645 {
        %dma_wait3A_826 = arith.constant 3 : i32
        %dma_wait3A_827 = arith.constant 1 : i32
        %dma_wait3A_828 = arith.constant 0 : i32
        %dma_wait3A_829 = tpu.memref_slice %arg8[%dma_wait3A_826, %dma_wait3A_827, %dma_wait3A_828] : memref<4x2x128xi32, #tpu.memory_space<vmem>> -> memref<1x1x128xi32, #tpu.memory_space<vmem>>
        %dma_wait3A_830 = tpu.memref_squeeze %dma_wait3A_829 : memref<1x1x128xi32, #tpu.memory_space<vmem>> -> memref<128xi32, #tpu.memory_space<vmem>>
        %dma_wait3A_831 = arith.constant 0 : i32
        %dma_wait3A_832 = arith.constant 0 : i32
        %dma_wait3A_833 = tpu.memref_slice %arg12[%dma_wait3A_831, %dma_wait3A_832] : memref<10240x128xf32, #tpu.memory_space<vmem_shared>> -> memref<10240x128xf32, #tpu.memory_space<vmem_shared>>
        tpu.wait_indirect_dma semaphore(%arg20 : memref<!tpu.dma_semaphore, #tpu.memory_space<semaphore_mem>>) src(%arg11 : memref<128x128xf32, #tpu.memory_space<vmem>>) dst(%dma_wait3A_833 : memref<10240x128xf32, #tpu.memory_space<vmem_shared>>)
      } else {
      }
      %add3A_646 = arith.constant 2 : i32
      %add3A_647 = arith.addi %add3A_624, %add3A_646 : i32
      %lt3A = arith.constant 80 : i32
      %lt3A_648 = arith.cmpi slt, %add3A_647, %lt3A : i32
      %convert_element_type3A_649 = arith.extui %lt3A_648 : i1 to i32
      %cond3A_650 = arith.constant 0 : i32
      %cond3A_651 = arith.cmpi ne, %convert_element_type3A_649, %cond3A_650 : i32
      scf.if %cond3A_651 {
        %add3A_826 = arith.constant 2 : i32
        %add3A_827 = arith.addi %add3A_624, %add3A_826 : i32
        %dma_start3A_828 = arith.constant 2 : i32
        %dma_start3A_829 = arith.constant 0 : i32
        %dma_start3A_830 = arith.constant 0 : i32
        %dma_start3A_831 = tpu.memref_slice %arg8[%dma_start3A_828, %dma_start3A_829, %dma_start3A_830] : memref<4x2x128xi32, #tpu.memory_space<vmem>> -> memref<1x2x128xi32, #tpu.memory_space<vmem>>
        %dma_start3A_832 = tpu.memref_squeeze %dma_start3A_831 : memref<1x2x128xi32, #tpu.memory_space<vmem>> -> memref<2x128xi32, #tpu.memory_space<vmem>>
        %dma_start3A_833 = arith.constant 0 : i32
        %dma_start3A_834 = arith.constant 0 : i32
        %dma_start3A_835 = arith.constant 0 : i32
        %dma_start3A_836 = tpu.memref_slice %arg3[%arg1, %dma_start3A_833, %dma_start3A_834, %dma_start3A_835] : memref<16x80x2x128xi32, #tpu.memory_space<hbm>> -> memref<1x80x2x128xi32, #tpu.memory_space<hbm>>
        %dma_start3A_837 = tpu.memref_squeeze %dma_start3A_836 : memref<1x80x2x128xi32, #tpu.memory_space<hbm>> -> memref<80x2x128xi32, #tpu.memory_space<hbm>>
        %dma_start3A_838 = arith.constant 0 : i32
        %dma_start3A_839 = arith.constant 0 : i32
        %dma_start3A_840 = tpu.memref_slice %dma_start3A_837[%add3A_827, %dma_start3A_838, %dma_start3A_839] : memref<80x2x128xi32, #tpu.memory_space<hbm>> -> memref<1x2x128xi32, #tpu.memory_space<hbm>>
        %dma_start3A_841 = tpu.memref_squeeze %dma_start3A_840 : memref<1x2x128xi32, #tpu.memory_space<hbm>> -> memref<2x128xi32, #tpu.memory_space<hbm>>
        %dma_start3A_842 = arith.constant 0 : i32
        %dma_start3A_843 = arith.constant 0 : i32
        %dma_start3A_844 = tpu.memref_slice %arg8[%dma_start3A_828, %dma_start3A_842, %dma_start3A_843] : memref<4x2x128xi32, #tpu.memory_space<vmem>> -> memref<1x2x128xi32, #tpu.memory_space<vmem>>
        %dma_start3A_845 = tpu.memref_squeeze %dma_start3A_844 : memref<1x2x128xi32, #tpu.memory_space<vmem>> -> memref<2x128xi32, #tpu.memory_space<vmem>>
        %dma_start3A_846 = arith.constant 0 : i32
        %dma_start3A_847 = arith.constant 0 : i32
        %dma_start3A_848 = arith.constant 0 : i32
        %dma_start3A_849 = tpu.memref_slice %arg3[%arg1, %dma_start3A_846, %dma_start3A_847, %dma_start3A_848] : memref<16x80x2x128xi32, #tpu.memory_space<hbm>> -> memref<1x80x2x128xi32, #tpu.memory_space<hbm>>
        %dma_start3A_850 = tpu.memref_squeeze %dma_start3A_849 : memref<1x80x2x128xi32, #tpu.memory_space<hbm>> -> memref<80x2x128xi32, #tpu.memory_space<hbm>>
        %dma_start3A_851 = arith.constant 0 : i32
        %dma_start3A_852 = arith.constant 0 : i32
        %dma_start3A_853 = tpu.memref_slice %dma_start3A_850[%add3A_827, %dma_start3A_851, %dma_start3A_852] : memref<80x2x128xi32, #tpu.memory_space<hbm>> -> memref<1x2x128xi32, #tpu.memory_space<hbm>>
        %dma_start3A_854 = tpu.memref_squeeze %dma_start3A_853 : memref<1x2x128xi32, #tpu.memory_space<hbm>> -> memref<2x128xi32, #tpu.memory_space<hbm>>
        tpu.enqueue_dma source(%dma_start3A_854 : memref<2x128xi32, #tpu.memory_space<hbm>>) target(%dma_start3A_845 : memref<2x128xi32, #tpu.memory_space<vmem>>) target_semaphore(%arg15 : memref<!tpu.dma_semaphore, #tpu.memory_space<semaphore_mem>>)
        %dma_start3A_855 = arith.constant 2 : i32
        %dma_start3A_856 = arith.constant 0 : i32
        %dma_start3A_857 = tpu.memref_slice %arg9[%dma_start3A_855, %dma_start3A_856] : memref<4x128xf32, #tpu.memory_space<vmem>> -> memref<1x128xf32, #tpu.memory_space<vmem>>
        %dma_start3A_858 = tpu.memref_squeeze %dma_start3A_857 : memref<1x128xf32, #tpu.memory_space<vmem>> -> memref<128xf32, #tpu.memory_space<vmem>>
        %dma_start3A_859 = arith.constant 0 : i32
        %dma_start3A_860 = arith.constant 0 : i32
        %dma_start3A_861 = tpu.memref_slice %arg4[%arg1, %dma_start3A_859, %dma_start3A_860] : memref<16x80x128xf32, #tpu.memory_space<hbm>> -> memref<1x80x128xf32, #tpu.memory_space<hbm>>
        %dma_start3A_862 = tpu.memref_squeeze %dma_start3A_861 : memref<1x80x128xf32, #tpu.memory_space<hbm>> -> memref<80x128xf32, #tpu.memory_space<hbm>>
        %dma_start3A_863 = arith.constant 0 : i32
        %dma_start3A_864 = tpu.memref_slice %dma_start3A_862[%add3A_827, %dma_start3A_863] : memref<80x128xf32, #tpu.memory_space<hbm>> -> memref<1x128xf32, #tpu.memory_space<hbm>>
        %dma_start3A_865 = tpu.memref_squeeze %dma_start3A_864 : memref<1x128xf32, #tpu.memory_space<hbm>> -> memref<128xf32, #tpu.memory_space<hbm>>
        %dma_start3A_866 = arith.constant 0 : i32
        %dma_start3A_867 = tpu.memref_slice %arg9[%dma_start3A_855, %dma_start3A_866] : memref<4x128xf32, #tpu.memory_space<vmem>> -> memref<1x128xf32, #tpu.memory_space<vmem>>
        %dma_start3A_868 = tpu.memref_squeeze %dma_start3A_867 : memref<1x128xf32, #tpu.memory_space<vmem>> -> memref<128xf32, #tpu.memory_space<vmem>>
        %dma_start3A_869 = arith.constant 0 : i32
        %dma_start3A_870 = arith.constant 0 : i32
        %dma_start3A_871 = tpu.memref_slice %arg4[%arg1, %dma_start3A_869, %dma_start3A_870] : memref<16x80x128xf32, #tpu.memory_space<hbm>> -> memref<1x80x128xf32, #tpu.memory_space<hbm>>
        %dma_start3A_872 = tpu.memref_squeeze %dma_start3A_871 : memref<1x80x128xf32, #tpu.memory_space<hbm>> -> memref<80x128xf32, #tpu.memory_space<hbm>>
        %dma_start3A_873 = arith.constant 0 : i32
        %dma_start3A_874 = tpu.memref_slice %dma_start3A_872[%add3A_827, %dma_start3A_873] : memref<80x128xf32, #tpu.memory_space<hbm>> -> memref<1x128xf32, #tpu.memory_space<hbm>>
        %dma_start3A_875 = tpu.memref_squeeze %dma_start3A_874 : memref<1x128xf32, #tpu.memory_space<hbm>> -> memref<128xf32, #tpu.memory_space<hbm>>
        tpu.enqueue_dma source(%dma_start3A_875 : memref<128xf32, #tpu.memory_space<hbm>>) target(%dma_start3A_868 : memref<128xf32, #tpu.memory_space<vmem>>) target_semaphore(%arg15 : memref<!tpu.dma_semaphore, #tpu.memory_space<semaphore_mem>>)
      } else {
      }
      %add3A_652 = arith.constant 1 : i32
      %add3A_653 = arith.addi %add3A_624, %add3A_652 : i32
      %lt3A_654 = arith.constant 80 : i32
      %lt3A_655 = arith.cmpi slt, %add3A_653, %lt3A_654 : i32
      %convert_element_type3A_656 = arith.extui %lt3A_655 : i1 to i32
      %cond3A_657 = arith.constant 0 : i32
      %cond3A_658 = arith.cmpi ne, %convert_element_type3A_656, %cond3A_657 : i32
      scf.if %cond3A_658 {
        %dma_wait3A_826 = arith.constant 0 : i32
        %dma_wait3A_827 = arith.constant 1 : i32
        %dma_wait3A_828 = arith.constant 0 : i32
        %dma_wait3A_829 = arith.constant 0 : i32
        %dma_wait3A_830 = tpu.memref_slice %arg8[%dma_wait3A_827, %dma_wait3A_828, %dma_wait3A_829] : memref<4x2x128xi32, #tpu.memory_space<vmem>> -> memref<1x2x128xi32, #tpu.memory_space<vmem>>
        %dma_wait3A_831 = tpu.memref_squeeze %dma_wait3A_830 : memref<1x2x128xi32, #tpu.memory_space<vmem>> -> memref<2x128xi32, #tpu.memory_space<vmem>>
        %dma_wait3A_832 = arith.constant 0 : i32
        %dma_wait3A_833 = arith.constant 0 : i32
        %dma_wait3A_834 = arith.constant 0 : i32
        %dma_wait3A_835 = tpu.memref_slice %arg3[%arg1, %dma_wait3A_832, %dma_wait3A_833, %dma_wait3A_834] : memref<16x80x2x128xi32, #tpu.memory_space<hbm>> -> memref<1x80x2x128xi32, #tpu.memory_space<hbm>>
        %dma_wait3A_836 = tpu.memref_squeeze %dma_wait3A_835 : memref<1x80x2x128xi32, #tpu.memory_space<hbm>> -> memref<80x2x128xi32, #tpu.memory_space<hbm>>
        %dma_wait3A_837 = arith.constant 0 : i32
        %dma_wait3A_838 = arith.constant 0 : i32
        %dma_wait3A_839 = tpu.memref_slice %dma_wait3A_836[%dma_wait3A_826, %dma_wait3A_837, %dma_wait3A_838] : memref<80x2x128xi32, #tpu.memory_space<hbm>> -> memref<1x2x128xi32, #tpu.memory_space<hbm>>
        %dma_wait3A_840 = tpu.memref_squeeze %dma_wait3A_839 : memref<1x2x128xi32, #tpu.memory_space<hbm>> -> memref<2x128xi32, #tpu.memory_space<hbm>>
        %dma_wait3A_841 = arith.constant 0 : i32
        %dma_wait3A_842 = arith.constant 0 : i32
        %dma_wait3A_843 = tpu.memref_slice %arg8[%dma_wait3A_827, %dma_wait3A_841, %dma_wait3A_842] : memref<4x2x128xi32, #tpu.memory_space<vmem>> -> memref<1x2x128xi32, #tpu.memory_space<vmem>>
        %dma_wait3A_844 = tpu.memref_squeeze %dma_wait3A_843 : memref<1x2x128xi32, #tpu.memory_space<vmem>> -> memref<2x128xi32, #tpu.memory_space<vmem>>
        %dma_wait3A_845 = arith.constant 0 : i32
        %dma_wait3A_846 = arith.constant 0 : i32
        %dma_wait3A_847 = arith.constant 0 : i32
        %dma_wait3A_848 = tpu.memref_slice %arg3[%arg1, %dma_wait3A_845, %dma_wait3A_846, %dma_wait3A_847] : memref<16x80x2x128xi32, #tpu.memory_space<hbm>> -> memref<1x80x2x128xi32, #tpu.memory_space<hbm>>
        %dma_wait3A_849 = tpu.memref_squeeze %dma_wait3A_848 : memref<1x80x2x128xi32, #tpu.memory_space<hbm>> -> memref<80x2x128xi32, #tpu.memory_space<hbm>>
        %dma_wait3A_850 = arith.constant 0 : i32
        %dma_wait3A_851 = arith.constant 0 : i32
        %dma_wait3A_852 = tpu.memref_slice %dma_wait3A_849[%dma_wait3A_826, %dma_wait3A_850, %dma_wait3A_851] : memref<80x2x128xi32, #tpu.memory_space<hbm>> -> memref<1x2x128xi32, #tpu.memory_space<hbm>>
        %dma_wait3A_853 = tpu.memref_squeeze %dma_wait3A_852 : memref<1x2x128xi32, #tpu.memory_space<hbm>> -> memref<2x128xi32, #tpu.memory_space<hbm>>
        tpu.wait_dma2 semaphore(%arg14 : memref<!tpu.dma_semaphore, #tpu.memory_space<semaphore_mem>>) src(%dma_wait3A_853 : memref<2x128xi32, #tpu.memory_space<hbm>>) dst(%dma_wait3A_844 : memref<2x128xi32, #tpu.memory_space<vmem>>)
        %dma_wait3A_854 = arith.constant 0 : i32
        %dma_wait3A_855 = arith.constant 1 : i32
        %dma_wait3A_856 = arith.constant 0 : i32
        %dma_wait3A_857 = tpu.memref_slice %arg9[%dma_wait3A_855, %dma_wait3A_856] : memref<4x128xf32, #tpu.memory_space<vmem>> -> memref<1x128xf32, #tpu.memory_space<vmem>>
        %dma_wait3A_858 = tpu.memref_squeeze %dma_wait3A_857 : memref<1x128xf32, #tpu.memory_space<vmem>> -> memref<128xf32, #tpu.memory_space<vmem>>
        %dma_wait3A_859 = arith.constant 0 : i32
        %dma_wait3A_860 = arith.constant 0 : i32
        %dma_wait3A_861 = tpu.memref_slice %arg4[%arg1, %dma_wait3A_859, %dma_wait3A_860] : memref<16x80x128xf32, #tpu.memory_space<hbm>> -> memref<1x80x128xf32, #tpu.memory_space<hbm>>
        %dma_wait3A_862 = tpu.memref_squeeze %dma_wait3A_861 : memref<1x80x128xf32, #tpu.memory_space<hbm>> -> memref<80x128xf32, #tpu.memory_space<hbm>>
        %dma_wait3A_863 = arith.constant 0 : i32
        %dma_wait3A_864 = tpu.memref_slice %dma_wait3A_862[%dma_wait3A_854, %dma_wait3A_863] : memref<80x128xf32, #tpu.memory_space<hbm>> -> memref<1x128xf32, #tpu.memory_space<hbm>>
        %dma_wait3A_865 = tpu.memref_squeeze %dma_wait3A_864 : memref<1x128xf32, #tpu.memory_space<hbm>> -> memref<128xf32, #tpu.memory_space<hbm>>
        %dma_wait3A_866 = arith.constant 0 : i32
        %dma_wait3A_867 = tpu.memref_slice %arg9[%dma_wait3A_855, %dma_wait3A_866] : memref<4x128xf32, #tpu.memory_space<vmem>> -> memref<1x128xf32, #tpu.memory_space<vmem>>
        %dma_wait3A_868 = tpu.memref_squeeze %dma_wait3A_867 : memref<1x128xf32, #tpu.memory_space<vmem>> -> memref<128xf32, #tpu.memory_space<vmem>>
        %dma_wait3A_869 = arith.constant 0 : i32
        %dma_wait3A_870 = arith.constant 0 : i32
        %dma_wait3A_871 = tpu.memref_slice %arg4[%arg1, %dma_wait3A_869, %dma_wait3A_870] : memref<16x80x128xf32, #tpu.memory_space<hbm>> -> memref<1x80x128xf32, #tpu.memory_space<hbm>>
        %dma_wait3A_872 = tpu.memref_squeeze %dma_wait3A_871 : memref<1x80x128xf32, #tpu.memory_space<hbm>> -> memref<80x128xf32, #tpu.memory_space<hbm>>
        %dma_wait3A_873 = arith.constant 0 : i32
        %dma_wait3A_874 = tpu.memref_slice %dma_wait3A_872[%dma_wait3A_854, %dma_wait3A_873] : memref<80x128xf32, #tpu.memory_space<hbm>> -> memref<1x128xf32, #tpu.memory_space<hbm>>
        %dma_wait3A_875 = tpu.memref_squeeze %dma_wait3A_874 : memref<1x128xf32, #tpu.memory_space<hbm>> -> memref<128xf32, #tpu.memory_space<hbm>>
        tpu.wait_dma2 semaphore(%arg14 : memref<!tpu.dma_semaphore, #tpu.memory_space<semaphore_mem>>) src(%dma_wait3A_875 : memref<128xf32, #tpu.memory_space<hbm>>) dst(%dma_wait3A_868 : memref<128xf32, #tpu.memory_space<vmem>>)
        %dma_start3A_876 = arith.constant 1 : i32
        %dma_start3A_877 = arith.constant 0 : i32
        %dma_start3A_878 = arith.constant 0 : i32
        %dma_start3A_879 = tpu.memref_slice %arg8[%dma_start3A_876, %dma_start3A_877, %dma_start3A_878] : memref<4x2x128xi32, #tpu.memory_space<vmem>> -> memref<1x1x128xi32, #tpu.memory_space<vmem>>
        %dma_start3A_880 = tpu.memref_squeeze %dma_start3A_879 : memref<1x1x128xi32, #tpu.memory_space<vmem>> -> memref<128xi32, #tpu.memory_space<vmem>>
        %dma_start3A_881 = arith.constant 0 : i32
        %dma_start3A_882 = arith.constant 0 : i32
        %dma_start3A_883 = tpu.memref_slice %arg5[%arg0, %dma_start3A_881, %dma_start3A_882] : memref<2x10240x128xf32, #tpu.memory_space<hbm>> -> memref<1x10240x128xf32, #tpu.memory_space<hbm>>
        %dma_start3A_884 = tpu.memref_squeeze %dma_start3A_883 : memref<1x10240x128xf32, #tpu.memory_space<hbm>> -> memref<10240x128xf32, #tpu.memory_space<hbm>>
        %dma_start3A_885 = arith.constant 0 : i32
        %dma_start3A_886 = arith.constant 0 : i32
        %dma_start3A_887 = tpu.memref_slice %dma_start3A_884[%dma_start3A_885, %dma_start3A_886] : memref<10240x128xf32, #tpu.memory_space<hbm>> -> memref<10240x128xf32, #tpu.memory_space<hbm>>
        tpu.enqueue_indirect_dma source(%dma_start3A_887 : memref<10240x128xf32, #tpu.memory_space<hbm>>) target(%arg11 : memref<128x128xf32, #tpu.memory_space<vmem>>) offsets(%dma_start3A_880 : memref<128xi32, #tpu.memory_space<vmem>>) semaphore(%arg18 : memref<!tpu.dma_semaphore, #tpu.memory_space<semaphore_mem>>)
      } else {
      }
      %dma_start3A_659 = arith.constant 0 : i32
      %dma_start3A_660 = arith.constant 1 : i32
      %dma_start3A_661 = arith.constant 0 : i32
      %dma_start3A_662 = tpu.memref_slice %arg8[%dma_start3A_659, %dma_start3A_660, %dma_start3A_661] : memref<4x2x128xi32, #tpu.memory_space<vmem>> -> memref<1x1x128xi32, #tpu.memory_space<vmem>>
      %dma_start3A_663 = tpu.memref_squeeze %dma_start3A_662 : memref<1x1x128xi32, #tpu.memory_space<vmem>> -> memref<128xi32, #tpu.memory_space<vmem>>
      %dma_start3A_664 = arith.constant 0 : i32
      %dma_start3A_665 = arith.constant 0 : i32
      %dma_start3A_666 = tpu.memref_slice %arg12[%dma_start3A_664, %dma_start3A_665] : memref<10240x128xf32, #tpu.memory_space<vmem_shared>> -> memref<10240x128xf32, #tpu.memory_space<vmem_shared>>
      tpu.enqueue_indirect_dma source(%arg10 : memref<128x128xf32, #tpu.memory_space<vmem>>) target(%dma_start3A_666 : memref<10240x128xf32, #tpu.memory_space<vmem_shared>>) offsets(%dma_start3A_663 : memref<128xi32, #tpu.memory_space<vmem>>) semaphore(%arg19 : memref<!tpu.dma_semaphore, #tpu.memory_space<semaphore_mem>>) {add = true}
      %mul3A_667 = arith.constant 4 : i32
      %mul3A_668 = arith.muli %mul3A_667, %add3A_620 : i32
      %add3A_669 = arith.constant 1 : i32
      %add3A_670 = arith.addi %mul3A_668, %add3A_669 : i32
      %dma_wait3A_671 = arith.constant 1 : i32
      %dma_wait3A_672 = arith.constant 0 : i32
      %dma_wait3A_673 = arith.constant 0 : i32
      %dma_wait3A_674 = tpu.memref_slice %arg8[%dma_wait3A_671, %dma_wait3A_672, %dma_wait3A_673] : memref<4x2x128xi32, #tpu.memory_space<vmem>> -> memref<1x1x128xi32, #tpu.memory_space<vmem>>
      %dma_wait3A_675 = tpu.memref_squeeze %dma_wait3A_674 : memref<1x1x128xi32, #tpu.memory_space<vmem>> -> memref<128xi32, #tpu.memory_space<vmem>>
      %dma_wait3A_676 = arith.constant 0 : i32
      %dma_wait3A_677 = arith.constant 0 : i32
      %dma_wait3A_678 = tpu.memref_slice %arg5[%arg0, %dma_wait3A_676, %dma_wait3A_677] : memref<2x10240x128xf32, #tpu.memory_space<hbm>> -> memref<1x10240x128xf32, #tpu.memory_space<hbm>>
      %dma_wait3A_679 = tpu.memref_squeeze %dma_wait3A_678 : memref<1x10240x128xf32, #tpu.memory_space<hbm>> -> memref<10240x128xf32, #tpu.memory_space<hbm>>
      %dma_wait3A_680 = arith.constant 0 : i32
      %dma_wait3A_681 = arith.constant 0 : i32
      %dma_wait3A_682 = tpu.memref_slice %dma_wait3A_679[%dma_wait3A_680, %dma_wait3A_681] : memref<10240x128xf32, #tpu.memory_space<hbm>> -> memref<10240x128xf32, #tpu.memory_space<hbm>>
      tpu.wait_indirect_dma semaphore(%arg18 : memref<!tpu.dma_semaphore, #tpu.memory_space<semaphore_mem>>) src(%dma_wait3A_682 : memref<10240x128xf32, #tpu.memory_space<hbm>>) dst(%arg11 : memref<128x128xf32, #tpu.memory_space<vmem>>)
      %broadcast_in_dim3A_683 = arith.constant 1 : i32
      %broadcast_in_dim3A_684 = vector.broadcast %broadcast_in_dim3A_683 : i32 to vector<16xi32>
      %scan3A_685 = arith.constant 0 : i32
      %scan3A_686 = arith.constant 128 : i32
      %scan3A_687 = arith.addi %scan3A_685, %scan3A_686 : i32
      %scan3A_688 = arith.constant 1 : i32
      scf.for %scan3A_826 = %scan3A_685 to %scan3A_687 step %scan3A_688  : i32 {
        %mul3A_827 = arith.constant 1 : i32
        %mul3A_828 = arith.muli %scan3A_826, %mul3A_827 : i32
        %add3A_829 = arith.constant 0 : i32
        %add3A_830 = arith.addi %add3A_829, %mul3A_828 : i32
        %broadcast_in_dim3A_831 = vector.broadcast %add3A_830 : i32 to vector<16xi32>
        %gather3A = tpu.vector_load_idx %arg9[%broadcast_in_dim3A_684, %broadcast_in_dim3A_831] : memref<4x128xf32, #tpu.memory_space<vmem>>[vector<16xi32>, vector<16xi32>], vector<16xf32>,
        %get3A = arith.index_cast %add3A_830 : i32 to index
        %get3A_832 = arith.constant 0 : index
        %get3A_833 = tpu.vector_load %arg11[%get3A, %get3A_832] {strides = array<i32>} : memref<128x128xf32, #tpu.memory_space<vmem>>, vector<16xf32>,
        %mul3A_834 = arith.mulf %get3A_833, %gather3A : vector<16xf32>
        %swap3A = arith.index_cast %add3A_830 : i32 to index
        %swap3A_835 = arith.constant 0 : index
        %swap3A_836 = tpu.vector_load %arg11[%swap3A, %swap3A_835] {strides = array<i32>} : memref<128x128xf32, #tpu.memory_space<vmem>>, vector<16xf32>,
        tpu.vector_store %arg11[%swap3A, %swap3A_835], %mul3A_834 {strides = array<i32>} : memref<128x128xf32, #tpu.memory_space<vmem>>, vector<16xf32>,
        %get3A_837 = arith.index_cast %add3A_830 : i32 to index
        %get3A_838 = arith.constant 16 : index
        %get3A_839 = tpu.vector_load %arg11[%get3A_837, %get3A_838] {strides = array<i32>} : memref<128x128xf32, #tpu.memory_space<vmem>>, vector<16xf32>,
        %mul3A_840 = arith.mulf %get3A_839, %gather3A : vector<16xf32>
        %swap3A_841 = arith.index_cast %add3A_830 : i32 to index
        %swap3A_842 = arith.constant 16 : index
        %swap3A_843 = tpu.vector_load %arg11[%swap3A_841, %swap3A_842] {strides = array<i32>} : memref<128x128xf32, #tpu.memory_space<vmem>>, vector<16xf32>,
        tpu.vector_store %arg11[%swap3A_841, %swap3A_842], %mul3A_840 {strides = array<i32>} : memref<128x128xf32, #tpu.memory_space<vmem>>, vector<16xf32>,
        %get3A_844 = arith.index_cast %add3A_830 : i32 to index
        %get3A_845 = arith.constant 32 : index
        %get3A_846 = tpu.vector_load %arg11[%get3A_844, %get3A_845] {strides = array<i32>} : memref<128x128xf32, #tpu.memory_space<vmem>>, vector<16xf32>,
        %mul3A_847 = arith.mulf %get3A_846, %gather3A : vector<16xf32>
        %swap3A_848 = arith.index_cast %add3A_830 : i32 to index
        %swap3A_849 = arith.constant 32 : index
        %swap3A_850 = tpu.vector_load %arg11[%swap3A_848, %swap3A_849] {strides = array<i32>} : memref<128x128xf32, #tpu.memory_space<vmem>>, vector<16xf32>,
        tpu.vector_store %arg11[%swap3A_848, %swap3A_849], %mul3A_847 {strides = array<i32>} : memref<128x128xf32, #tpu.memory_space<vmem>>, vector<16xf32>,
        %get3A_851 = arith.index_cast %add3A_830 : i32 to index
        %get3A_852 = arith.constant 48 : index
        %get3A_853 = tpu.vector_load %arg11[%get3A_851, %get3A_852] {strides = array<i32>} : memref<128x128xf32, #tpu.memory_space<vmem>>, vector<16xf32>,
        %mul3A_854 = arith.mulf %get3A_853, %gather3A : vector<16xf32>
        %swap3A_855 = arith.index_cast %add3A_830 : i32 to index
        %swap3A_856 = arith.constant 48 : index
        %swap3A_857 = tpu.vector_load %arg11[%swap3A_855, %swap3A_856] {strides = array<i32>} : memref<128x128xf32, #tpu.memory_space<vmem>>, vector<16xf32>,
        tpu.vector_store %arg11[%swap3A_855, %swap3A_856], %mul3A_854 {strides = array<i32>} : memref<128x128xf32, #tpu.memory_space<vmem>>, vector<16xf32>,
        %get3A_858 = arith.index_cast %add3A_830 : i32 to index
        %get3A_859 = arith.constant 64 : index
        %get3A_860 = tpu.vector_load %arg11[%get3A_858, %get3A_859] {strides = array<i32>} : memref<128x128xf32, #tpu.memory_space<vmem>>, vector<16xf32>,
        %mul3A_861 = arith.mulf %get3A_860, %gather3A : vector<16xf32>
        %swap3A_862 = arith.index_cast %add3A_830 : i32 to index
        %swap3A_863 = arith.constant 64 : index
        %swap3A_864 = tpu.vector_load %arg11[%swap3A_862, %swap3A_863] {strides = array<i32>} : memref<128x128xf32, #tpu.memory_space<vmem>>, vector<16xf32>,
        tpu.vector_store %arg11[%swap3A_862, %swap3A_863], %mul3A_861 {strides = array<i32>} : memref<128x128xf32, #tpu.memory_space<vmem>>, vector<16xf32>,
        %get3A_865 = arith.index_cast %add3A_830 : i32 to index
        %get3A_866 = arith.constant 80 : index
        %get3A_867 = tpu.vector_load %arg11[%get3A_865, %get3A_866] {strides = array<i32>} : memref<128x128xf32, #tpu.memory_space<vmem>>, vector<16xf32>,
        %mul3A_868 = arith.mulf %get3A_867, %gather3A : vector<16xf32>
        %swap3A_869 = arith.index_cast %add3A_830 : i32 to index
        %swap3A_870 = arith.constant 80 : index
        %swap3A_871 = tpu.vector_load %arg11[%swap3A_869, %swap3A_870] {strides = array<i32>} : memref<128x128xf32, #tpu.memory_space<vmem>>, vector<16xf32>,
        tpu.vector_store %arg11[%swap3A_869, %swap3A_870], %mul3A_868 {strides = array<i32>} : memref<128x128xf32, #tpu.memory_space<vmem>>, vector<16xf32>,
        %get3A_872 = arith.index_cast %add3A_830 : i32 to index
        %get3A_873 = arith.constant 96 : index
        %get3A_874 = tpu.vector_load %arg11[%get3A_872, %get3A_873] {strides = array<i32>} : memref<128x128xf32, #tpu.memory_space<vmem>>, vector<16xf32>,
        %mul3A_875 = arith.mulf %get3A_874, %gather3A : vector<16xf32>
        %swap3A_876 = arith.index_cast %add3A_830 : i32 to index
        %swap3A_877 = arith.constant 96 : index
        %swap3A_878 = tpu.vector_load %arg11[%swap3A_876, %swap3A_877] {strides = array<i32>} : memref<128x128xf32, #tpu.memory_space<vmem>>, vector<16xf32>,
        tpu.vector_store %arg11[%swap3A_876, %swap3A_877], %mul3A_875 {strides = array<i32>} : memref<128x128xf32, #tpu.memory_space<vmem>>, vector<16xf32>,
        %get3A_879 = arith.index_cast %add3A_830 : i32 to index
        %get3A_880 = arith.constant 112 : index
        %get3A_881 = tpu.vector_load %arg11[%get3A_879, %get3A_880] {strides = array<i32>} : memref<128x128xf32, #tpu.memory_space<vmem>>, vector<16xf32>,
        %mul3A_882 = arith.mulf %get3A_881, %gather3A : vector<16xf32>
        %swap3A_883 = arith.index_cast %add3A_830 : i32 to index
        %swap3A_884 = arith.constant 112 : index
        %swap3A_885 = tpu.vector_load %arg11[%swap3A_883, %swap3A_884] {strides = array<i32>} : memref<128x128xf32, #tpu.memory_space<vmem>>, vector<16xf32>,
        tpu.vector_store %arg11[%swap3A_883, %swap3A_884], %mul3A_882 {strides = array<i32>} : memref<128x128xf32, #tpu.memory_space<vmem>>, vector<16xf32>,
      }
      %scan3A_689 = arith.constant 128 : i32
      %dma_wait3A_690 = arith.constant 0 : i32
      %dma_wait3A_691 = arith.constant 1 : i32
      %dma_wait3A_692 = arith.constant 0 : i32
      %dma_wait3A_693 = tpu.memref_slice %arg8[%dma_wait3A_690, %dma_wait3A_691, %dma_wait3A_692] : memref<4x2x128xi32, #tpu.memory_space<vmem>> -> memref<1x1x128xi32, #tpu.memory_space<vmem>>
      %dma_wait3A_694 = tpu.memref_squeeze %dma_wait3A_693 : memref<1x1x128xi32, #tpu.memory_space<vmem>> -> memref<128xi32, #tpu.memory_space<vmem>>
      %dma_wait3A_695 = arith.constant 0 : i32
      %dma_wait3A_696 = arith.constant 0 : i32
      %dma_wait3A_697 = tpu.memref_slice %arg12[%dma_wait3A_695, %dma_wait3A_696] : memref<10240x128xf32, #tpu.memory_space<vmem_shared>> -> memref<10240x128xf32, #tpu.memory_space<vmem_shared>>
      tpu.wait_indirect_dma semaphore(%arg19 : memref<!tpu.dma_semaphore, #tpu.memory_space<semaphore_mem>>) src(%arg10 : memref<128x128xf32, #tpu.memory_space<vmem>>) dst(%dma_wait3A_697 : memref<10240x128xf32, #tpu.memory_space<vmem_shared>>)
      %add3A_698 = arith.constant 2 : i32
      %add3A_699 = arith.addi %add3A_670, %add3A_698 : i32
      %lt3A_700 = arith.constant 80 : i32
      %lt3A_701 = arith.cmpi slt, %add3A_699, %lt3A_700 : i32
      %convert_element_type3A_702 = arith.extui %lt3A_701 : i1 to i32
      %cond3A_703 = arith.constant 0 : i32
      %cond3A_704 = arith.cmpi ne, %convert_element_type3A_702, %cond3A_703 : i32
      scf.if %cond3A_704 {
        %add3A_826 = arith.constant 2 : i32
        %add3A_827 = arith.addi %add3A_670, %add3A_826 : i32
        %dma_start3A_828 = arith.constant 3 : i32
        %dma_start3A_829 = arith.constant 0 : i32
        %dma_start3A_830 = arith.constant 0 : i32
        %dma_start3A_831 = tpu.memref_slice %arg8[%dma_start3A_828, %dma_start3A_829, %dma_start3A_830] : memref<4x2x128xi32, #tpu.memory_space<vmem>> -> memref<1x2x128xi32, #tpu.memory_space<vmem>>
        %dma_start3A_832 = tpu.memref_squeeze %dma_start3A_831 : memref<1x2x128xi32, #tpu.memory_space<vmem>> -> memref<2x128xi32, #tpu.memory_space<vmem>>
        %dma_start3A_833 = arith.constant 0 : i32
        %dma_start3A_834 = arith.constant 0 : i32
        %dma_start3A_835 = arith.constant 0 : i32
        %dma_start3A_836 = tpu.memref_slice %arg3[%arg1, %dma_start3A_833, %dma_start3A_834, %dma_start3A_835] : memref<16x80x2x128xi32, #tpu.memory_space<hbm>> -> memref<1x80x2x128xi32, #tpu.memory_space<hbm>>
        %dma_start3A_837 = tpu.memref_squeeze %dma_start3A_836 : memref<1x80x2x128xi32, #tpu.memory_space<hbm>> -> memref<80x2x128xi32, #tpu.memory_space<hbm>>
        %dma_start3A_838 = arith.constant 0 : i32
        %dma_start3A_839 = arith.constant 0 : i32
        %dma_start3A_840 = tpu.memref_slice %dma_start3A_837[%add3A_827, %dma_start3A_838, %dma_start3A_839] : memref<80x2x128xi32, #tpu.memory_space<hbm>> -> memref<1x2x128xi32, #tpu.memory_space<hbm>>
        %dma_start3A_841 = tpu.memref_squeeze %dma_start3A_840 : memref<1x2x128xi32, #tpu.memory_space<hbm>> -> memref<2x128xi32, #tpu.memory_space<hbm>>
        %dma_start3A_842 = arith.constant 0 : i32
        %dma_start3A_843 = arith.constant 0 : i32
        %dma_start3A_844 = tpu.memref_slice %arg8[%dma_start3A_828, %dma_start3A_842, %dma_start3A_843] : memref<4x2x128xi32, #tpu.memory_space<vmem>> -> memref<1x2x128xi32, #tpu.memory_space<vmem>>
        %dma_start3A_845 = tpu.memref_squeeze %dma_start3A_844 : memref<1x2x128xi32, #tpu.memory_space<vmem>> -> memref<2x128xi32, #tpu.memory_space<vmem>>
        %dma_start3A_846 = arith.constant 0 : i32
        %dma_start3A_847 = arith.constant 0 : i32
        %dma_start3A_848 = arith.constant 0 : i32
        %dma_start3A_849 = tpu.memref_slice %arg3[%arg1, %dma_start3A_846, %dma_start3A_847, %dma_start3A_848] : memref<16x80x2x128xi32, #tpu.memory_space<hbm>> -> memref<1x80x2x128xi32, #tpu.memory_space<hbm>>
        %dma_start3A_850 = tpu.memref_squeeze %dma_start3A_849 : memref<1x80x2x128xi32, #tpu.memory_space<hbm>> -> memref<80x2x128xi32, #tpu.memory_space<hbm>>
        %dma_start3A_851 = arith.constant 0 : i32
        %dma_start3A_852 = arith.constant 0 : i32
        %dma_start3A_853 = tpu.memref_slice %dma_start3A_850[%add3A_827, %dma_start3A_851, %dma_start3A_852] : memref<80x2x128xi32, #tpu.memory_space<hbm>> -> memref<1x2x128xi32, #tpu.memory_space<hbm>>
        %dma_start3A_854 = tpu.memref_squeeze %dma_start3A_853 : memref<1x2x128xi32, #tpu.memory_space<hbm>> -> memref<2x128xi32, #tpu.memory_space<hbm>>
        tpu.enqueue_dma source(%dma_start3A_854 : memref<2x128xi32, #tpu.memory_space<hbm>>) target(%dma_start3A_845 : memref<2x128xi32, #tpu.memory_space<vmem>>) target_semaphore(%arg16 : memref<!tpu.dma_semaphore, #tpu.memory_space<semaphore_mem>>)
        %dma_start3A_855 = arith.constant 3 : i32
        %dma_start3A_856 = arith.constant 0 : i32
        %dma_start3A_857 = tpu.memref_slice %arg9[%dma_start3A_855, %dma_start3A_856] : memref<4x128xf32, #tpu.memory_space<vmem>> -> memref<1x128xf32, #tpu.memory_space<vmem>>
        %dma_start3A_858 = tpu.memref_squeeze %dma_start3A_857 : memref<1x128xf32, #tpu.memory_space<vmem>> -> memref<128xf32, #tpu.memory_space<vmem>>
        %dma_start3A_859 = arith.constant 0 : i32
        %dma_start3A_860 = arith.constant 0 : i32
        %dma_start3A_861 = tpu.memref_slice %arg4[%arg1, %dma_start3A_859, %dma_start3A_860] : memref<16x80x128xf32, #tpu.memory_space<hbm>> -> memref<1x80x128xf32, #tpu.memory_space<hbm>>
        %dma_start3A_862 = tpu.memref_squeeze %dma_start3A_861 : memref<1x80x128xf32, #tpu.memory_space<hbm>> -> memref<80x128xf32, #tpu.memory_space<hbm>>
        %dma_start3A_863 = arith.constant 0 : i32
        %dma_start3A_864 = tpu.memref_slice %dma_start3A_862[%add3A_827, %dma_start3A_863] : memref<80x128xf32, #tpu.memory_space<hbm>> -> memref<1x128xf32, #tpu.memory_space<hbm>>
        %dma_start3A_865 = tpu.memref_squeeze %dma_start3A_864 : memref<1x128xf32, #tpu.memory_space<hbm>> -> memref<128xf32, #tpu.memory_space<hbm>>
        %dma_start3A_866 = arith.constant 0 : i32
        %dma_start3A_867 = tpu.memref_slice %arg9[%dma_start3A_855, %dma_start3A_866] : memref<4x128xf32, #tpu.memory_space<vmem>> -> memref<1x128xf32, #tpu.memory_space<vmem>>
        %dma_start3A_868 = tpu.memref_squeeze %dma_start3A_867 : memref<1x128xf32, #tpu.memory_space<vmem>> -> memref<128xf32, #tpu.memory_space<vmem>>
        %dma_start3A_869 = arith.constant 0 : i32
        %dma_start3A_870 = arith.constant 0 : i32
        %dma_start3A_871 = tpu.memref_slice %arg4[%arg1, %dma_start3A_869, %dma_start3A_870] : memref<16x80x128xf32, #tpu.memory_space<hbm>> -> memref<1x80x128xf32, #tpu.memory_space<hbm>>
        %dma_start3A_872 = tpu.memref_squeeze %dma_start3A_871 : memref<1x80x128xf32, #tpu.memory_space<hbm>> -> memref<80x128xf32, #tpu.memory_space<hbm>>
        %dma_start3A_873 = arith.constant 0 : i32
        %dma_start3A_874 = tpu.memref_slice %dma_start3A_872[%add3A_827, %dma_start3A_873] : memref<80x128xf32, #tpu.memory_space<hbm>> -> memref<1x128xf32, #tpu.memory_space<hbm>>
        %dma_start3A_875 = tpu.memref_squeeze %dma_start3A_874 : memref<1x128xf32, #tpu.memory_space<hbm>> -> memref<128xf32, #tpu.memory_space<hbm>>
        tpu.enqueue_dma source(%dma_start3A_875 : memref<128xf32, #tpu.memory_space<hbm>>) target(%dma_start3A_868 : memref<128xf32, #tpu.memory_space<vmem>>) target_semaphore(%arg16 : memref<!tpu.dma_semaphore, #tpu.memory_space<semaphore_mem>>)
      } else {
      }
      %add3A_705 = arith.constant 1 : i32
      %add3A_706 = arith.addi %add3A_670, %add3A_705 : i32
      %lt3A_707 = arith.constant 80 : i32
      %lt3A_708 = arith.cmpi slt, %add3A_706, %lt3A_707 : i32
      %convert_element_type3A_709 = arith.extui %lt3A_708 : i1 to i32
      %cond3A_710 = arith.constant 0 : i32
      %cond3A_711 = arith.cmpi ne, %convert_element_type3A_709, %cond3A_710 : i32
      scf.if %cond3A_711 {
        %dma_wait3A_826 = arith.constant 0 : i32
        %dma_wait3A_827 = arith.constant 2 : i32
        %dma_wait3A_828 = arith.constant 0 : i32
        %dma_wait3A_829 = arith.constant 0 : i32
        %dma_wait3A_830 = tpu.memref_slice %arg8[%dma_wait3A_827, %dma_wait3A_828, %dma_wait3A_829] : memref<4x2x128xi32, #tpu.memory_space<vmem>> -> memref<1x2x128xi32, #tpu.memory_space<vmem>>
        %dma_wait3A_831 = tpu.memref_squeeze %dma_wait3A_830 : memref<1x2x128xi32, #tpu.memory_space<vmem>> -> memref<2x128xi32, #tpu.memory_space<vmem>>
        %dma_wait3A_832 = arith.constant 0 : i32
        %dma_wait3A_833 = arith.constant 0 : i32
        %dma_wait3A_834 = arith.constant 0 : i32
        %dma_wait3A_835 = tpu.memref_slice %arg3[%arg1, %dma_wait3A_832, %dma_wait3A_833, %dma_wait3A_834] : memref<16x80x2x128xi32, #tpu.memory_space<hbm>> -> memref<1x80x2x128xi32, #tpu.memory_space<hbm>>
        %dma_wait3A_836 = tpu.memref_squeeze %dma_wait3A_835 : memref<1x80x2x128xi32, #tpu.memory_space<hbm>> -> memref<80x2x128xi32, #tpu.memory_space<hbm>>
        %dma_wait3A_837 = arith.constant 0 : i32
        %dma_wait3A_838 = arith.constant 0 : i32
        %dma_wait3A_839 = tpu.memref_slice %dma_wait3A_836[%dma_wait3A_826, %dma_wait3A_837, %dma_wait3A_838] : memref<80x2x128xi32, #tpu.memory_space<hbm>> -> memref<1x2x128xi32, #tpu.memory_space<hbm>>
        %dma_wait3A_840 = tpu.memref_squeeze %dma_wait3A_839 : memref<1x2x128xi32, #tpu.memory_space<hbm>> -> memref<2x128xi32, #tpu.memory_space<hbm>>
        %dma_wait3A_841 = arith.constant 0 : i32
        %dma_wait3A_842 = arith.constant 0 : i32
        %dma_wait3A_843 = tpu.memref_slice %arg8[%dma_wait3A_827, %dma_wait3A_841, %dma_wait3A_842] : memref<4x2x128xi32, #tpu.memory_space<vmem>> -> memref<1x2x128xi32, #tpu.memory_space<vmem>>
        %dma_wait3A_844 = tpu.memref_squeeze %dma_wait3A_843 : memref<1x2x128xi32, #tpu.memory_space<vmem>> -> memref<2x128xi32, #tpu.memory_space<vmem>>
        %dma_wait3A_845 = arith.constant 0 : i32
        %dma_wait3A_846 = arith.constant 0 : i32
        %dma_wait3A_847 = arith.constant 0 : i32
        %dma_wait3A_848 = tpu.memref_slice %arg3[%arg1, %dma_wait3A_845, %dma_wait3A_846, %dma_wait3A_847] : memref<16x80x2x128xi32, #tpu.memory_space<hbm>> -> memref<1x80x2x128xi32, #tpu.memory_space<hbm>>
        %dma_wait3A_849 = tpu.memref_squeeze %dma_wait3A_848 : memref<1x80x2x128xi32, #tpu.memory_space<hbm>> -> memref<80x2x128xi32, #tpu.memory_space<hbm>>
        %dma_wait3A_850 = arith.constant 0 : i32
        %dma_wait3A_851 = arith.constant 0 : i32
        %dma_wait3A_852 = tpu.memref_slice %dma_wait3A_849[%dma_wait3A_826, %dma_wait3A_850, %dma_wait3A_851] : memref<80x2x128xi32, #tpu.memory_space<hbm>> -> memref<1x2x128xi32, #tpu.memory_space<hbm>>
        %dma_wait3A_853 = tpu.memref_squeeze %dma_wait3A_852 : memref<1x2x128xi32, #tpu.memory_space<hbm>> -> memref<2x128xi32, #tpu.memory_space<hbm>>
        tpu.wait_dma2 semaphore(%arg15 : memref<!tpu.dma_semaphore, #tpu.memory_space<semaphore_mem>>) src(%dma_wait3A_853 : memref<2x128xi32, #tpu.memory_space<hbm>>) dst(%dma_wait3A_844 : memref<2x128xi32, #tpu.memory_space<vmem>>)
        %dma_wait3A_854 = arith.constant 0 : i32
        %dma_wait3A_855 = arith.constant 2 : i32
        %dma_wait3A_856 = arith.constant 0 : i32
        %dma_wait3A_857 = tpu.memref_slice %arg9[%dma_wait3A_855, %dma_wait3A_856] : memref<4x128xf32, #tpu.memory_space<vmem>> -> memref<1x128xf32, #tpu.memory_space<vmem>>
        %dma_wait3A_858 = tpu.memref_squeeze %dma_wait3A_857 : memref<1x128xf32, #tpu.memory_space<vmem>> -> memref<128xf32, #tpu.memory_space<vmem>>
        %dma_wait3A_859 = arith.constant 0 : i32
        %dma_wait3A_860 = arith.constant 0 : i32
        %dma_wait3A_861 = tpu.memref_slice %arg4[%arg1, %dma_wait3A_859, %dma_wait3A_860] : memref<16x80x128xf32, #tpu.memory_space<hbm>> -> memref<1x80x128xf32, #tpu.memory_space<hbm>>
        %dma_wait3A_862 = tpu.memref_squeeze %dma_wait3A_861 : memref<1x80x128xf32, #tpu.memory_space<hbm>> -> memref<80x128xf32, #tpu.memory_space<hbm>>
        %dma_wait3A_863 = arith.constant 0 : i32
        %dma_wait3A_864 = tpu.memref_slice %dma_wait3A_862[%dma_wait3A_854, %dma_wait3A_863] : memref<80x128xf32, #tpu.memory_space<hbm>> -> memref<1x128xf32, #tpu.memory_space<hbm>>
        %dma_wait3A_865 = tpu.memref_squeeze %dma_wait3A_864 : memref<1x128xf32, #tpu.memory_space<hbm>> -> memref<128xf32, #tpu.memory_space<hbm>>
        %dma_wait3A_866 = arith.constant 0 : i32
        %dma_wait3A_867 = tpu.memref_slice %arg9[%dma_wait3A_855, %dma_wait3A_866] : memref<4x128xf32, #tpu.memory_space<vmem>> -> memref<1x128xf32, #tpu.memory_space<vmem>>
        %dma_wait3A_868 = tpu.memref_squeeze %dma_wait3A_867 : memref<1x128xf32, #tpu.memory_space<vmem>> -> memref<128xf32, #tpu.memory_space<vmem>>
        %dma_wait3A_869 = arith.constant 0 : i32
        %dma_wait3A_870 = arith.constant 0 : i32
        %dma_wait3A_871 = tpu.memref_slice %arg4[%arg1, %dma_wait3A_869, %dma_wait3A_870] : memref<16x80x128xf32, #tpu.memory_space<hbm>> -> memref<1x80x128xf32, #tpu.memory_space<hbm>>
        %dma_wait3A_872 = tpu.memref_squeeze %dma_wait3A_871 : memref<1x80x128xf32, #tpu.memory_space<hbm>> -> memref<80x128xf32, #tpu.memory_space<hbm>>
        %dma_wait3A_873 = arith.constant 0 : i32
        %dma_wait3A_874 = tpu.memref_slice %dma_wait3A_872[%dma_wait3A_854, %dma_wait3A_873] : memref<80x128xf32, #tpu.memory_space<hbm>> -> memref<1x128xf32, #tpu.memory_space<hbm>>
        %dma_wait3A_875 = tpu.memref_squeeze %dma_wait3A_874 : memref<1x128xf32, #tpu.memory_space<hbm>> -> memref<128xf32, #tpu.memory_space<hbm>>
        tpu.wait_dma2 semaphore(%arg15 : memref<!tpu.dma_semaphore, #tpu.memory_space<semaphore_mem>>) src(%dma_wait3A_875 : memref<128xf32, #tpu.memory_space<hbm>>) dst(%dma_wait3A_868 : memref<128xf32, #tpu.memory_space<vmem>>)
        %dma_start3A_876 = arith.constant 2 : i32
        %dma_start3A_877 = arith.constant 0 : i32
        %dma_start3A_878 = arith.constant 0 : i32
        %dma_start3A_879 = tpu.memref_slice %arg8[%dma_start3A_876, %dma_start3A_877, %dma_start3A_878] : memref<4x2x128xi32, #tpu.memory_space<vmem>> -> memref<1x1x128xi32, #tpu.memory_space<vmem>>
        %dma_start3A_880 = tpu.memref_squeeze %dma_start3A_879 : memref<1x1x128xi32, #tpu.memory_space<vmem>> -> memref<128xi32, #tpu.memory_space<vmem>>
        %dma_start3A_881 = arith.constant 0 : i32
        %dma_start3A_882 = arith.constant 0 : i32
        %dma_start3A_883 = tpu.memref_slice %arg5[%arg0, %dma_start3A_881, %dma_start3A_882] : memref<2x10240x128xf32, #tpu.memory_space<hbm>> -> memref<1x10240x128xf32, #tpu.memory_space<hbm>>
        %dma_start3A_884 = tpu.memref_squeeze %dma_start3A_883 : memref<1x10240x128xf32, #tpu.memory_space<hbm>> -> memref<10240x128xf32, #tpu.memory_space<hbm>>
        %dma_start3A_885 = arith.constant 0 : i32
        %dma_start3A_886 = arith.constant 0 : i32
        %dma_start3A_887 = tpu.memref_slice %dma_start3A_884[%dma_start3A_885, %dma_start3A_886] : memref<10240x128xf32, #tpu.memory_space<hbm>> -> memref<10240x128xf32, #tpu.memory_space<hbm>>
        tpu.enqueue_indirect_dma source(%dma_start3A_887 : memref<10240x128xf32, #tpu.memory_space<hbm>>) target(%arg10 : memref<128x128xf32, #tpu.memory_space<vmem>>) offsets(%dma_start3A_880 : memref<128xi32, #tpu.memory_space<vmem>>) semaphore(%arg17 : memref<!tpu.dma_semaphore, #tpu.memory_space<semaphore_mem>>)
      } else {
      }
      %dma_start3A_712 = arith.constant 1 : i32
      %dma_start3A_713 = arith.constant 1 : i32
      %dma_start3A_714 = arith.constant 0 : i32
      %dma_start3A_715 = tpu.memref_slice %arg8[%dma_start3A_712, %dma_start3A_713, %dma_start3A_714] : memref<4x2x128xi32, #tpu.memory_space<vmem>> -> memref<1x1x128xi32, #tpu.memory_space<vmem>>
      %dma_start3A_716 = tpu.memref_squeeze %dma_start3A_715 : memref<1x1x128xi32, #tpu.memory_space<vmem>> -> memref<128xi32, #tpu.memory_space<vmem>>
      %dma_start3A_717 = arith.constant 0 : i32
      %dma_start3A_718 = arith.constant 0 : i32
      %dma_start3A_719 = tpu.memref_slice %arg12[%dma_start3A_717, %dma_start3A_718] : memref<10240x128xf32, #tpu.memory_space<vmem_shared>> -> memref<10240x128xf32, #tpu.memory_space<vmem_shared>>
      tpu.enqueue_indirect_dma source(%arg11 : memref<128x128xf32, #tpu.memory_space<vmem>>) target(%dma_start3A_719 : memref<10240x128xf32, #tpu.memory_space<vmem_shared>>) offsets(%dma_start3A_716 : memref<128xi32, #tpu.memory_space<vmem>>) semaphore(%arg20 : memref<!tpu.dma_semaphore, #tpu.memory_space<semaphore_mem>>) {add = true}
      %mul3A_720 = arith.constant 4 : i32
      %mul3A_721 = arith.muli %mul3A_720, %add3A_620 : i32
      %add3A_722 = arith.constant 2 : i32
      %add3A_723 = arith.addi %mul3A_721, %add3A_722 : i32
      %dma_wait3A_724 = arith.constant 2 : i32
      %dma_wait3A_725 = arith.constant 0 : i32
      %dma_wait3A_726 = arith.constant 0 : i32
      %dma_wait3A_727 = tpu.memref_slice %arg8[%dma_wait3A_724, %dma_wait3A_725, %dma_wait3A_726] : memref<4x2x128xi32, #tpu.memory_space<vmem>> -> memref<1x1x128xi32, #tpu.memory_space<vmem>>
      %dma_wait3A_728 = tpu.memref_squeeze %dma_wait3A_727 : memref<1x1x128xi32, #tpu.memory_space<vmem>> -> memref<128xi32, #tpu.memory_space<vmem>>
      %dma_wait3A_729 = arith.constant 0 : i32
      %dma_wait3A_730 = arith.constant 0 : i32
      %dma_wait3A_731 = tpu.memref_slice %arg5[%arg0, %dma_wait3A_729, %dma_wait3A_730] : memref<2x10240x128xf32, #tpu.memory_space<hbm>> -> memref<1x10240x128xf32, #tpu.memory_space<hbm>>
      %dma_wait3A_732 = tpu.memref_squeeze %dma_wait3A_731 : memref<1x10240x128xf32, #tpu.memory_space<hbm>> -> memref<10240x128xf32, #tpu.memory_space<hbm>>
      %dma_wait3A_733 = arith.constant 0 : i32
      %dma_wait3A_734 = arith.constant 0 : i32
      %dma_wait3A_735 = tpu.memref_slice %dma_wait3A_732[%dma_wait3A_733, %dma_wait3A_734] : memref<10240x128xf32, #tpu.memory_space<hbm>> -> memref<10240x128xf32, #tpu.memory_space<hbm>>
      tpu.wait_indirect_dma semaphore(%arg17 : memref<!tpu.dma_semaphore, #tpu.memory_space<semaphore_mem>>) src(%dma_wait3A_735 : memref<10240x128xf32, #tpu.memory_space<hbm>>) dst(%arg10 : memref<128x128xf32, #tpu.memory_space<vmem>>)
      %broadcast_in_dim3A_736 = arith.constant 2 : i32
      %broadcast_in_dim3A_737 = vector.broadcast %broadcast_in_dim3A_736 : i32 to vector<16xi32>
      %scan3A_738 = arith.constant 0 : i32
      %scan3A_739 = arith.constant 128 : i32
      %scan3A_740 = arith.addi %scan3A_738, %scan3A_739 : i32
      %scan3A_741 = arith.constant 1 : i32
      scf.for %scan3A_826 = %scan3A_738 to %scan3A_740 step %scan3A_741  : i32 {
        %mul3A_827 = arith.constant 1 : i32
        %mul3A_828 = arith.muli %scan3A_826, %mul3A_827 : i32
        %add3A_829 = arith.constant 0 : i32
        %add3A_830 = arith.addi %add3A_829, %mul3A_828 : i32
        %broadcast_in_dim3A_831 = vector.broadcast %add3A_830 : i32 to vector<16xi32>
        %gather3A = tpu.vector_load_idx %arg9[%broadcast_in_dim3A_737, %broadcast_in_dim3A_831] : memref<4x128xf32, #tpu.memory_space<vmem>>[vector<16xi32>, vector<16xi32>], vector<16xf32>,
        %get3A = arith.index_cast %add3A_830 : i32 to index
        %get3A_832 = arith.constant 0 : index
        %get3A_833 = tpu.vector_load %arg10[%get3A, %get3A_832] {strides = array<i32>} : memref<128x128xf32, #tpu.memory_space<vmem>>, vector<16xf32>,
        %mul3A_834 = arith.mulf %get3A_833, %gather3A : vector<16xf32>
        %swap3A = arith.index_cast %add3A_830 : i32 to index
        %swap3A_835 = arith.constant 0 : index
        %swap3A_836 = tpu.vector_load %arg10[%swap3A, %swap3A_835] {strides = array<i32>} : memref<128x128xf32, #tpu.memory_space<vmem>>, vector<16xf32>,
        tpu.vector_store %arg10[%swap3A, %swap3A_835], %mul3A_834 {strides = array<i32>} : memref<128x128xf32, #tpu.memory_space<vmem>>, vector<16xf32>,
        %get3A_837 = arith.index_cast %add3A_830 : i32 to index
        %get3A_838 = arith.constant 16 : index
        %get3A_839 = tpu.vector_load %arg10[%get3A_837, %get3A_838] {strides = array<i32>} : memref<128x128xf32, #tpu.memory_space<vmem>>, vector<16xf32>,
        %mul3A_840 = arith.mulf %get3A_839, %gather3A : vector<16xf32>
        %swap3A_841 = arith.index_cast %add3A_830 : i32 to index
        %swap3A_842 = arith.constant 16 : index
        %swap3A_843 = tpu.vector_load %arg10[%swap3A_841, %swap3A_842] {strides = array<i32>} : memref<128x128xf32, #tpu.memory_space<vmem>>, vector<16xf32>,
        tpu.vector_store %arg10[%swap3A_841, %swap3A_842], %mul3A_840 {strides = array<i32>} : memref<128x128xf32, #tpu.memory_space<vmem>>, vector<16xf32>,
        %get3A_844 = arith.index_cast %add3A_830 : i32 to index
        %get3A_845 = arith.constant 32 : index
        %get3A_846 = tpu.vector_load %arg10[%get3A_844, %get3A_845] {strides = array<i32>} : memref<128x128xf32, #tpu.memory_space<vmem>>, vector<16xf32>,
        %mul3A_847 = arith.mulf %get3A_846, %gather3A : vector<16xf32>
        %swap3A_848 = arith.index_cast %add3A_830 : i32 to index
        %swap3A_849 = arith.constant 32 : index
        %swap3A_850 = tpu.vector_load %arg10[%swap3A_848, %swap3A_849] {strides = array<i32>} : memref<128x128xf32, #tpu.memory_space<vmem>>, vector<16xf32>,
        tpu.vector_store %arg10[%swap3A_848, %swap3A_849], %mul3A_847 {strides = array<i32>} : memref<128x128xf32, #tpu.memory_space<vmem>>, vector<16xf32>,
        %get3A_851 = arith.index_cast %add3A_830 : i32 to index
        %get3A_852 = arith.constant 48 : index
        %get3A_853 = tpu.vector_load %arg10[%get3A_851, %get3A_852] {strides = array<i32>} : memref<128x128xf32, #tpu.memory_space<vmem>>, vector<16xf32>,
        %mul3A_854 = arith.mulf %get3A_853, %gather3A : vector<16xf32>
        %swap3A_855 = arith.index_cast %add3A_830 : i32 to index
        %swap3A_856 = arith.constant 48 : index
        %swap3A_857 = tpu.vector_load %arg10[%swap3A_855, %swap3A_856] {strides = array<i32>} : memref<128x128xf32, #tpu.memory_space<vmem>>, vector<16xf32>,
        tpu.vector_store %arg10[%swap3A_855, %swap3A_856], %mul3A_854 {strides = array<i32>} : memref<128x128xf32, #tpu.memory_space<vmem>>, vector<16xf32>,
        %get3A_858 = arith.index_cast %add3A_830 : i32 to index
        %get3A_859 = arith.constant 64 : index
        %get3A_860 = tpu.vector_load %arg10[%get3A_858, %get3A_859] {strides = array<i32>} : memref<128x128xf32, #tpu.memory_space<vmem>>, vector<16xf32>,
        %mul3A_861 = arith.mulf %get3A_860, %gather3A : vector<16xf32>
        %swap3A_862 = arith.index_cast %add3A_830 : i32 to index
        %swap3A_863 = arith.constant 64 : index
        %swap3A_864 = tpu.vector_load %arg10[%swap3A_862, %swap3A_863] {strides = array<i32>} : memref<128x128xf32, #tpu.memory_space<vmem>>, vector<16xf32>,
        tpu.vector_store %arg10[%swap3A_862, %swap3A_863], %mul3A_861 {strides = array<i32>} : memref<128x128xf32, #tpu.memory_space<vmem>>, vector<16xf32>,
        %get3A_865 = arith.index_cast %add3A_830 : i32 to index
        %get3A_866 = arith.constant 80 : index
        %get3A_867 = tpu.vector_load %arg10[%get3A_865, %get3A_866] {strides = array<i32>} : memref<128x128xf32, #tpu.memory_space<vmem>>, vector<16xf32>,
        %mul3A_868 = arith.mulf %get3A_867, %gather3A : vector<16xf32>
        %swap3A_869 = arith.index_cast %add3A_830 : i32 to index
        %swap3A_870 = arith.constant 80 : index
        %swap3A_871 = tpu.vector_load %arg10[%swap3A_869, %swap3A_870] {strides = array<i32>} : memref<128x128xf32, #tpu.memory_space<vmem>>, vector<16xf32>,
        tpu.vector_store %arg10[%swap3A_869, %swap3A_870], %mul3A_868 {strides = array<i32>} : memref<128x128xf32, #tpu.memory_space<vmem>>, vector<16xf32>,
        %get3A_872 = arith.index_cast %add3A_830 : i32 to index
        %get3A_873 = arith.constant 96 : index
        %get3A_874 = tpu.vector_load %arg10[%get3A_872, %get3A_873] {strides = array<i32>} : memref<128x128xf32, #tpu.memory_space<vmem>>, vector<16xf32>,
        %mul3A_875 = arith.mulf %get3A_874, %gather3A : vector<16xf32>
        %swap3A_876 = arith.index_cast %add3A_830 : i32 to index
        %swap3A_877 = arith.constant 96 : index
        %swap3A_878 = tpu.vector_load %arg10[%swap3A_876, %swap3A_877] {strides = array<i32>} : memref<128x128xf32, #tpu.memory_space<vmem>>, vector<16xf32>,
        tpu.vector_store %arg10[%swap3A_876, %swap3A_877], %mul3A_875 {strides = array<i32>} : memref<128x128xf32, #tpu.memory_space<vmem>>, vector<16xf32>,
        %get3A_879 = arith.index_cast %add3A_830 : i32 to index
        %get3A_880 = arith.constant 112 : index
        %get3A_881 = tpu.vector_load %arg10[%get3A_879, %get3A_880] {strides = array<i32>} : memref<128x128xf32, #tpu.memory_space<vmem>>, vector<16xf32>,
        %mul3A_882 = arith.mulf %get3A_881, %gather3A : vector<16xf32>
        %swap3A_883 = arith.index_cast %add3A_830 : i32 to index
        %swap3A_884 = arith.constant 112 : index
        %swap3A_885 = tpu.vector_load %arg10[%swap3A_883, %swap3A_884] {strides = array<i32>} : memref<128x128xf32, #tpu.memory_space<vmem>>, vector<16xf32>,
        tpu.vector_store %arg10[%swap3A_883, %swap3A_884], %mul3A_882 {strides = array<i32>} : memref<128x128xf32, #tpu.memory_space<vmem>>, vector<16xf32>,
      }
      %scan3A_742 = arith.constant 128 : i32
      %dma_wait3A_743 = arith.constant 1 : i32
      %dma_wait3A_744 = arith.constant 1 : i32
      %dma_wait3A_745 = arith.constant 0 : i32
      %dma_wait3A_746 = tpu.memref_slice %arg8[%dma_wait3A_743, %dma_wait3A_744, %dma_wait3A_745] : memref<4x2x128xi32, #tpu.memory_space<vmem>> -> memref<1x1x128xi32, #tpu.memory_space<vmem>>
      %dma_wait3A_747 = tpu.memref_squeeze %dma_wait3A_746 : memref<1x1x128xi32, #tpu.memory_space<vmem>> -> memref<128xi32, #tpu.memory_space<vmem>>
      %dma_wait3A_748 = arith.constant 0 : i32
      %dma_wait3A_749 = arith.constant 0 : i32
      %dma_wait3A_750 = tpu.memref_slice %arg12[%dma_wait3A_748, %dma_wait3A_749] : memref<10240x128xf32, #tpu.memory_space<vmem_shared>> -> memref<10240x128xf32, #tpu.memory_space<vmem_shared>>
      tpu.wait_indirect_dma semaphore(%arg20 : memref<!tpu.dma_semaphore, #tpu.memory_space<semaphore_mem>>) src(%arg11 : memref<128x128xf32, #tpu.memory_space<vmem>>) dst(%dma_wait3A_750 : memref<10240x128xf32, #tpu.memory_space<vmem_shared>>)
      %add3A_751 = arith.constant 2 : i32
      %add3A_752 = arith.addi %add3A_723, %add3A_751 : i32
      %lt3A_753 = arith.constant 80 : i32
      %lt3A_754 = arith.cmpi slt, %add3A_752, %lt3A_753 : i32
      %convert_element_type3A_755 = arith.extui %lt3A_754 : i1 to i32
      %cond3A_756 = arith.constant 0 : i32
      %cond3A_757 = arith.cmpi ne, %convert_element_type3A_755, %cond3A_756 : i32
      scf.if %cond3A_757 {
        %add3A_826 = arith.constant 2 : i32
        %add3A_827 = arith.addi %add3A_723, %add3A_826 : i32
        %dma_start3A_828 = arith.constant 0 : i32
        %dma_start3A_829 = arith.constant 0 : i32
        %dma_start3A_830 = arith.constant 0 : i32
        %dma_start3A_831 = tpu.memref_slice %arg8[%dma_start3A_828, %dma_start3A_829, %dma_start3A_830] : memref<4x2x128xi32, #tpu.memory_space<vmem>> -> memref<1x2x128xi32, #tpu.memory_space<vmem>>
        %dma_start3A_832 = tpu.memref_squeeze %dma_start3A_831 : memref<1x2x128xi32, #tpu.memory_space<vmem>> -> memref<2x128xi32, #tpu.memory_space<vmem>>
        %dma_start3A_833 = arith.constant 0 : i32
        %dma_start3A_834 = arith.constant 0 : i32
        %dma_start3A_835 = arith.constant 0 : i32
        %dma_start3A_836 = tpu.memref_slice %arg3[%arg1, %dma_start3A_833, %dma_start3A_834, %dma_start3A_835] : memref<16x80x2x128xi32, #tpu.memory_space<hbm>> -> memref<1x80x2x128xi32, #tpu.memory_space<hbm>>
        %dma_start3A_837 = tpu.memref_squeeze %dma_start3A_836 : memref<1x80x2x128xi32, #tpu.memory_space<hbm>> -> memref<80x2x128xi32, #tpu.memory_space<hbm>>
        %dma_start3A_838 = arith.constant 0 : i32
        %dma_start3A_839 = arith.constant 0 : i32
        %dma_start3A_840 = tpu.memref_slice %dma_start3A_837[%add3A_827, %dma_start3A_838, %dma_start3A_839] : memref<80x2x128xi32, #tpu.memory_space<hbm>> -> memref<1x2x128xi32, #tpu.memory_space<hbm>>
        %dma_start3A_841 = tpu.memref_squeeze %dma_start3A_840 : memref<1x2x128xi32, #tpu.memory_space<hbm>> -> memref<2x128xi32, #tpu.memory_space<hbm>>
        %dma_start3A_842 = arith.constant 0 : i32
        %dma_start3A_843 = arith.constant 0 : i32
        %dma_start3A_844 = tpu.memref_slice %arg8[%dma_start3A_828, %dma_start3A_842, %dma_start3A_843] : memref<4x2x128xi32, #tpu.memory_space<vmem>> -> memref<1x2x128xi32, #tpu.memory_space<vmem>>
        %dma_start3A_845 = tpu.memref_squeeze %dma_start3A_844 : memref<1x2x128xi32, #tpu.memory_space<vmem>> -> memref<2x128xi32, #tpu.memory_space<vmem>>
        %dma_start3A_846 = arith.constant 0 : i32
        %dma_start3A_847 = arith.constant 0 : i32
        %dma_start3A_848 = arith.constant 0 : i32
        %dma_start3A_849 = tpu.memref_slice %arg3[%arg1, %dma_start3A_846, %dma_start3A_847, %dma_start3A_848] : memref<16x80x2x128xi32, #tpu.memory_space<hbm>> -> memref<1x80x2x128xi32, #tpu.memory_space<hbm>>
        %dma_start3A_850 = tpu.memref_squeeze %dma_start3A_849 : memref<1x80x2x128xi32, #tpu.memory_space<hbm>> -> memref<80x2x128xi32, #tpu.memory_space<hbm>>
        %dma_start3A_851 = arith.constant 0 : i32
        %dma_start3A_852 = arith.constant 0 : i32
        %dma_start3A_853 = tpu.memref_slice %dma_start3A_850[%add3A_827, %dma_start3A_851, %dma_start3A_852] : memref<80x2x128xi32, #tpu.memory_space<hbm>> -> memref<1x2x128xi32, #tpu.memory_space<hbm>>
        %dma_start3A_854 = tpu.memref_squeeze %dma_start3A_853 : memref<1x2x128xi32, #tpu.memory_space<hbm>> -> memref<2x128xi32, #tpu.memory_space<hbm>>
        tpu.enqueue_dma source(%dma_start3A_854 : memref<2x128xi32, #tpu.memory_space<hbm>>) target(%dma_start3A_845 : memref<2x128xi32, #tpu.memory_space<vmem>>) target_semaphore(%arg13 : memref<!tpu.dma_semaphore, #tpu.memory_space<semaphore_mem>>)
        %dma_start3A_855 = arith.constant 0 : i32
        %dma_start3A_856 = arith.constant 0 : i32
        %dma_start3A_857 = tpu.memref_slice %arg9[%dma_start3A_855, %dma_start3A_856] : memref<4x128xf32, #tpu.memory_space<vmem>> -> memref<1x128xf32, #tpu.memory_space<vmem>>
        %dma_start3A_858 = tpu.memref_squeeze %dma_start3A_857 : memref<1x128xf32, #tpu.memory_space<vmem>> -> memref<128xf32, #tpu.memory_space<vmem>>
        %dma_start3A_859 = arith.constant 0 : i32
        %dma_start3A_860 = arith.constant 0 : i32
        %dma_start3A_861 = tpu.memref_slice %arg4[%arg1, %dma_start3A_859, %dma_start3A_860] : memref<16x80x128xf32, #tpu.memory_space<hbm>> -> memref<1x80x128xf32, #tpu.memory_space<hbm>>
        %dma_start3A_862 = tpu.memref_squeeze %dma_start3A_861 : memref<1x80x128xf32, #tpu.memory_space<hbm>> -> memref<80x128xf32, #tpu.memory_space<hbm>>
        %dma_start3A_863 = arith.constant 0 : i32
        %dma_start3A_864 = tpu.memref_slice %dma_start3A_862[%add3A_827, %dma_start3A_863] : memref<80x128xf32, #tpu.memory_space<hbm>> -> memref<1x128xf32, #tpu.memory_space<hbm>>
        %dma_start3A_865 = tpu.memref_squeeze %dma_start3A_864 : memref<1x128xf32, #tpu.memory_space<hbm>> -> memref<128xf32, #tpu.memory_space<hbm>>
        %dma_start3A_866 = arith.constant 0 : i32
        %dma_start3A_867 = tpu.memref_slice %arg9[%dma_start3A_855, %dma_start3A_866] : memref<4x128xf32, #tpu.memory_space<vmem>> -> memref<1x128xf32, #tpu.memory_space<vmem>>
        %dma_start3A_868 = tpu.memref_squeeze %dma_start3A_867 : memref<1x128xf32, #tpu.memory_space<vmem>> -> memref<128xf32, #tpu.memory_space<vmem>>
        %dma_start3A_869 = arith.constant 0 : i32
        %dma_start3A_870 = arith.constant 0 : i32
        %dma_start3A_871 = tpu.memref_slice %arg4[%arg1, %dma_start3A_869, %dma_start3A_870] : memref<16x80x128xf32, #tpu.memory_space<hbm>> -> memref<1x80x128xf32, #tpu.memory_space<hbm>>
        %dma_start3A_872 = tpu.memref_squeeze %dma_start3A_871 : memref<1x80x128xf32, #tpu.memory_space<hbm>> -> memref<80x128xf32, #tpu.memory_space<hbm>>
        %dma_start3A_873 = arith.constant 0 : i32
        %dma_start3A_874 = tpu.memref_slice %dma_start3A_872[%add3A_827, %dma_start3A_873] : memref<80x128xf32, #tpu.memory_space<hbm>> -> memref<1x128xf32, #tpu.memory_space<hbm>>
        %dma_start3A_875 = tpu.memref_squeeze %dma_start3A_874 : memref<1x128xf32, #tpu.memory_space<hbm>> -> memref<128xf32, #tpu.memory_space<hbm>>
        tpu.enqueue_dma source(%dma_start3A_875 : memref<128xf32, #tpu.memory_space<hbm>>) target(%dma_start3A_868 : memref<128xf32, #tpu.memory_space<vmem>>) target_semaphore(%arg13 : memref<!tpu.dma_semaphore, #tpu.memory_space<semaphore_mem>>)
      } else {
      }
      %add3A_758 = arith.constant 1 : i32
      %add3A_759 = arith.addi %add3A_723, %add3A_758 : i32
      %lt3A_760 = arith.constant 80 : i32
      %lt3A_761 = arith.cmpi slt, %add3A_759, %lt3A_760 : i32
      %convert_element_type3A_762 = arith.extui %lt3A_761 : i1 to i32
      %cond3A_763 = arith.constant 0 : i32
      %cond3A_764 = arith.cmpi ne, %convert_element_type3A_762, %cond3A_763 : i32
      scf.if %cond3A_764 {
        %dma_wait3A_826 = arith.constant 0 : i32
        %dma_wait3A_827 = arith.constant 3 : i32
        %dma_wait3A_828 = arith.constant 0 : i32
        %dma_wait3A_829 = arith.constant 0 : i32
        %dma_wait3A_830 = tpu.memref_slice %arg8[%dma_wait3A_827, %dma_wait3A_828, %dma_wait3A_829] : memref<4x2x128xi32, #tpu.memory_space<vmem>> -> memref<1x2x128xi32, #tpu.memory_space<vmem>>
        %dma_wait3A_831 = tpu.memref_squeeze %dma_wait3A_830 : memref<1x2x128xi32, #tpu.memory_space<vmem>> -> memref<2x128xi32, #tpu.memory_space<vmem>>
        %dma_wait3A_832 = arith.constant 0 : i32
        %dma_wait3A_833 = arith.constant 0 : i32
        %dma_wait3A_834 = arith.constant 0 : i32
        %dma_wait3A_835 = tpu.memref_slice %arg3[%arg1, %dma_wait3A_832, %dma_wait3A_833, %dma_wait3A_834] : memref<16x80x2x128xi32, #tpu.memory_space<hbm>> -> memref<1x80x2x128xi32, #tpu.memory_space<hbm>>
        %dma_wait3A_836 = tpu.memref_squeeze %dma_wait3A_835 : memref<1x80x2x128xi32, #tpu.memory_space<hbm>> -> memref<80x2x128xi32, #tpu.memory_space<hbm>>
        %dma_wait3A_837 = arith.constant 0 : i32
        %dma_wait3A_838 = arith.constant 0 : i32
        %dma_wait3A_839 = tpu.memref_slice %dma_wait3A_836[%dma_wait3A_826, %dma_wait3A_837, %dma_wait3A_838] : memref<80x2x128xi32, #tpu.memory_space<hbm>> -> memref<1x2x128xi32, #tpu.memory_space<hbm>>
        %dma_wait3A_840 = tpu.memref_squeeze %dma_wait3A_839 : memref<1x2x128xi32, #tpu.memory_space<hbm>> -> memref<2x128xi32, #tpu.memory_space<hbm>>
        %dma_wait3A_841 = arith.constant 0 : i32
        %dma_wait3A_842 = arith.constant 0 : i32
        %dma_wait3A_843 = tpu.memref_slice %arg8[%dma_wait3A_827, %dma_wait3A_841, %dma_wait3A_842] : memref<4x2x128xi32, #tpu.memory_space<vmem>> -> memref<1x2x128xi32, #tpu.memory_space<vmem>>
        %dma_wait3A_844 = tpu.memref_squeeze %dma_wait3A_843 : memref<1x2x128xi32, #tpu.memory_space<vmem>> -> memref<2x128xi32, #tpu.memory_space<vmem>>
        %dma_wait3A_845 = arith.constant 0 : i32
        %dma_wait3A_846 = arith.constant 0 : i32
        %dma_wait3A_847 = arith.constant 0 : i32
        %dma_wait3A_848 = tpu.memref_slice %arg3[%arg1, %dma_wait3A_845, %dma_wait3A_846, %dma_wait3A_847] : memref<16x80x2x128xi32, #tpu.memory_space<hbm>> -> memref<1x80x2x128xi32, #tpu.memory_space<hbm>>
        %dma_wait3A_849 = tpu.memref_squeeze %dma_wait3A_848 : memref<1x80x2x128xi32, #tpu.memory_space<hbm>> -> memref<80x2x128xi32, #tpu.memory_space<hbm>>
        %dma_wait3A_850 = arith.constant 0 : i32
        %dma_wait3A_851 = arith.constant 0 : i32
        %dma_wait3A_852 = tpu.memref_slice %dma_wait3A_849[%dma_wait3A_826, %dma_wait3A_850, %dma_wait3A_851] : memref<80x2x128xi32, #tpu.memory_space<hbm>> -> memref<1x2x128xi32, #tpu.memory_space<hbm>>
        %dma_wait3A_853 = tpu.memref_squeeze %dma_wait3A_852 : memref<1x2x128xi32, #tpu.memory_space<hbm>> -> memref<2x128xi32, #tpu.memory_space<hbm>>
        tpu.wait_dma2 semaphore(%arg16 : memref<!tpu.dma_semaphore, #tpu.memory_space<semaphore_mem>>) src(%dma_wait3A_853 : memref<2x128xi32, #tpu.memory_space<hbm>>) dst(%dma_wait3A_844 : memref<2x128xi32, #tpu.memory_space<vmem>>)
        %dma_wait3A_854 = arith.constant 0 : i32
        %dma_wait3A_855 = arith.constant 3 : i32
        %dma_wait3A_856 = arith.constant 0 : i32
        %dma_wait3A_857 = tpu.memref_slice %arg9[%dma_wait3A_855, %dma_wait3A_856] : memref<4x128xf32, #tpu.memory_space<vmem>> -> memref<1x128xf32, #tpu.memory_space<vmem>>
        %dma_wait3A_858 = tpu.memref_squeeze %dma_wait3A_857 : memref<1x128xf32, #tpu.memory_space<vmem>> -> memref<128xf32, #tpu.memory_space<vmem>>
        %dma_wait3A_859 = arith.constant 0 : i32
        %dma_wait3A_860 = arith.constant 0 : i32
        %dma_wait3A_861 = tpu.memref_slice %arg4[%arg1, %dma_wait3A_859, %dma_wait3A_860] : memref<16x80x128xf32, #tpu.memory_space<hbm>> -> memref<1x80x128xf32, #tpu.memory_space<hbm>>
        %dma_wait3A_862 = tpu.memref_squeeze %dma_wait3A_861 : memref<1x80x128xf32, #tpu.memory_space<hbm>> -> memref<80x128xf32, #tpu.memory_space<hbm>>
        %dma_wait3A_863 = arith.constant 0 : i32
        %dma_wait3A_864 = tpu.memref_slice %dma_wait3A_862[%dma_wait3A_854, %dma_wait3A_863] : memref<80x128xf32, #tpu.memory_space<hbm>> -> memref<1x128xf32, #tpu.memory_space<hbm>>
        %dma_wait3A_865 = tpu.memref_squeeze %dma_wait3A_864 : memref<1x128xf32, #tpu.memory_space<hbm>> -> memref<128xf32, #tpu.memory_space<hbm>>
        %dma_wait3A_866 = arith.constant 0 : i32
        %dma_wait3A_867 = tpu.memref_slice %arg9[%dma_wait3A_855, %dma_wait3A_866] : memref<4x128xf32, #tpu.memory_space<vmem>> -> memref<1x128xf32, #tpu.memory_space<vmem>>
        %dma_wait3A_868 = tpu.memref_squeeze %dma_wait3A_867 : memref<1x128xf32, #tpu.memory_space<vmem>> -> memref<128xf32, #tpu.memory_space<vmem>>
        %dma_wait3A_869 = arith.constant 0 : i32
        %dma_wait3A_870 = arith.constant 0 : i32
        %dma_wait3A_871 = tpu.memref_slice %arg4[%arg1, %dma_wait3A_869, %dma_wait3A_870] : memref<16x80x128xf32, #tpu.memory_space<hbm>> -> memref<1x80x128xf32, #tpu.memory_space<hbm>>
        %dma_wait3A_872 = tpu.memref_squeeze %dma_wait3A_871 : memref<1x80x128xf32, #tpu.memory_space<hbm>> -> memref<80x128xf32, #tpu.memory_space<hbm>>
        %dma_wait3A_873 = arith.constant 0 : i32
        %dma_wait3A_874 = tpu.memref_slice %dma_wait3A_872[%dma_wait3A_854, %dma_wait3A_873] : memref<80x128xf32, #tpu.memory_space<hbm>> -> memref<1x128xf32, #tpu.memory_space<hbm>>
        %dma_wait3A_875 = tpu.memref_squeeze %dma_wait3A_874 : memref<1x128xf32, #tpu.memory_space<hbm>> -> memref<128xf32, #tpu.memory_space<hbm>>
        tpu.wait_dma2 semaphore(%arg16 : memref<!tpu.dma_semaphore, #tpu.memory_space<semaphore_mem>>) src(%dma_wait3A_875 : memref<128xf32, #tpu.memory_space<hbm>>) dst(%dma_wait3A_868 : memref<128xf32, #tpu.memory_space<vmem>>)
        %dma_start3A_876 = arith.constant 3 : i32
        %dma_start3A_877 = arith.constant 0 : i32
        %dma_start3A_878 = arith.constant 0 : i32
        %dma_start3A_879 = tpu.memref_slice %arg8[%dma_start3A_876, %dma_start3A_877, %dma_start3A_878] : memref<4x2x128xi32, #tpu.memory_space<vmem>> -> memref<1x1x128xi32, #tpu.memory_space<vmem>>
        %dma_start3A_880 = tpu.memref_squeeze %dma_start3A_879 : memref<1x1x128xi32, #tpu.memory_space<vmem>> -> memref<128xi32, #tpu.memory_space<vmem>>
        %dma_start3A_881 = arith.constant 0 : i32
        %dma_start3A_882 = arith.constant 0 : i32
        %dma_start3A_883 = tpu.memref_slice %arg5[%arg0, %dma_start3A_881, %dma_start3A_882] : memref<2x10240x128xf32, #tpu.memory_space<hbm>> -> memref<1x10240x128xf32, #tpu.memory_space<hbm>>
        %dma_start3A_884 = tpu.memref_squeeze %dma_start3A_883 : memref<1x10240x128xf32, #tpu.memory_space<hbm>> -> memref<10240x128xf32, #tpu.memory_space<hbm>>
        %dma_start3A_885 = arith.constant 0 : i32
        %dma_start3A_886 = arith.constant 0 : i32
        %dma_start3A_887 = tpu.memref_slice %dma_start3A_884[%dma_start3A_885, %dma_start3A_886] : memref<10240x128xf32, #tpu.memory_space<hbm>> -> memref<10240x128xf32, #tpu.memory_space<hbm>>
        tpu.enqueue_indirect_dma source(%dma_start3A_887 : memref<10240x128xf32, #tpu.memory_space<hbm>>) target(%arg11 : memref<128x128xf32, #tpu.memory_space<vmem>>) offsets(%dma_start3A_880 : memref<128xi32, #tpu.memory_space<vmem>>) semaphore(%arg18 : memref<!tpu.dma_semaphore, #tpu.memory_space<semaphore_mem>>)
      } else {
      }
      %dma_start3A_765 = arith.constant 2 : i32
      %dma_start3A_766 = arith.constant 1 : i32
      %dma_start3A_767 = arith.constant 0 : i32
      %dma_start3A_768 = tpu.memref_slice %arg8[%dma_start3A_765, %dma_start3A_766, %dma_start3A_767] : memref<4x2x128xi32, #tpu.memory_space<vmem>> -> memref<1x1x128xi32, #tpu.memory_space<vmem>>
      %dma_start3A_769 = tpu.memref_squeeze %dma_start3A_768 : memref<1x1x128xi32, #tpu.memory_space<vmem>> -> memref<128xi32, #tpu.memory_space<vmem>>
      %dma_start3A_770 = arith.constant 0 : i32
      %dma_start3A_771 = arith.constant 0 : i32
      %dma_start3A_772 = tpu.memref_slice %arg12[%dma_start3A_770, %dma_start3A_771] : memref<10240x128xf32, #tpu.memory_space<vmem_shared>> -> memref<10240x128xf32, #tpu.memory_space<vmem_shared>>
      tpu.enqueue_indirect_dma source(%arg10 : memref<128x128xf32, #tpu.memory_space<vmem>>) target(%dma_start3A_772 : memref<10240x128xf32, #tpu.memory_space<vmem_shared>>) offsets(%dma_start3A_769 : memref<128xi32, #tpu.memory_space<vmem>>) semaphore(%arg19 : memref<!tpu.dma_semaphore, #tpu.memory_space<semaphore_mem>>) {add = true}
      %mul3A_773 = arith.constant 4 : i32
      %mul3A_774 = arith.muli %mul3A_773, %add3A_620 : i32
      %add3A_775 = arith.constant 3 : i32
      %add3A_776 = arith.addi %mul3A_774, %add3A_775 : i32
      %dma_wait3A_777 = arith.constant 3 : i32
      %dma_wait3A_778 = arith.constant 0 : i32
      %dma_wait3A_779 = arith.constant 0 : i32
      %dma_wait3A_780 = tpu.memref_slice %arg8[%dma_wait3A_777, %dma_wait3A_778, %dma_wait3A_779] : memref<4x2x128xi32, #tpu.memory_space<vmem>> -> memref<1x1x128xi32, #tpu.memory_space<vmem>>
      %dma_wait3A_781 = tpu.memref_squeeze %dma_wait3A_780 : memref<1x1x128xi32, #tpu.memory_space<vmem>> -> memref<128xi32, #tpu.memory_space<vmem>>
      %dma_wait3A_782 = arith.constant 0 : i32
      %dma_wait3A_783 = arith.constant 0 : i32
      %dma_wait3A_784 = tpu.memref_slice %arg5[%arg0, %dma_wait3A_782, %dma_wait3A_783] : memref<2x10240x128xf32, #tpu.memory_space<hbm>> -> memref<1x10240x128xf32, #tpu.memory_space<hbm>>
      %dma_wait3A_785 = tpu.memref_squeeze %dma_wait3A_784 : memref<1x10240x128xf32, #tpu.memory_space<hbm>> -> memref<10240x128xf32, #tpu.memory_space<hbm>>
      %dma_wait3A_786 = arith.constant 0 : i32
      %dma_wait3A_787 = arith.constant 0 : i32
      %dma_wait3A_788 = tpu.memref_slice %dma_wait3A_785[%dma_wait3A_786, %dma_wait3A_787] : memref<10240x128xf32, #tpu.memory_space<hbm>> -> memref<10240x128xf32, #tpu.memory_space<hbm>>
      tpu.wait_indirect_dma semaphore(%arg18 : memref<!tpu.dma_semaphore, #tpu.memory_space<semaphore_mem>>) src(%dma_wait3A_788 : memref<10240x128xf32, #tpu.memory_space<hbm>>) dst(%arg11 : memref<128x128xf32, #tpu.memory_space<vmem>>)
      %broadcast_in_dim3A_789 = arith.constant 3 : i32
      %broadcast_in_dim3A_790 = vector.broadcast %broadcast_in_dim3A_789 : i32 to vector<16xi32>
      %scan3A_791 = arith.constant 0 : i32
      %scan3A_792 = arith.constant 128 : i32
      %scan3A_793 = arith.addi %scan3A_791, %scan3A_792 : i32
      %scan3A_794 = arith.constant 1 : i32
      scf.for %scan3A_826 = %scan3A_791 to %scan3A_793 step %scan3A_794  : i32 {
        %mul3A_827 = arith.constant 1 : i32
        %mul3A_828 = arith.muli %scan3A_826, %mul3A_827 : i32
        %add3A_829 = arith.constant 0 : i32
        %add3A_830 = arith.addi %add3A_829, %mul3A_828 : i32
        %broadcast_in_dim3A_831 = vector.broadcast %add3A_830 : i32 to vector<16xi32>
        %gather3A = tpu.vector_load_idx %arg9[%broadcast_in_dim3A_790, %broadcast_in_dim3A_831] : memref<4x128xf32, #tpu.memory_space<vmem>>[vector<16xi32>, vector<16xi32>], vector<16xf32>,
        %get3A = arith.index_cast %add3A_830 : i32 to index
        %get3A_832 = arith.constant 0 : index
        %get3A_833 = tpu.vector_load %arg11[%get3A, %get3A_832] {strides = array<i32>} : memref<128x128xf32, #tpu.memory_space<vmem>>, vector<16xf32>,
        %mul3A_834 = arith.mulf %get3A_833, %gather3A : vector<16xf32>
        %swap3A = arith.index_cast %add3A_830 : i32 to index
        %swap3A_835 = arith.constant 0 : index
        %swap3A_836 = tpu.vector_load %arg11[%swap3A, %swap3A_835] {strides = array<i32>} : memref<128x128xf32, #tpu.memory_space<vmem>>, vector<16xf32>,
        tpu.vector_store %arg11[%swap3A, %swap3A_835], %mul3A_834 {strides = array<i32>} : memref<128x128xf32, #tpu.memory_space<vmem>>, vector<16xf32>,
        %get3A_837 = arith.index_cast %add3A_830 : i32 to index
        %get3A_838 = arith.constant 16 : index
        %get3A_839 = tpu.vector_load %arg11[%get3A_837, %get3A_838] {strides = array<i32>} : memref<128x128xf32, #tpu.memory_space<vmem>>, vector<16xf32>,
        %mul3A_840 = arith.mulf %get3A_839, %gather3A : vector<16xf32>
        %swap3A_841 = arith.index_cast %add3A_830 : i32 to index
        %swap3A_842 = arith.constant 16 : index
        %swap3A_843 = tpu.vector_load %arg11[%swap3A_841, %swap3A_842] {strides = array<i32>} : memref<128x128xf32, #tpu.memory_space<vmem>>, vector<16xf32>,
        tpu.vector_store %arg11[%swap3A_841, %swap3A_842], %mul3A_840 {strides = array<i32>} : memref<128x128xf32, #tpu.memory_space<vmem>>, vector<16xf32>,
        %get3A_844 = arith.index_cast %add3A_830 : i32 to index
        %get3A_845 = arith.constant 32 : index
        %get3A_846 = tpu.vector_load %arg11[%get3A_844, %get3A_845] {strides = array<i32>} : memref<128x128xf32, #tpu.memory_space<vmem>>, vector<16xf32>,
        %mul3A_847 = arith.mulf %get3A_846, %gather3A : vector<16xf32>
        %swap3A_848 = arith.index_cast %add3A_830 : i32 to index
        %swap3A_849 = arith.constant 32 : index
        %swap3A_850 = tpu.vector_load %arg11[%swap3A_848, %swap3A_849] {strides = array<i32>} : memref<128x128xf32, #tpu.memory_space<vmem>>, vector<16xf32>,
        tpu.vector_store %arg11[%swap3A_848, %swap3A_849], %mul3A_847 {strides = array<i32>} : memref<128x128xf32, #tpu.memory_space<vmem>>, vector<16xf32>,
        %get3A_851 = arith.index_cast %add3A_830 : i32 to index
        %get3A_852 = arith.constant 48 : index
        %get3A_853 = tpu.vector_load %arg11[%get3A_851, %get3A_852] {strides = array<i32>} : memref<128x128xf32, #tpu.memory_space<vmem>>, vector<16xf32>,
        %mul3A_854 = arith.mulf %get3A_853, %gather3A : vector<16xf32>
        %swap3A_855 = arith.index_cast %add3A_830 : i32 to index
        %swap3A_856 = arith.constant 48 : index
        %swap3A_857 = tpu.vector_load %arg11[%swap3A_855, %swap3A_856] {strides = array<i32>} : memref<128x128xf32, #tpu.memory_space<vmem>>, vector<16xf32>,
        tpu.vector_store %arg11[%swap3A_855, %swap3A_856], %mul3A_854 {strides = array<i32>} : memref<128x128xf32, #tpu.memory_space<vmem>>, vector<16xf32>,
        %get3A_858 = arith.index_cast %add3A_830 : i32 to index
        %get3A_859 = arith.constant 64 : index
        %get3A_860 = tpu.vector_load %arg11[%get3A_858, %get3A_859] {strides = array<i32>} : memref<128x128xf32, #tpu.memory_space<vmem>>, vector<16xf32>,
        %mul3A_861 = arith.mulf %get3A_860, %gather3A : vector<16xf32>
        %swap3A_862 = arith.index_cast %add3A_830 : i32 to index
        %swap3A_863 = arith.constant 64 : index
        %swap3A_864 = tpu.vector_load %arg11[%swap3A_862, %swap3A_863] {strides = array<i32>} : memref<128x128xf32, #tpu.memory_space<vmem>>, vector<16xf32>,
        tpu.vector_store %arg11[%swap3A_862, %swap3A_863], %mul3A_861 {strides = array<i32>} : memref<128x128xf32, #tpu.memory_space<vmem>>, vector<16xf32>,
        %get3A_865 = arith.index_cast %add3A_830 : i32 to index
        %get3A_866 = arith.constant 80 : index
        %get3A_867 = tpu.vector_load %arg11[%get3A_865, %get3A_866] {strides = array<i32>} : memref<128x128xf32, #tpu.memory_space<vmem>>, vector<16xf32>,
        %mul3A_868 = arith.mulf %get3A_867, %gather3A : vector<16xf32>
        %swap3A_869 = arith.index_cast %add3A_830 : i32 to index
        %swap3A_870 = arith.constant 80 : index
        %swap3A_871 = tpu.vector_load %arg11[%swap3A_869, %swap3A_870] {strides = array<i32>} : memref<128x128xf32, #tpu.memory_space<vmem>>, vector<16xf32>,
        tpu.vector_store %arg11[%swap3A_869, %swap3A_870], %mul3A_868 {strides = array<i32>} : memref<128x128xf32, #tpu.memory_space<vmem>>, vector<16xf32>,
        %get3A_872 = arith.index_cast %add3A_830 : i32 to index
        %get3A_873 = arith.constant 96 : index
        %get3A_874 = tpu.vector_load %arg11[%get3A_872, %get3A_873] {strides = array<i32>} : memref<128x128xf32, #tpu.memory_space<vmem>>, vector<16xf32>,
        %mul3A_875 = arith.mulf %get3A_874, %gather3A : vector<16xf32>
        %swap3A_876 = arith.index_cast %add3A_830 : i32 to index
        %swap3A_877 = arith.constant 96 : index
        %swap3A_878 = tpu.vector_load %arg11[%swap3A_876, %swap3A_877] {strides = array<i32>} : memref<128x128xf32, #tpu.memory_space<vmem>>, vector<16xf32>,
        tpu.vector_store %arg11[%swap3A_876, %swap3A_877], %mul3A_875 {strides = array<i32>} : memref<128x128xf32, #tpu.memory_space<vmem>>, vector<16xf32>,
        %get3A_879 = arith.index_cast %add3A_830 : i32 to index
        %get3A_880 = arith.constant 112 : index
        %get3A_881 = tpu.vector_load %arg11[%get3A_879, %get3A_880] {strides = array<i32>} : memref<128x128xf32, #tpu.memory_space<vmem>>, vector<16xf32>,
        %mul3A_882 = arith.mulf %get3A_881, %gather3A : vector<16xf32>
        %swap3A_883 = arith.index_cast %add3A_830 : i32 to index
        %swap3A_884 = arith.constant 112 : index
        %swap3A_885 = tpu.vector_load %arg11[%swap3A_883, %swap3A_884] {strides = array<i32>} : memref<128x128xf32, #tpu.memory_space<vmem>>, vector<16xf32>,
        tpu.vector_store %arg11[%swap3A_883, %swap3A_884], %mul3A_882 {strides = array<i32>} : memref<128x128xf32, #tpu.memory_space<vmem>>, vector<16xf32>,
      }
      %scan3A_795 = arith.constant 128 : i32
      %dma_wait3A_796 = arith.constant 2 : i32
      %dma_wait3A_797 = arith.constant 1 : i32
      %dma_wait3A_798 = arith.constant 0 : i32
      %dma_wait3A_799 = tpu.memref_slice %arg8[%dma_wait3A_796, %dma_wait3A_797, %dma_wait3A_798] : memref<4x2x128xi32, #tpu.memory_space<vmem>> -> memref<1x1x128xi32, #tpu.memory_space<vmem>>
      %dma_wait3A_800 = tpu.memref_squeeze %dma_wait3A_799 : memref<1x1x128xi32, #tpu.memory_space<vmem>> -> memref<128xi32, #tpu.memory_space<vmem>>
      %dma_wait3A_801 = arith.constant 0 : i32
      %dma_wait3A_802 = arith.constant 0 : i32
      %dma_wait3A_803 = tpu.memref_slice %arg12[%dma_wait3A_801, %dma_wait3A_802] : memref<10240x128xf32, #tpu.memory_space<vmem_shared>> -> memref<10240x128xf32, #tpu.memory_space<vmem_shared>>
      tpu.wait_indirect_dma semaphore(%arg19 : memref<!tpu.dma_semaphore, #tpu.memory_space<semaphore_mem>>) src(%arg10 : memref<128x128xf32, #tpu.memory_space<vmem>>) dst(%dma_wait3A_803 : memref<10240x128xf32, #tpu.memory_space<vmem_shared>>)
      %add3A_804 = arith.constant 2 : i32
      %add3A_805 = arith.addi %add3A_776, %add3A_804 : i32
      %lt3A_806 = arith.constant 80 : i32
      %lt3A_807 = arith.cmpi slt, %add3A_805, %lt3A_806 : i32
      %convert_element_type3A_808 = arith.extui %lt3A_807 : i1 to i32
      %cond3A_809 = arith.constant 0 : i32
      %cond3A_810 = arith.cmpi ne, %convert_element_type3A_808, %cond3A_809 : i32
      scf.if %cond3A_810 {
        %add3A_826 = arith.constant 2 : i32
        %add3A_827 = arith.addi %add3A_776, %add3A_826 : i32
        %dma_start3A_828 = arith.constant 1 : i32
        %dma_start3A_829 = arith.constant 0 : i32
        %dma_start3A_830 = arith.constant 0 : i32
        %dma_start3A_831 = tpu.memref_slice %arg8[%dma_start3A_828, %dma_start3A_829, %dma_start3A_830] : memref<4x2x128xi32, #tpu.memory_space<vmem>> -> memref<1x2x128xi32, #tpu.memory_space<vmem>>
        %dma_start3A_832 = tpu.memref_squeeze %dma_start3A_831 : memref<1x2x128xi32, #tpu.memory_space<vmem>> -> memref<2x128xi32, #tpu.memory_space<vmem>>
        %dma_start3A_833 = arith.constant 0 : i32
        %dma_start3A_834 = arith.constant 0 : i32
        %dma_start3A_835 = arith.constant 0 : i32
        %dma_start3A_836 = tpu.memref_slice %arg3[%arg1, %dma_start3A_833, %dma_start3A_834, %dma_start3A_835] : memref<16x80x2x128xi32, #tpu.memory_space<hbm>> -> memref<1x80x2x128xi32, #tpu.memory_space<hbm>>
        %dma_start3A_837 = tpu.memref_squeeze %dma_start3A_836 : memref<1x80x2x128xi32, #tpu.memory_space<hbm>> -> memref<80x2x128xi32, #tpu.memory_space<hbm>>
        %dma_start3A_838 = arith.constant 0 : i32
        %dma_start3A_839 = arith.constant 0 : i32
        %dma_start3A_840 = tpu.memref_slice %dma_start3A_837[%add3A_827, %dma_start3A_838, %dma_start3A_839] : memref<80x2x128xi32, #tpu.memory_space<hbm>> -> memref<1x2x128xi32, #tpu.memory_space<hbm>>
        %dma_start3A_841 = tpu.memref_squeeze %dma_start3A_840 : memref<1x2x128xi32, #tpu.memory_space<hbm>> -> memref<2x128xi32, #tpu.memory_space<hbm>>
        %dma_start3A_842 = arith.constant 0 : i32
        %dma_start3A_843 = arith.constant 0 : i32
        %dma_start3A_844 = tpu.memref_slice %arg8[%dma_start3A_828, %dma_start3A_842, %dma_start3A_843] : memref<4x2x128xi32, #tpu.memory_space<vmem>> -> memref<1x2x128xi32, #tpu.memory_space<vmem>>
        %dma_start3A_845 = tpu.memref_squeeze %dma_start3A_844 : memref<1x2x128xi32, #tpu.memory_space<vmem>> -> memref<2x128xi32, #tpu.memory_space<vmem>>
        %dma_start3A_846 = arith.constant 0 : i32
        %dma_start3A_847 = arith.constant 0 : i32
        %dma_start3A_848 = arith.constant 0 : i32
        %dma_start3A_849 = tpu.memref_slice %arg3[%arg1, %dma_start3A_846, %dma_start3A_847, %dma_start3A_848] : memref<16x80x2x128xi32, #tpu.memory_space<hbm>> -> memref<1x80x2x128xi32, #tpu.memory_space<hbm>>
        %dma_start3A_850 = tpu.memref_squeeze %dma_start3A_849 : memref<1x80x2x128xi32, #tpu.memory_space<hbm>> -> memref<80x2x128xi32, #tpu.memory_space<hbm>>
        %dma_start3A_851 = arith.constant 0 : i32
        %dma_start3A_852 = arith.constant 0 : i32
        %dma_start3A_853 = tpu.memref_slice %dma_start3A_850[%add3A_827, %dma_start3A_851, %dma_start3A_852] : memref<80x2x128xi32, #tpu.memory_space<hbm>> -> memref<1x2x128xi32, #tpu.memory_space<hbm>>
        %dma_start3A_854 = tpu.memref_squeeze %dma_start3A_853 : memref<1x2x128xi32, #tpu.memory_space<hbm>> -> memref<2x128xi32, #tpu.memory_space<hbm>>
        tpu.enqueue_dma source(%dma_start3A_854 : memref<2x128xi32, #tpu.memory_space<hbm>>) target(%dma_start3A_845 : memref<2x128xi32, #tpu.memory_space<vmem>>) target_semaphore(%arg14 : memref<!tpu.dma_semaphore, #tpu.memory_space<semaphore_mem>>)
        %dma_start3A_855 = arith.constant 1 : i32
        %dma_start3A_856 = arith.constant 0 : i32
        %dma_start3A_857 = tpu.memref_slice %arg9[%dma_start3A_855, %dma_start3A_856] : memref<4x128xf32, #tpu.memory_space<vmem>> -> memref<1x128xf32, #tpu.memory_space<vmem>>
        %dma_start3A_858 = tpu.memref_squeeze %dma_start3A_857 : memref<1x128xf32, #tpu.memory_space<vmem>> -> memref<128xf32, #tpu.memory_space<vmem>>
        %dma_start3A_859 = arith.constant 0 : i32
        %dma_start3A_860 = arith.constant 0 : i32
        %dma_start3A_861 = tpu.memref_slice %arg4[%arg1, %dma_start3A_859, %dma_start3A_860] : memref<16x80x128xf32, #tpu.memory_space<hbm>> -> memref<1x80x128xf32, #tpu.memory_space<hbm>>
        %dma_start3A_862 = tpu.memref_squeeze %dma_start3A_861 : memref<1x80x128xf32, #tpu.memory_space<hbm>> -> memref<80x128xf32, #tpu.memory_space<hbm>>
        %dma_start3A_863 = arith.constant 0 : i32
        %dma_start3A_864 = tpu.memref_slice %dma_start3A_862[%add3A_827, %dma_start3A_863] : memref<80x128xf32, #tpu.memory_space<hbm>> -> memref<1x128xf32, #tpu.memory_space<hbm>>
        %dma_start3A_865 = tpu.memref_squeeze %dma_start3A_864 : memref<1x128xf32, #tpu.memory_space<hbm>> -> memref<128xf32, #tpu.memory_space<hbm>>
        %dma_start3A_866 = arith.constant 0 : i32
        %dma_start3A_867 = tpu.memref_slice %arg9[%dma_start3A_855, %dma_start3A_866] : memref<4x128xf32, #tpu.memory_space<vmem>> -> memref<1x128xf32, #tpu.memory_space<vmem>>
        %dma_start3A_868 = tpu.memref_squeeze %dma_start3A_867 : memref<1x128xf32, #tpu.memory_space<vmem>> -> memref<128xf32, #tpu.memory_space<vmem>>
        %dma_start3A_869 = arith.constant 0 : i32
        %dma_start3A_870 = arith.constant 0 : i32
        %dma_start3A_871 = tpu.memref_slice %arg4[%arg1, %dma_start3A_869, %dma_start3A_870] : memref<16x80x128xf32, #tpu.memory_space<hbm>> -> memref<1x80x128xf32, #tpu.memory_space<hbm>>
        %dma_start3A_872 = tpu.memref_squeeze %dma_start3A_871 : memref<1x80x128xf32, #tpu.memory_space<hbm>> -> memref<80x128xf32, #tpu.memory_space<hbm>>
        %dma_start3A_873 = arith.constant 0 : i32
        %dma_start3A_874 = tpu.memref_slice %dma_start3A_872[%add3A_827, %dma_start3A_873] : memref<80x128xf32, #tpu.memory_space<hbm>> -> memref<1x128xf32, #tpu.memory_space<hbm>>
        %dma_start3A_875 = tpu.memref_squeeze %dma_start3A_874 : memref<1x128xf32, #tpu.memory_space<hbm>> -> memref<128xf32, #tpu.memory_space<hbm>>
        tpu.enqueue_dma source(%dma_start3A_875 : memref<128xf32, #tpu.memory_space<hbm>>) target(%dma_start3A_868 : memref<128xf32, #tpu.memory_space<vmem>>) target_semaphore(%arg14 : memref<!tpu.dma_semaphore, #tpu.memory_space<semaphore_mem>>)
      } else {
      }
      %add3A_811 = arith.constant 1 : i32
      %add3A_812 = arith.addi %add3A_776, %add3A_811 : i32
      %lt3A_813 = arith.constant 80 : i32
      %lt3A_814 = arith.cmpi slt, %add3A_812, %lt3A_813 : i32
      %convert_element_type3A_815 = arith.extui %lt3A_814 : i1 to i32
      %cond3A_816 = arith.constant 0 : i32
      %cond3A_817 = arith.cmpi ne, %convert_element_type3A_815, %cond3A_816 : i32
      scf.if %cond3A_817 {
        %dma_wait3A_826 = arith.constant 0 : i32
        %dma_wait3A_827 = arith.constant 0 : i32
        %dma_wait3A_828 = arith.constant 0 : i32
        %dma_wait3A_829 = arith.constant 0 : i32
        %dma_wait3A_830 = tpu.memref_slice %arg8[%dma_wait3A_827, %dma_wait3A_828, %dma_wait3A_829] : memref<4x2x128xi32, #tpu.memory_space<vmem>> -> memref<1x2x128xi32, #tpu.memory_space<vmem>>
        %dma_wait3A_831 = tpu.memref_squeeze %dma_wait3A_830 : memref<1x2x128xi32, #tpu.memory_space<vmem>> -> memref<2x128xi32, #tpu.memory_space<vmem>>
        %dma_wait3A_832 = arith.constant 0 : i32
        %dma_wait3A_833 = arith.constant 0 : i32
        %dma_wait3A_834 = arith.constant 0 : i32
        %dma_wait3A_835 = tpu.memref_slice %arg3[%arg1, %dma_wait3A_832, %dma_wait3A_833, %dma_wait3A_834] : memref<16x80x2x128xi32, #tpu.memory_space<hbm>> -> memref<1x80x2x128xi32, #tpu.memory_space<hbm>>
        %dma_wait3A_836 = tpu.memref_squeeze %dma_wait3A_835 : memref<1x80x2x128xi32, #tpu.memory_space<hbm>> -> memref<80x2x128xi32, #tpu.memory_space<hbm>>
        %dma_wait3A_837 = arith.constant 0 : i32
        %dma_wait3A_838 = arith.constant 0 : i32
        %dma_wait3A_839 = tpu.memref_slice %dma_wait3A_836[%dma_wait3A_826, %dma_wait3A_837, %dma_wait3A_838] : memref<80x2x128xi32, #tpu.memory_space<hbm>> -> memref<1x2x128xi32, #tpu.memory_space<hbm>>
        %dma_wait3A_840 = tpu.memref_squeeze %dma_wait3A_839 : memref<1x2x128xi32, #tpu.memory_space<hbm>> -> memref<2x128xi32, #tpu.memory_space<hbm>>
        %dma_wait3A_841 = arith.constant 0 : i32
        %dma_wait3A_842 = arith.constant 0 : i32
        %dma_wait3A_843 = tpu.memref_slice %arg8[%dma_wait3A_827, %dma_wait3A_841, %dma_wait3A_842] : memref<4x2x128xi32, #tpu.memory_space<vmem>> -> memref<1x2x128xi32, #tpu.memory_space<vmem>>
        %dma_wait3A_844 = tpu.memref_squeeze %dma_wait3A_843 : memref<1x2x128xi32, #tpu.memory_space<vmem>> -> memref<2x128xi32, #tpu.memory_space<vmem>>
        %dma_wait3A_845 = arith.constant 0 : i32
        %dma_wait3A_846 = arith.constant 0 : i32
        %dma_wait3A_847 = arith.constant 0 : i32
        %dma_wait3A_848 = tpu.memref_slice %arg3[%arg1, %dma_wait3A_845, %dma_wait3A_846, %dma_wait3A_847] : memref<16x80x2x128xi32, #tpu.memory_space<hbm>> -> memref<1x80x2x128xi32, #tpu.memory_space<hbm>>
        %dma_wait3A_849 = tpu.memref_squeeze %dma_wait3A_848 : memref<1x80x2x128xi32, #tpu.memory_space<hbm>> -> memref<80x2x128xi32, #tpu.memory_space<hbm>>
        %dma_wait3A_850 = arith.constant 0 : i32
        %dma_wait3A_851 = arith.constant 0 : i32
        %dma_wait3A_852 = tpu.memref_slice %dma_wait3A_849[%dma_wait3A_826, %dma_wait3A_850, %dma_wait3A_851] : memref<80x2x128xi32, #tpu.memory_space<hbm>> -> memref<1x2x128xi32, #tpu.memory_space<hbm>>
        %dma_wait3A_853 = tpu.memref_squeeze %dma_wait3A_852 : memref<1x2x128xi32, #tpu.memory_space<hbm>> -> memref<2x128xi32, #tpu.memory_space<hbm>>
        tpu.wait_dma2 semaphore(%arg13 : memref<!tpu.dma_semaphore, #tpu.memory_space<semaphore_mem>>) src(%dma_wait3A_853 : memref<2x128xi32, #tpu.memory_space<hbm>>) dst(%dma_wait3A_844 : memref<2x128xi32, #tpu.memory_space<vmem>>)
        %dma_wait3A_854 = arith.constant 0 : i32
        %dma_wait3A_855 = arith.constant 0 : i32
        %dma_wait3A_856 = arith.constant 0 : i32
        %dma_wait3A_857 = tpu.memref_slice %arg9[%dma_wait3A_855, %dma_wait3A_856] : memref<4x128xf32, #tpu.memory_space<vmem>> -> memref<1x128xf32, #tpu.memory_space<vmem>>
        %dma_wait3A_858 = tpu.memref_squeeze %dma_wait3A_857 : memref<1x128xf32, #tpu.memory_space<vmem>> -> memref<128xf32, #tpu.memory_space<vmem>>
        %dma_wait3A_859 = arith.constant 0 : i32
        %dma_wait3A_860 = arith.constant 0 : i32
        %dma_wait3A_861 = tpu.memref_slice %arg4[%arg1, %dma_wait3A_859, %dma_wait3A_860] : memref<16x80x128xf32, #tpu.memory_space<hbm>> -> memref<1x80x128xf32, #tpu.memory_space<hbm>>
        %dma_wait3A_862 = tpu.memref_squeeze %dma_wait3A_861 : memref<1x80x128xf32, #tpu.memory_space<hbm>> -> memref<80x128xf32, #tpu.memory_space<hbm>>
        %dma_wait3A_863 = arith.constant 0 : i32
        %dma_wait3A_864 = tpu.memref_slice %dma_wait3A_862[%dma_wait3A_854, %dma_wait3A_863] : memref<80x128xf32, #tpu.memory_space<hbm>> -> memref<1x128xf32, #tpu.memory_space<hbm>>
        %dma_wait3A_865 = tpu.memref_squeeze %dma_wait3A_864 : memref<1x128xf32, #tpu.memory_space<hbm>> -> memref<128xf32, #tpu.memory_space<hbm>>
        %dma_wait3A_866 = arith.constant 0 : i32
        %dma_wait3A_867 = tpu.memref_slice %arg9[%dma_wait3A_855, %dma_wait3A_866] : memref<4x128xf32, #tpu.memory_space<vmem>> -> memref<1x128xf32, #tpu.memory_space<vmem>>
        %dma_wait3A_868 = tpu.memref_squeeze %dma_wait3A_867 : memref<1x128xf32, #tpu.memory_space<vmem>> -> memref<128xf32, #tpu.memory_space<vmem>>
        %dma_wait3A_869 = arith.constant 0 : i32
        %dma_wait3A_870 = arith.constant 0 : i32
        %dma_wait3A_871 = tpu.memref_slice %arg4[%arg1, %dma_wait3A_869, %dma_wait3A_870] : memref<16x80x128xf32, #tpu.memory_space<hbm>> -> memref<1x80x128xf32, #tpu.memory_space<hbm>>
        %dma_wait3A_872 = tpu.memref_squeeze %dma_wait3A_871 : memref<1x80x128xf32, #tpu.memory_space<hbm>> -> memref<80x128xf32, #tpu.memory_space<hbm>>
        %dma_wait3A_873 = arith.constant 0 : i32
        %dma_wait3A_874 = tpu.memref_slice %dma_wait3A_872[%dma_wait3A_854, %dma_wait3A_873] : memref<80x128xf32, #tpu.memory_space<hbm>> -> memref<1x128xf32, #tpu.memory_space<hbm>>
        %dma_wait3A_875 = tpu.memref_squeeze %dma_wait3A_874 : memref<1x128xf32, #tpu.memory_space<hbm>> -> memref<128xf32, #tpu.memory_space<hbm>>
        tpu.wait_dma2 semaphore(%arg13 : memref<!tpu.dma_semaphore, #tpu.memory_space<semaphore_mem>>) src(%dma_wait3A_875 : memref<128xf32, #tpu.memory_space<hbm>>) dst(%dma_wait3A_868 : memref<128xf32, #tpu.memory_space<vmem>>)
        %dma_start3A_876 = arith.constant 0 : i32
        %dma_start3A_877 = arith.constant 0 : i32
        %dma_start3A_878 = arith.constant 0 : i32
        %dma_start3A_879 = tpu.memref_slice %arg8[%dma_start3A_876, %dma_start3A_877, %dma_start3A_878] : memref<4x2x128xi32, #tpu.memory_space<vmem>> -> memref<1x1x128xi32, #tpu.memory_space<vmem>>
        %dma_start3A_880 = tpu.memref_squeeze %dma_start3A_879 : memref<1x1x128xi32, #tpu.memory_space<vmem>> -> memref<128xi32, #tpu.memory_space<vmem>>
        %dma_start3A_881 = arith.constant 0 : i32
        %dma_start3A_882 = arith.constant 0 : i32
        %dma_start3A_883 = tpu.memref_slice %arg5[%arg0, %dma_start3A_881, %dma_start3A_882] : memref<2x10240x128xf32, #tpu.memory_space<hbm>> -> memref<1x10240x128xf32, #tpu.memory_space<hbm>>
        %dma_start3A_884 = tpu.memref_squeeze %dma_start3A_883 : memref<1x10240x128xf32, #tpu.memory_space<hbm>> -> memref<10240x128xf32, #tpu.memory_space<hbm>>
        %dma_start3A_885 = arith.constant 0 : i32
        %dma_start3A_886 = arith.constant 0 : i32
        %dma_start3A_887 = tpu.memref_slice %dma_start3A_884[%dma_start3A_885, %dma_start3A_886] : memref<10240x128xf32, #tpu.memory_space<hbm>> -> memref<10240x128xf32, #tpu.memory_space<hbm>>
        tpu.enqueue_indirect_dma source(%dma_start3A_887 : memref<10240x128xf32, #tpu.memory_space<hbm>>) target(%arg10 : memref<128x128xf32, #tpu.memory_space<vmem>>) offsets(%dma_start3A_880 : memref<128xi32, #tpu.memory_space<vmem>>) semaphore(%arg17 : memref<!tpu.dma_semaphore, #tpu.memory_space<semaphore_mem>>)
      } else {
      }
      %dma_start3A_818 = arith.constant 3 : i32
      %dma_start3A_819 = arith.constant 1 : i32
      %dma_start3A_820 = arith.constant 0 : i32
      %dma_start3A_821 = tpu.memref_slice %arg8[%dma_start3A_818, %dma_start3A_819, %dma_start3A_820] : memref<4x2x128xi32, #tpu.memory_space<vmem>> -> memref<1x1x128xi32, #tpu.memory_space<vmem>>
      %dma_start3A_822 = tpu.memref_squeeze %dma_start3A_821 : memref<1x1x128xi32, #tpu.memory_space<vmem>> -> memref<128xi32, #tpu.memory_space<vmem>>
      %dma_start3A_823 = arith.constant 0 : i32
      %dma_start3A_824 = arith.constant 0 : i32
      %dma_start3A_825 = tpu.memref_slice %arg12[%dma_start3A_823, %dma_start3A_824] : memref<10240x128xf32, #tpu.memory_space<vmem_shared>> -> memref<10240x128xf32, #tpu.memory_space<vmem_shared>>
      tpu.enqueue_indirect_dma source(%arg11 : memref<128x128xf32, #tpu.memory_space<vmem>>) target(%dma_start3A_825 : memref<10240x128xf32, #tpu.memory_space<vmem_shared>>) offsets(%dma_start3A_822 : memref<128xi32, #tpu.memory_space<vmem>>) semaphore(%arg20 : memref<!tpu.dma_semaphore, #tpu.memory_space<semaphore_mem>>) {add = true}
    }
    %scan3A_394 = arith.constant 20 : i32
    %dma_wait3A_395 = arith.constant 3 : i32
    %dma_wait3A_396 = arith.constant 1 : i32
    %dma_wait3A_397 = arith.constant 0 : i32
    %dma_wait3A_398 = tpu.memref_slice %arg8[%dma_wait3A_395, %dma_wait3A_396, %dma_wait3A_397] : memref<4x2x128xi32, #tpu.memory_space<vmem>> -> memref<1x1x128xi32, #tpu.memory_space<vmem>>
    %dma_wait3A_399 = tpu.memref_squeeze %dma_wait3A_398 : memref<1x1x128xi32, #tpu.memory_space<vmem>> -> memref<128xi32, #tpu.memory_space<vmem>>
    %dma_wait3A_400 = arith.constant 0 : i32
    %dma_wait3A_401 = arith.constant 0 : i32
    %dma_wait3A_402 = tpu.memref_slice %arg12[%dma_wait3A_400, %dma_wait3A_401] : memref<10240x128xf32, #tpu.memory_space<vmem_shared>> -> memref<10240x128xf32, #tpu.memory_space<vmem_shared>>
    tpu.wait_indirect_dma semaphore(%arg20 : memref<!tpu.dma_semaphore, #tpu.memory_space<semaphore_mem>>) src(%arg11 : memref<128x128xf32, #tpu.memory_space<vmem>>) dst(%dma_wait3A_402 : memref<10240x128xf32, #tpu.memory_space<vmem_shared>>)
    %barrier3A_403 = arith.constant 0 : index
    tpu.barrier barrier_id(%barrier3A_403)
    %mul3A_404 = arith.constant 640 : i32
    %mul3A_405 = arith.muli %arg1, %mul3A_404 : i32
    %mul3A_406 = arith.constant 640 : i32
    %mul3A_407 = arith.muli %arg1, %mul3A_406 : i32
    "tpu.region"() ({
      %run_scoped3A = tpu.sem_alloc : memref<!tpu.dma_semaphore, #tpu.memory_space<semaphore_mem>>
      %dma_start3A_616 = arith.constant 0 : i32
      %dma_start3A_617 = arith.constant 0 : i32
      %dma_start3A_618 = tpu.memref_slice %arg6[%arg0, %dma_start3A_616, %dma_start3A_617] : memref<2x10240x128xf32, #tpu.memory_space<hbm>> -> memref<1x10240x128xf32, #tpu.memory_space<hbm>>
      %dma_start3A_619 = tpu.memref_squeeze %dma_start3A_618 : memref<1x10240x128xf32, #tpu.memory_space<hbm>> -> memref<10240x128xf32, #tpu.memory_space<hbm>>
      %dma_start3A_620 = arith.constant 0 : i32
      %dma_start3A_621 = tpu.memref_slice %dma_start3A_619[%mul3A_407, %dma_start3A_620] : memref<10240x128xf32, #tpu.memory_space<hbm>> -> memref<640x128xf32, #tpu.memory_space<hbm>>
      %dma_start3A_622 = arith.constant 0 : i32
      %dma_start3A_623 = tpu.memref_slice %arg12[%mul3A_405, %dma_start3A_622] : memref<10240x128xf32, #tpu.memory_space<vmem_shared>> -> memref<640x128xf32, #tpu.memory_space<vmem_shared>>
      tpu.enqueue_dma source(%dma_start3A_623 : memref<640x128xf32, #tpu.memory_space<vmem_shared>>) target(%dma_start3A_621 : memref<640x128xf32, #tpu.memory_space<hbm>>) target_semaphore(%run_scoped3A : memref<!tpu.dma_semaphore, #tpu.memory_space<semaphore_mem>>)
      %dma_wait3A_624 = arith.constant 0 : i32
      %dma_wait3A_625 = arith.constant 0 : i32
      %dma_wait3A_626 = tpu.memref_slice %arg6[%arg0, %dma_wait3A_624, %dma_wait3A_625] : memref<2x10240x128xf32, #tpu.memory_space<hbm>> -> memref<1x10240x128xf32, #tpu.memory_space<hbm>>
      %dma_wait3A_627 = tpu.memref_squeeze %dma_wait3A_626 : memref<1x10240x128xf32, #tpu.memory_space<hbm>> -> memref<10240x128xf32, #tpu.memory_space<hbm>>
      %dma_wait3A_628 = arith.constant 0 : i32
      %dma_wait3A_629 = tpu.memref_slice %dma_wait3A_627[%mul3A_407, %dma_wait3A_628] : memref<10240x128xf32, #tpu.memory_space<hbm>> -> memref<640x128xf32, #tpu.memory_space<hbm>>
      %dma_wait3A_630 = arith.constant 0 : i32
      %dma_wait3A_631 = tpu.memref_slice %arg12[%mul3A_405, %dma_wait3A_630] : memref<10240x128xf32, #tpu.memory_space<vmem_shared>> -> memref<640x128xf32, #tpu.memory_space<vmem_shared>>
      tpu.wait_dma2 semaphore(%run_scoped3A : memref<!tpu.dma_semaphore, #tpu.memory_space<semaphore_mem>>) src(%dma_wait3A_631 : memref<640x128xf32, #tpu.memory_space<vmem_shared>>) dst(%dma_wait3A_629 : memref<640x128xf32, #tpu.memory_space<hbm>>)
      tpu.yield
    }) : () -> ()
    %barrier3A_408 = arith.constant 0 : index
    tpu.barrier barrier_id(%barrier3A_408)
    %scan3A_409 = arith.constant 0 : i32
    %scan3A_410 = arith.constant 128 : i32
    %scan3A_411 = arith.addi %scan3A_409, %scan3A_410 : i32
    %scan3A_412 = arith.constant 1 : i32
    scf.for %scan3A_616 = %scan3A_409 to %scan3A_411 step %scan3A_412  : i32 {
      %mul3A_617 = arith.constant 1 : i32
      %mul3A_618 = arith.muli %scan3A_616, %mul3A_617 : i32
      %add3A_619 = arith.constant 0 : i32
      %add3A_620 = arith.addi %add3A_619, %mul3A_618 : i32
      %swap3A = arith.index_cast %add3A_620 : i32 to index
      %swap3A_621 = arith.constant 0 : index
      %swap3A_622 = tpu.vector_load %arg10[%swap3A, %swap3A_621] {strides = array<i32>} : memref<128x128xf32, #tpu.memory_space<vmem>>, vector<16xf32>,
      tpu.vector_store %arg10[%swap3A, %swap3A_621], %broadcast_in_dim3A_0 {strides = array<i32>} : memref<128x128xf32, #tpu.memory_space<vmem>>, vector<16xf32>,
      %swap3A_623 = arith.index_cast %add3A_620 : i32 to index
      %swap3A_624 = arith.constant 16 : index
      %swap3A_625 = tpu.vector_load %arg10[%swap3A_623, %swap3A_624] {strides = array<i32>} : memref<128x128xf32, #tpu.memory_space<vmem>>, vector<16xf32>,
      tpu.vector_store %arg10[%swap3A_623, %swap3A_624], %broadcast_in_dim3A_0 {strides = array<i32>} : memref<128x128xf32, #tpu.memory_space<vmem>>, vector<16xf32>,
      %swap3A_626 = arith.index_cast %add3A_620 : i32 to index
      %swap3A_627 = arith.constant 32 : index
      %swap3A_628 = tpu.vector_load %arg10[%swap3A_626, %swap3A_627] {strides = array<i32>} : memref<128x128xf32, #tpu.memory_space<vmem>>, vector<16xf32>,
      tpu.vector_store %arg10[%swap3A_626, %swap3A_627], %broadcast_in_dim3A_0 {strides = array<i32>} : memref<128x128xf32, #tpu.memory_space<vmem>>, vector<16xf32>,
      %swap3A_629 = arith.index_cast %add3A_620 : i32 to index
      %swap3A_630 = arith.constant 48 : index
      %swap3A_631 = tpu.vector_load %arg10[%swap3A_629, %swap3A_630] {strides = array<i32>} : memref<128x128xf32, #tpu.memory_space<vmem>>, vector<16xf32>,
      tpu.vector_store %arg10[%swap3A_629, %swap3A_630], %broadcast_in_dim3A_0 {strides = array<i32>} : memref<128x128xf32, #tpu.memory_space<vmem>>, vector<16xf32>,
      %swap3A_632 = arith.index_cast %add3A_620 : i32 to index
      %swap3A_633 = arith.constant 64 : index
      %swap3A_634 = tpu.vector_load %arg10[%swap3A_632, %swap3A_633] {strides = array<i32>} : memref<128x128xf32, #tpu.memory_space<vmem>>, vector<16xf32>,
      tpu.vector_store %arg10[%swap3A_632, %swap3A_633], %broadcast_in_dim3A_0 {strides = array<i32>} : memref<128x128xf32, #tpu.memory_space<vmem>>, vector<16xf32>,
      %swap3A_635 = arith.index_cast %add3A_620 : i32 to index
      %swap3A_636 = arith.constant 80 : index
      %swap3A_637 = tpu.vector_load %arg10[%swap3A_635, %swap3A_636] {strides = array<i32>} : memref<128x128xf32, #tpu.memory_space<vmem>>, vector<16xf32>,
      tpu.vector_store %arg10[%swap3A_635, %swap3A_636], %broadcast_in_dim3A_0 {strides = array<i32>} : memref<128x128xf32, #tpu.memory_space<vmem>>, vector<16xf32>,
      %swap3A_638 = arith.index_cast %add3A_620 : i32 to index
      %swap3A_639 = arith.constant 96 : index
      %swap3A_640 = tpu.vector_load %arg10[%swap3A_638, %swap3A_639] {strides = array<i32>} : memref<128x128xf32, #tpu.memory_space<vmem>>, vector<16xf32>,
      tpu.vector_store %arg10[%swap3A_638, %swap3A_639], %broadcast_in_dim3A_0 {strides = array<i32>} : memref<128x128xf32, #tpu.memory_space<vmem>>, vector<16xf32>,
      %swap3A_641 = arith.index_cast %add3A_620 : i32 to index
      %swap3A_642 = arith.constant 112 : index
      %swap3A_643 = tpu.vector_load %arg10[%swap3A_641, %swap3A_642] {strides = array<i32>} : memref<128x128xf32, #tpu.memory_space<vmem>>, vector<16xf32>,
      tpu.vector_store %arg10[%swap3A_641, %swap3A_642], %broadcast_in_dim3A_0 {strides = array<i32>} : memref<128x128xf32, #tpu.memory_space<vmem>>, vector<16xf32>,
    }
    %scan3A_413 = arith.constant 128 : i32
    %mul3A_414 = arith.constant 640 : i32
    %mul3A_415 = arith.muli %arg1, %mul3A_414 : i32
    %add3A_416 = arith.constant 0 : i32
    %add3A_417 = arith.addi %mul3A_415, %add3A_416 : i32
    "tpu.region"() ({
      %run_scoped3A = tpu.sem_alloc : memref<!tpu.dma_semaphore, #tpu.memory_space<semaphore_mem>>
      %dma_start3A_616 = arith.constant 0 : i32
      %dma_start3A_617 = tpu.memref_slice %arg12[%add3A_417, %dma_start3A_616] : memref<10240x128xf32, #tpu.memory_space<vmem_shared>> -> memref<128x128xf32, #tpu.memory_space<vmem_shared>>
      %dma_start3A_618 = arith.constant 0 : i32
      %dma_start3A_619 = tpu.memref_slice %arg12[%add3A_417, %dma_start3A_618] : memref<10240x128xf32, #tpu.memory_space<vmem_shared>> -> memref<128x128xf32, #tpu.memory_space<vmem_shared>>
      tpu.enqueue_dma source(%arg10 : memref<128x128xf32, #tpu.memory_space<vmem>>) target(%dma_start3A_619 : memref<128x128xf32, #tpu.memory_space<vmem_shared>>) target_semaphore(%run_scoped3A : memref<!tpu.dma_semaphore, #tpu.memory_space<semaphore_mem>>)
      %dma_wait3A_620 = arith.constant 0 : i32
      %dma_wait3A_621 = tpu.memref_slice %arg12[%add3A_417, %dma_wait3A_620] : memref<10240x128xf32, #tpu.memory_space<vmem_shared>> -> memref<128x128xf32, #tpu.memory_space<vmem_shared>>
      %dma_wait3A_622 = arith.constant 0 : i32
      %dma_wait3A_623 = tpu.memref_slice %arg12[%add3A_417, %dma_wait3A_622] : memref<10240x128xf32, #tpu.memory_space<vmem_shared>> -> memref<128x128xf32, #tpu.memory_space<vmem_shared>>
      tpu.wait_dma2 semaphore(%run_scoped3A : memref<!tpu.dma_semaphore, #tpu.memory_space<semaphore_mem>>) src(%arg10 : memref<128x128xf32, #tpu.memory_space<vmem>>) dst(%dma_wait3A_623 : memref<128x128xf32, #tpu.memory_space<vmem_shared>>)
      tpu.yield
    }) : () -> ()
    %mul3A_418 = arith.constant 640 : i32
    %mul3A_419 = arith.muli %arg1, %mul3A_418 : i32
    %add3A_420 = arith.constant 128 : i32
    %add3A_421 = arith.addi %mul3A_419, %add3A_420 : i32
    "tpu.region"() ({
      %run_scoped3A = tpu.sem_alloc : memref<!tpu.dma_semaphore, #tpu.memory_space<semaphore_mem>>
      %dma_start3A_616 = arith.constant 0 : i32
      %dma_start3A_617 = tpu.memref_slice %arg12[%add3A_421, %dma_start3A_616] : memref<10240x128xf32, #tpu.memory_space<vmem_shared>> -> memref<128x128xf32, #tpu.memory_space<vmem_shared>>
      %dma_start3A_618 = arith.constant 0 : i32
      %dma_start3A_619 = tpu.memref_slice %arg12[%add3A_421, %dma_start3A_618] : memref<10240x128xf32, #tpu.memory_space<vmem_shared>> -> memref<128x128xf32, #tpu.memory_space<vmem_shared>>
      tpu.enqueue_dma source(%arg10 : memref<128x128xf32, #tpu.memory_space<vmem>>) target(%dma_start3A_619 : memref<128x128xf32, #tpu.memory_space<vmem_shared>>) target_semaphore(%run_scoped3A : memref<!tpu.dma_semaphore, #tpu.memory_space<semaphore_mem>>)
      %dma_wait3A_620 = arith.constant 0 : i32
      %dma_wait3A_621 = tpu.memref_slice %arg12[%add3A_421, %dma_wait3A_620] : memref<10240x128xf32, #tpu.memory_space<vmem_shared>> -> memref<128x128xf32, #tpu.memory_space<vmem_shared>>
      %dma_wait3A_622 = arith.constant 0 : i32
      %dma_wait3A_623 = tpu.memref_slice %arg12[%add3A_421, %dma_wait3A_622] : memref<10240x128xf32, #tpu.memory_space<vmem_shared>> -> memref<128x128xf32, #tpu.memory_space<vmem_shared>>
      tpu.wait_dma2 semaphore(%run_scoped3A : memref<!tpu.dma_semaphore, #tpu.memory_space<semaphore_mem>>) src(%arg10 : memref<128x128xf32, #tpu.memory_space<vmem>>) dst(%dma_wait3A_623 : memref<128x128xf32, #tpu.memory_space<vmem_shared>>)
      tpu.yield
    }) : () -> ()
    %mul3A_422 = arith.constant 640 : i32
    %mul3A_423 = arith.muli %arg1, %mul3A_422 : i32
    %add3A_424 = arith.constant 256 : i32
    %add3A_425 = arith.addi %mul3A_423, %add3A_424 : i32
    "tpu.region"() ({
      %run_scoped3A = tpu.sem_alloc : memref<!tpu.dma_semaphore, #tpu.memory_space<semaphore_mem>>
      %dma_start3A_616 = arith.constant 0 : i32
      %dma_start3A_617 = tpu.memref_slice %arg12[%add3A_425, %dma_start3A_616] : memref<10240x128xf32, #tpu.memory_space<vmem_shared>> -> memref<128x128xf32, #tpu.memory_space<vmem_shared>>
      %dma_start3A_618 = arith.constant 0 : i32
      %dma_start3A_619 = tpu.memref_slice %arg12[%add3A_425, %dma_start3A_618] : memref<10240x128xf32, #tpu.memory_space<vmem_shared>> -> memref<128x128xf32, #tpu.memory_space<vmem_shared>>
      tpu.enqueue_dma source(%arg10 : memref<128x128xf32, #tpu.memory_space<vmem>>) target(%dma_start3A_619 : memref<128x128xf32, #tpu.memory_space<vmem_shared>>) target_semaphore(%run_scoped3A : memref<!tpu.dma_semaphore, #tpu.memory_space<semaphore_mem>>)
      %dma_wait3A_620 = arith.constant 0 : i32
      %dma_wait3A_621 = tpu.memref_slice %arg12[%add3A_425, %dma_wait3A_620] : memref<10240x128xf32, #tpu.memory_space<vmem_shared>> -> memref<128x128xf32, #tpu.memory_space<vmem_shared>>
      %dma_wait3A_622 = arith.constant 0 : i32
      %dma_wait3A_623 = tpu.memref_slice %arg12[%add3A_425, %dma_wait3A_622] : memref<10240x128xf32, #tpu.memory_space<vmem_shared>> -> memref<128x128xf32, #tpu.memory_space<vmem_shared>>
      tpu.wait_dma2 semaphore(%run_scoped3A : memref<!tpu.dma_semaphore, #tpu.memory_space<semaphore_mem>>) src(%arg10 : memref<128x128xf32, #tpu.memory_space<vmem>>) dst(%dma_wait3A_623 : memref<128x128xf32, #tpu.memory_space<vmem_shared>>)
      tpu.yield
    }) : () -> ()
    %mul3A_426 = arith.constant 640 : i32
    %mul3A_427 = arith.muli %arg1, %mul3A_426 : i32
    %add3A_428 = arith.constant 384 : i32
    %add3A_429 = arith.addi %mul3A_427, %add3A_428 : i32
    "tpu.region"() ({
      %run_scoped3A = tpu.sem_alloc : memref<!tpu.dma_semaphore, #tpu.memory_space<semaphore_mem>>
      %dma_start3A_616 = arith.constant 0 : i32
      %dma_start3A_617 = tpu.memref_slice %arg12[%add3A_429, %dma_start3A_616] : memref<10240x128xf32, #tpu.memory_space<vmem_shared>> -> memref<128x128xf32, #tpu.memory_space<vmem_shared>>
      %dma_start3A_618 = arith.constant 0 : i32
      %dma_start3A_619 = tpu.memref_slice %arg12[%add3A_429, %dma_start3A_618] : memref<10240x128xf32, #tpu.memory_space<vmem_shared>> -> memref<128x128xf32, #tpu.memory_space<vmem_shared>>
      tpu.enqueue_dma source(%arg10 : memref<128x128xf32, #tpu.memory_space<vmem>>) target(%dma_start3A_619 : memref<128x128xf32, #tpu.memory_space<vmem_shared>>) target_semaphore(%run_scoped3A : memref<!tpu.dma_semaphore, #tpu.memory_space<semaphore_mem>>)
      %dma_wait3A_620 = arith.constant 0 : i32
      %dma_wait3A_621 = tpu.memref_slice %arg12[%add3A_429, %dma_wait3A_620] : memref<10240x128xf32, #tpu.memory_space<vmem_shared>> -> memref<128x128xf32, #tpu.memory_space<vmem_shared>>
      %dma_wait3A_622 = arith.constant 0 : i32
      %dma_wait3A_623 = tpu.memref_slice %arg12[%add3A_429, %dma_wait3A_622] : memref<10240x128xf32, #tpu.memory_space<vmem_shared>> -> memref<128x128xf32, #tpu.memory_space<vmem_shared>>
      tpu.wait_dma2 semaphore(%run_scoped3A : memref<!tpu.dma_semaphore, #tpu.memory_space<semaphore_mem>>) src(%arg10 : memref<128x128xf32, #tpu.memory_space<vmem>>) dst(%dma_wait3A_623 : memref<128x128xf32, #tpu.memory_space<vmem_shared>>)
      tpu.yield
    }) : () -> ()
    %mul3A_430 = arith.constant 640 : i32
    %mul3A_431 = arith.muli %arg1, %mul3A_430 : i32
    %add3A_432 = arith.constant 512 : i32
    %add3A_433 = arith.addi %mul3A_431, %add3A_432 : i32
    "tpu.region"() ({
      %run_scoped3A = tpu.sem_alloc : memref<!tpu.dma_semaphore, #tpu.memory_space<semaphore_mem>>
      %dma_start3A_616 = arith.constant 0 : i32
      %dma_start3A_617 = tpu.memref_slice %arg12[%add3A_433, %dma_start3A_616] : memref<10240x128xf32, #tpu.memory_space<vmem_shared>> -> memref<128x128xf32, #tpu.memory_space<vmem_shared>>
      %dma_start3A_618 = arith.constant 0 : i32
      %dma_start3A_619 = tpu.memref_slice %arg12[%add3A_433, %dma_start3A_618] : memref<10240x128xf32, #tpu.memory_space<vmem_shared>> -> memref<128x128xf32, #tpu.memory_space<vmem_shared>>
      tpu.enqueue_dma source(%arg10 : memref<128x128xf32, #tpu.memory_space<vmem>>) target(%dma_start3A_619 : memref<128x128xf32, #tpu.memory_space<vmem_shared>>) target_semaphore(%run_scoped3A : memref<!tpu.dma_semaphore, #tpu.memory_space<semaphore_mem>>)
      %dma_wait3A_620 = arith.constant 0 : i32
      %dma_wait3A_621 = tpu.memref_slice %arg12[%add3A_433, %dma_wait3A_620] : memref<10240x128xf32, #tpu.memory_space<vmem_shared>> -> memref<128x128xf32, #tpu.memory_space<vmem_shared>>
      %dma_wait3A_622 = arith.constant 0 : i32
      %dma_wait3A_623 = tpu.memref_slice %arg12[%add3A_433, %dma_wait3A_622] : memref<10240x128xf32, #tpu.memory_space<vmem_shared>> -> memref<128x128xf32, #tpu.memory_space<vmem_shared>>
      tpu.wait_dma2 semaphore(%run_scoped3A : memref<!tpu.dma_semaphore, #tpu.memory_space<semaphore_mem>>) src(%arg10 : memref<128x128xf32, #tpu.memory_space<vmem>>) dst(%dma_wait3A_623 : memref<128x128xf32, #tpu.memory_space<vmem_shared>>)
      tpu.yield
    }) : () -> ()
    %barrier3A_434 = arith.constant 0 : index
    tpu.barrier barrier_id(%barrier3A_434)
    %dma_start3A_435 = arith.constant 0 : i32
    %dma_start3A_436 = arith.constant 0 : i32
    %dma_start3A_437 = arith.constant 0 : i32
    %dma_start3A_438 = arith.constant 0 : i32
    %dma_start3A_439 = tpu.memref_slice %arg8[%dma_start3A_436, %dma_start3A_437, %dma_start3A_438] : memref<4x2x128xi32, #tpu.memory_space<vmem>> -> memref<1x2x128xi32, #tpu.memory_space<vmem>>
    %dma_start3A_440 = tpu.memref_squeeze %dma_start3A_439 : memref<1x2x128xi32, #tpu.memory_space<vmem>> -> memref<2x128xi32, #tpu.memory_space<vmem>>
    %dma_start3A_441 = arith.constant 0 : i32
    %dma_start3A_442 = arith.constant 0 : i32
    %dma_start3A_443 = arith.constant 0 : i32
    %dma_start3A_444 = tpu.memref_slice %arg3[%arg1, %dma_start3A_441, %dma_start3A_442, %dma_start3A_443] : memref<16x80x2x128xi32, #tpu.memory_space<hbm>> -> memref<1x80x2x128xi32, #tpu.memory_space<hbm>>
    %dma_start3A_445 = tpu.memref_squeeze %dma_start3A_444 : memref<1x80x2x128xi32, #tpu.memory_space<hbm>> -> memref<80x2x128xi32, #tpu.memory_space<hbm>>
    %dma_start3A_446 = arith.constant 0 : i32
    %dma_start3A_447 = arith.constant 0 : i32
    %dma_start3A_448 = tpu.memref_slice %dma_start3A_445[%dma_start3A_435, %dma_start3A_446, %dma_start3A_447] : memref<80x2x128xi32, #tpu.memory_space<hbm>> -> memref<1x2x128xi32, #tpu.memory_space<hbm>>
    %dma_start3A_449 = tpu.memref_squeeze %dma_start3A_448 : memref<1x2x128xi32, #tpu.memory_space<hbm>> -> memref<2x128xi32, #tpu.memory_space<hbm>>
    %dma_start3A_450 = arith.constant 0 : i32
    %dma_start3A_451 = arith.constant 0 : i32
    %dma_start3A_452 = tpu.memref_slice %arg8[%dma_start3A_436, %dma_start3A_450, %dma_start3A_451] : memref<4x2x128xi32, #tpu.memory_space<vmem>> -> memref<1x2x128xi32, #tpu.memory_space<vmem>>
    %dma_start3A_453 = tpu.memref_squeeze %dma_start3A_452 : memref<1x2x128xi32, #tpu.memory_space<vmem>> -> memref<2x128xi32, #tpu.memory_space<vmem>>
    %dma_start3A_454 = arith.constant 0 : i32
    %dma_start3A_455 = arith.constant 0 : i32
    %dma_start3A_456 = arith.constant 0 : i32
    %dma_start3A_457 = tpu.memref_slice %arg3[%arg1, %dma_start3A_454, %dma_start3A_455, %dma_start3A_456] : memref<16x80x2x128xi32, #tpu.memory_space<hbm>> -> memref<1x80x2x128xi32, #tpu.memory_space<hbm>>
    %dma_start3A_458 = tpu.memref_squeeze %dma_start3A_457 : memref<1x80x2x128xi32, #tpu.memory_space<hbm>> -> memref<80x2x128xi32, #tpu.memory_space<hbm>>
    %dma_start3A_459 = arith.constant 0 : i32
    %dma_start3A_460 = arith.constant 0 : i32
    %dma_start3A_461 = tpu.memref_slice %dma_start3A_458[%dma_start3A_435, %dma_start3A_459, %dma_start3A_460] : memref<80x2x128xi32, #tpu.memory_space<hbm>> -> memref<1x2x128xi32, #tpu.memory_space<hbm>>
    %dma_start3A_462 = tpu.memref_squeeze %dma_start3A_461 : memref<1x2x128xi32, #tpu.memory_space<hbm>> -> memref<2x128xi32, #tpu.memory_space<hbm>>
    tpu.enqueue_dma source(%dma_start3A_462 : memref<2x128xi32, #tpu.memory_space<hbm>>) target(%dma_start3A_453 : memref<2x128xi32, #tpu.memory_space<vmem>>) target_semaphore(%arg13 : memref<!tpu.dma_semaphore, #tpu.memory_space<semaphore_mem>>)
    %dma_start3A_463 = arith.constant 0 : i32
    %dma_start3A_464 = arith.constant 0 : i32
    %dma_start3A_465 = arith.constant 0 : i32
    %dma_start3A_466 = tpu.memref_slice %arg9[%dma_start3A_464, %dma_start3A_465] : memref<4x128xf32, #tpu.memory_space<vmem>> -> memref<1x128xf32, #tpu.memory_space<vmem>>
    %dma_start3A_467 = tpu.memref_squeeze %dma_start3A_466 : memref<1x128xf32, #tpu.memory_space<vmem>> -> memref<128xf32, #tpu.memory_space<vmem>>
    %dma_start3A_468 = arith.constant 0 : i32
    %dma_start3A_469 = arith.constant 0 : i32
    %dma_start3A_470 = tpu.memref_slice %arg4[%arg1, %dma_start3A_468, %dma_start3A_469] : memref<16x80x128xf32, #tpu.memory_space<hbm>> -> memref<1x80x128xf32, #tpu.memory_space<hbm>>
    %dma_start3A_471 = tpu.memref_squeeze %dma_start3A_470 : memref<1x80x128xf32, #tpu.memory_space<hbm>> -> memref<80x128xf32, #tpu.memory_space<hbm>>
    %dma_start3A_472 = arith.constant 0 : i32
    %dma_start3A_473 = tpu.memref_slice %dma_start3A_471[%dma_start3A_463, %dma_start3A_472] : memref<80x128xf32, #tpu.memory_space<hbm>> -> memref<1x128xf32, #tpu.memory_space<hbm>>
    %dma_start3A_474 = tpu.memref_squeeze %dma_start3A_473 : memref<1x128xf32, #tpu.memory_space<hbm>> -> memref<128xf32, #tpu.memory_space<hbm>>
    %dma_start3A_475 = arith.constant 0 : i32
    %dma_start3A_476 = tpu.memref_slice %arg9[%dma_start3A_464, %dma_start3A_475] : memref<4x128xf32, #tpu.memory_space<vmem>> -> memref<1x128xf32, #tpu.memory_space<vmem>>
    %dma_start3A_477 = tpu.memref_squeeze %dma_start3A_476 : memref<1x128xf32, #tpu.memory_space<vmem>> -> memref<128xf32, #tpu.memory_space<vmem>>
    %dma_start3A_478 = arith.constant 0 : i32
    %dma_start3A_479 = arith.constant 0 : i32
    %dma_start3A_480 = tpu.memref_slice %arg4[%arg1, %dma_start3A_478, %dma_start3A_479] : memref<16x80x128xf32, #tpu.memory_space<hbm>> -> memref<1x80x128xf32, #tpu.memory_space<hbm>>
    %dma_start3A_481 = tpu.memref_squeeze %dma_start3A_480 : memref<1x80x128xf32, #tpu.memory_space<hbm>> -> memref<80x128xf32, #tpu.memory_space<hbm>>
    %dma_start3A_482 = arith.constant 0 : i32
    %dma_start3A_483 = tpu.memref_slice %dma_start3A_481[%dma_start3A_463, %dma_start3A_482] : memref<80x128xf32, #tpu.memory_space<hbm>> -> memref<1x128xf32, #tpu.memory_space<hbm>>
    %dma_start3A_484 = tpu.memref_squeeze %dma_start3A_483 : memref<1x128xf32, #tpu.memory_space<hbm>> -> memref<128xf32, #tpu.memory_space<hbm>>
    tpu.enqueue_dma source(%dma_start3A_484 : memref<128xf32, #tpu.memory_space<hbm>>) target(%dma_start3A_477 : memref<128xf32, #tpu.memory_space<vmem>>) target_semaphore(%arg13 : memref<!tpu.dma_semaphore, #tpu.memory_space<semaphore_mem>>)
    %dma_start3A_485 = arith.constant 1 : i32
    %dma_start3A_486 = arith.constant 1 : i32
    %dma_start3A_487 = arith.constant 0 : i32
    %dma_start3A_488 = arith.constant 0 : i32
    %dma_start3A_489 = tpu.memref_slice %arg8[%dma_start3A_486, %dma_start3A_487, %dma_start3A_488] : memref<4x2x128xi32, #tpu.memory_space<vmem>> -> memref<1x2x128xi32, #tpu.memory_space<vmem>>
    %dma_start3A_490 = tpu.memref_squeeze %dma_start3A_489 : memref<1x2x128xi32, #tpu.memory_space<vmem>> -> memref<2x128xi32, #tpu.memory_space<vmem>>
    %dma_start3A_491 = arith.constant 0 : i32
    %dma_start3A_492 = arith.constant 0 : i32
    %dma_start3A_493 = arith.constant 0 : i32
    %dma_start3A_494 = tpu.memref_slice %arg3[%arg1, %dma_start3A_491, %dma_start3A_492, %dma_start3A_493] : memref<16x80x2x128xi32, #tpu.memory_space<hbm>> -> memref<1x80x2x128xi32, #tpu.memory_space<hbm>>
    %dma_start3A_495 = tpu.memref_squeeze %dma_start3A_494 : memref<1x80x2x128xi32, #tpu.memory_space<hbm>> -> memref<80x2x128xi32, #tpu.memory_space<hbm>>
    %dma_start3A_496 = arith.constant 0 : i32
    %dma_start3A_497 = arith.constant 0 : i32
    %dma_start3A_498 = tpu.memref_slice %dma_start3A_495[%dma_start3A_485, %dma_start3A_496, %dma_start3A_497] : memref<80x2x128xi32, #tpu.memory_space<hbm>> -> memref<1x2x128xi32, #tpu.memory_space<hbm>>
    %dma_start3A_499 = tpu.memref_squeeze %dma_start3A_498 : memref<1x2x128xi32, #tpu.memory_space<hbm>> -> memref<2x128xi32, #tpu.memory_space<hbm>>
    %dma_start3A_500 = arith.constant 0 : i32
    %dma_start3A_501 = arith.constant 0 : i32
    %dma_start3A_502 = tpu.memref_slice %arg8[%dma_start3A_486, %dma_start3A_500, %dma_start3A_501] : memref<4x2x128xi32, #tpu.memory_space<vmem>> -> memref<1x2x128xi32, #tpu.memory_space<vmem>>
    %dma_start3A_503 = tpu.memref_squeeze %dma_start3A_502 : memref<1x2x128xi32, #tpu.memory_space<vmem>> -> memref<2x128xi32, #tpu.memory_space<vmem>>
    %dma_start3A_504 = arith.constant 0 : i32
    %dma_start3A_505 = arith.constant 0 : i32
    %dma_start3A_506 = arith.constant 0 : i32
    %dma_start3A_507 = tpu.memref_slice %arg3[%arg1, %dma_start3A_504, %dma_start3A_505, %dma_start3A_506] : memref<16x80x2x128xi32, #tpu.memory_space<hbm>> -> memref<1x80x2x128xi32, #tpu.memory_space<hbm>>
    %dma_start3A_508 = tpu.memref_squeeze %dma_start3A_507 : memref<1x80x2x128xi32, #tpu.memory_space<hbm>> -> memref<80x2x128xi32, #tpu.memory_space<hbm>>
    %dma_start3A_509 = arith.constant 0 : i32
    %dma_start3A_510 = arith.constant 0 : i32
    %dma_start3A_511 = tpu.memref_slice %dma_start3A_508[%dma_start3A_485, %dma_start3A_509, %dma_start3A_510] : memref<80x2x128xi32, #tpu.memory_space<hbm>> -> memref<1x2x128xi32, #tpu.memory_space<hbm>>
    %dma_start3A_512 = tpu.memref_squeeze %dma_start3A_511 : memref<1x2x128xi32, #tpu.memory_space<hbm>> -> memref<2x128xi32, #tpu.memory_space<hbm>>
    tpu.enqueue_dma source(%dma_start3A_512 : memref<2x128xi32, #tpu.memory_space<hbm>>) target(%dma_start3A_503 : memref<2x128xi32, #tpu.memory_space<vmem>>) target_semaphore(%arg14 : memref<!tpu.dma_semaphore, #tpu.memory_space<semaphore_mem>>)
    %dma_start3A_513 = arith.constant 1 : i32
    %dma_start3A_514 = arith.constant 1 : i32
    %dma_start3A_515 = arith.constant 0 : i32
    %dma_start3A_516 = tpu.memref_slice %arg9[%dma_start3A_514, %dma_start3A_515] : memref<4x128xf32, #tpu.memory_space<vmem>> -> memref<1x128xf32, #tpu.memory_space<vmem>>
    %dma_start3A_517 = tpu.memref_squeeze %dma_start3A_516 : memref<1x128xf32, #tpu.memory_space<vmem>> -> memref<128xf32, #tpu.memory_space<vmem>>
    %dma_start3A_518 = arith.constant 0 : i32
    %dma_start3A_519 = arith.constant 0 : i32
    %dma_start3A_520 = tpu.memref_slice %arg4[%arg1, %dma_start3A_518, %dma_start3A_519] : memref<16x80x128xf32, #tpu.memory_space<hbm>> -> memref<1x80x128xf32, #tpu.memory_space<hbm>>
    %dma_start3A_521 = tpu.memref_squeeze %dma_start3A_520 : memref<1x80x128xf32, #tpu.memory_space<hbm>> -> memref<80x128xf32, #tpu.memory_space<hbm>>
    %dma_start3A_522 = arith.constant 0 : i32
    %dma_start3A_523 = tpu.memref_slice %dma_start3A_521[%dma_start3A_513, %dma_start3A_522] : memref<80x128xf32, #tpu.memory_space<hbm>> -> memref<1x128xf32, #tpu.memory_space<hbm>>
    %dma_start3A_524 = tpu.memref_squeeze %dma_start3A_523 : memref<1x128xf32, #tpu.memory_space<hbm>> -> memref<128xf32, #tpu.memory_space<hbm>>
    %dma_start3A_525 = arith.constant 0 : i32
    %dma_start3A_526 = tpu.memref_slice %arg9[%dma_start3A_514, %dma_start3A_525] : memref<4x128xf32, #tpu.memory_space<vmem>> -> memref<1x128xf32, #tpu.memory_space<vmem>>
    %dma_start3A_527 = tpu.memref_squeeze %dma_start3A_526 : memref<1x128xf32, #tpu.memory_space<vmem>> -> memref<128xf32, #tpu.memory_space<vmem>>
    %dma_start3A_528 = arith.constant 0 : i32
    %dma_start3A_529 = arith.constant 0 : i32
    %dma_start3A_530 = tpu.memref_slice %arg4[%arg1, %dma_start3A_528, %dma_start3A_529] : memref<16x80x128xf32, #tpu.memory_space<hbm>> -> memref<1x80x128xf32, #tpu.memory_space<hbm>>
    %dma_start3A_531 = tpu.memref_squeeze %dma_start3A_530 : memref<1x80x128xf32, #tpu.memory_space<hbm>> -> memref<80x128xf32, #tpu.memory_space<hbm>>
    %dma_start3A_532 = arith.constant 0 : i32
    %dma_start3A_533 = tpu.memref_slice %dma_start3A_531[%dma_start3A_513, %dma_start3A_532] : memref<80x128xf32, #tpu.memory_space<hbm>> -> memref<1x128xf32, #tpu.memory_space<hbm>>
    %dma_start3A_534 = tpu.memref_squeeze %dma_start3A_533 : memref<1x128xf32, #tpu.memory_space<hbm>> -> memref<128xf32, #tpu.memory_space<hbm>>
    tpu.enqueue_dma source(%dma_start3A_534 : memref<128xf32, #tpu.memory_space<hbm>>) target(%dma_start3A_527 : memref<128xf32, #tpu.memory_space<vmem>>) target_semaphore(%arg14 : memref<!tpu.dma_semaphore, #tpu.memory_space<semaphore_mem>>)
    %dma_wait3A_535 = arith.constant 0 : i32
    %dma_wait3A_536 = arith.constant 0 : i32
    %dma_wait3A_537 = arith.constant 0 : i32
    %dma_wait3A_538 = arith.constant 0 : i32
    %dma_wait3A_539 = tpu.memref_slice %arg8[%dma_wait3A_536, %dma_wait3A_537, %dma_wait3A_538] : memref<4x2x128xi32, #tpu.memory_space<vmem>> -> memref<1x2x128xi32, #tpu.memory_space<vmem>>
    %dma_wait3A_540 = tpu.memref_squeeze %dma_wait3A_539 : memref<1x2x128xi32, #tpu.memory_space<vmem>> -> memref<2x128xi32, #tpu.memory_space<vmem>>
    %dma_wait3A_541 = arith.constant 0 : i32
    %dma_wait3A_542 = arith.constant 0 : i32
    %dma_wait3A_543 = arith.constant 0 : i32
    %dma_wait3A_544 = tpu.memref_slice %arg3[%arg1, %dma_wait3A_541, %dma_wait3A_542, %dma_wait3A_543] : memref<16x80x2x128xi32, #tpu.memory_space<hbm>> -> memref<1x80x2x128xi32, #tpu.memory_space<hbm>>
    %dma_wait3A_545 = tpu.memref_squeeze %dma_wait3A_544 : memref<1x80x2x128xi32, #tpu.memory_space<hbm>> -> memref<80x2x128xi32, #tpu.memory_space<hbm>>
    %dma_wait3A_546 = arith.constant 0 : i32
    %dma_wait3A_547 = arith.constant 0 : i32
    %dma_wait3A_548 = tpu.memref_slice %dma_wait3A_545[%dma_wait3A_535, %dma_wait3A_546, %dma_wait3A_547] : memref<80x2x128xi32, #tpu.memory_space<hbm>> -> memref<1x2x128xi32, #tpu.memory_space<hbm>>
    %dma_wait3A_549 = tpu.memref_squeeze %dma_wait3A_548 : memref<1x2x128xi32, #tpu.memory_space<hbm>> -> memref<2x128xi32, #tpu.memory_space<hbm>>
    %dma_wait3A_550 = arith.constant 0 : i32
    %dma_wait3A_551 = arith.constant 0 : i32
    %dma_wait3A_552 = tpu.memref_slice %arg8[%dma_wait3A_536, %dma_wait3A_550, %dma_wait3A_551] : memref<4x2x128xi32, #tpu.memory_space<vmem>> -> memref<1x2x128xi32, #tpu.memory_space<vmem>>
    %dma_wait3A_553 = tpu.memref_squeeze %dma_wait3A_552 : memref<1x2x128xi32, #tpu.memory_space<vmem>> -> memref<2x128xi32, #tpu.memory_space<vmem>>
    %dma_wait3A_554 = arith.constant 0 : i32
    %dma_wait3A_555 = arith.constant 0 : i32
    %dma_wait3A_556 = arith.constant 0 : i32
    %dma_wait3A_557 = tpu.memref_slice %arg3[%arg1, %dma_wait3A_554, %dma_wait3A_555, %dma_wait3A_556] : memref<16x80x2x128xi32, #tpu.memory_space<hbm>> -> memref<1x80x2x128xi32, #tpu.memory_space<hbm>>
    %dma_wait3A_558 = tpu.memref_squeeze %dma_wait3A_557 : memref<1x80x2x128xi32, #tpu.memory_space<hbm>> -> memref<80x2x128xi32, #tpu.memory_space<hbm>>
    %dma_wait3A_559 = arith.constant 0 : i32
    %dma_wait3A_560 = arith.constant 0 : i32
    %dma_wait3A_561 = tpu.memref_slice %dma_wait3A_558[%dma_wait3A_535, %dma_wait3A_559, %dma_wait3A_560] : memref<80x2x128xi32, #tpu.memory_space<hbm>> -> memref<1x2x128xi32, #tpu.memory_space<hbm>>
    %dma_wait3A_562 = tpu.memref_squeeze %dma_wait3A_561 : memref<1x2x128xi32, #tpu.memory_space<hbm>> -> memref<2x128xi32, #tpu.memory_space<hbm>>
    tpu.wait_dma2 semaphore(%arg13 : memref<!tpu.dma_semaphore, #tpu.memory_space<semaphore_mem>>) src(%dma_wait3A_562 : memref<2x128xi32, #tpu.memory_space<hbm>>) dst(%dma_wait3A_553 : memref<2x128xi32, #tpu.memory_space<vmem>>)
    %dma_wait3A_563 = arith.constant 0 : i32
    %dma_wait3A_564 = arith.constant 0 : i32
    %dma_wait3A_565 = arith.constant 0 : i32
    %dma_wait3A_566 = tpu.memref_slice %arg9[%dma_wait3A_564, %dma_wait3A_565] : memref<4x128xf32, #tpu.memory_space<vmem>> -> memref<1x128xf32, #tpu.memory_space<vmem>>
    %dma_wait3A_567 = tpu.memref_squeeze %dma_wait3A_566 : memref<1x128xf32, #tpu.memory_space<vmem>> -> memref<128xf32, #tpu.memory_space<vmem>>
    %dma_wait3A_568 = arith.constant 0 : i32
    %dma_wait3A_569 = arith.constant 0 : i32
    %dma_wait3A_570 = tpu.memref_slice %arg4[%arg1, %dma_wait3A_568, %dma_wait3A_569] : memref<16x80x128xf32, #tpu.memory_space<hbm>> -> memref<1x80x128xf32, #tpu.memory_space<hbm>>
    %dma_wait3A_571 = tpu.memref_squeeze %dma_wait3A_570 : memref<1x80x128xf32, #tpu.memory_space<hbm>> -> memref<80x128xf32, #tpu.memory_space<hbm>>
    %dma_wait3A_572 = arith.constant 0 : i32
    %dma_wait3A_573 = tpu.memref_slice %dma_wait3A_571[%dma_wait3A_563, %dma_wait3A_572] : memref<80x128xf32, #tpu.memory_space<hbm>> -> memref<1x128xf32, #tpu.memory_space<hbm>>
    %dma_wait3A_574 = tpu.memref_squeeze %dma_wait3A_573 : memref<1x128xf32, #tpu.memory_space<hbm>> -> memref<128xf32, #tpu.memory_space<hbm>>
    %dma_wait3A_575 = arith.constant 0 : i32
    %dma_wait3A_576 = tpu.memref_slice %arg9[%dma_wait3A_564, %dma_wait3A_575] : memref<4x128xf32, #tpu.memory_space<vmem>> -> memref<1x128xf32, #tpu.memory_space<vmem>>
    %dma_wait3A_577 = tpu.memref_squeeze %dma_wait3A_576 : memref<1x128xf32, #tpu.memory_space<vmem>> -> memref<128xf32, #tpu.memory_space<vmem>>
    %dma_wait3A_578 = arith.constant 0 : i32
    %dma_wait3A_579 = arith.constant 0 : i32
    %dma_wait3A_580 = tpu.memref_slice %arg4[%arg1, %dma_wait3A_578, %dma_wait3A_579] : memref<16x80x128xf32, #tpu.memory_space<hbm>> -> memref<1x80x128xf32, #tpu.memory_space<hbm>>
    %dma_wait3A_581 = tpu.memref_squeeze %dma_wait3A_580 : memref<1x80x128xf32, #tpu.memory_space<hbm>> -> memref<80x128xf32, #tpu.memory_space<hbm>>
    %dma_wait3A_582 = arith.constant 0 : i32
    %dma_wait3A_583 = tpu.memref_slice %dma_wait3A_581[%dma_wait3A_563, %dma_wait3A_582] : memref<80x128xf32, #tpu.memory_space<hbm>> -> memref<1x128xf32, #tpu.memory_space<hbm>>
    %dma_wait3A_584 = tpu.memref_squeeze %dma_wait3A_583 : memref<1x128xf32, #tpu.memory_space<hbm>> -> memref<128xf32, #tpu.memory_space<hbm>>
    tpu.wait_dma2 semaphore(%arg13 : memref<!tpu.dma_semaphore, #tpu.memory_space<semaphore_mem>>) src(%dma_wait3A_584 : memref<128xf32, #tpu.memory_space<hbm>>) dst(%dma_wait3A_577 : memref<128xf32, #tpu.memory_space<vmem>>)
    %dma_start3A_585 = arith.constant 0 : i32
    %dma_start3A_586 = arith.constant 0 : i32
    %dma_start3A_587 = arith.constant 0 : i32
    %dma_start3A_588 = tpu.memref_slice %arg8[%dma_start3A_585, %dma_start3A_586, %dma_start3A_587] : memref<4x2x128xi32, #tpu.memory_space<vmem>> -> memref<1x1x128xi32, #tpu.memory_space<vmem>>
    %dma_start3A_589 = tpu.memref_squeeze %dma_start3A_588 : memref<1x1x128xi32, #tpu.memory_space<vmem>> -> memref<128xi32, #tpu.memory_space<vmem>>
    %dma_start3A_590 = arith.constant 0 : i32
    %dma_start3A_591 = arith.constant 0 : i32
    %dma_start3A_592 = tpu.memref_slice %arg6[%arg0, %dma_start3A_590, %dma_start3A_591] : memref<2x10240x128xf32, #tpu.memory_space<hbm>> -> memref<1x10240x128xf32, #tpu.memory_space<hbm>>
    %dma_start3A_593 = tpu.memref_squeeze %dma_start3A_592 : memref<1x10240x128xf32, #tpu.memory_space<hbm>> -> memref<10240x128xf32, #tpu.memory_space<hbm>>
    %dma_start3A_594 = arith.constant 0 : i32
    %dma_start3A_595 = arith.constant 0 : i32
    %dma_start3A_596 = tpu.memref_slice %dma_start3A_593[%dma_start3A_594, %dma_start3A_595] : memref<10240x128xf32, #tpu.memory_space<hbm>> -> memref<10240x128xf32, #tpu.memory_space<hbm>>
    tpu.enqueue_indirect_dma source(%dma_start3A_596 : memref<10240x128xf32, #tpu.memory_space<hbm>>) target(%arg10 : memref<128x128xf32, #tpu.memory_space<vmem>>) offsets(%dma_start3A_589 : memref<128xi32, #tpu.memory_space<vmem>>) semaphore(%arg17 : memref<!tpu.dma_semaphore, #tpu.memory_space<semaphore_mem>>)
    %scan3A_597 = arith.constant 0 : i32
    %scan3A_598 = arith.constant 20 : i32
    %scan3A_599 = arith.addi %scan3A_597, %scan3A_598 : i32
    %scan3A_600 = arith.constant 1 : i32
    scf.for %scan3A_616 = %scan3A_597 to %scan3A_599 step %scan3A_600  : i32 {
      %mul3A_617 = arith.constant 1 : i32
      %mul3A_618 = arith.muli %scan3A_616, %mul3A_617 : i32
      %add3A_619 = arith.constant 0 : i32
      %add3A_620 = arith.addi %add3A_619, %mul3A_618 : i32
      %mul3A_621 = arith.constant 4 : i32
      %mul3A_622 = arith.muli %mul3A_621, %add3A_620 : i32
      %add3A_623 = arith.constant 0 : i32
      %add3A_624 = arith.addi %mul3A_622, %add3A_623 : i32
      %dma_wait3A_625 = arith.constant 0 : i32
      %dma_wait3A_626 = arith.constant 0 : i32
      %dma_wait3A_627 = arith.constant 0 : i32
      %dma_wait3A_628 = tpu.memref_slice %arg8[%dma_wait3A_625, %dma_wait3A_626, %dma_wait3A_627] : memref<4x2x128xi32, #tpu.memory_space<vmem>> -> memref<1x1x128xi32, #tpu.memory_space<vmem>>
      %dma_wait3A_629 = tpu.memref_squeeze %dma_wait3A_628 : memref<1x1x128xi32, #tpu.memory_space<vmem>> -> memref<128xi32, #tpu.memory_space<vmem>>
      %dma_wait3A_630 = arith.constant 0 : i32
      %dma_wait3A_631 = arith.constant 0 : i32
      %dma_wait3A_632 = tpu.memref_slice %arg6[%arg0, %dma_wait3A_630, %dma_wait3A_631] : memref<2x10240x128xf32, #tpu.memory_space<hbm>> -> memref<1x10240x128xf32, #tpu.memory_space<hbm>>
      %dma_wait3A_633 = tpu.memref_squeeze %dma_wait3A_632 : memref<1x10240x128xf32, #tpu.memory_space<hbm>> -> memref<10240x128xf32, #tpu.memory_space<hbm>>
      %dma_wait3A_634 = arith.constant 0 : i32
      %dma_wait3A_635 = arith.constant 0 : i32
      %dma_wait3A_636 = tpu.memref_slice %dma_wait3A_633[%dma_wait3A_634, %dma_wait3A_635] : memref<10240x128xf32, #tpu.memory_space<hbm>> -> memref<10240x128xf32, #tpu.memory_space<hbm>>
      tpu.wait_indirect_dma semaphore(%arg17 : memref<!tpu.dma_semaphore, #tpu.memory_space<semaphore_mem>>) src(%dma_wait3A_636 : memref<10240x128xf32, #tpu.memory_space<hbm>>) dst(%arg10 : memref<128x128xf32, #tpu.memory_space<vmem>>)
      %broadcast_in_dim3A_637 = arith.constant 0 : i32
      %broadcast_in_dim3A_638 = vector.broadcast %broadcast_in_dim3A_637 : i32 to vector<16xi32>
      %scan3A_639 = arith.constant 0 : i32
      %scan3A_640 = arith.constant 128 : i32
      %scan3A_641 = arith.addi %scan3A_639, %scan3A_640 : i32
      %scan3A_642 = arith.constant 1 : i32
      scf.for %scan3A_826 = %scan3A_639 to %scan3A_641 step %scan3A_642  : i32 {
        %mul3A_827 = arith.constant 1 : i32
        %mul3A_828 = arith.muli %scan3A_826, %mul3A_827 : i32
        %add3A_829 = arith.constant 0 : i32
        %add3A_830 = arith.addi %add3A_829, %mul3A_828 : i32
        %broadcast_in_dim3A_831 = vector.broadcast %add3A_830 : i32 to vector<16xi32>
        %gather3A = tpu.vector_load_idx %arg9[%broadcast_in_dim3A_638, %broadcast_in_dim3A_831] : memref<4x128xf32, #tpu.memory_space<vmem>>[vector<16xi32>, vector<16xi32>], vector<16xf32>,
        %get3A = arith.index_cast %add3A_830 : i32 to index
        %get3A_832 = arith.constant 0 : index
        %get3A_833 = tpu.vector_load %arg10[%get3A, %get3A_832] {strides = array<i32>} : memref<128x128xf32, #tpu.memory_space<vmem>>, vector<16xf32>,
        %mul3A_834 = arith.mulf %get3A_833, %gather3A : vector<16xf32>
        %swap3A = arith.index_cast %add3A_830 : i32 to index
        %swap3A_835 = arith.constant 0 : index
        %swap3A_836 = tpu.vector_load %arg10[%swap3A, %swap3A_835] {strides = array<i32>} : memref<128x128xf32, #tpu.memory_space<vmem>>, vector<16xf32>,
        tpu.vector_store %arg10[%swap3A, %swap3A_835], %mul3A_834 {strides = array<i32>} : memref<128x128xf32, #tpu.memory_space<vmem>>, vector<16xf32>,
        %get3A_837 = arith.index_cast %add3A_830 : i32 to index
        %get3A_838 = arith.constant 16 : index
        %get3A_839 = tpu.vector_load %arg10[%get3A_837, %get3A_838] {strides = array<i32>} : memref<128x128xf32, #tpu.memory_space<vmem>>, vector<16xf32>,
        %mul3A_840 = arith.mulf %get3A_839, %gather3A : vector<16xf32>
        %swap3A_841 = arith.index_cast %add3A_830 : i32 to index
        %swap3A_842 = arith.constant 16 : index
        %swap3A_843 = tpu.vector_load %arg10[%swap3A_841, %swap3A_842] {strides = array<i32>} : memref<128x128xf32, #tpu.memory_space<vmem>>, vector<16xf32>,
        tpu.vector_store %arg10[%swap3A_841, %swap3A_842], %mul3A_840 {strides = array<i32>} : memref<128x128xf32, #tpu.memory_space<vmem>>, vector<16xf32>,
        %get3A_844 = arith.index_cast %add3A_830 : i32 to index
        %get3A_845 = arith.constant 32 : index
        %get3A_846 = tpu.vector_load %arg10[%get3A_844, %get3A_845] {strides = array<i32>} : memref<128x128xf32, #tpu.memory_space<vmem>>, vector<16xf32>,
        %mul3A_847 = arith.mulf %get3A_846, %gather3A : vector<16xf32>
        %swap3A_848 = arith.index_cast %add3A_830 : i32 to index
        %swap3A_849 = arith.constant 32 : index
        %swap3A_850 = tpu.vector_load %arg10[%swap3A_848, %swap3A_849] {strides = array<i32>} : memref<128x128xf32, #tpu.memory_space<vmem>>, vector<16xf32>,
        tpu.vector_store %arg10[%swap3A_848, %swap3A_849], %mul3A_847 {strides = array<i32>} : memref<128x128xf32, #tpu.memory_space<vmem>>, vector<16xf32>,
        %get3A_851 = arith.index_cast %add3A_830 : i32 to index
        %get3A_852 = arith.constant 48 : index
        %get3A_853 = tpu.vector_load %arg10[%get3A_851, %get3A_852] {strides = array<i32>} : memref<128x128xf32, #tpu.memory_space<vmem>>, vector<16xf32>,
        %mul3A_854 = arith.mulf %get3A_853, %gather3A : vector<16xf32>
        %swap3A_855 = arith.index_cast %add3A_830 : i32 to index
        %swap3A_856 = arith.constant 48 : index
        %swap3A_857 = tpu.vector_load %arg10[%swap3A_855, %swap3A_856] {strides = array<i32>} : memref<128x128xf32, #tpu.memory_space<vmem>>, vector<16xf32>,
        tpu.vector_store %arg10[%swap3A_855, %swap3A_856], %mul3A_854 {strides = array<i32>} : memref<128x128xf32, #tpu.memory_space<vmem>>, vector<16xf32>,
        %get3A_858 = arith.index_cast %add3A_830 : i32 to index
        %get3A_859 = arith.constant 64 : index
        %get3A_860 = tpu.vector_load %arg10[%get3A_858, %get3A_859] {strides = array<i32>} : memref<128x128xf32, #tpu.memory_space<vmem>>, vector<16xf32>,
        %mul3A_861 = arith.mulf %get3A_860, %gather3A : vector<16xf32>
        %swap3A_862 = arith.index_cast %add3A_830 : i32 to index
        %swap3A_863 = arith.constant 64 : index
        %swap3A_864 = tpu.vector_load %arg10[%swap3A_862, %swap3A_863] {strides = array<i32>} : memref<128x128xf32, #tpu.memory_space<vmem>>, vector<16xf32>,
        tpu.vector_store %arg10[%swap3A_862, %swap3A_863], %mul3A_861 {strides = array<i32>} : memref<128x128xf32, #tpu.memory_space<vmem>>, vector<16xf32>,
        %get3A_865 = arith.index_cast %add3A_830 : i32 to index
        %get3A_866 = arith.constant 80 : index
        %get3A_867 = tpu.vector_load %arg10[%get3A_865, %get3A_866] {strides = array<i32>} : memref<128x128xf32, #tpu.memory_space<vmem>>, vector<16xf32>,
        %mul3A_868 = arith.mulf %get3A_867, %gather3A : vector<16xf32>
        %swap3A_869 = arith.index_cast %add3A_830 : i32 to index
        %swap3A_870 = arith.constant 80 : index
        %swap3A_871 = tpu.vector_load %arg10[%swap3A_869, %swap3A_870] {strides = array<i32>} : memref<128x128xf32, #tpu.memory_space<vmem>>, vector<16xf32>,
        tpu.vector_store %arg10[%swap3A_869, %swap3A_870], %mul3A_868 {strides = array<i32>} : memref<128x128xf32, #tpu.memory_space<vmem>>, vector<16xf32>,
        %get3A_872 = arith.index_cast %add3A_830 : i32 to index
        %get3A_873 = arith.constant 96 : index
        %get3A_874 = tpu.vector_load %arg10[%get3A_872, %get3A_873] {strides = array<i32>} : memref<128x128xf32, #tpu.memory_space<vmem>>, vector<16xf32>,
        %mul3A_875 = arith.mulf %get3A_874, %gather3A : vector<16xf32>
        %swap3A_876 = arith.index_cast %add3A_830 : i32 to index
        %swap3A_877 = arith.constant 96 : index
        %swap3A_878 = tpu.vector_load %arg10[%swap3A_876, %swap3A_877] {strides = array<i32>} : memref<128x128xf32, #tpu.memory_space<vmem>>, vector<16xf32>,
        tpu.vector_store %arg10[%swap3A_876, %swap3A_877], %mul3A_875 {strides = array<i32>} : memref<128x128xf32, #tpu.memory_space<vmem>>, vector<16xf32>,
        %get3A_879 = arith.index_cast %add3A_830 : i32 to index
        %get3A_880 = arith.constant 112 : index
        %get3A_881 = tpu.vector_load %arg10[%get3A_879, %get3A_880] {strides = array<i32>} : memref<128x128xf32, #tpu.memory_space<vmem>>, vector<16xf32>,
        %mul3A_882 = arith.mulf %get3A_881, %gather3A : vector<16xf32>
        %swap3A_883 = arith.index_cast %add3A_830 : i32 to index
        %swap3A_884 = arith.constant 112 : index
        %swap3A_885 = tpu.vector_load %arg10[%swap3A_883, %swap3A_884] {strides = array<i32>} : memref<128x128xf32, #tpu.memory_space<vmem>>, vector<16xf32>,
        tpu.vector_store %arg10[%swap3A_883, %swap3A_884], %mul3A_882 {strides = array<i32>} : memref<128x128xf32, #tpu.memory_space<vmem>>, vector<16xf32>,
      }
      %scan3A_643 = arith.constant 128 : i32
      %gt3A = arith.constant 0 : i32
      %gt3A_644 = arith.cmpi sgt, %add3A_620, %gt3A : i32
      %convert_element_type3A = arith.extui %gt3A_644 : i1 to i32
      %cond3A = arith.constant 0 : i32
      %cond3A_645 = arith.cmpi ne, %convert_element_type3A, %cond3A : i32
      scf.if %cond3A_645 {
        %dma_wait3A_826 = arith.constant 3 : i32
        %dma_wait3A_827 = arith.constant 1 : i32
        %dma_wait3A_828 = arith.constant 0 : i32
        %dma_wait3A_829 = tpu.memref_slice %arg8[%dma_wait3A_826, %dma_wait3A_827, %dma_wait3A_828] : memref<4x2x128xi32, #tpu.memory_space<vmem>> -> memref<1x1x128xi32, #tpu.memory_space<vmem>>
        %dma_wait3A_830 = tpu.memref_squeeze %dma_wait3A_829 : memref<1x1x128xi32, #tpu.memory_space<vmem>> -> memref<128xi32, #tpu.memory_space<vmem>>
        %dma_wait3A_831 = arith.constant 0 : i32
        %dma_wait3A_832 = arith.constant 0 : i32
        %dma_wait3A_833 = tpu.memref_slice %arg12[%dma_wait3A_831, %dma_wait3A_832] : memref<10240x128xf32, #tpu.memory_space<vmem_shared>> -> memref<10240x128xf32, #tpu.memory_space<vmem_shared>>
        tpu.wait_indirect_dma semaphore(%arg20 : memref<!tpu.dma_semaphore, #tpu.memory_space<semaphore_mem>>) src(%arg11 : memref<128x128xf32, #tpu.memory_space<vmem>>) dst(%dma_wait3A_833 : memref<10240x128xf32, #tpu.memory_space<vmem_shared>>)
      } else {
      }
      %add3A_646 = arith.constant 2 : i32
      %add3A_647 = arith.addi %add3A_624, %add3A_646 : i32
      %lt3A = arith.constant 80 : i32
      %lt3A_648 = arith.cmpi slt, %add3A_647, %lt3A : i32
      %convert_element_type3A_649 = arith.extui %lt3A_648 : i1 to i32
      %cond3A_650 = arith.constant 0 : i32
      %cond3A_651 = arith.cmpi ne, %convert_element_type3A_649, %cond3A_650 : i32
      scf.if %cond3A_651 {
        %add3A_826 = arith.constant 2 : i32
        %add3A_827 = arith.addi %add3A_624, %add3A_826 : i32
        %dma_start3A_828 = arith.constant 2 : i32
        %dma_start3A_829 = arith.constant 0 : i32
        %dma_start3A_830 = arith.constant 0 : i32
        %dma_start3A_831 = tpu.memref_slice %arg8[%dma_start3A_828, %dma_start3A_829, %dma_start3A_830] : memref<4x2x128xi32, #tpu.memory_space<vmem>> -> memref<1x2x128xi32, #tpu.memory_space<vmem>>
        %dma_start3A_832 = tpu.memref_squeeze %dma_start3A_831 : memref<1x2x128xi32, #tpu.memory_space<vmem>> -> memref<2x128xi32, #tpu.memory_space<vmem>>
        %dma_start3A_833 = arith.constant 0 : i32
        %dma_start3A_834 = arith.constant 0 : i32
        %dma_start3A_835 = arith.constant 0 : i32
        %dma_start3A_836 = tpu.memref_slice %arg3[%arg1, %dma_start3A_833, %dma_start3A_834, %dma_start3A_835] : memref<16x80x2x128xi32, #tpu.memory_space<hbm>> -> memref<1x80x2x128xi32, #tpu.memory_space<hbm>>
        %dma_start3A_837 = tpu.memref_squeeze %dma_start3A_836 : memref<1x80x2x128xi32, #tpu.memory_space<hbm>> -> memref<80x2x128xi32, #tpu.memory_space<hbm>>
        %dma_start3A_838 = arith.constant 0 : i32
        %dma_start3A_839 = arith.constant 0 : i32
        %dma_start3A_840 = tpu.memref_slice %dma_start3A_837[%add3A_827, %dma_start3A_838, %dma_start3A_839] : memref<80x2x128xi32, #tpu.memory_space<hbm>> -> memref<1x2x128xi32, #tpu.memory_space<hbm>>
        %dma_start3A_841 = tpu.memref_squeeze %dma_start3A_840 : memref<1x2x128xi32, #tpu.memory_space<hbm>> -> memref<2x128xi32, #tpu.memory_space<hbm>>
        %dma_start3A_842 = arith.constant 0 : i32
        %dma_start3A_843 = arith.constant 0 : i32
        %dma_start3A_844 = tpu.memref_slice %arg8[%dma_start3A_828, %dma_start3A_842, %dma_start3A_843] : memref<4x2x128xi32, #tpu.memory_space<vmem>> -> memref<1x2x128xi32, #tpu.memory_space<vmem>>
        %dma_start3A_845 = tpu.memref_squeeze %dma_start3A_844 : memref<1x2x128xi32, #tpu.memory_space<vmem>> -> memref<2x128xi32, #tpu.memory_space<vmem>>
        %dma_start3A_846 = arith.constant 0 : i32
        %dma_start3A_847 = arith.constant 0 : i32
        %dma_start3A_848 = arith.constant 0 : i32
        %dma_start3A_849 = tpu.memref_slice %arg3[%arg1, %dma_start3A_846, %dma_start3A_847, %dma_start3A_848] : memref<16x80x2x128xi32, #tpu.memory_space<hbm>> -> memref<1x80x2x128xi32, #tpu.memory_space<hbm>>
        %dma_start3A_850 = tpu.memref_squeeze %dma_start3A_849 : memref<1x80x2x128xi32, #tpu.memory_space<hbm>> -> memref<80x2x128xi32, #tpu.memory_space<hbm>>
        %dma_start3A_851 = arith.constant 0 : i32
        %dma_start3A_852 = arith.constant 0 : i32
        %dma_start3A_853 = tpu.memref_slice %dma_start3A_850[%add3A_827, %dma_start3A_851, %dma_start3A_852] : memref<80x2x128xi32, #tpu.memory_space<hbm>> -> memref<1x2x128xi32, #tpu.memory_space<hbm>>
        %dma_start3A_854 = tpu.memref_squeeze %dma_start3A_853 : memref<1x2x128xi32, #tpu.memory_space<hbm>> -> memref<2x128xi32, #tpu.memory_space<hbm>>
        tpu.enqueue_dma source(%dma_start3A_854 : memref<2x128xi32, #tpu.memory_space<hbm>>) target(%dma_start3A_845 : memref<2x128xi32, #tpu.memory_space<vmem>>) target_semaphore(%arg15 : memref<!tpu.dma_semaphore, #tpu.memory_space<semaphore_mem>>)
        %dma_start3A_855 = arith.constant 2 : i32
        %dma_start3A_856 = arith.constant 0 : i32
        %dma_start3A_857 = tpu.memref_slice %arg9[%dma_start3A_855, %dma_start3A_856] : memref<4x128xf32, #tpu.memory_space<vmem>> -> memref<1x128xf32, #tpu.memory_space<vmem>>
        %dma_start3A_858 = tpu.memref_squeeze %dma_start3A_857 : memref<1x128xf32, #tpu.memory_space<vmem>> -> memref<128xf32, #tpu.memory_space<vmem>>
        %dma_start3A_859 = arith.constant 0 : i32
        %dma_start3A_860 = arith.constant 0 : i32
        %dma_start3A_861 = tpu.memref_slice %arg4[%arg1, %dma_start3A_859, %dma_start3A_860] : memref<16x80x128xf32, #tpu.memory_space<hbm>> -> memref<1x80x128xf32, #tpu.memory_space<hbm>>
        %dma_start3A_862 = tpu.memref_squeeze %dma_start3A_861 : memref<1x80x128xf32, #tpu.memory_space<hbm>> -> memref<80x128xf32, #tpu.memory_space<hbm>>
        %dma_start3A_863 = arith.constant 0 : i32
        %dma_start3A_864 = tpu.memref_slice %dma_start3A_862[%add3A_827, %dma_start3A_863] : memref<80x128xf32, #tpu.memory_space<hbm>> -> memref<1x128xf32, #tpu.memory_space<hbm>>
        %dma_start3A_865 = tpu.memref_squeeze %dma_start3A_864 : memref<1x128xf32, #tpu.memory_space<hbm>> -> memref<128xf32, #tpu.memory_space<hbm>>
        %dma_start3A_866 = arith.constant 0 : i32
        %dma_start3A_867 = tpu.memref_slice %arg9[%dma_start3A_855, %dma_start3A_866] : memref<4x128xf32, #tpu.memory_space<vmem>> -> memref<1x128xf32, #tpu.memory_space<vmem>>
        %dma_start3A_868 = tpu.memref_squeeze %dma_start3A_867 : memref<1x128xf32, #tpu.memory_space<vmem>> -> memref<128xf32, #tpu.memory_space<vmem>>
        %dma_start3A_869 = arith.constant 0 : i32
        %dma_start3A_870 = arith.constant 0 : i32
        %dma_start3A_871 = tpu.memref_slice %arg4[%arg1, %dma_start3A_869, %dma_start3A_870] : memref<16x80x128xf32, #tpu.memory_space<hbm>> -> memref<1x80x128xf32, #tpu.memory_space<hbm>>
        %dma_start3A_872 = tpu.memref_squeeze %dma_start3A_871 : memref<1x80x128xf32, #tpu.memory_space<hbm>> -> memref<80x128xf32, #tpu.memory_space<hbm>>
        %dma_start3A_873 = arith.constant 0 : i32
        %dma_start3A_874 = tpu.memref_slice %dma_start3A_872[%add3A_827, %dma_start3A_873] : memref<80x128xf32, #tpu.memory_space<hbm>> -> memref<1x128xf32, #tpu.memory_space<hbm>>
        %dma_start3A_875 = tpu.memref_squeeze %dma_start3A_874 : memref<1x128xf32, #tpu.memory_space<hbm>> -> memref<128xf32, #tpu.memory_space<hbm>>
        tpu.enqueue_dma source(%dma_start3A_875 : memref<128xf32, #tpu.memory_space<hbm>>) target(%dma_start3A_868 : memref<128xf32, #tpu.memory_space<vmem>>) target_semaphore(%arg15 : memref<!tpu.dma_semaphore, #tpu.memory_space<semaphore_mem>>)
      } else {
      }
      %add3A_652 = arith.constant 1 : i32
      %add3A_653 = arith.addi %add3A_624, %add3A_652 : i32
      %lt3A_654 = arith.constant 80 : i32
      %lt3A_655 = arith.cmpi slt, %add3A_653, %lt3A_654 : i32
      %convert_element_type3A_656 = arith.extui %lt3A_655 : i1 to i32
      %cond3A_657 = arith.constant 0 : i32
      %cond3A_658 = arith.cmpi ne, %convert_element_type3A_656, %cond3A_657 : i32
      scf.if %cond3A_658 {
        %dma_wait3A_826 = arith.constant 0 : i32
        %dma_wait3A_827 = arith.constant 1 : i32
        %dma_wait3A_828 = arith.constant 0 : i32
        %dma_wait3A_829 = arith.constant 0 : i32
        %dma_wait3A_830 = tpu.memref_slice %arg8[%dma_wait3A_827, %dma_wait3A_828, %dma_wait3A_829] : memref<4x2x128xi32, #tpu.memory_space<vmem>> -> memref<1x2x128xi32, #tpu.memory_space<vmem>>
        %dma_wait3A_831 = tpu.memref_squeeze %dma_wait3A_830 : memref<1x2x128xi32, #tpu.memory_space<vmem>> -> memref<2x128xi32, #tpu.memory_space<vmem>>
        %dma_wait3A_832 = arith.constant 0 : i32
        %dma_wait3A_833 = arith.constant 0 : i32
        %dma_wait3A_834 = arith.constant 0 : i32
        %dma_wait3A_835 = tpu.memref_slice %arg3[%arg1, %dma_wait3A_832, %dma_wait3A_833, %dma_wait3A_834] : memref<16x80x2x128xi32, #tpu.memory_space<hbm>> -> memref<1x80x2x128xi32, #tpu.memory_space<hbm>>
        %dma_wait3A_836 = tpu.memref_squeeze %dma_wait3A_835 : memref<1x80x2x128xi32, #tpu.memory_space<hbm>> -> memref<80x2x128xi32, #tpu.memory_space<hbm>>
        %dma_wait3A_837 = arith.constant 0 : i32
        %dma_wait3A_838 = arith.constant 0 : i32
        %dma_wait3A_839 = tpu.memref_slice %dma_wait3A_836[%dma_wait3A_826, %dma_wait3A_837, %dma_wait3A_838] : memref<80x2x128xi32, #tpu.memory_space<hbm>> -> memref<1x2x128xi32, #tpu.memory_space<hbm>>
        %dma_wait3A_840 = tpu.memref_squeeze %dma_wait3A_839 : memref<1x2x128xi32, #tpu.memory_space<hbm>> -> memref<2x128xi32, #tpu.memory_space<hbm>>
        %dma_wait3A_841 = arith.constant 0 : i32
        %dma_wait3A_842 = arith.constant 0 : i32
        %dma_wait3A_843 = tpu.memref_slice %arg8[%dma_wait3A_827, %dma_wait3A_841, %dma_wait3A_842] : memref<4x2x128xi32, #tpu.memory_space<vmem>> -> memref<1x2x128xi32, #tpu.memory_space<vmem>>
        %dma_wait3A_844 = tpu.memref_squeeze %dma_wait3A_843 : memref<1x2x128xi32, #tpu.memory_space<vmem>> -> memref<2x128xi32, #tpu.memory_space<vmem>>
        %dma_wait3A_845 = arith.constant 0 : i32
        %dma_wait3A_846 = arith.constant 0 : i32
        %dma_wait3A_847 = arith.constant 0 : i32
        %dma_wait3A_848 = tpu.memref_slice %arg3[%arg1, %dma_wait3A_845, %dma_wait3A_846, %dma_wait3A_847] : memref<16x80x2x128xi32, #tpu.memory_space<hbm>> -> memref<1x80x2x128xi32, #tpu.memory_space<hbm>>
        %dma_wait3A_849 = tpu.memref_squeeze %dma_wait3A_848 : memref<1x80x2x128xi32, #tpu.memory_space<hbm>> -> memref<80x2x128xi32, #tpu.memory_space<hbm>>
        %dma_wait3A_850 = arith.constant 0 : i32
        %dma_wait3A_851 = arith.constant 0 : i32
        %dma_wait3A_852 = tpu.memref_slice %dma_wait3A_849[%dma_wait3A_826, %dma_wait3A_850, %dma_wait3A_851] : memref<80x2x128xi32, #tpu.memory_space<hbm>> -> memref<1x2x128xi32, #tpu.memory_space<hbm>>
        %dma_wait3A_853 = tpu.memref_squeeze %dma_wait3A_852 : memref<1x2x128xi32, #tpu.memory_space<hbm>> -> memref<2x128xi32, #tpu.memory_space<hbm>>
        tpu.wait_dma2 semaphore(%arg14 : memref<!tpu.dma_semaphore, #tpu.memory_space<semaphore_mem>>) src(%dma_wait3A_853 : memref<2x128xi32, #tpu.memory_space<hbm>>) dst(%dma_wait3A_844 : memref<2x128xi32, #tpu.memory_space<vmem>>)
        %dma_wait3A_854 = arith.constant 0 : i32
        %dma_wait3A_855 = arith.constant 1 : i32
        %dma_wait3A_856 = arith.constant 0 : i32
        %dma_wait3A_857 = tpu.memref_slice %arg9[%dma_wait3A_855, %dma_wait3A_856] : memref<4x128xf32, #tpu.memory_space<vmem>> -> memref<1x128xf32, #tpu.memory_space<vmem>>
        %dma_wait3A_858 = tpu.memref_squeeze %dma_wait3A_857 : memref<1x128xf32, #tpu.memory_space<vmem>> -> memref<128xf32, #tpu.memory_space<vmem>>
        %dma_wait3A_859 = arith.constant 0 : i32
        %dma_wait3A_860 = arith.constant 0 : i32
        %dma_wait3A_861 = tpu.memref_slice %arg4[%arg1, %dma_wait3A_859, %dma_wait3A_860] : memref<16x80x128xf32, #tpu.memory_space<hbm>> -> memref<1x80x128xf32, #tpu.memory_space<hbm>>
        %dma_wait3A_862 = tpu.memref_squeeze %dma_wait3A_861 : memref<1x80x128xf32, #tpu.memory_space<hbm>> -> memref<80x128xf32, #tpu.memory_space<hbm>>
        %dma_wait3A_863 = arith.constant 0 : i32
        %dma_wait3A_864 = tpu.memref_slice %dma_wait3A_862[%dma_wait3A_854, %dma_wait3A_863] : memref<80x128xf32, #tpu.memory_space<hbm>> -> memref<1x128xf32, #tpu.memory_space<hbm>>
        %dma_wait3A_865 = tpu.memref_squeeze %dma_wait3A_864 : memref<1x128xf32, #tpu.memory_space<hbm>> -> memref<128xf32, #tpu.memory_space<hbm>>
        %dma_wait3A_866 = arith.constant 0 : i32
        %dma_wait3A_867 = tpu.memref_slice %arg9[%dma_wait3A_855, %dma_wait3A_866] : memref<4x128xf32, #tpu.memory_space<vmem>> -> memref<1x128xf32, #tpu.memory_space<vmem>>
        %dma_wait3A_868 = tpu.memref_squeeze %dma_wait3A_867 : memref<1x128xf32, #tpu.memory_space<vmem>> -> memref<128xf32, #tpu.memory_space<vmem>>
        %dma_wait3A_869 = arith.constant 0 : i32
        %dma_wait3A_870 = arith.constant 0 : i32
        %dma_wait3A_871 = tpu.memref_slice %arg4[%arg1, %dma_wait3A_869, %dma_wait3A_870] : memref<16x80x128xf32, #tpu.memory_space<hbm>> -> memref<1x80x128xf32, #tpu.memory_space<hbm>>
        %dma_wait3A_872 = tpu.memref_squeeze %dma_wait3A_871 : memref<1x80x128xf32, #tpu.memory_space<hbm>> -> memref<80x128xf32, #tpu.memory_space<hbm>>
        %dma_wait3A_873 = arith.constant 0 : i32
        %dma_wait3A_874 = tpu.memref_slice %dma_wait3A_872[%dma_wait3A_854, %dma_wait3A_873] : memref<80x128xf32, #tpu.memory_space<hbm>> -> memref<1x128xf32, #tpu.memory_space<hbm>>
        %dma_wait3A_875 = tpu.memref_squeeze %dma_wait3A_874 : memref<1x128xf32, #tpu.memory_space<hbm>> -> memref<128xf32, #tpu.memory_space<hbm>>
        tpu.wait_dma2 semaphore(%arg14 : memref<!tpu.dma_semaphore, #tpu.memory_space<semaphore_mem>>) src(%dma_wait3A_875 : memref<128xf32, #tpu.memory_space<hbm>>) dst(%dma_wait3A_868 : memref<128xf32, #tpu.memory_space<vmem>>)
        %dma_start3A_876 = arith.constant 1 : i32
        %dma_start3A_877 = arith.constant 0 : i32
        %dma_start3A_878 = arith.constant 0 : i32
        %dma_start3A_879 = tpu.memref_slice %arg8[%dma_start3A_876, %dma_start3A_877, %dma_start3A_878] : memref<4x2x128xi32, #tpu.memory_space<vmem>> -> memref<1x1x128xi32, #tpu.memory_space<vmem>>
        %dma_start3A_880 = tpu.memref_squeeze %dma_start3A_879 : memref<1x1x128xi32, #tpu.memory_space<vmem>> -> memref<128xi32, #tpu.memory_space<vmem>>
        %dma_start3A_881 = arith.constant 0 : i32
        %dma_start3A_882 = arith.constant 0 : i32
        %dma_start3A_883 = tpu.memref_slice %arg6[%arg0, %dma_start3A_881, %dma_start3A_882] : memref<2x10240x128xf32, #tpu.memory_space<hbm>> -> memref<1x10240x128xf32, #tpu.memory_space<hbm>>
        %dma_start3A_884 = tpu.memref_squeeze %dma_start3A_883 : memref<1x10240x128xf32, #tpu.memory_space<hbm>> -> memref<10240x128xf32, #tpu.memory_space<hbm>>
        %dma_start3A_885 = arith.constant 0 : i32
        %dma_start3A_886 = arith.constant 0 : i32
        %dma_start3A_887 = tpu.memref_slice %dma_start3A_884[%dma_start3A_885, %dma_start3A_886] : memref<10240x128xf32, #tpu.memory_space<hbm>> -> memref<10240x128xf32, #tpu.memory_space<hbm>>
        tpu.enqueue_indirect_dma source(%dma_start3A_887 : memref<10240x128xf32, #tpu.memory_space<hbm>>) target(%arg11 : memref<128x128xf32, #tpu.memory_space<vmem>>) offsets(%dma_start3A_880 : memref<128xi32, #tpu.memory_space<vmem>>) semaphore(%arg18 : memref<!tpu.dma_semaphore, #tpu.memory_space<semaphore_mem>>)
      } else {
      }
      %dma_start3A_659 = arith.constant 0 : i32
      %dma_start3A_660 = arith.constant 1 : i32
      %dma_start3A_661 = arith.constant 0 : i32
      %dma_start3A_662 = tpu.memref_slice %arg8[%dma_start3A_659, %dma_start3A_660, %dma_start3A_661] : memref<4x2x128xi32, #tpu.memory_space<vmem>> -> memref<1x1x128xi32, #tpu.memory_space<vmem>>
      %dma_start3A_663 = tpu.memref_squeeze %dma_start3A_662 : memref<1x1x128xi32, #tpu.memory_space<vmem>> -> memref<128xi32, #tpu.memory_space<vmem>>
      %dma_start3A_664 = arith.constant 0 : i32
      %dma_start3A_665 = arith.constant 0 : i32
      %dma_start3A_666 = tpu.memref_slice %arg12[%dma_start3A_664, %dma_start3A_665] : memref<10240x128xf32, #tpu.memory_space<vmem_shared>> -> memref<10240x128xf32, #tpu.memory_space<vmem_shared>>
      tpu.enqueue_indirect_dma source(%arg10 : memref<128x128xf32, #tpu.memory_space<vmem>>) target(%dma_start3A_666 : memref<10240x128xf32, #tpu.memory_space<vmem_shared>>) offsets(%dma_start3A_663 : memref<128xi32, #tpu.memory_space<vmem>>) semaphore(%arg19 : memref<!tpu.dma_semaphore, #tpu.memory_space<semaphore_mem>>) {add = true}
      %mul3A_667 = arith.constant 4 : i32
      %mul3A_668 = arith.muli %mul3A_667, %add3A_620 : i32
      %add3A_669 = arith.constant 1 : i32
      %add3A_670 = arith.addi %mul3A_668, %add3A_669 : i32
      %dma_wait3A_671 = arith.constant 1 : i32
      %dma_wait3A_672 = arith.constant 0 : i32
      %dma_wait3A_673 = arith.constant 0 : i32
      %dma_wait3A_674 = tpu.memref_slice %arg8[%dma_wait3A_671, %dma_wait3A_672, %dma_wait3A_673] : memref<4x2x128xi32, #tpu.memory_space<vmem>> -> memref<1x1x128xi32, #tpu.memory_space<vmem>>
      %dma_wait3A_675 = tpu.memref_squeeze %dma_wait3A_674 : memref<1x1x128xi32, #tpu.memory_space<vmem>> -> memref<128xi32, #tpu.memory_space<vmem>>
      %dma_wait3A_676 = arith.constant 0 : i32
      %dma_wait3A_677 = arith.constant 0 : i32
      %dma_wait3A_678 = tpu.memref_slice %arg6[%arg0, %dma_wait3A_676, %dma_wait3A_677] : memref<2x10240x128xf32, #tpu.memory_space<hbm>> -> memref<1x10240x128xf32, #tpu.memory_space<hbm>>
      %dma_wait3A_679 = tpu.memref_squeeze %dma_wait3A_678 : memref<1x10240x128xf32, #tpu.memory_space<hbm>> -> memref<10240x128xf32, #tpu.memory_space<hbm>>
      %dma_wait3A_680 = arith.constant 0 : i32
      %dma_wait3A_681 = arith.constant 0 : i32
      %dma_wait3A_682 = tpu.memref_slice %dma_wait3A_679[%dma_wait3A_680, %dma_wait3A_681] : memref<10240x128xf32, #tpu.memory_space<hbm>> -> memref<10240x128xf32, #tpu.memory_space<hbm>>
      tpu.wait_indirect_dma semaphore(%arg18 : memref<!tpu.dma_semaphore, #tpu.memory_space<semaphore_mem>>) src(%dma_wait3A_682 : memref<10240x128xf32, #tpu.memory_space<hbm>>) dst(%arg11 : memref<128x128xf32, #tpu.memory_space<vmem>>)
      %broadcast_in_dim3A_683 = arith.constant 1 : i32
      %broadcast_in_dim3A_684 = vector.broadcast %broadcast_in_dim3A_683 : i32 to vector<16xi32>
      %scan3A_685 = arith.constant 0 : i32
      %scan3A_686 = arith.constant 128 : i32
      %scan3A_687 = arith.addi %scan3A_685, %scan3A_686 : i32
      %scan3A_688 = arith.constant 1 : i32
      scf.for %scan3A_826 = %scan3A_685 to %scan3A_687 step %scan3A_688  : i32 {
        %mul3A_827 = arith.constant 1 : i32
        %mul3A_828 = arith.muli %scan3A_826, %mul3A_827 : i32
        %add3A_829 = arith.constant 0 : i32
        %add3A_830 = arith.addi %add3A_829, %mul3A_828 : i32
        %broadcast_in_dim3A_831 = vector.broadcast %add3A_830 : i32 to vector<16xi32>
        %gather3A = tpu.vector_load_idx %arg9[%broadcast_in_dim3A_684, %broadcast_in_dim3A_831] : memref<4x128xf32, #tpu.memory_space<vmem>>[vector<16xi32>, vector<16xi32>], vector<16xf32>,
        %get3A = arith.index_cast %add3A_830 : i32 to index
        %get3A_832 = arith.constant 0 : index
        %get3A_833 = tpu.vector_load %arg11[%get3A, %get3A_832] {strides = array<i32>} : memref<128x128xf32, #tpu.memory_space<vmem>>, vector<16xf32>,
        %mul3A_834 = arith.mulf %get3A_833, %gather3A : vector<16xf32>
        %swap3A = arith.index_cast %add3A_830 : i32 to index
        %swap3A_835 = arith.constant 0 : index
        %swap3A_836 = tpu.vector_load %arg11[%swap3A, %swap3A_835] {strides = array<i32>} : memref<128x128xf32, #tpu.memory_space<vmem>>, vector<16xf32>,
        tpu.vector_store %arg11[%swap3A, %swap3A_835], %mul3A_834 {strides = array<i32>} : memref<128x128xf32, #tpu.memory_space<vmem>>, vector<16xf32>,
        %get3A_837 = arith.index_cast %add3A_830 : i32 to index
        %get3A_838 = arith.constant 16 : index
        %get3A_839 = tpu.vector_load %arg11[%get3A_837, %get3A_838] {strides = array<i32>} : memref<128x128xf32, #tpu.memory_space<vmem>>, vector<16xf32>,
        %mul3A_840 = arith.mulf %get3A_839, %gather3A : vector<16xf32>
        %swap3A_841 = arith.index_cast %add3A_830 : i32 to index
        %swap3A_842 = arith.constant 16 : index
        %swap3A_843 = tpu.vector_load %arg11[%swap3A_841, %swap3A_842] {strides = array<i32>} : memref<128x128xf32, #tpu.memory_space<vmem>>, vector<16xf32>,
        tpu.vector_store %arg11[%swap3A_841, %swap3A_842], %mul3A_840 {strides = array<i32>} : memref<128x128xf32, #tpu.memory_space<vmem>>, vector<16xf32>,
        %get3A_844 = arith.index_cast %add3A_830 : i32 to index
        %get3A_845 = arith.constant 32 : index
        %get3A_846 = tpu.vector_load %arg11[%get3A_844, %get3A_845] {strides = array<i32>} : memref<128x128xf32, #tpu.memory_space<vmem>>, vector<16xf32>,
        %mul3A_847 = arith.mulf %get3A_846, %gather3A : vector<16xf32>
        %swap3A_848 = arith.index_cast %add3A_830 : i32 to index
        %swap3A_849 = arith.constant 32 : index
        %swap3A_850 = tpu.vector_load %arg11[%swap3A_848, %swap3A_849] {strides = array<i32>} : memref<128x128xf32, #tpu.memory_space<vmem>>, vector<16xf32>,
        tpu.vector_store %arg11[%swap3A_848, %swap3A_849], %mul3A_847 {strides = array<i32>} : memref<128x128xf32, #tpu.memory_space<vmem>>, vector<16xf32>,
        %get3A_851 = arith.index_cast %add3A_830 : i32 to index
        %get3A_852 = arith.constant 48 : index
        %get3A_853 = tpu.vector_load %arg11[%get3A_851, %get3A_852] {strides = array<i32>} : memref<128x128xf32, #tpu.memory_space<vmem>>, vector<16xf32>,
        %mul3A_854 = arith.mulf %get3A_853, %gather3A : vector<16xf32>
        %swap3A_855 = arith.index_cast %add3A_830 : i32 to index
        %swap3A_856 = arith.constant 48 : index
        %swap3A_857 = tpu.vector_load %arg11[%swap3A_855, %swap3A_856] {strides = array<i32>} : memref<128x128xf32, #tpu.memory_space<vmem>>, vector<16xf32>,
        tpu.vector_store %arg11[%swap3A_855, %swap3A_856], %mul3A_854 {strides = array<i32>} : memref<128x128xf32, #tpu.memory_space<vmem>>, vector<16xf32>,
        %get3A_858 = arith.index_cast %add3A_830 : i32 to index
        %get3A_859 = arith.constant 64 : index
        %get3A_860 = tpu.vector_load %arg11[%get3A_858, %get3A_859] {strides = array<i32>} : memref<128x128xf32, #tpu.memory_space<vmem>>, vector<16xf32>,
        %mul3A_861 = arith.mulf %get3A_860, %gather3A : vector<16xf32>
        %swap3A_862 = arith.index_cast %add3A_830 : i32 to index
        %swap3A_863 = arith.constant 64 : index
        %swap3A_864 = tpu.vector_load %arg11[%swap3A_862, %swap3A_863] {strides = array<i32>} : memref<128x128xf32, #tpu.memory_space<vmem>>, vector<16xf32>,
        tpu.vector_store %arg11[%swap3A_862, %swap3A_863], %mul3A_861 {strides = array<i32>} : memref<128x128xf32, #tpu.memory_space<vmem>>, vector<16xf32>,
        %get3A_865 = arith.index_cast %add3A_830 : i32 to index
        %get3A_866 = arith.constant 80 : index
        %get3A_867 = tpu.vector_load %arg11[%get3A_865, %get3A_866] {strides = array<i32>} : memref<128x128xf32, #tpu.memory_space<vmem>>, vector<16xf32>,
        %mul3A_868 = arith.mulf %get3A_867, %gather3A : vector<16xf32>
        %swap3A_869 = arith.index_cast %add3A_830 : i32 to index
        %swap3A_870 = arith.constant 80 : index
        %swap3A_871 = tpu.vector_load %arg11[%swap3A_869, %swap3A_870] {strides = array<i32>} : memref<128x128xf32, #tpu.memory_space<vmem>>, vector<16xf32>,
        tpu.vector_store %arg11[%swap3A_869, %swap3A_870], %mul3A_868 {strides = array<i32>} : memref<128x128xf32, #tpu.memory_space<vmem>>, vector<16xf32>,
        %get3A_872 = arith.index_cast %add3A_830 : i32 to index
        %get3A_873 = arith.constant 96 : index
        %get3A_874 = tpu.vector_load %arg11[%get3A_872, %get3A_873] {strides = array<i32>} : memref<128x128xf32, #tpu.memory_space<vmem>>, vector<16xf32>,
        %mul3A_875 = arith.mulf %get3A_874, %gather3A : vector<16xf32>
        %swap3A_876 = arith.index_cast %add3A_830 : i32 to index
        %swap3A_877 = arith.constant 96 : index
        %swap3A_878 = tpu.vector_load %arg11[%swap3A_876, %swap3A_877] {strides = array<i32>} : memref<128x128xf32, #tpu.memory_space<vmem>>, vector<16xf32>,
        tpu.vector_store %arg11[%swap3A_876, %swap3A_877], %mul3A_875 {strides = array<i32>} : memref<128x128xf32, #tpu.memory_space<vmem>>, vector<16xf32>,
        %get3A_879 = arith.index_cast %add3A_830 : i32 to index
        %get3A_880 = arith.constant 112 : index
        %get3A_881 = tpu.vector_load %arg11[%get3A_879, %get3A_880] {strides = array<i32>} : memref<128x128xf32, #tpu.memory_space<vmem>>, vector<16xf32>,
        %mul3A_882 = arith.mulf %get3A_881, %gather3A : vector<16xf32>
        %swap3A_883 = arith.index_cast %add3A_830 : i32 to index
        %swap3A_884 = arith.constant 112 : index
        %swap3A_885 = tpu.vector_load %arg11[%swap3A_883, %swap3A_884] {strides = array<i32>} : memref<128x128xf32, #tpu.memory_space<vmem>>, vector<16xf32>,
        tpu.vector_store %arg11[%swap3A_883, %swap3A_884], %mul3A_882 {strides = array<i32>} : memref<128x128xf32, #tpu.memory_space<vmem>>, vector<16xf32>,
      }
      %scan3A_689 = arith.constant 128 : i32
      %dma_wait3A_690 = arith.constant 0 : i32
      %dma_wait3A_691 = arith.constant 1 : i32
      %dma_wait3A_692 = arith.constant 0 : i32
      %dma_wait3A_693 = tpu.memref_slice %arg8[%dma_wait3A_690, %dma_wait3A_691, %dma_wait3A_692] : memref<4x2x128xi32, #tpu.memory_space<vmem>> -> memref<1x1x128xi32, #tpu.memory_space<vmem>>
      %dma_wait3A_694 = tpu.memref_squeeze %dma_wait3A_693 : memref<1x1x128xi32, #tpu.memory_space<vmem>> -> memref<128xi32, #tpu.memory_space<vmem>>
      %dma_wait3A_695 = arith.constant 0 : i32
      %dma_wait3A_696 = arith.constant 0 : i32
      %dma_wait3A_697 = tpu.memref_slice %arg12[%dma_wait3A_695, %dma_wait3A_696] : memref<10240x128xf32, #tpu.memory_space<vmem_shared>> -> memref<10240x128xf32, #tpu.memory_space<vmem_shared>>
      tpu.wait_indirect_dma semaphore(%arg19 : memref<!tpu.dma_semaphore, #tpu.memory_space<semaphore_mem>>) src(%arg10 : memref<128x128xf32, #tpu.memory_space<vmem>>) dst(%dma_wait3A_697 : memref<10240x128xf32, #tpu.memory_space<vmem_shared>>)
      %add3A_698 = arith.constant 2 : i32
      %add3A_699 = arith.addi %add3A_670, %add3A_698 : i32
      %lt3A_700 = arith.constant 80 : i32
      %lt3A_701 = arith.cmpi slt, %add3A_699, %lt3A_700 : i32
      %convert_element_type3A_702 = arith.extui %lt3A_701 : i1 to i32
      %cond3A_703 = arith.constant 0 : i32
      %cond3A_704 = arith.cmpi ne, %convert_element_type3A_702, %cond3A_703 : i32
      scf.if %cond3A_704 {
        %add3A_826 = arith.constant 2 : i32
        %add3A_827 = arith.addi %add3A_670, %add3A_826 : i32
        %dma_start3A_828 = arith.constant 3 : i32
        %dma_start3A_829 = arith.constant 0 : i32
        %dma_start3A_830 = arith.constant 0 : i32
        %dma_start3A_831 = tpu.memref_slice %arg8[%dma_start3A_828, %dma_start3A_829, %dma_start3A_830] : memref<4x2x128xi32, #tpu.memory_space<vmem>> -> memref<1x2x128xi32, #tpu.memory_space<vmem>>
        %dma_start3A_832 = tpu.memref_squeeze %dma_start3A_831 : memref<1x2x128xi32, #tpu.memory_space<vmem>> -> memref<2x128xi32, #tpu.memory_space<vmem>>
        %dma_start3A_833 = arith.constant 0 : i32
        %dma_start3A_834 = arith.constant 0 : i32
        %dma_start3A_835 = arith.constant 0 : i32
        %dma_start3A_836 = tpu.memref_slice %arg3[%arg1, %dma_start3A_833, %dma_start3A_834, %dma_start3A_835] : memref<16x80x2x128xi32, #tpu.memory_space<hbm>> -> memref<1x80x2x128xi32, #tpu.memory_space<hbm>>
        %dma_start3A_837 = tpu.memref_squeeze %dma_start3A_836 : memref<1x80x2x128xi32, #tpu.memory_space<hbm>> -> memref<80x2x128xi32, #tpu.memory_space<hbm>>
        %dma_start3A_838 = arith.constant 0 : i32
        %dma_start3A_839 = arith.constant 0 : i32
        %dma_start3A_840 = tpu.memref_slice %dma_start3A_837[%add3A_827, %dma_start3A_838, %dma_start3A_839] : memref<80x2x128xi32, #tpu.memory_space<hbm>> -> memref<1x2x128xi32, #tpu.memory_space<hbm>>
        %dma_start3A_841 = tpu.memref_squeeze %dma_start3A_840 : memref<1x2x128xi32, #tpu.memory_space<hbm>> -> memref<2x128xi32, #tpu.memory_space<hbm>>
        %dma_start3A_842 = arith.constant 0 : i32
        %dma_start3A_843 = arith.constant 0 : i32
        %dma_start3A_844 = tpu.memref_slice %arg8[%dma_start3A_828, %dma_start3A_842, %dma_start3A_843] : memref<4x2x128xi32, #tpu.memory_space<vmem>> -> memref<1x2x128xi32, #tpu.memory_space<vmem>>
        %dma_start3A_845 = tpu.memref_squeeze %dma_start3A_844 : memref<1x2x128xi32, #tpu.memory_space<vmem>> -> memref<2x128xi32, #tpu.memory_space<vmem>>
        %dma_start3A_846 = arith.constant 0 : i32
        %dma_start3A_847 = arith.constant 0 : i32
        %dma_start3A_848 = arith.constant 0 : i32
        %dma_start3A_849 = tpu.memref_slice %arg3[%arg1, %dma_start3A_846, %dma_start3A_847, %dma_start3A_848] : memref<16x80x2x128xi32, #tpu.memory_space<hbm>> -> memref<1x80x2x128xi32, #tpu.memory_space<hbm>>
        %dma_start3A_850 = tpu.memref_squeeze %dma_start3A_849 : memref<1x80x2x128xi32, #tpu.memory_space<hbm>> -> memref<80x2x128xi32, #tpu.memory_space<hbm>>
        %dma_start3A_851 = arith.constant 0 : i32
        %dma_start3A_852 = arith.constant 0 : i32
        %dma_start3A_853 = tpu.memref_slice %dma_start3A_850[%add3A_827, %dma_start3A_851, %dma_start3A_852] : memref<80x2x128xi32, #tpu.memory_space<hbm>> -> memref<1x2x128xi32, #tpu.memory_space<hbm>>
        %dma_start3A_854 = tpu.memref_squeeze %dma_start3A_853 : memref<1x2x128xi32, #tpu.memory_space<hbm>> -> memref<2x128xi32, #tpu.memory_space<hbm>>
        tpu.enqueue_dma source(%dma_start3A_854 : memref<2x128xi32, #tpu.memory_space<hbm>>) target(%dma_start3A_845 : memref<2x128xi32, #tpu.memory_space<vmem>>) target_semaphore(%arg16 : memref<!tpu.dma_semaphore, #tpu.memory_space<semaphore_mem>>)
        %dma_start3A_855 = arith.constant 3 : i32
        %dma_start3A_856 = arith.constant 0 : i32
        %dma_start3A_857 = tpu.memref_slice %arg9[%dma_start3A_855, %dma_start3A_856] : memref<4x128xf32, #tpu.memory_space<vmem>> -> memref<1x128xf32, #tpu.memory_space<vmem>>
        %dma_start3A_858 = tpu.memref_squeeze %dma_start3A_857 : memref<1x128xf32, #tpu.memory_space<vmem>> -> memref<128xf32, #tpu.memory_space<vmem>>
        %dma_start3A_859 = arith.constant 0 : i32
        %dma_start3A_860 = arith.constant 0 : i32
        %dma_start3A_861 = tpu.memref_slice %arg4[%arg1, %dma_start3A_859, %dma_start3A_860] : memref<16x80x128xf32, #tpu.memory_space<hbm>> -> memref<1x80x128xf32, #tpu.memory_space<hbm>>
        %dma_start3A_862 = tpu.memref_squeeze %dma_start3A_861 : memref<1x80x128xf32, #tpu.memory_space<hbm>> -> memref<80x128xf32, #tpu.memory_space<hbm>>
        %dma_start3A_863 = arith.constant 0 : i32
        %dma_start3A_864 = tpu.memref_slice %dma_start3A_862[%add3A_827, %dma_start3A_863] : memref<80x128xf32, #tpu.memory_space<hbm>> -> memref<1x128xf32, #tpu.memory_space<hbm>>
        %dma_start3A_865 = tpu.memref_squeeze %dma_start3A_864 : memref<1x128xf32, #tpu.memory_space<hbm>> -> memref<128xf32, #tpu.memory_space<hbm>>
        %dma_start3A_866 = arith.constant 0 : i32
        %dma_start3A_867 = tpu.memref_slice %arg9[%dma_start3A_855, %dma_start3A_866] : memref<4x128xf32, #tpu.memory_space<vmem>> -> memref<1x128xf32, #tpu.memory_space<vmem>>
        %dma_start3A_868 = tpu.memref_squeeze %dma_start3A_867 : memref<1x128xf32, #tpu.memory_space<vmem>> -> memref<128xf32, #tpu.memory_space<vmem>>
        %dma_start3A_869 = arith.constant 0 : i32
        %dma_start3A_870 = arith.constant 0 : i32
        %dma_start3A_871 = tpu.memref_slice %arg4[%arg1, %dma_start3A_869, %dma_start3A_870] : memref<16x80x128xf32, #tpu.memory_space<hbm>> -> memref<1x80x128xf32, #tpu.memory_space<hbm>>
        %dma_start3A_872 = tpu.memref_squeeze %dma_start3A_871 : memref<1x80x128xf32, #tpu.memory_space<hbm>> -> memref<80x128xf32, #tpu.memory_space<hbm>>
        %dma_start3A_873 = arith.constant 0 : i32
        %dma_start3A_874 = tpu.memref_slice %dma_start3A_872[%add3A_827, %dma_start3A_873] : memref<80x128xf32, #tpu.memory_space<hbm>> -> memref<1x128xf32, #tpu.memory_space<hbm>>
        %dma_start3A_875 = tpu.memref_squeeze %dma_start3A_874 : memref<1x128xf32, #tpu.memory_space<hbm>> -> memref<128xf32, #tpu.memory_space<hbm>>
        tpu.enqueue_dma source(%dma_start3A_875 : memref<128xf32, #tpu.memory_space<hbm>>) target(%dma_start3A_868 : memref<128xf32, #tpu.memory_space<vmem>>) target_semaphore(%arg16 : memref<!tpu.dma_semaphore, #tpu.memory_space<semaphore_mem>>)
      } else {
      }
      %add3A_705 = arith.constant 1 : i32
      %add3A_706 = arith.addi %add3A_670, %add3A_705 : i32
      %lt3A_707 = arith.constant 80 : i32
      %lt3A_708 = arith.cmpi slt, %add3A_706, %lt3A_707 : i32
      %convert_element_type3A_709 = arith.extui %lt3A_708 : i1 to i32
      %cond3A_710 = arith.constant 0 : i32
      %cond3A_711 = arith.cmpi ne, %convert_element_type3A_709, %cond3A_710 : i32
      scf.if %cond3A_711 {
        %dma_wait3A_826 = arith.constant 0 : i32
        %dma_wait3A_827 = arith.constant 2 : i32
        %dma_wait3A_828 = arith.constant 0 : i32
        %dma_wait3A_829 = arith.constant 0 : i32
        %dma_wait3A_830 = tpu.memref_slice %arg8[%dma_wait3A_827, %dma_wait3A_828, %dma_wait3A_829] : memref<4x2x128xi32, #tpu.memory_space<vmem>> -> memref<1x2x128xi32, #tpu.memory_space<vmem>>
        %dma_wait3A_831 = tpu.memref_squeeze %dma_wait3A_830 : memref<1x2x128xi32, #tpu.memory_space<vmem>> -> memref<2x128xi32, #tpu.memory_space<vmem>>
        %dma_wait3A_832 = arith.constant 0 : i32
        %dma_wait3A_833 = arith.constant 0 : i32
        %dma_wait3A_834 = arith.constant 0 : i32
        %dma_wait3A_835 = tpu.memref_slice %arg3[%arg1, %dma_wait3A_832, %dma_wait3A_833, %dma_wait3A_834] : memref<16x80x2x128xi32, #tpu.memory_space<hbm>> -> memref<1x80x2x128xi32, #tpu.memory_space<hbm>>
        %dma_wait3A_836 = tpu.memref_squeeze %dma_wait3A_835 : memref<1x80x2x128xi32, #tpu.memory_space<hbm>> -> memref<80x2x128xi32, #tpu.memory_space<hbm>>
        %dma_wait3A_837 = arith.constant 0 : i32
        %dma_wait3A_838 = arith.constant 0 : i32
        %dma_wait3A_839 = tpu.memref_slice %dma_wait3A_836[%dma_wait3A_826, %dma_wait3A_837, %dma_wait3A_838] : memref<80x2x128xi32, #tpu.memory_space<hbm>> -> memref<1x2x128xi32, #tpu.memory_space<hbm>>
        %dma_wait3A_840 = tpu.memref_squeeze %dma_wait3A_839 : memref<1x2x128xi32, #tpu.memory_space<hbm>> -> memref<2x128xi32, #tpu.memory_space<hbm>>
        %dma_wait3A_841 = arith.constant 0 : i32
        %dma_wait3A_842 = arith.constant 0 : i32
        %dma_wait3A_843 = tpu.memref_slice %arg8[%dma_wait3A_827, %dma_wait3A_841, %dma_wait3A_842] : memref<4x2x128xi32, #tpu.memory_space<vmem>> -> memref<1x2x128xi32, #tpu.memory_space<vmem>>
        %dma_wait3A_844 = tpu.memref_squeeze %dma_wait3A_843 : memref<1x2x128xi32, #tpu.memory_space<vmem>> -> memref<2x128xi32, #tpu.memory_space<vmem>>
        %dma_wait3A_845 = arith.constant 0 : i32
        %dma_wait3A_846 = arith.constant 0 : i32
        %dma_wait3A_847 = arith.constant 0 : i32
        %dma_wait3A_848 = tpu.memref_slice %arg3[%arg1, %dma_wait3A_845, %dma_wait3A_846, %dma_wait3A_847] : memref<16x80x2x128xi32, #tpu.memory_space<hbm>> -> memref<1x80x2x128xi32, #tpu.memory_space<hbm>>
        %dma_wait3A_849 = tpu.memref_squeeze %dma_wait3A_848 : memref<1x80x2x128xi32, #tpu.memory_space<hbm>> -> memref<80x2x128xi32, #tpu.memory_space<hbm>>
        %dma_wait3A_850 = arith.constant 0 : i32
        %dma_wait3A_851 = arith.constant 0 : i32
        %dma_wait3A_852 = tpu.memref_slice %dma_wait3A_849[%dma_wait3A_826, %dma_wait3A_850, %dma_wait3A_851] : memref<80x2x128xi32, #tpu.memory_space<hbm>> -> memref<1x2x128xi32, #tpu.memory_space<hbm>>
        %dma_wait3A_853 = tpu.memref_squeeze %dma_wait3A_852 : memref<1x2x128xi32, #tpu.memory_space<hbm>> -> memref<2x128xi32, #tpu.memory_space<hbm>>
        tpu.wait_dma2 semaphore(%arg15 : memref<!tpu.dma_semaphore, #tpu.memory_space<semaphore_mem>>) src(%dma_wait3A_853 : memref<2x128xi32, #tpu.memory_space<hbm>>) dst(%dma_wait3A_844 : memref<2x128xi32, #tpu.memory_space<vmem>>)
        %dma_wait3A_854 = arith.constant 0 : i32
        %dma_wait3A_855 = arith.constant 2 : i32
        %dma_wait3A_856 = arith.constant 0 : i32
        %dma_wait3A_857 = tpu.memref_slice %arg9[%dma_wait3A_855, %dma_wait3A_856] : memref<4x128xf32, #tpu.memory_space<vmem>> -> memref<1x128xf32, #tpu.memory_space<vmem>>
        %dma_wait3A_858 = tpu.memref_squeeze %dma_wait3A_857 : memref<1x128xf32, #tpu.memory_space<vmem>> -> memref<128xf32, #tpu.memory_space<vmem>>
        %dma_wait3A_859 = arith.constant 0 : i32
        %dma_wait3A_860 = arith.constant 0 : i32
        %dma_wait3A_861 = tpu.memref_slice %arg4[%arg1, %dma_wait3A_859, %dma_wait3A_860] : memref<16x80x128xf32, #tpu.memory_space<hbm>> -> memref<1x80x128xf32, #tpu.memory_space<hbm>>
        %dma_wait3A_862 = tpu.memref_squeeze %dma_wait3A_861 : memref<1x80x128xf32, #tpu.memory_space<hbm>> -> memref<80x128xf32, #tpu.memory_space<hbm>>
        %dma_wait3A_863 = arith.constant 0 : i32
        %dma_wait3A_864 = tpu.memref_slice %dma_wait3A_862[%dma_wait3A_854, %dma_wait3A_863] : memref<80x128xf32, #tpu.memory_space<hbm>> -> memref<1x128xf32, #tpu.memory_space<hbm>>
        %dma_wait3A_865 = tpu.memref_squeeze %dma_wait3A_864 : memref<1x128xf32, #tpu.memory_space<hbm>> -> memref<128xf32, #tpu.memory_space<hbm>>
        %dma_wait3A_866 = arith.constant 0 : i32
        %dma_wait3A_867 = tpu.memref_slice %arg9[%dma_wait3A_855, %dma_wait3A_866] : memref<4x128xf32, #tpu.memory_space<vmem>> -> memref<1x128xf32, #tpu.memory_space<vmem>>
        %dma_wait3A_868 = tpu.memref_squeeze %dma_wait3A_867 : memref<1x128xf32, #tpu.memory_space<vmem>> -> memref<128xf32, #tpu.memory_space<vmem>>
        %dma_wait3A_869 = arith.constant 0 : i32
        %dma_wait3A_870 = arith.constant 0 : i32
        %dma_wait3A_871 = tpu.memref_slice %arg4[%arg1, %dma_wait3A_869, %dma_wait3A_870] : memref<16x80x128xf32, #tpu.memory_space<hbm>> -> memref<1x80x128xf32, #tpu.memory_space<hbm>>
        %dma_wait3A_872 = tpu.memref_squeeze %dma_wait3A_871 : memref<1x80x128xf32, #tpu.memory_space<hbm>> -> memref<80x128xf32, #tpu.memory_space<hbm>>
        %dma_wait3A_873 = arith.constant 0 : i32
        %dma_wait3A_874 = tpu.memref_slice %dma_wait3A_872[%dma_wait3A_854, %dma_wait3A_873] : memref<80x128xf32, #tpu.memory_space<hbm>> -> memref<1x128xf32, #tpu.memory_space<hbm>>
        %dma_wait3A_875 = tpu.memref_squeeze %dma_wait3A_874 : memref<1x128xf32, #tpu.memory_space<hbm>> -> memref<128xf32, #tpu.memory_space<hbm>>
        tpu.wait_dma2 semaphore(%arg15 : memref<!tpu.dma_semaphore, #tpu.memory_space<semaphore_mem>>) src(%dma_wait3A_875 : memref<128xf32, #tpu.memory_space<hbm>>) dst(%dma_wait3A_868 : memref<128xf32, #tpu.memory_space<vmem>>)
        %dma_start3A_876 = arith.constant 2 : i32
        %dma_start3A_877 = arith.constant 0 : i32
        %dma_start3A_878 = arith.constant 0 : i32
        %dma_start3A_879 = tpu.memref_slice %arg8[%dma_start3A_876, %dma_start3A_877, %dma_start3A_878] : memref<4x2x128xi32, #tpu.memory_space<vmem>> -> memref<1x1x128xi32, #tpu.memory_space<vmem>>
        %dma_start3A_880 = tpu.memref_squeeze %dma_start3A_879 : memref<1x1x128xi32, #tpu.memory_space<vmem>> -> memref<128xi32, #tpu.memory_space<vmem>>
        %dma_start3A_881 = arith.constant 0 : i32
        %dma_start3A_882 = arith.constant 0 : i32
        %dma_start3A_883 = tpu.memref_slice %arg6[%arg0, %dma_start3A_881, %dma_start3A_882] : memref<2x10240x128xf32, #tpu.memory_space<hbm>> -> memref<1x10240x128xf32, #tpu.memory_space<hbm>>
        %dma_start3A_884 = tpu.memref_squeeze %dma_start3A_883 : memref<1x10240x128xf32, #tpu.memory_space<hbm>> -> memref<10240x128xf32, #tpu.memory_space<hbm>>
        %dma_start3A_885 = arith.constant 0 : i32
        %dma_start3A_886 = arith.constant 0 : i32
        %dma_start3A_887 = tpu.memref_slice %dma_start3A_884[%dma_start3A_885, %dma_start3A_886] : memref<10240x128xf32, #tpu.memory_space<hbm>> -> memref<10240x128xf32, #tpu.memory_space<hbm>>
        tpu.enqueue_indirect_dma source(%dma_start3A_887 : memref<10240x128xf32, #tpu.memory_space<hbm>>) target(%arg10 : memref<128x128xf32, #tpu.memory_space<vmem>>) offsets(%dma_start3A_880 : memref<128xi32, #tpu.memory_space<vmem>>) semaphore(%arg17 : memref<!tpu.dma_semaphore, #tpu.memory_space<semaphore_mem>>)
      } else {
      }
      %dma_start3A_712 = arith.constant 1 : i32
      %dma_start3A_713 = arith.constant 1 : i32
      %dma_start3A_714 = arith.constant 0 : i32
      %dma_start3A_715 = tpu.memref_slice %arg8[%dma_start3A_712, %dma_start3A_713, %dma_start3A_714] : memref<4x2x128xi32, #tpu.memory_space<vmem>> -> memref<1x1x128xi32, #tpu.memory_space<vmem>>
      %dma_start3A_716 = tpu.memref_squeeze %dma_start3A_715 : memref<1x1x128xi32, #tpu.memory_space<vmem>> -> memref<128xi32, #tpu.memory_space<vmem>>
      %dma_start3A_717 = arith.constant 0 : i32
      %dma_start3A_718 = arith.constant 0 : i32
      %dma_start3A_719 = tpu.memref_slice %arg12[%dma_start3A_717, %dma_start3A_718] : memref<10240x128xf32, #tpu.memory_space<vmem_shared>> -> memref<10240x128xf32, #tpu.memory_space<vmem_shared>>
      tpu.enqueue_indirect_dma source(%arg11 : memref<128x128xf32, #tpu.memory_space<vmem>>) target(%dma_start3A_719 : memref<10240x128xf32, #tpu.memory_space<vmem_shared>>) offsets(%dma_start3A_716 : memref<128xi32, #tpu.memory_space<vmem>>) semaphore(%arg20 : memref<!tpu.dma_semaphore, #tpu.memory_space<semaphore_mem>>) {add = true}
      %mul3A_720 = arith.constant 4 : i32
      %mul3A_721 = arith.muli %mul3A_720, %add3A_620 : i32
      %add3A_722 = arith.constant 2 : i32
      %add3A_723 = arith.addi %mul3A_721, %add3A_722 : i32
      %dma_wait3A_724 = arith.constant 2 : i32
      %dma_wait3A_725 = arith.constant 0 : i32
      %dma_wait3A_726 = arith.constant 0 : i32
      %dma_wait3A_727 = tpu.memref_slice %arg8[%dma_wait3A_724, %dma_wait3A_725, %dma_wait3A_726] : memref<4x2x128xi32, #tpu.memory_space<vmem>> -> memref<1x1x128xi32, #tpu.memory_space<vmem>>
      %dma_wait3A_728 = tpu.memref_squeeze %dma_wait3A_727 : memref<1x1x128xi32, #tpu.memory_space<vmem>> -> memref<128xi32, #tpu.memory_space<vmem>>
      %dma_wait3A_729 = arith.constant 0 : i32
      %dma_wait3A_730 = arith.constant 0 : i32
      %dma_wait3A_731 = tpu.memref_slice %arg6[%arg0, %dma_wait3A_729, %dma_wait3A_730] : memref<2x10240x128xf32, #tpu.memory_space<hbm>> -> memref<1x10240x128xf32, #tpu.memory_space<hbm>>
      %dma_wait3A_732 = tpu.memref_squeeze %dma_wait3A_731 : memref<1x10240x128xf32, #tpu.memory_space<hbm>> -> memref<10240x128xf32, #tpu.memory_space<hbm>>
      %dma_wait3A_733 = arith.constant 0 : i32
      %dma_wait3A_734 = arith.constant 0 : i32
      %dma_wait3A_735 = tpu.memref_slice %dma_wait3A_732[%dma_wait3A_733, %dma_wait3A_734] : memref<10240x128xf32, #tpu.memory_space<hbm>> -> memref<10240x128xf32, #tpu.memory_space<hbm>>
      tpu.wait_indirect_dma semaphore(%arg17 : memref<!tpu.dma_semaphore, #tpu.memory_space<semaphore_mem>>) src(%dma_wait3A_735 : memref<10240x128xf32, #tpu.memory_space<hbm>>) dst(%arg10 : memref<128x128xf32, #tpu.memory_space<vmem>>)
      %broadcast_in_dim3A_736 = arith.constant 2 : i32
      %broadcast_in_dim3A_737 = vector.broadcast %broadcast_in_dim3A_736 : i32 to vector<16xi32>
      %scan3A_738 = arith.constant 0 : i32
      %scan3A_739 = arith.constant 128 : i32
      %scan3A_740 = arith.addi %scan3A_738, %scan3A_739 : i32
      %scan3A_741 = arith.constant 1 : i32
      scf.for %scan3A_826 = %scan3A_738 to %scan3A_740 step %scan3A_741  : i32 {
        %mul3A_827 = arith.constant 1 : i32
        %mul3A_828 = arith.muli %scan3A_826, %mul3A_827 : i32
        %add3A_829 = arith.constant 0 : i32
        %add3A_830 = arith.addi %add3A_829, %mul3A_828 : i32
        %broadcast_in_dim3A_831 = vector.broadcast %add3A_830 : i32 to vector<16xi32>
        %gather3A = tpu.vector_load_idx %arg9[%broadcast_in_dim3A_737, %broadcast_in_dim3A_831] : memref<4x128xf32, #tpu.memory_space<vmem>>[vector<16xi32>, vector<16xi32>], vector<16xf32>,
        %get3A = arith.index_cast %add3A_830 : i32 to index
        %get3A_832 = arith.constant 0 : index
        %get3A_833 = tpu.vector_load %arg10[%get3A, %get3A_832] {strides = array<i32>} : memref<128x128xf32, #tpu.memory_space<vmem>>, vector<16xf32>,
        %mul3A_834 = arith.mulf %get3A_833, %gather3A : vector<16xf32>
        %swap3A = arith.index_cast %add3A_830 : i32 to index
        %swap3A_835 = arith.constant 0 : index
        %swap3A_836 = tpu.vector_load %arg10[%swap3A, %swap3A_835] {strides = array<i32>} : memref<128x128xf32, #tpu.memory_space<vmem>>, vector<16xf32>,
        tpu.vector_store %arg10[%swap3A, %swap3A_835], %mul3A_834 {strides = array<i32>} : memref<128x128xf32, #tpu.memory_space<vmem>>, vector<16xf32>,
        %get3A_837 = arith.index_cast %add3A_830 : i32 to index
        %get3A_838 = arith.constant 16 : index
        %get3A_839 = tpu.vector_load %arg10[%get3A_837, %get3A_838] {strides = array<i32>} : memref<128x128xf32, #tpu.memory_space<vmem>>, vector<16xf32>,
        %mul3A_840 = arith.mulf %get3A_839, %gather3A : vector<16xf32>
        %swap3A_841 = arith.index_cast %add3A_830 : i32 to index
        %swap3A_842 = arith.constant 16 : index
        %swap3A_843 = tpu.vector_load %arg10[%swap3A_841, %swap3A_842] {strides = array<i32>} : memref<128x128xf32, #tpu.memory_space<vmem>>, vector<16xf32>,
        tpu.vector_store %arg10[%swap3A_841, %swap3A_842], %mul3A_840 {strides = array<i32>} : memref<128x128xf32, #tpu.memory_space<vmem>>, vector<16xf32>,
        %get3A_844 = arith.index_cast %add3A_830 : i32 to index
        %get3A_845 = arith.constant 32 : index
        %get3A_846 = tpu.vector_load %arg10[%get3A_844, %get3A_845] {strides = array<i32>} : memref<128x128xf32, #tpu.memory_space<vmem>>, vector<16xf32>,
        %mul3A_847 = arith.mulf %get3A_846, %gather3A : vector<16xf32>
        %swap3A_848 = arith.index_cast %add3A_830 : i32 to index
        %swap3A_849 = arith.constant 32 : index
        %swap3A_850 = tpu.vector_load %arg10[%swap3A_848, %swap3A_849] {strides = array<i32>} : memref<128x128xf32, #tpu.memory_space<vmem>>, vector<16xf32>,
        tpu.vector_store %arg10[%swap3A_848, %swap3A_849], %mul3A_847 {strides = array<i32>} : memref<128x128xf32, #tpu.memory_space<vmem>>, vector<16xf32>,
        %get3A_851 = arith.index_cast %add3A_830 : i32 to index
        %get3A_852 = arith.constant 48 : index
        %get3A_853 = tpu.vector_load %arg10[%get3A_851, %get3A_852] {strides = array<i32>} : memref<128x128xf32, #tpu.memory_space<vmem>>, vector<16xf32>,
        %mul3A_854 = arith.mulf %get3A_853, %gather3A : vector<16xf32>
        %swap3A_855 = arith.index_cast %add3A_830 : i32 to index
        %swap3A_856 = arith.constant 48 : index
        %swap3A_857 = tpu.vector_load %arg10[%swap3A_855, %swap3A_856] {strides = array<i32>} : memref<128x128xf32, #tpu.memory_space<vmem>>, vector<16xf32>,
        tpu.vector_store %arg10[%swap3A_855, %swap3A_856], %mul3A_854 {strides = array<i32>} : memref<128x128xf32, #tpu.memory_space<vmem>>, vector<16xf32>,
        %get3A_858 = arith.index_cast %add3A_830 : i32 to index
        %get3A_859 = arith.constant 64 : index
        %get3A_860 = tpu.vector_load %arg10[%get3A_858, %get3A_859] {strides = array<i32>} : memref<128x128xf32, #tpu.memory_space<vmem>>, vector<16xf32>,
        %mul3A_861 = arith.mulf %get3A_860, %gather3A : vector<16xf32>
        %swap3A_862 = arith.index_cast %add3A_830 : i32 to index
        %swap3A_863 = arith.constant 64 : index
        %swap3A_864 = tpu.vector_load %arg10[%swap3A_862, %swap3A_863] {strides = array<i32>} : memref<128x128xf32, #tpu.memory_space<vmem>>, vector<16xf32>,
        tpu.vector_store %arg10[%swap3A_862, %swap3A_863], %mul3A_861 {strides = array<i32>} : memref<128x128xf32, #tpu.memory_space<vmem>>, vector<16xf32>,
        %get3A_865 = arith.index_cast %add3A_830 : i32 to index
        %get3A_866 = arith.constant 80 : index
        %get3A_867 = tpu.vector_load %arg10[%get3A_865, %get3A_866] {strides = array<i32>} : memref<128x128xf32, #tpu.memory_space<vmem>>, vector<16xf32>,
        %mul3A_868 = arith.mulf %get3A_867, %gather3A : vector<16xf32>
        %swap3A_869 = arith.index_cast %add3A_830 : i32 to index
        %swap3A_870 = arith.constant 80 : index
        %swap3A_871 = tpu.vector_load %arg10[%swap3A_869, %swap3A_870] {strides = array<i32>} : memref<128x128xf32, #tpu.memory_space<vmem>>, vector<16xf32>,
        tpu.vector_store %arg10[%swap3A_869, %swap3A_870], %mul3A_868 {strides = array<i32>} : memref<128x128xf32, #tpu.memory_space<vmem>>, vector<16xf32>,
        %get3A_872 = arith.index_cast %add3A_830 : i32 to index
        %get3A_873 = arith.constant 96 : index
        %get3A_874 = tpu.vector_load %arg10[%get3A_872, %get3A_873] {strides = array<i32>} : memref<128x128xf32, #tpu.memory_space<vmem>>, vector<16xf32>,
        %mul3A_875 = arith.mulf %get3A_874, %gather3A : vector<16xf32>
        %swap3A_876 = arith.index_cast %add3A_830 : i32 to index
        %swap3A_877 = arith.constant 96 : index
        %swap3A_878 = tpu.vector_load %arg10[%swap3A_876, %swap3A_877] {strides = array<i32>} : memref<128x128xf32, #tpu.memory_space<vmem>>, vector<16xf32>,
        tpu.vector_store %arg10[%swap3A_876, %swap3A_877], %mul3A_875 {strides = array<i32>} : memref<128x128xf32, #tpu.memory_space<vmem>>, vector<16xf32>,
        %get3A_879 = arith.index_cast %add3A_830 : i32 to index
        %get3A_880 = arith.constant 112 : index
        %get3A_881 = tpu.vector_load %arg10[%get3A_879, %get3A_880] {strides = array<i32>} : memref<128x128xf32, #tpu.memory_space<vmem>>, vector<16xf32>,
        %mul3A_882 = arith.mulf %get3A_881, %gather3A : vector<16xf32>
        %swap3A_883 = arith.index_cast %add3A_830 : i32 to index
        %swap3A_884 = arith.constant 112 : index
        %swap3A_885 = tpu.vector_load %arg10[%swap3A_883, %swap3A_884] {strides = array<i32>} : memref<128x128xf32, #tpu.memory_space<vmem>>, vector<16xf32>,
        tpu.vector_store %arg10[%swap3A_883, %swap3A_884], %mul3A_882 {strides = array<i32>} : memref<128x128xf32, #tpu.memory_space<vmem>>, vector<16xf32>,
      }
      %scan3A_742 = arith.constant 128 : i32
      %dma_wait3A_743 = arith.constant 1 : i32
      %dma_wait3A_744 = arith.constant 1 : i32
      %dma_wait3A_745 = arith.constant 0 : i32
      %dma_wait3A_746 = tpu.memref_slice %arg8[%dma_wait3A_743, %dma_wait3A_744, %dma_wait3A_745] : memref<4x2x128xi32, #tpu.memory_space<vmem>> -> memref<1x1x128xi32, #tpu.memory_space<vmem>>
      %dma_wait3A_747 = tpu.memref_squeeze %dma_wait3A_746 : memref<1x1x128xi32, #tpu.memory_space<vmem>> -> memref<128xi32, #tpu.memory_space<vmem>>
      %dma_wait3A_748 = arith.constant 0 : i32
      %dma_wait3A_749 = arith.constant 0 : i32
      %dma_wait3A_750 = tpu.memref_slice %arg12[%dma_wait3A_748, %dma_wait3A_749] : memref<10240x128xf32, #tpu.memory_space<vmem_shared>> -> memref<10240x128xf32, #tpu.memory_space<vmem_shared>>
      tpu.wait_indirect_dma semaphore(%arg20 : memref<!tpu.dma_semaphore, #tpu.memory_space<semaphore_mem>>) src(%arg11 : memref<128x128xf32, #tpu.memory_space<vmem>>) dst(%dma_wait3A_750 : memref<10240x128xf32, #tpu.memory_space<vmem_shared>>)
      %add3A_751 = arith.constant 2 : i32
      %add3A_752 = arith.addi %add3A_723, %add3A_751 : i32
      %lt3A_753 = arith.constant 80 : i32
      %lt3A_754 = arith.cmpi slt, %add3A_752, %lt3A_753 : i32
      %convert_element_type3A_755 = arith.extui %lt3A_754 : i1 to i32
      %cond3A_756 = arith.constant 0 : i32
      %cond3A_757 = arith.cmpi ne, %convert_element_type3A_755, %cond3A_756 : i32
      scf.if %cond3A_757 {
        %add3A_826 = arith.constant 2 : i32
        %add3A_827 = arith.addi %add3A_723, %add3A_826 : i32
        %dma_start3A_828 = arith.constant 0 : i32
        %dma_start3A_829 = arith.constant 0 : i32
        %dma_start3A_830 = arith.constant 0 : i32
        %dma_start3A_831 = tpu.memref_slice %arg8[%dma_start3A_828, %dma_start3A_829, %dma_start3A_830] : memref<4x2x128xi32, #tpu.memory_space<vmem>> -> memref<1x2x128xi32, #tpu.memory_space<vmem>>
        %dma_start3A_832 = tpu.memref_squeeze %dma_start3A_831 : memref<1x2x128xi32, #tpu.memory_space<vmem>> -> memref<2x128xi32, #tpu.memory_space<vmem>>
        %dma_start3A_833 = arith.constant 0 : i32
        %dma_start3A_834 = arith.constant 0 : i32
        %dma_start3A_835 = arith.constant 0 : i32
        %dma_start3A_836 = tpu.memref_slice %arg3[%arg1, %dma_start3A_833, %dma_start3A_834, %dma_start3A_835] : memref<16x80x2x128xi32, #tpu.memory_space<hbm>> -> memref<1x80x2x128xi32, #tpu.memory_space<hbm>>
        %dma_start3A_837 = tpu.memref_squeeze %dma_start3A_836 : memref<1x80x2x128xi32, #tpu.memory_space<hbm>> -> memref<80x2x128xi32, #tpu.memory_space<hbm>>
        %dma_start3A_838 = arith.constant 0 : i32
        %dma_start3A_839 = arith.constant 0 : i32
        %dma_start3A_840 = tpu.memref_slice %dma_start3A_837[%add3A_827, %dma_start3A_838, %dma_start3A_839] : memref<80x2x128xi32, #tpu.memory_space<hbm>> -> memref<1x2x128xi32, #tpu.memory_space<hbm>>
        %dma_start3A_841 = tpu.memref_squeeze %dma_start3A_840 : memref<1x2x128xi32, #tpu.memory_space<hbm>> -> memref<2x128xi32, #tpu.memory_space<hbm>>
        %dma_start3A_842 = arith.constant 0 : i32
        %dma_start3A_843 = arith.constant 0 : i32
        %dma_start3A_844 = tpu.memref_slice %arg8[%dma_start3A_828, %dma_start3A_842, %dma_start3A_843] : memref<4x2x128xi32, #tpu.memory_space<vmem>> -> memref<1x2x128xi32, #tpu.memory_space<vmem>>
        %dma_start3A_845 = tpu.memref_squeeze %dma_start3A_844 : memref<1x2x128xi32, #tpu.memory_space<vmem>> -> memref<2x128xi32, #tpu.memory_space<vmem>>
        %dma_start3A_846 = arith.constant 0 : i32
        %dma_start3A_847 = arith.constant 0 : i32
        %dma_start3A_848 = arith.constant 0 : i32
        %dma_start3A_849 = tpu.memref_slice %arg3[%arg1, %dma_start3A_846, %dma_start3A_847, %dma_start3A_848] : memref<16x80x2x128xi32, #tpu.memory_space<hbm>> -> memref<1x80x2x128xi32, #tpu.memory_space<hbm>>
        %dma_start3A_850 = tpu.memref_squeeze %dma_start3A_849 : memref<1x80x2x128xi32, #tpu.memory_space<hbm>> -> memref<80x2x128xi32, #tpu.memory_space<hbm>>
        %dma_start3A_851 = arith.constant 0 : i32
        %dma_start3A_852 = arith.constant 0 : i32
        %dma_start3A_853 = tpu.memref_slice %dma_start3A_850[%add3A_827, %dma_start3A_851, %dma_start3A_852] : memref<80x2x128xi32, #tpu.memory_space<hbm>> -> memref<1x2x128xi32, #tpu.memory_space<hbm>>
        %dma_start3A_854 = tpu.memref_squeeze %dma_start3A_853 : memref<1x2x128xi32, #tpu.memory_space<hbm>> -> memref<2x128xi32, #tpu.memory_space<hbm>>
        tpu.enqueue_dma source(%dma_start3A_854 : memref<2x128xi32, #tpu.memory_space<hbm>>) target(%dma_start3A_845 : memref<2x128xi32, #tpu.memory_space<vmem>>) target_semaphore(%arg13 : memref<!tpu.dma_semaphore, #tpu.memory_space<semaphore_mem>>)
        %dma_start3A_855 = arith.constant 0 : i32
        %dma_start3A_856 = arith.constant 0 : i32
        %dma_start3A_857 = tpu.memref_slice %arg9[%dma_start3A_855, %dma_start3A_856] : memref<4x128xf32, #tpu.memory_space<vmem>> -> memref<1x128xf32, #tpu.memory_space<vmem>>
        %dma_start3A_858 = tpu.memref_squeeze %dma_start3A_857 : memref<1x128xf32, #tpu.memory_space<vmem>> -> memref<128xf32, #tpu.memory_space<vmem>>
        %dma_start3A_859 = arith.constant 0 : i32
        %dma_start3A_860 = arith.constant 0 : i32
        %dma_start3A_861 = tpu.memref_slice %arg4[%arg1, %dma_start3A_859, %dma_start3A_860] : memref<16x80x128xf32, #tpu.memory_space<hbm>> -> memref<1x80x128xf32, #tpu.memory_space<hbm>>
        %dma_start3A_862 = tpu.memref_squeeze %dma_start3A_861 : memref<1x80x128xf32, #tpu.memory_space<hbm>> -> memref<80x128xf32, #tpu.memory_space<hbm>>
        %dma_start3A_863 = arith.constant 0 : i32
        %dma_start3A_864 = tpu.memref_slice %dma_start3A_862[%add3A_827, %dma_start3A_863] : memref<80x128xf32, #tpu.memory_space<hbm>> -> memref<1x128xf32, #tpu.memory_space<hbm>>
        %dma_start3A_865 = tpu.memref_squeeze %dma_start3A_864 : memref<1x128xf32, #tpu.memory_space<hbm>> -> memref<128xf32, #tpu.memory_space<hbm>>
        %dma_start3A_866 = arith.constant 0 : i32
        %dma_start3A_867 = tpu.memref_slice %arg9[%dma_start3A_855, %dma_start3A_866] : memref<4x128xf32, #tpu.memory_space<vmem>> -> memref<1x128xf32, #tpu.memory_space<vmem>>
        %dma_start3A_868 = tpu.memref_squeeze %dma_start3A_867 : memref<1x128xf32, #tpu.memory_space<vmem>> -> memref<128xf32, #tpu.memory_space<vmem>>
        %dma_start3A_869 = arith.constant 0 : i32
        %dma_start3A_870 = arith.constant 0 : i32
        %dma_start3A_871 = tpu.memref_slice %arg4[%arg1, %dma_start3A_869, %dma_start3A_870] : memref<16x80x128xf32, #tpu.memory_space<hbm>> -> memref<1x80x128xf32, #tpu.memory_space<hbm>>
        %dma_start3A_872 = tpu.memref_squeeze %dma_start3A_871 : memref<1x80x128xf32, #tpu.memory_space<hbm>> -> memref<80x128xf32, #tpu.memory_space<hbm>>
        %dma_start3A_873 = arith.constant 0 : i32
        %dma_start3A_874 = tpu.memref_slice %dma_start3A_872[%add3A_827, %dma_start3A_873] : memref<80x128xf32, #tpu.memory_space<hbm>> -> memref<1x128xf32, #tpu.memory_space<hbm>>
        %dma_start3A_875 = tpu.memref_squeeze %dma_start3A_874 : memref<1x128xf32, #tpu.memory_space<hbm>> -> memref<128xf32, #tpu.memory_space<hbm>>
        tpu.enqueue_dma source(%dma_start3A_875 : memref<128xf32, #tpu.memory_space<hbm>>) target(%dma_start3A_868 : memref<128xf32, #tpu.memory_space<vmem>>) target_semaphore(%arg13 : memref<!tpu.dma_semaphore, #tpu.memory_space<semaphore_mem>>)
      } else {
      }
      %add3A_758 = arith.constant 1 : i32
      %add3A_759 = arith.addi %add3A_723, %add3A_758 : i32
      %lt3A_760 = arith.constant 80 : i32
      %lt3A_761 = arith.cmpi slt, %add3A_759, %lt3A_760 : i32
      %convert_element_type3A_762 = arith.extui %lt3A_761 : i1 to i32
      %cond3A_763 = arith.constant 0 : i32
      %cond3A_764 = arith.cmpi ne, %convert_element_type3A_762, %cond3A_763 : i32
      scf.if %cond3A_764 {
        %dma_wait3A_826 = arith.constant 0 : i32
        %dma_wait3A_827 = arith.constant 3 : i32
        %dma_wait3A_828 = arith.constant 0 : i32
        %dma_wait3A_829 = arith.constant 0 : i32
        %dma_wait3A_830 = tpu.memref_slice %arg8[%dma_wait3A_827, %dma_wait3A_828, %dma_wait3A_829] : memref<4x2x128xi32, #tpu.memory_space<vmem>> -> memref<1x2x128xi32, #tpu.memory_space<vmem>>
        %dma_wait3A_831 = tpu.memref_squeeze %dma_wait3A_830 : memref<1x2x128xi32, #tpu.memory_space<vmem>> -> memref<2x128xi32, #tpu.memory_space<vmem>>
        %dma_wait3A_832 = arith.constant 0 : i32
        %dma_wait3A_833 = arith.constant 0 : i32
        %dma_wait3A_834 = arith.constant 0 : i32
        %dma_wait3A_835 = tpu.memref_slice %arg3[%arg1, %dma_wait3A_832, %dma_wait3A_833, %dma_wait3A_834] : memref<16x80x2x128xi32, #tpu.memory_space<hbm>> -> memref<1x80x2x128xi32, #tpu.memory_space<hbm>>
        %dma_wait3A_836 = tpu.memref_squeeze %dma_wait3A_835 : memref<1x80x2x128xi32, #tpu.memory_space<hbm>> -> memref<80x2x128xi32, #tpu.memory_space<hbm>>
        %dma_wait3A_837 = arith.constant 0 : i32
        %dma_wait3A_838 = arith.constant 0 : i32
        %dma_wait3A_839 = tpu.memref_slice %dma_wait3A_836[%dma_wait3A_826, %dma_wait3A_837, %dma_wait3A_838] : memref<80x2x128xi32, #tpu.memory_space<hbm>> -> memref<1x2x128xi32, #tpu.memory_space<hbm>>
        %dma_wait3A_840 = tpu.memref_squeeze %dma_wait3A_839 : memref<1x2x128xi32, #tpu.memory_space<hbm>> -> memref<2x128xi32, #tpu.memory_space<hbm>>
        %dma_wait3A_841 = arith.constant 0 : i32
        %dma_wait3A_842 = arith.constant 0 : i32
        %dma_wait3A_843 = tpu.memref_slice %arg8[%dma_wait3A_827, %dma_wait3A_841, %dma_wait3A_842] : memref<4x2x128xi32, #tpu.memory_space<vmem>> -> memref<1x2x128xi32, #tpu.memory_space<vmem>>
        %dma_wait3A_844 = tpu.memref_squeeze %dma_wait3A_843 : memref<1x2x128xi32, #tpu.memory_space<vmem>> -> memref<2x128xi32, #tpu.memory_space<vmem>>
        %dma_wait3A_845 = arith.constant 0 : i32
        %dma_wait3A_846 = arith.constant 0 : i32
        %dma_wait3A_847 = arith.constant 0 : i32
        %dma_wait3A_848 = tpu.memref_slice %arg3[%arg1, %dma_wait3A_845, %dma_wait3A_846, %dma_wait3A_847] : memref<16x80x2x128xi32, #tpu.memory_space<hbm>> -> memref<1x80x2x128xi32, #tpu.memory_space<hbm>>
        %dma_wait3A_849 = tpu.memref_squeeze %dma_wait3A_848 : memref<1x80x2x128xi32, #tpu.memory_space<hbm>> -> memref<80x2x128xi32, #tpu.memory_space<hbm>>
        %dma_wait3A_850 = arith.constant 0 : i32
        %dma_wait3A_851 = arith.constant 0 : i32
        %dma_wait3A_852 = tpu.memref_slice %dma_wait3A_849[%dma_wait3A_826, %dma_wait3A_850, %dma_wait3A_851] : memref<80x2x128xi32, #tpu.memory_space<hbm>> -> memref<1x2x128xi32, #tpu.memory_space<hbm>>
        %dma_wait3A_853 = tpu.memref_squeeze %dma_wait3A_852 : memref<1x2x128xi32, #tpu.memory_space<hbm>> -> memref<2x128xi32, #tpu.memory_space<hbm>>
        tpu.wait_dma2 semaphore(%arg16 : memref<!tpu.dma_semaphore, #tpu.memory_space<semaphore_mem>>) src(%dma_wait3A_853 : memref<2x128xi32, #tpu.memory_space<hbm>>) dst(%dma_wait3A_844 : memref<2x128xi32, #tpu.memory_space<vmem>>)
        %dma_wait3A_854 = arith.constant 0 : i32
        %dma_wait3A_855 = arith.constant 3 : i32
        %dma_wait3A_856 = arith.constant 0 : i32
        %dma_wait3A_857 = tpu.memref_slice %arg9[%dma_wait3A_855, %dma_wait3A_856] : memref<4x128xf32, #tpu.memory_space<vmem>> -> memref<1x128xf32, #tpu.memory_space<vmem>>
        %dma_wait3A_858 = tpu.memref_squeeze %dma_wait3A_857 : memref<1x128xf32, #tpu.memory_space<vmem>> -> memref<128xf32, #tpu.memory_space<vmem>>
        %dma_wait3A_859 = arith.constant 0 : i32
        %dma_wait3A_860 = arith.constant 0 : i32
        %dma_wait3A_861 = tpu.memref_slice %arg4[%arg1, %dma_wait3A_859, %dma_wait3A_860] : memref<16x80x128xf32, #tpu.memory_space<hbm>> -> memref<1x80x128xf32, #tpu.memory_space<hbm>>
        %dma_wait3A_862 = tpu.memref_squeeze %dma_wait3A_861 : memref<1x80x128xf32, #tpu.memory_space<hbm>> -> memref<80x128xf32, #tpu.memory_space<hbm>>
        %dma_wait3A_863 = arith.constant 0 : i32
        %dma_wait3A_864 = tpu.memref_slice %dma_wait3A_862[%dma_wait3A_854, %dma_wait3A_863] : memref<80x128xf32, #tpu.memory_space<hbm>> -> memref<1x128xf32, #tpu.memory_space<hbm>>
        %dma_wait3A_865 = tpu.memref_squeeze %dma_wait3A_864 : memref<1x128xf32, #tpu.memory_space<hbm>> -> memref<128xf32, #tpu.memory_space<hbm>>
        %dma_wait3A_866 = arith.constant 0 : i32
        %dma_wait3A_867 = tpu.memref_slice %arg9[%dma_wait3A_855, %dma_wait3A_866] : memref<4x128xf32, #tpu.memory_space<vmem>> -> memref<1x128xf32, #tpu.memory_space<vmem>>
        %dma_wait3A_868 = tpu.memref_squeeze %dma_wait3A_867 : memref<1x128xf32, #tpu.memory_space<vmem>> -> memref<128xf32, #tpu.memory_space<vmem>>
        %dma_wait3A_869 = arith.constant 0 : i32
        %dma_wait3A_870 = arith.constant 0 : i32
        %dma_wait3A_871 = tpu.memref_slice %arg4[%arg1, %dma_wait3A_869, %dma_wait3A_870] : memref<16x80x128xf32, #tpu.memory_space<hbm>> -> memref<1x80x128xf32, #tpu.memory_space<hbm>>
        %dma_wait3A_872 = tpu.memref_squeeze %dma_wait3A_871 : memref<1x80x128xf32, #tpu.memory_space<hbm>> -> memref<80x128xf32, #tpu.memory_space<hbm>>
        %dma_wait3A_873 = arith.constant 0 : i32
        %dma_wait3A_874 = tpu.memref_slice %dma_wait3A_872[%dma_wait3A_854, %dma_wait3A_873] : memref<80x128xf32, #tpu.memory_space<hbm>> -> memref<1x128xf32, #tpu.memory_space<hbm>>
        %dma_wait3A_875 = tpu.memref_squeeze %dma_wait3A_874 : memref<1x128xf32, #tpu.memory_space<hbm>> -> memref<128xf32, #tpu.memory_space<hbm>>
        tpu.wait_dma2 semaphore(%arg16 : memref<!tpu.dma_semaphore, #tpu.memory_space<semaphore_mem>>) src(%dma_wait3A_875 : memref<128xf32, #tpu.memory_space<hbm>>) dst(%dma_wait3A_868 : memref<128xf32, #tpu.memory_space<vmem>>)
        %dma_start3A_876 = arith.constant 3 : i32
        %dma_start3A_877 = arith.constant 0 : i32
        %dma_start3A_878 = arith.constant 0 : i32
        %dma_start3A_879 = tpu.memref_slice %arg8[%dma_start3A_876, %dma_start3A_877, %dma_start3A_878] : memref<4x2x128xi32, #tpu.memory_space<vmem>> -> memref<1x1x128xi32, #tpu.memory_space<vmem>>
        %dma_start3A_880 = tpu.memref_squeeze %dma_start3A_879 : memref<1x1x128xi32, #tpu.memory_space<vmem>> -> memref<128xi32, #tpu.memory_space<vmem>>
        %dma_start3A_881 = arith.constant 0 : i32
        %dma_start3A_882 = arith.constant 0 : i32
        %dma_start3A_883 = tpu.memref_slice %arg6[%arg0, %dma_start3A_881, %dma_start3A_882] : memref<2x10240x128xf32, #tpu.memory_space<hbm>> -> memref<1x10240x128xf32, #tpu.memory_space<hbm>>
        %dma_start3A_884 = tpu.memref_squeeze %dma_start3A_883 : memref<1x10240x128xf32, #tpu.memory_space<hbm>> -> memref<10240x128xf32, #tpu.memory_space<hbm>>
        %dma_start3A_885 = arith.constant 0 : i32
        %dma_start3A_886 = arith.constant 0 : i32
        %dma_start3A_887 = tpu.memref_slice %dma_start3A_884[%dma_start3A_885, %dma_start3A_886] : memref<10240x128xf32, #tpu.memory_space<hbm>> -> memref<10240x128xf32, #tpu.memory_space<hbm>>
        tpu.enqueue_indirect_dma source(%dma_start3A_887 : memref<10240x128xf32, #tpu.memory_space<hbm>>) target(%arg11 : memref<128x128xf32, #tpu.memory_space<vmem>>) offsets(%dma_start3A_880 : memref<128xi32, #tpu.memory_space<vmem>>) semaphore(%arg18 : memref<!tpu.dma_semaphore, #tpu.memory_space<semaphore_mem>>)
      } else {
      }
      %dma_start3A_765 = arith.constant 2 : i32
      %dma_start3A_766 = arith.constant 1 : i32
      %dma_start3A_767 = arith.constant 0 : i32
      %dma_start3A_768 = tpu.memref_slice %arg8[%dma_start3A_765, %dma_start3A_766, %dma_start3A_767] : memref<4x2x128xi32, #tpu.memory_space<vmem>> -> memref<1x1x128xi32, #tpu.memory_space<vmem>>
      %dma_start3A_769 = tpu.memref_squeeze %dma_start3A_768 : memref<1x1x128xi32, #tpu.memory_space<vmem>> -> memref<128xi32, #tpu.memory_space<vmem>>
      %dma_start3A_770 = arith.constant 0 : i32
      %dma_start3A_771 = arith.constant 0 : i32
      %dma_start3A_772 = tpu.memref_slice %arg12[%dma_start3A_770, %dma_start3A_771] : memref<10240x128xf32, #tpu.memory_space<vmem_shared>> -> memref<10240x128xf32, #tpu.memory_space<vmem_shared>>
      tpu.enqueue_indirect_dma source(%arg10 : memref<128x128xf32, #tpu.memory_space<vmem>>) target(%dma_start3A_772 : memref<10240x128xf32, #tpu.memory_space<vmem_shared>>) offsets(%dma_start3A_769 : memref<128xi32, #tpu.memory_space<vmem>>) semaphore(%arg19 : memref<!tpu.dma_semaphore, #tpu.memory_space<semaphore_mem>>) {add = true}
      %mul3A_773 = arith.constant 4 : i32
      %mul3A_774 = arith.muli %mul3A_773, %add3A_620 : i32
      %add3A_775 = arith.constant 3 : i32
      %add3A_776 = arith.addi %mul3A_774, %add3A_775 : i32
      %dma_wait3A_777 = arith.constant 3 : i32
      %dma_wait3A_778 = arith.constant 0 : i32
      %dma_wait3A_779 = arith.constant 0 : i32
      %dma_wait3A_780 = tpu.memref_slice %arg8[%dma_wait3A_777, %dma_wait3A_778, %dma_wait3A_779] : memref<4x2x128xi32, #tpu.memory_space<vmem>> -> memref<1x1x128xi32, #tpu.memory_space<vmem>>
      %dma_wait3A_781 = tpu.memref_squeeze %dma_wait3A_780 : memref<1x1x128xi32, #tpu.memory_space<vmem>> -> memref<128xi32, #tpu.memory_space<vmem>>
      %dma_wait3A_782 = arith.constant 0 : i32
      %dma_wait3A_783 = arith.constant 0 : i32
      %dma_wait3A_784 = tpu.memref_slice %arg6[%arg0, %dma_wait3A_782, %dma_wait3A_783] : memref<2x10240x128xf32, #tpu.memory_space<hbm>> -> memref<1x10240x128xf32, #tpu.memory_space<hbm>>
      %dma_wait3A_785 = tpu.memref_squeeze %dma_wait3A_784 : memref<1x10240x128xf32, #tpu.memory_space<hbm>> -> memref<10240x128xf32, #tpu.memory_space<hbm>>
      %dma_wait3A_786 = arith.constant 0 : i32
      %dma_wait3A_787 = arith.constant 0 : i32
      %dma_wait3A_788 = tpu.memref_slice %dma_wait3A_785[%dma_wait3A_786, %dma_wait3A_787] : memref<10240x128xf32, #tpu.memory_space<hbm>> -> memref<10240x128xf32, #tpu.memory_space<hbm>>
      tpu.wait_indirect_dma semaphore(%arg18 : memref<!tpu.dma_semaphore, #tpu.memory_space<semaphore_mem>>) src(%dma_wait3A_788 : memref<10240x128xf32, #tpu.memory_space<hbm>>) dst(%arg11 : memref<128x128xf32, #tpu.memory_space<vmem>>)
      %broadcast_in_dim3A_789 = arith.constant 3 : i32
      %broadcast_in_dim3A_790 = vector.broadcast %broadcast_in_dim3A_789 : i32 to vector<16xi32>
      %scan3A_791 = arith.constant 0 : i32
      %scan3A_792 = arith.constant 128 : i32
      %scan3A_793 = arith.addi %scan3A_791, %scan3A_792 : i32
      %scan3A_794 = arith.constant 1 : i32
      scf.for %scan3A_826 = %scan3A_791 to %scan3A_793 step %scan3A_794  : i32 {
        %mul3A_827 = arith.constant 1 : i32
        %mul3A_828 = arith.muli %scan3A_826, %mul3A_827 : i32
        %add3A_829 = arith.constant 0 : i32
        %add3A_830 = arith.addi %add3A_829, %mul3A_828 : i32
        %broadcast_in_dim3A_831 = vector.broadcast %add3A_830 : i32 to vector<16xi32>
        %gather3A = tpu.vector_load_idx %arg9[%broadcast_in_dim3A_790, %broadcast_in_dim3A_831] : memref<4x128xf32, #tpu.memory_space<vmem>>[vector<16xi32>, vector<16xi32>], vector<16xf32>,
        %get3A = arith.index_cast %add3A_830 : i32 to index
        %get3A_832 = arith.constant 0 : index
        %get3A_833 = tpu.vector_load %arg11[%get3A, %get3A_832] {strides = array<i32>} : memref<128x128xf32, #tpu.memory_space<vmem>>, vector<16xf32>,
        %mul3A_834 = arith.mulf %get3A_833, %gather3A : vector<16xf32>
        %swap3A = arith.index_cast %add3A_830 : i32 to index
        %swap3A_835 = arith.constant 0 : index
        %swap3A_836 = tpu.vector_load %arg11[%swap3A, %swap3A_835] {strides = array<i32>} : memref<128x128xf32, #tpu.memory_space<vmem>>, vector<16xf32>,
        tpu.vector_store %arg11[%swap3A, %swap3A_835], %mul3A_834 {strides = array<i32>} : memref<128x128xf32, #tpu.memory_space<vmem>>, vector<16xf32>,
        %get3A_837 = arith.index_cast %add3A_830 : i32 to index
        %get3A_838 = arith.constant 16 : index
        %get3A_839 = tpu.vector_load %arg11[%get3A_837, %get3A_838] {strides = array<i32>} : memref<128x128xf32, #tpu.memory_space<vmem>>, vector<16xf32>,
        %mul3A_840 = arith.mulf %get3A_839, %gather3A : vector<16xf32>
        %swap3A_841 = arith.index_cast %add3A_830 : i32 to index
        %swap3A_842 = arith.constant 16 : index
        %swap3A_843 = tpu.vector_load %arg11[%swap3A_841, %swap3A_842] {strides = array<i32>} : memref<128x128xf32, #tpu.memory_space<vmem>>, vector<16xf32>,
        tpu.vector_store %arg11[%swap3A_841, %swap3A_842], %mul3A_840 {strides = array<i32>} : memref<128x128xf32, #tpu.memory_space<vmem>>, vector<16xf32>,
        %get3A_844 = arith.index_cast %add3A_830 : i32 to index
        %get3A_845 = arith.constant 32 : index
        %get3A_846 = tpu.vector_load %arg11[%get3A_844, %get3A_845] {strides = array<i32>} : memref<128x128xf32, #tpu.memory_space<vmem>>, vector<16xf32>,
        %mul3A_847 = arith.mulf %get3A_846, %gather3A : vector<16xf32>
        %swap3A_848 = arith.index_cast %add3A_830 : i32 to index
        %swap3A_849 = arith.constant 32 : index
        %swap3A_850 = tpu.vector_load %arg11[%swap3A_848, %swap3A_849] {strides = array<i32>} : memref<128x128xf32, #tpu.memory_space<vmem>>, vector<16xf32>,
        tpu.vector_store %arg11[%swap3A_848, %swap3A_849], %mul3A_847 {strides = array<i32>} : memref<128x128xf32, #tpu.memory_space<vmem>>, vector<16xf32>,
        %get3A_851 = arith.index_cast %add3A_830 : i32 to index
        %get3A_852 = arith.constant 48 : index
        %get3A_853 = tpu.vector_load %arg11[%get3A_851, %get3A_852] {strides = array<i32>} : memref<128x128xf32, #tpu.memory_space<vmem>>, vector<16xf32>,
        %mul3A_854 = arith.mulf %get3A_853, %gather3A : vector<16xf32>
        %swap3A_855 = arith.index_cast %add3A_830 : i32 to index
        %swap3A_856 = arith.constant 48 : index
        %swap3A_857 = tpu.vector_load %arg11[%swap3A_855, %swap3A_856] {strides = array<i32>} : memref<128x128xf32, #tpu.memory_space<vmem>>, vector<16xf32>,
        tpu.vector_store %arg11[%swap3A_855, %swap3A_856], %mul3A_854 {strides = array<i32>} : memref<128x128xf32, #tpu.memory_space<vmem>>, vector<16xf32>,
        %get3A_858 = arith.index_cast %add3A_830 : i32 to index
        %get3A_859 = arith.constant 64 : index
        %get3A_860 = tpu.vector_load %arg11[%get3A_858, %get3A_859] {strides = array<i32>} : memref<128x128xf32, #tpu.memory_space<vmem>>, vector<16xf32>,
        %mul3A_861 = arith.mulf %get3A_860, %gather3A : vector<16xf32>
        %swap3A_862 = arith.index_cast %add3A_830 : i32 to index
        %swap3A_863 = arith.constant 64 : index
        %swap3A_864 = tpu.vector_load %arg11[%swap3A_862, %swap3A_863] {strides = array<i32>} : memref<128x128xf32, #tpu.memory_space<vmem>>, vector<16xf32>,
        tpu.vector_store %arg11[%swap3A_862, %swap3A_863], %mul3A_861 {strides = array<i32>} : memref<128x128xf32, #tpu.memory_space<vmem>>, vector<16xf32>,
        %get3A_865 = arith.index_cast %add3A_830 : i32 to index
        %get3A_866 = arith.constant 80 : index
        %get3A_867 = tpu.vector_load %arg11[%get3A_865, %get3A_866] {strides = array<i32>} : memref<128x128xf32, #tpu.memory_space<vmem>>, vector<16xf32>,
        %mul3A_868 = arith.mulf %get3A_867, %gather3A : vector<16xf32>
        %swap3A_869 = arith.index_cast %add3A_830 : i32 to index
        %swap3A_870 = arith.constant 80 : index
        %swap3A_871 = tpu.vector_load %arg11[%swap3A_869, %swap3A_870] {strides = array<i32>} : memref<128x128xf32, #tpu.memory_space<vmem>>, vector<16xf32>,
        tpu.vector_store %arg11[%swap3A_869, %swap3A_870], %mul3A_868 {strides = array<i32>} : memref<128x128xf32, #tpu.memory_space<vmem>>, vector<16xf32>,
        %get3A_872 = arith.index_cast %add3A_830 : i32 to index
        %get3A_873 = arith.constant 96 : index
        %get3A_874 = tpu.vector_load %arg11[%get3A_872, %get3A_873] {strides = array<i32>} : memref<128x128xf32, #tpu.memory_space<vmem>>, vector<16xf32>,
        %mul3A_875 = arith.mulf %get3A_874, %gather3A : vector<16xf32>
        %swap3A_876 = arith.index_cast %add3A_830 : i32 to index
        %swap3A_877 = arith.constant 96 : index
        %swap3A_878 = tpu.vector_load %arg11[%swap3A_876, %swap3A_877] {strides = array<i32>} : memref<128x128xf32, #tpu.memory_space<vmem>>, vector<16xf32>,
        tpu.vector_store %arg11[%swap3A_876, %swap3A_877], %mul3A_875 {strides = array<i32>} : memref<128x128xf32, #tpu.memory_space<vmem>>, vector<16xf32>,
        %get3A_879 = arith.index_cast %add3A_830 : i32 to index
        %get3A_880 = arith.constant 112 : index
        %get3A_881 = tpu.vector_load %arg11[%get3A_879, %get3A_880] {strides = array<i32>} : memref<128x128xf32, #tpu.memory_space<vmem>>, vector<16xf32>,
        %mul3A_882 = arith.mulf %get3A_881, %gather3A : vector<16xf32>
        %swap3A_883 = arith.index_cast %add3A_830 : i32 to index
        %swap3A_884 = arith.constant 112 : index
        %swap3A_885 = tpu.vector_load %arg11[%swap3A_883, %swap3A_884] {strides = array<i32>} : memref<128x128xf32, #tpu.memory_space<vmem>>, vector<16xf32>,
        tpu.vector_store %arg11[%swap3A_883, %swap3A_884], %mul3A_882 {strides = array<i32>} : memref<128x128xf32, #tpu.memory_space<vmem>>, vector<16xf32>,
      }
      %scan3A_795 = arith.constant 128 : i32
      %dma_wait3A_796 = arith.constant 2 : i32
      %dma_wait3A_797 = arith.constant 1 : i32
      %dma_wait3A_798 = arith.constant 0 : i32
      %dma_wait3A_799 = tpu.memref_slice %arg8[%dma_wait3A_796, %dma_wait3A_797, %dma_wait3A_798] : memref<4x2x128xi32, #tpu.memory_space<vmem>> -> memref<1x1x128xi32, #tpu.memory_space<vmem>>
      %dma_wait3A_800 = tpu.memref_squeeze %dma_wait3A_799 : memref<1x1x128xi32, #tpu.memory_space<vmem>> -> memref<128xi32, #tpu.memory_space<vmem>>
      %dma_wait3A_801 = arith.constant 0 : i32
      %dma_wait3A_802 = arith.constant 0 : i32
      %dma_wait3A_803 = tpu.memref_slice %arg12[%dma_wait3A_801, %dma_wait3A_802] : memref<10240x128xf32, #tpu.memory_space<vmem_shared>> -> memref<10240x128xf32, #tpu.memory_space<vmem_shared>>
      tpu.wait_indirect_dma semaphore(%arg19 : memref<!tpu.dma_semaphore, #tpu.memory_space<semaphore_mem>>) src(%arg10 : memref<128x128xf32, #tpu.memory_space<vmem>>) dst(%dma_wait3A_803 : memref<10240x128xf32, #tpu.memory_space<vmem_shared>>)
      %add3A_804 = arith.constant 2 : i32
      %add3A_805 = arith.addi %add3A_776, %add3A_804 : i32
      %lt3A_806 = arith.constant 80 : i32
      %lt3A_807 = arith.cmpi slt, %add3A_805, %lt3A_806 : i32
      %convert_element_type3A_808 = arith.extui %lt3A_807 : i1 to i32
      %cond3A_809 = arith.constant 0 : i32
      %cond3A_810 = arith.cmpi ne, %convert_element_type3A_808, %cond3A_809 : i32
      scf.if %cond3A_810 {
        %add3A_826 = arith.constant 2 : i32
        %add3A_827 = arith.addi %add3A_776, %add3A_826 : i32
        %dma_start3A_828 = arith.constant 1 : i32
        %dma_start3A_829 = arith.constant 0 : i32
        %dma_start3A_830 = arith.constant 0 : i32
        %dma_start3A_831 = tpu.memref_slice %arg8[%dma_start3A_828, %dma_start3A_829, %dma_start3A_830] : memref<4x2x128xi32, #tpu.memory_space<vmem>> -> memref<1x2x128xi32, #tpu.memory_space<vmem>>
        %dma_start3A_832 = tpu.memref_squeeze %dma_start3A_831 : memref<1x2x128xi32, #tpu.memory_space<vmem>> -> memref<2x128xi32, #tpu.memory_space<vmem>>
        %dma_start3A_833 = arith.constant 0 : i32
        %dma_start3A_834 = arith.constant 0 : i32
        %dma_start3A_835 = arith.constant 0 : i32
        %dma_start3A_836 = tpu.memref_slice %arg3[%arg1, %dma_start3A_833, %dma_start3A_834, %dma_start3A_835] : memref<16x80x2x128xi32, #tpu.memory_space<hbm>> -> memref<1x80x2x128xi32, #tpu.memory_space<hbm>>
        %dma_start3A_837 = tpu.memref_squeeze %dma_start3A_836 : memref<1x80x2x128xi32, #tpu.memory_space<hbm>> -> memref<80x2x128xi32, #tpu.memory_space<hbm>>
        %dma_start3A_838 = arith.constant 0 : i32
        %dma_start3A_839 = arith.constant 0 : i32
        %dma_start3A_840 = tpu.memref_slice %dma_start3A_837[%add3A_827, %dma_start3A_838, %dma_start3A_839] : memref<80x2x128xi32, #tpu.memory_space<hbm>> -> memref<1x2x128xi32, #tpu.memory_space<hbm>>
        %dma_start3A_841 = tpu.memref_squeeze %dma_start3A_840 : memref<1x2x128xi32, #tpu.memory_space<hbm>> -> memref<2x128xi32, #tpu.memory_space<hbm>>
        %dma_start3A_842 = arith.constant 0 : i32
        %dma_start3A_843 = arith.constant 0 : i32
        %dma_start3A_844 = tpu.memref_slice %arg8[%dma_start3A_828, %dma_start3A_842, %dma_start3A_843] : memref<4x2x128xi32, #tpu.memory_space<vmem>> -> memref<1x2x128xi32, #tpu.memory_space<vmem>>
        %dma_start3A_845 = tpu.memref_squeeze %dma_start3A_844 : memref<1x2x128xi32, #tpu.memory_space<vmem>> -> memref<2x128xi32, #tpu.memory_space<vmem>>
        %dma_start3A_846 = arith.constant 0 : i32
        %dma_start3A_847 = arith.constant 0 : i32
        %dma_start3A_848 = arith.constant 0 : i32
        %dma_start3A_849 = tpu.memref_slice %arg3[%arg1, %dma_start3A_846, %dma_start3A_847, %dma_start3A_848] : memref<16x80x2x128xi32, #tpu.memory_space<hbm>> -> memref<1x80x2x128xi32, #tpu.memory_space<hbm>>
        %dma_start3A_850 = tpu.memref_squeeze %dma_start3A_849 : memref<1x80x2x128xi32, #tpu.memory_space<hbm>> -> memref<80x2x128xi32, #tpu.memory_space<hbm>>
        %dma_start3A_851 = arith.constant 0 : i32
        %dma_start3A_852 = arith.constant 0 : i32
        %dma_start3A_853 = tpu.memref_slice %dma_start3A_850[%add3A_827, %dma_start3A_851, %dma_start3A_852] : memref<80x2x128xi32, #tpu.memory_space<hbm>> -> memref<1x2x128xi32, #tpu.memory_space<hbm>>
        %dma_start3A_854 = tpu.memref_squeeze %dma_start3A_853 : memref<1x2x128xi32, #tpu.memory_space<hbm>> -> memref<2x128xi32, #tpu.memory_space<hbm>>
        tpu.enqueue_dma source(%dma_start3A_854 : memref<2x128xi32, #tpu.memory_space<hbm>>) target(%dma_start3A_845 : memref<2x128xi32, #tpu.memory_space<vmem>>) target_semaphore(%arg14 : memref<!tpu.dma_semaphore, #tpu.memory_space<semaphore_mem>>)
        %dma_start3A_855 = arith.constant 1 : i32
        %dma_start3A_856 = arith.constant 0 : i32
        %dma_start3A_857 = tpu.memref_slice %arg9[%dma_start3A_855, %dma_start3A_856] : memref<4x128xf32, #tpu.memory_space<vmem>> -> memref<1x128xf32, #tpu.memory_space<vmem>>
        %dma_start3A_858 = tpu.memref_squeeze %dma_start3A_857 : memref<1x128xf32, #tpu.memory_space<vmem>> -> memref<128xf32, #tpu.memory_space<vmem>>
        %dma_start3A_859 = arith.constant 0 : i32
        %dma_start3A_860 = arith.constant 0 : i32
        %dma_start3A_861 = tpu.memref_slice %arg4[%arg1, %dma_start3A_859, %dma_start3A_860] : memref<16x80x128xf32, #tpu.memory_space<hbm>> -> memref<1x80x128xf32, #tpu.memory_space<hbm>>
        %dma_start3A_862 = tpu.memref_squeeze %dma_start3A_861 : memref<1x80x128xf32, #tpu.memory_space<hbm>> -> memref<80x128xf32, #tpu.memory_space<hbm>>
        %dma_start3A_863 = arith.constant 0 : i32
        %dma_start3A_864 = tpu.memref_slice %dma_start3A_862[%add3A_827, %dma_start3A_863] : memref<80x128xf32, #tpu.memory_space<hbm>> -> memref<1x128xf32, #tpu.memory_space<hbm>>
        %dma_start3A_865 = tpu.memref_squeeze %dma_start3A_864 : memref<1x128xf32, #tpu.memory_space<hbm>> -> memref<128xf32, #tpu.memory_space<hbm>>
        %dma_start3A_866 = arith.constant 0 : i32
        %dma_start3A_867 = tpu.memref_slice %arg9[%dma_start3A_855, %dma_start3A_866] : memref<4x128xf32, #tpu.memory_space<vmem>> -> memref<1x128xf32, #tpu.memory_space<vmem>>
        %dma_start3A_868 = tpu.memref_squeeze %dma_start3A_867 : memref<1x128xf32, #tpu.memory_space<vmem>> -> memref<128xf32, #tpu.memory_space<vmem>>
        %dma_start3A_869 = arith.constant 0 : i32
        %dma_start3A_870 = arith.constant 0 : i32
        %dma_start3A_871 = tpu.memref_slice %arg4[%arg1, %dma_start3A_869, %dma_start3A_870] : memref<16x80x128xf32, #tpu.memory_space<hbm>> -> memref<1x80x128xf32, #tpu.memory_space<hbm>>
        %dma_start3A_872 = tpu.memref_squeeze %dma_start3A_871 : memref<1x80x128xf32, #tpu.memory_space<hbm>> -> memref<80x128xf32, #tpu.memory_space<hbm>>
        %dma_start3A_873 = arith.constant 0 : i32
        %dma_start3A_874 = tpu.memref_slice %dma_start3A_872[%add3A_827, %dma_start3A_873] : memref<80x128xf32, #tpu.memory_space<hbm>> -> memref<1x128xf32, #tpu.memory_space<hbm>>
        %dma_start3A_875 = tpu.memref_squeeze %dma_start3A_874 : memref<1x128xf32, #tpu.memory_space<hbm>> -> memref<128xf32, #tpu.memory_space<hbm>>
        tpu.enqueue_dma source(%dma_start3A_875 : memref<128xf32, #tpu.memory_space<hbm>>) target(%dma_start3A_868 : memref<128xf32, #tpu.memory_space<vmem>>) target_semaphore(%arg14 : memref<!tpu.dma_semaphore, #tpu.memory_space<semaphore_mem>>)
      } else {
      }
      %add3A_811 = arith.constant 1 : i32
      %add3A_812 = arith.addi %add3A_776, %add3A_811 : i32
      %lt3A_813 = arith.constant 80 : i32
      %lt3A_814 = arith.cmpi slt, %add3A_812, %lt3A_813 : i32
      %convert_element_type3A_815 = arith.extui %lt3A_814 : i1 to i32
      %cond3A_816 = arith.constant 0 : i32
      %cond3A_817 = arith.cmpi ne, %convert_element_type3A_815, %cond3A_816 : i32
      scf.if %cond3A_817 {
        %dma_wait3A_826 = arith.constant 0 : i32
        %dma_wait3A_827 = arith.constant 0 : i32
        %dma_wait3A_828 = arith.constant 0 : i32
        %dma_wait3A_829 = arith.constant 0 : i32
        %dma_wait3A_830 = tpu.memref_slice %arg8[%dma_wait3A_827, %dma_wait3A_828, %dma_wait3A_829] : memref<4x2x128xi32, #tpu.memory_space<vmem>> -> memref<1x2x128xi32, #tpu.memory_space<vmem>>
        %dma_wait3A_831 = tpu.memref_squeeze %dma_wait3A_830 : memref<1x2x128xi32, #tpu.memory_space<vmem>> -> memref<2x128xi32, #tpu.memory_space<vmem>>
        %dma_wait3A_832 = arith.constant 0 : i32
        %dma_wait3A_833 = arith.constant 0 : i32
        %dma_wait3A_834 = arith.constant 0 : i32
        %dma_wait3A_835 = tpu.memref_slice %arg3[%arg1, %dma_wait3A_832, %dma_wait3A_833, %dma_wait3A_834] : memref<16x80x2x128xi32, #tpu.memory_space<hbm>> -> memref<1x80x2x128xi32, #tpu.memory_space<hbm>>
        %dma_wait3A_836 = tpu.memref_squeeze %dma_wait3A_835 : memref<1x80x2x128xi32, #tpu.memory_space<hbm>> -> memref<80x2x128xi32, #tpu.memory_space<hbm>>
        %dma_wait3A_837 = arith.constant 0 : i32
        %dma_wait3A_838 = arith.constant 0 : i32
        %dma_wait3A_839 = tpu.memref_slice %dma_wait3A_836[%dma_wait3A_826, %dma_wait3A_837, %dma_wait3A_838] : memref<80x2x128xi32, #tpu.memory_space<hbm>> -> memref<1x2x128xi32, #tpu.memory_space<hbm>>
        %dma_wait3A_840 = tpu.memref_squeeze %dma_wait3A_839 : memref<1x2x128xi32, #tpu.memory_space<hbm>> -> memref<2x128xi32, #tpu.memory_space<hbm>>
        %dma_wait3A_841 = arith.constant 0 : i32
        %dma_wait3A_842 = arith.constant 0 : i32
        %dma_wait3A_843 = tpu.memref_slice %arg8[%dma_wait3A_827, %dma_wait3A_841, %dma_wait3A_842] : memref<4x2x128xi32, #tpu.memory_space<vmem>> -> memref<1x2x128xi32, #tpu.memory_space<vmem>>
        %dma_wait3A_844 = tpu.memref_squeeze %dma_wait3A_843 : memref<1x2x128xi32, #tpu.memory_space<vmem>> -> memref<2x128xi32, #tpu.memory_space<vmem>>
        %dma_wait3A_845 = arith.constant 0 : i32
        %dma_wait3A_846 = arith.constant 0 : i32
        %dma_wait3A_847 = arith.constant 0 : i32
        %dma_wait3A_848 = tpu.memref_slice %arg3[%arg1, %dma_wait3A_845, %dma_wait3A_846, %dma_wait3A_847] : memref<16x80x2x128xi32, #tpu.memory_space<hbm>> -> memref<1x80x2x128xi32, #tpu.memory_space<hbm>>
        %dma_wait3A_849 = tpu.memref_squeeze %dma_wait3A_848 : memref<1x80x2x128xi32, #tpu.memory_space<hbm>> -> memref<80x2x128xi32, #tpu.memory_space<hbm>>
        %dma_wait3A_850 = arith.constant 0 : i32
        %dma_wait3A_851 = arith.constant 0 : i32
        %dma_wait3A_852 = tpu.memref_slice %dma_wait3A_849[%dma_wait3A_826, %dma_wait3A_850, %dma_wait3A_851] : memref<80x2x128xi32, #tpu.memory_space<hbm>> -> memref<1x2x128xi32, #tpu.memory_space<hbm>>
        %dma_wait3A_853 = tpu.memref_squeeze %dma_wait3A_852 : memref<1x2x128xi32, #tpu.memory_space<hbm>> -> memref<2x128xi32, #tpu.memory_space<hbm>>
        tpu.wait_dma2 semaphore(%arg13 : memref<!tpu.dma_semaphore, #tpu.memory_space<semaphore_mem>>) src(%dma_wait3A_853 : memref<2x128xi32, #tpu.memory_space<hbm>>) dst(%dma_wait3A_844 : memref<2x128xi32, #tpu.memory_space<vmem>>)
        %dma_wait3A_854 = arith.constant 0 : i32
        %dma_wait3A_855 = arith.constant 0 : i32
        %dma_wait3A_856 = arith.constant 0 : i32
        %dma_wait3A_857 = tpu.memref_slice %arg9[%dma_wait3A_855, %dma_wait3A_856] : memref<4x128xf32, #tpu.memory_space<vmem>> -> memref<1x128xf32, #tpu.memory_space<vmem>>
        %dma_wait3A_858 = tpu.memref_squeeze %dma_wait3A_857 : memref<1x128xf32, #tpu.memory_space<vmem>> -> memref<128xf32, #tpu.memory_space<vmem>>
        %dma_wait3A_859 = arith.constant 0 : i32
        %dma_wait3A_860 = arith.constant 0 : i32
        %dma_wait3A_861 = tpu.memref_slice %arg4[%arg1, %dma_wait3A_859, %dma_wait3A_860] : memref<16x80x128xf32, #tpu.memory_space<hbm>> -> memref<1x80x128xf32, #tpu.memory_space<hbm>>
        %dma_wait3A_862 = tpu.memref_squeeze %dma_wait3A_861 : memref<1x80x128xf32, #tpu.memory_space<hbm>> -> memref<80x128xf32, #tpu.memory_space<hbm>>
        %dma_wait3A_863 = arith.constant 0 : i32
        %dma_wait3A_864 = tpu.memref_slice %dma_wait3A_862[%dma_wait3A_854, %dma_wait3A_863] : memref<80x128xf32, #tpu.memory_space<hbm>> -> memref<1x128xf32, #tpu.memory_space<hbm>>
        %dma_wait3A_865 = tpu.memref_squeeze %dma_wait3A_864 : memref<1x128xf32, #tpu.memory_space<hbm>> -> memref<128xf32, #tpu.memory_space<hbm>>
        %dma_wait3A_866 = arith.constant 0 : i32
        %dma_wait3A_867 = tpu.memref_slice %arg9[%dma_wait3A_855, %dma_wait3A_866] : memref<4x128xf32, #tpu.memory_space<vmem>> -> memref<1x128xf32, #tpu.memory_space<vmem>>
        %dma_wait3A_868 = tpu.memref_squeeze %dma_wait3A_867 : memref<1x128xf32, #tpu.memory_space<vmem>> -> memref<128xf32, #tpu.memory_space<vmem>>
        %dma_wait3A_869 = arith.constant 0 : i32
        %dma_wait3A_870 = arith.constant 0 : i32
        %dma_wait3A_871 = tpu.memref_slice %arg4[%arg1, %dma_wait3A_869, %dma_wait3A_870] : memref<16x80x128xf32, #tpu.memory_space<hbm>> -> memref<1x80x128xf32, #tpu.memory_space<hbm>>
        %dma_wait3A_872 = tpu.memref_squeeze %dma_wait3A_871 : memref<1x80x128xf32, #tpu.memory_space<hbm>> -> memref<80x128xf32, #tpu.memory_space<hbm>>
        %dma_wait3A_873 = arith.constant 0 : i32
        %dma_wait3A_874 = tpu.memref_slice %dma_wait3A_872[%dma_wait3A_854, %dma_wait3A_873] : memref<80x128xf32, #tpu.memory_space<hbm>> -> memref<1x128xf32, #tpu.memory_space<hbm>>
        %dma_wait3A_875 = tpu.memref_squeeze %dma_wait3A_874 : memref<1x128xf32, #tpu.memory_space<hbm>> -> memref<128xf32, #tpu.memory_space<hbm>>
        tpu.wait_dma2 semaphore(%arg13 : memref<!tpu.dma_semaphore, #tpu.memory_space<semaphore_mem>>) src(%dma_wait3A_875 : memref<128xf32, #tpu.memory_space<hbm>>) dst(%dma_wait3A_868 : memref<128xf32, #tpu.memory_space<vmem>>)
        %dma_start3A_876 = arith.constant 0 : i32
        %dma_start3A_877 = arith.constant 0 : i32
        %dma_start3A_878 = arith.constant 0 : i32
        %dma_start3A_879 = tpu.memref_slice %arg8[%dma_start3A_876, %dma_start3A_877, %dma_start3A_878] : memref<4x2x128xi32, #tpu.memory_space<vmem>> -> memref<1x1x128xi32, #tpu.memory_space<vmem>>
        %dma_start3A_880 = tpu.memref_squeeze %dma_start3A_879 : memref<1x1x128xi32, #tpu.memory_space<vmem>> -> memref<128xi32, #tpu.memory_space<vmem>>
        %dma_start3A_881 = arith.constant 0 : i32
        %dma_start3A_882 = arith.constant 0 : i32
        %dma_start3A_883 = tpu.memref_slice %arg6[%arg0, %dma_start3A_881, %dma_start3A_882] : memref<2x10240x128xf32, #tpu.memory_space<hbm>> -> memref<1x10240x128xf32, #tpu.memory_space<hbm>>
        %dma_start3A_884 = tpu.memref_squeeze %dma_start3A_883 : memref<1x10240x128xf32, #tpu.memory_space<hbm>> -> memref<10240x128xf32, #tpu.memory_space<hbm>>
        %dma_start3A_885 = arith.constant 0 : i32
        %dma_start3A_886 = arith.constant 0 : i32
        %dma_start3A_887 = tpu.memref_slice %dma_start3A_884[%dma_start3A_885, %dma_start3A_886] : memref<10240x128xf32, #tpu.memory_space<hbm>> -> memref<10240x128xf32, #tpu.memory_space<hbm>>
        tpu.enqueue_indirect_dma source(%dma_start3A_887 : memref<10240x128xf32, #tpu.memory_space<hbm>>) target(%arg10 : memref<128x128xf32, #tpu.memory_space<vmem>>) offsets(%dma_start3A_880 : memref<128xi32, #tpu.memory_space<vmem>>) semaphore(%arg17 : memref<!tpu.dma_semaphore, #tpu.memory_space<semaphore_mem>>)
      } else {
      }
      %dma_start3A_818 = arith.constant 3 : i32
      %dma_start3A_819 = arith.constant 1 : i32
      %dma_start3A_820 = arith.constant 0 : i32
      %dma_start3A_821 = tpu.memref_slice %arg8[%dma_start3A_818, %dma_start3A_819, %dma_start3A_820] : memref<4x2x128xi32, #tpu.memory_space<vmem>> -> memref<1x1x128xi32, #tpu.memory_space<vmem>>
      %dma_start3A_822 = tpu.memref_squeeze %dma_start3A_821 : memref<1x1x128xi32, #tpu.memory_space<vmem>> -> memref<128xi32, #tpu.memory_space<vmem>>
      %dma_start3A_823 = arith.constant 0 : i32
      %dma_start3A_824 = arith.constant 0 : i32
      %dma_start3A_825 = tpu.memref_slice %arg12[%dma_start3A_823, %dma_start3A_824] : memref<10240x128xf32, #tpu.memory_space<vmem_shared>> -> memref<10240x128xf32, #tpu.memory_space<vmem_shared>>
      tpu.enqueue_indirect_dma source(%arg11 : memref<128x128xf32, #tpu.memory_space<vmem>>) target(%dma_start3A_825 : memref<10240x128xf32, #tpu.memory_space<vmem_shared>>) offsets(%dma_start3A_822 : memref<128xi32, #tpu.memory_space<vmem>>) semaphore(%arg20 : memref<!tpu.dma_semaphore, #tpu.memory_space<semaphore_mem>>) {add = true}
    }
    %scan3A_601 = arith.constant 20 : i32
    %dma_wait3A_602 = arith.constant 3 : i32
    %dma_wait3A_603 = arith.constant 1 : i32
    %dma_wait3A_604 = arith.constant 0 : i32
    %dma_wait3A_605 = tpu.memref_slice %arg8[%dma_wait3A_602, %dma_wait3A_603, %dma_wait3A_604] : memref<4x2x128xi32, #tpu.memory_space<vmem>> -> memref<1x1x128xi32, #tpu.memory_space<vmem>>
    %dma_wait3A_606 = tpu.memref_squeeze %dma_wait3A_605 : memref<1x1x128xi32, #tpu.memory_space<vmem>> -> memref<128xi32, #tpu.memory_space<vmem>>
    %dma_wait3A_607 = arith.constant 0 : i32
    %dma_wait3A_608 = arith.constant 0 : i32
    %dma_wait3A_609 = tpu.memref_slice %arg12[%dma_wait3A_607, %dma_wait3A_608] : memref<10240x128xf32, #tpu.memory_space<vmem_shared>> -> memref<10240x128xf32, #tpu.memory_space<vmem_shared>>
    tpu.wait_indirect_dma semaphore(%arg20 : memref<!tpu.dma_semaphore, #tpu.memory_space<semaphore_mem>>) src(%arg11 : memref<128x128xf32, #tpu.memory_space<vmem>>) dst(%dma_wait3A_609 : memref<10240x128xf32, #tpu.memory_space<vmem_shared>>)
    %barrier3A_610 = arith.constant 0 : index
    tpu.barrier barrier_id(%barrier3A_610)
    %mul3A_611 = arith.constant 640 : i32
    %mul3A_612 = arith.muli %arg1, %mul3A_611 : i32
    %mul3A_613 = arith.constant 640 : i32
    %mul3A_614 = arith.muli %arg1, %mul3A_613 : i32
    "tpu.region"() ({
      %run_scoped3A = tpu.sem_alloc : memref<!tpu.dma_semaphore, #tpu.memory_space<semaphore_mem>>
      %dma_start3A_616 = arith.constant 0 : i32
      %dma_start3A_617 = arith.constant 0 : i32
      %dma_start3A_618 = tpu.memref_slice %arg7[%arg0, %dma_start3A_616, %dma_start3A_617] : memref<2x10240x128xf32, #tpu.memory_space<hbm>> -> memref<1x10240x128xf32, #tpu.memory_space<hbm>>
      %dma_start3A_619 = tpu.memref_squeeze %dma_start3A_618 : memref<1x10240x128xf32, #tpu.memory_space<hbm>> -> memref<10240x128xf32, #tpu.memory_space<hbm>>
      %dma_start3A_620 = arith.constant 0 : i32
      %dma_start3A_621 = tpu.memref_slice %dma_start3A_619[%mul3A_614, %dma_start3A_620] : memref<10240x128xf32, #tpu.memory_space<hbm>> -> memref<640x128xf32, #tpu.memory_space<hbm>>
      %dma_start3A_622 = arith.constant 0 : i32
      %dma_start3A_623 = tpu.memref_slice %arg12[%mul3A_612, %dma_start3A_622] : memref<10240x128xf32, #tpu.memory_space<vmem_shared>> -> memref<640x128xf32, #tpu.memory_space<vmem_shared>>
      tpu.enqueue_dma source(%dma_start3A_623 : memref<640x128xf32, #tpu.memory_space<vmem_shared>>) target(%dma_start3A_621 : memref<640x128xf32, #tpu.memory_space<hbm>>) target_semaphore(%run_scoped3A : memref<!tpu.dma_semaphore, #tpu.memory_space<semaphore_mem>>)
      %dma_wait3A_624 = arith.constant 0 : i32
      %dma_wait3A_625 = arith.constant 0 : i32
      %dma_wait3A_626 = tpu.memref_slice %arg7[%arg0, %dma_wait3A_624, %dma_wait3A_625] : memref<2x10240x128xf32, #tpu.memory_space<hbm>> -> memref<1x10240x128xf32, #tpu.memory_space<hbm>>
      %dma_wait3A_627 = tpu.memref_squeeze %dma_wait3A_626 : memref<1x10240x128xf32, #tpu.memory_space<hbm>> -> memref<10240x128xf32, #tpu.memory_space<hbm>>
      %dma_wait3A_628 = arith.constant 0 : i32
      %dma_wait3A_629 = tpu.memref_slice %dma_wait3A_627[%mul3A_614, %dma_wait3A_628] : memref<10240x128xf32, #tpu.memory_space<hbm>> -> memref<640x128xf32, #tpu.memory_space<hbm>>
      %dma_wait3A_630 = arith.constant 0 : i32
      %dma_wait3A_631 = tpu.memref_slice %arg12[%mul3A_612, %dma_wait3A_630] : memref<10240x128xf32, #tpu.memory_space<vmem_shared>> -> memref<640x128xf32, #tpu.memory_space<vmem_shared>>
      tpu.wait_dma2 semaphore(%run_scoped3A : memref<!tpu.dma_semaphore, #tpu.memory_space<semaphore_mem>>) src(%dma_wait3A_631 : memref<640x128xf32, #tpu.memory_space<vmem_shared>>) dst(%dma_wait3A_629 : memref<640x128xf32, #tpu.memory_space<hbm>>)
      tpu.yield
    }) : () -> ()
    %barrier3A_615 = arith.constant 0 : index
    tpu.barrier barrier_id(%barrier3A_615)
    return
  }
}

module attributes {stable_mosaic.version = 14 : i64} {
  func.func @_combine_body(%arg0: i32, %arg1: i32, %arg2: memref<1x1024x128xf32, #tpu.memory_space<vmem>>, %arg3: memref<1x1024x128xf32, #tpu.memory_space<vmem>>, %arg4: memref<1x1024x128xf32, #tpu.memory_space<vmem>>, %arg5: memref<1x1024x128xf32, #tpu.memory_space<vmem>>, %arg6: memref<1x1024x128xf32, #tpu.memory_space<vmem>>) attributes {dimension_semantics = [#tpu.dimension_semantics<arbitrary>, #tpu.dimension_semantics<arbitrary>], iteration_bounds = array<i64: 2, 10>, scalar_prefetch = 0 : i64, scratch_operands = 0 : i64, tpu.core_type = #tpu.core_type<tc>, window_params = [{transform_indices = @transform_0, window_bounds = array<i64: 1, 1024, 128>}, {transform_indices = @transform_1, window_bounds = array<i64: 1, 1024, 128>}, {transform_indices = @transform_2, window_bounds = array<i64: 1, 1024, 128>}, {transform_indices = @transform_3, window_bounds = array<i64: 1, 1024, 128>}, {transform_indices = @transform_4, window_bounds = array<i64: 1, 1024, 128>}]} {
    %get3A = arith.constant 0 : index
    %get3A_0 = arith.constant 0 : index
    %get3A_1 = arith.constant 0 : index
    %get3A_2 = vector.load %arg2[%get3A, %get3A_0, %get3A_1] : memref<1x1024x128xf32, #tpu.memory_space<vmem>>, vector<1x1024x128xf32>
    %get3A_3 = arith.constant 0 : index
    %get3A_4 = arith.constant 0 : index
    %get3A_5 = arith.constant 0 : index
    %get3A_6 = vector.load %arg3[%get3A_3, %get3A_4, %get3A_5] : memref<1x1024x128xf32, #tpu.memory_space<vmem>>, vector<1x1024x128xf32>
    %add3A = arith.addf %get3A_2, %get3A_6 : vector<1x1024x128xf32>
    %get3A_7 = arith.constant 0 : index
    %get3A_8 = arith.constant 0 : index
    %get3A_9 = arith.constant 0 : index
    %get3A_10 = vector.load %arg4[%get3A_7, %get3A_8, %get3A_9] : memref<1x1024x128xf32, #tpu.memory_space<vmem>>, vector<1x1024x128xf32>
    %add3A_11 = arith.addf %add3A, %get3A_10 : vector<1x1024x128xf32>
    %get3A_12 = arith.constant 0 : index
    %get3A_13 = arith.constant 0 : index
    %get3A_14 = arith.constant 0 : index
    %get3A_15 = vector.load %arg5[%get3A_12, %get3A_13, %get3A_14] : memref<1x1024x128xf32, #tpu.memory_space<vmem>>, vector<1x1024x128xf32>
    %add3A_16 = arith.addf %add3A_11, %get3A_15 : vector<1x1024x128xf32>
    %mul3A = arith.constant 2.500000e-01 : f32
    %mul3A_17 = vector.broadcast %mul3A : f32 to vector<1x1024x128xf32>
    %mul3A_18 = arith.mulf %add3A_16, %mul3A_17 : vector<1x1024x128xf32>
    %swap3A = arith.constant 0 : index
    %swap3A_19 = arith.constant 0 : index
    %swap3A_20 = arith.constant 0 : index
    %swap3A_21 = vector.load %arg6[%swap3A, %swap3A_19, %swap3A_20] : memref<1x1024x128xf32, #tpu.memory_space<vmem>>, vector<1x1024x128xf32>
    tpu.vector_store %arg6[%swap3A, %swap3A_19, %swap3A_20], %mul3A_18 {strides = array<i32>} : memref<1x1024x128xf32, #tpu.memory_space<vmem>>, vector<1x1024x128xf32>,
    return
  }
  func.func @transform_0(%arg0: i32, %arg1: i32) -> (i32, i32, i32) {
    %c0_i32 = arith.constant 0 : i32
    %c0_i32_0 = arith.constant 0 : i32
    return %arg0, %arg1, %c0_i32 : i32, i32, i32
  }
  func.func @transform_1(%arg0: i32, %arg1: i32) -> (i32, i32, i32) {
    %c0_i32 = arith.constant 0 : i32
    %c0_i32_0 = arith.constant 0 : i32
    return %arg0, %arg1, %c0_i32 : i32, i32, i32
  }
  func.func @transform_2(%arg0: i32, %arg1: i32) -> (i32, i32, i32) {
    %c0_i32 = arith.constant 0 : i32
    %c0_i32_0 = arith.constant 0 : i32
    return %arg0, %arg1, %c0_i32 : i32, i32, i32
  }
  func.func @transform_3(%arg0: i32, %arg1: i32) -> (i32, i32, i32) {
    %c0_i32 = arith.constant 0 : i32
    %c0_i32_0 = arith.constant 0 : i32
    return %arg0, %arg1, %c0_i32 : i32, i32, i32
  }
  func.func @transform_4(%arg0: i32, %arg1: i32) -> (i32, i32, i32) {
    %c0_i32 = arith.constant 0 : i32
    %c0_i32_0 = arith.constant 0 : i32
    return %arg0, %arg1, %c0_i32 : i32, i32, i32
  }
}

</mosaic_0001>

<sc_bundles>
// kernel: kernel.4.cloned.1.call-start
scs
__scs_entry_jumppad:
0x0: {  	(pc) =	sbr.rel $0x88, $3  }
0x1: {  	(tag) =	ssettag $0x0;
	lr =	simm.s32 $0x1  }
0x2: {  	[smem:$0x3F9D] =	sst lr;
	_ =	strace $0xD0000000  }
0x3: {  	_ = 	snop  }
0x4: {  	_ = 	snop  }
0x5: {  	_ = 	snop  }
0x6: {  	_ = 	snop  }
0x7: {  	_ = 	snop  }
__scs_overlays_trampoline_lowered:
0x8: {  	[smem:$0x3FAC] =	sst s0  }
0x9: {  	[smem:$0x3FAD] =	sst s1  }
0xa: {  	[smem:$0x3FAE] =	sst s2  }
0xb: {  	[smem:$0x3FAF] =	sst s3  }
0xc: {  	[smem:$0x3FB0] =	sst s4  }
0xd: {  	[smem:$0x3FB1] =	sst s5  }
0xe: {  	[smem:$0x3FB2] =	sst s6  }
0xf: {  	[smem:$0x3FB3] =	sst s7  }
0x10: {  	[smem:$0x3FB4] =	sst s8  }
0x11: {  	[smem:$0x3FB5] =	sst s9;
	s0 =	simm.s32 @!p0 $0x0  }
0x12: {  	s1 =	sld [smem:$0x3F9B];
	s0 =	simm.s32 @p0 $0x1  }
0x13: {  	[smem:$0x3FB6] =	sst s0;
	s0 =	simm.s32 @!p1 $0x0  }
0x14: {  	s2 =	sld [smem:$0x3F9A];
	s0 =	simm.s32 @p1 $0x1  }
0x15: {  	[smem:$0x3FB7] =	sst s0;
	s0 =	simm.s32 @!p2 $0x0  }
0x16: {  	s3 =	sld [smem:$0x3FDB];
	s0 =	simm.s32 @p2 $0x1  }
0x17: {  	s4 =	simm.s32 $0x1BF5;
	[smem:$0x3FB9] =	sst s0  }
0x18: {  	s0 =	sld [smem:$0x3F9C];
	_ =	swait.ge [sflag:s4], $0x0  }
0x19: {  	s7 =	sld [smem:$0x3F9D]  }
0x1a: {  	s8 =	sadd.s32 $0xFFFFE003, lr  }
0x1b: {  	s9 =	sadd.s32 $0xFFFFFEF7, lr;
	s5 =	simm.s32 $0xFFFFFFFF;
	p2 =	slt.u32 s8, $0xFFFFF086  }
0x1c: {  	p1 =	slt.u32 s9, $0xF7A;
	s5 =	simm.s32 @!p2 $0x0  }
0x1d: {  	s5 =	simm.s32 @p1 $0x1;
	p0 =	seq.s32 s7, s2  }
0x1e: {  	s7 =	smul.u32 @!p0 $0xF7A, s2;
	p2 =	seq.s32 @!p0 s5, $0x0  }
0x1f: {  	s9 =	smul.u32 $0xF7A, s1;
	s8 =	simm.s32 @!p0 $0x1BF5;
	p2 =	por !p2, p0  }
0x20: {  	[sflag:s8] =	ssyncset.s32 @!p0 $0xFFFFF086;
	s6 =	sadd.s32 @!p0 s3, s7;
	s7 =	simm.s32 @!p0 $0x108  }
0x21: {  	s3 =	sadd.s32 s3, s9;
	s6 =	sadd.s32 @!p0 $0x88, s6;
	s7 =	simm.s32 @p2 $0x1082  }
0x22: {  	[simem:s7], [sflag:s8] =	dma.local @!p0 [hbm:s6], $0xF7A  }
0x23: {  	s9 =	sor.u32 $0xD0000000, s2;
	s6 =	simm.s32 $0x108;
	_ =	swait.ge @!p0 [sflag:s8], $0x0  }
0x24: {  	s3 =	sadd.s32 $0x88, s3;
	s6 =	simm.s32 @!p1 $0x1082;
	[sflag:s4] =	ssyncset.s32 $0xFFFFF086  }
0x25: {  	[simem:s6], [sflag:s4] =	dma.local [hbm:s3], $0xF7A  }
0x26: {  	[smem:$0x3F9D] =	sst s1;
	(tag) =	ssettag s2;
	_ =	strace s9  }
0x27: {  	s1 =	sld [smem:$0x3FAD]  }
0x28: {  	s2 =	sld [smem:$0x3FAE]  }
0x29: {  	s4 =	sld [smem:$0x3FB0]  }
0x2a: {  	p0 =	seq.s32 s5, $0x0;
	s5 =	sld [smem:$0x3FB1]  }
0x2b: {  	s6 =	sld [smem:$0x3FB2]  }
0x2c: {  	s7 =	sld [smem:$0x3FB3]  }
0x2d: {  	s3 =	simm.s32 $0x108;
	s8 =	sld [smem:$0x3FB4]  }
0x2e: {  	s3 =	simm.s32 @!p0 $0x1082;
	s9 =	sld [smem:$0x3FB5]  }
0x2f: {  	lr =	sadd.s32 s0, s3;
	s0 =	sld [smem:$0x3FAC]  }
0x30: {  	s3 =	sld [smem:$0x3FAF]  }
0x31: {  	[smem:$0x3FB8] =	sst s10  }
0x32: {  	s10 =	sld [smem:$0x3FB6];
	_ =	sdelay $0x3  }
0x33: {  	p0 =	seq.s32 s10, $0x1;
	s10 =	sld [smem:$0x3FB8];
	_ =	sdelay $0x3  }
0x34: {  	[smem:$0x3FB8] =	sst s10  }
0x35: {  	s10 =	sld [smem:$0x3FB7];
	_ =	sdelay $0x3  }
0x36: {  	p1 =	seq.s32 s10, $0x1;
	s10 =	sld [smem:$0x3FB8];
	_ =	sdelay $0x3  }
0x37: {  	[smem:$0x3FB8] =	sst s10  }
0x38: {  	s10 =	sld [smem:$0x3FB9]  }
0x39: {  	_ = 	snop;
	(pc) =	sbr.ind lr, $3  }
0x3a: {  	_ = 	snop  }
0x3b: {  	_ = 	snop  }
0x3c: {  	p2 =	seq.s32 s10, $0x1;
	s10 =	sld [smem:$0x3FB8]  }
0x3d: {  	_ =	shalt  }
0x3e: {  	_ =	shalt  }
0x3f: {  	_ =	shalt  }
0x40: {  	_ =	shalt  }
0x41: {  	_ =	shalt  }
0x42: {  	_ =	shalt  }
0x43: {  	_ =	shalt  }
0x44: {  	_ =	shalt  }
0x45: {  	_ =	shalt  }
0x46: {  	_ =	shalt  }
0x47: {  	_ =	shalt  }
0x48: {  	_ =	shalt  }
0x49: {  	_ =	shalt  }
0x4a: {  	_ =	shalt  }
0x4b: {  	_ =	shalt  }
0x4c: {  	_ =	shalt  }
0x4d: {  	_ =	shalt  }
0x4e: {  	_ =	shalt  }
0x4f: {  	_ =	shalt  }
0x50: {  	_ =	shalt  }
0x51: {  	_ =	shalt  }
0x52: {  	_ =	shalt  }
0x53: {  	_ =	shalt  }
0x54: {  	_ =	shalt  }
0x55: {  	_ =	shalt  }
0x56: {  	_ =	shalt  }
0x57: {  	_ =	shalt  }
0x58: {  	_ =	shalt  }
0x59: {  	_ =	shalt  }
0x5a: {  	_ =	shalt  }
0x5b: {  	_ =	shalt  }
0x5c: {  	_ =	shalt  }
0x5d: {  	_ =	shalt  }
0x5e: {  	_ =	shalt  }
0x5f: {  	_ =	shalt  }
0x60: {  	_ =	shalt  }
0x61: {  	_ =	shalt  }
0x62: {  	_ =	shalt  }
0x63: {  	_ =	shalt  }
0x64: {  	_ =	shalt  }
0x65: {  	_ =	shalt  }
0x66: {  	_ =	shalt  }
0x67: {  	_ =	shalt  }
0x68: {  	_ =	shalt  }
0x69: {  	_ =	shalt  }
0x6a: {  	_ =	shalt  }
0x6b: {  	_ =	shalt  }
0x6c: {  	_ =	shalt  }
0x6d: {  	_ =	shalt  }
0x6e: {  	_ =	shalt  }
0x6f: {  	_ =	shalt  }
0x70: {  	_ =	shalt  }
0x71: {  	_ =	shalt  }
0x72: {  	_ =	shalt  }
0x73: {  	_ =	shalt  }
0x74: {  	_ =	shalt  }
0x75: {  	_ =	shalt  }
0x76: {  	_ =	shalt  }
0x77: {  	_ =	shalt  }
0x78: {  	_ =	shalt  }
0x79: {  	_ =	shalt  }
0x7a: {  	_ =	shalt  }
0x7b: {  	_ =	shalt  }
0x7c: {  	_ =	shalt  }
0x7d: {  	_ =	shalt  }
0x7e: {  	_ =	shalt  }
0x7f: {  	_ =	shalt  }
0x80: {  	_ =	shalt  }
0x81: {  	_ =	shalt  }
0x82: {  	_ =	shalt  }
0x83: {  	_ =	shalt  }
0x84: {  	_ =	shalt  }
0x85: {  	_ =	shalt  }
0x86: {  	_ =	shalt  }
0x87: {  	_ =	shalt  }
.Lfunc_end0:
.L_simem_size_0:
called_computation_lowered:
.L_overlay_start_0:
0x88: {  	s2 =	sld [smem:$0x3FD9]  }
0x89: {  	s3 =	sld [smem:$0x3FFE];
	_ =	sdelay $0x1  }
0x8a: {  	s1 =	srdreg.scid  }
0x8b: {  	s0 =	sand.u32 $0x1, s1  }
0x8c: {  	s14 =	sshll.u32 s0, $0xA;
	s2 =	sadd.s32 s3, s2  }
0x8d: {  	s2 =	sadd.s32 s2, s14  }
0x8e: {  	[smem:$0x3FC4] =	sst s2  }
0x8f: {  	_ = 	snop  }
0x90: {  	s2 =	sld [smem:$0x3FD0];
	_ =	sdelay $0x2  }
0x91: {  	s15 =	simm.s32 $0xA;
	s4 =	simm.s32 $0x10  }
0x92: {  	[smem:s4], [sflag:s15] =	dma.local [hbm:s2], $0x1  }
0x93: {  	_ =	swait.eq [sflag:s15], $0x1  }
0x94: {  	[sflag:s15] =	ssyncset.done $0x0  }
0x95: {  	s16 =	sld [smem:$0x10];
	[sflag:s15] =	ssyncadd.s32 $0xFFFFFFFF  }
0x96: {  	s17 =	sld [smem:$0x11];
	(tm) =	ssettm $0x1  }
0x97: {  	s18 =	sld [smem:$0x3FFB];
	_ =	sdelay $0x3  }
0x98: {  	_ =	strace s18  }
0x99: {  	s4 =	sld [smem:$0x3FFC];
	_ =	sdelay $0x3  }
0x9a: {  	_ =	strace s4  }
0x9b: {  	s4 =	sld [smem:$0x3FFD];
	_ =	sdelay $0x3  }
0x9c: {  	_ =	strace s4  }
0x9d: {  	_ =	strace $0x8FFFFFFF  }
0x9e: {  	s19 =	sld [smem:$0x3FDB];
	_ =	sdelay $0x1  }
0x9f: {  	s5 =	simm.s32 $_scs_section_size  }
0xa0: {  	s6 =	simm.s32 $_size__tile_overlayer_lowered;
	s7 =	simm.s32 $_tile_overlayer_lowered  }
0xa1: {  	s22 =	simm.s32 $0x1BFF;
	s21 =	sshll.u32 s7, $0x1;
	s4 =	sadd.s32 s5, s19  }
0xa2: {  	s8 =	simm.s32 $0x0;
	s20 =	sshll.u32 s6, $0x1;
	s6 =	sadd.s32 s21, s4  }
0xa3: {  	[timem:s8], [sflag:s22] =	dma.local [hbm:s6], s20  }
0xa4: {  	_ =	swait.ge [sflag:s22], s20  }
0xa5: {  	s5 =	ssub.s32 $0x0, s20;
	[sflag:s22] =	ssyncset.done $0x0  }
0xa6: {  	[sflag:s22] =	ssyncadd.s32 s5;
	_ =	sdelay $0x1  }
0xa7: {  	s23 =	simm.s32 $0x1B8B  }
0xa8: {  	_ =	swait.ge [sflag:s23], $0x1  }
0xa9: {  	[sflag:s23] =	ssyncset.done $0x0  }
0xaa: {  	s25 =	simm.s32 $0x1B8E;
	s24 =	sld [smem:$0x3FFE];
	[sflag:s23] =	ssyncadd.s32 $0xFFFFFFFF  }
0xab: {  	s26 =	simm.s32 $execute0_lowered;
	[smem:$0x3FD2] =	sst s25  }
0xac: {  	s6 =	sshll.u32 s26, $0x1;
	_ =	strace $0x80000046;
	[dreg:$0x1] =	wrdreg $0xFFFFFFFF  }
0xad: {  	s28 =	simm.s32 $_size_execute0_lowered;
	s4 =	sadd.s32 s4, s6;
	[dreg:$0x0] =	wrdreg $0x0  }
0xae: {  	s6 =	sshll.u32 s28, $0x1;
	[dreg:$0x2] =	wrdreg s4  }
0xaf: {  	[dreg:$0x3] =	wrdreg s6  }
0xb0: {  	[dreg:$0x4] =	wrdreg $0xC0  }
0xb1: {  	_ =	task [dreg:s8], $0x5FFFF  }
0xb2: {  	[dreg:$0x1] =	wrdreg $0xFFFFFFFF  }
0xb3: {  	[dreg:$0x0] =	wrdreg $0x60  }
0xb4: {  	[dreg:$0x2] =	wrdreg s24  }
0xb5: {  	[dreg:$0x3] =	wrdreg s17  }
0xb6: {  	[dreg:$0x4] =	wrdreg s16  }
0xb7: {  	[dreg:$0x5] =	wrdreg $0x86000  }
0xb8: {  	[dreg:$0x6] =	wrdreg $0x9  }
0xb9: {  	_ =	task.clear_ibuf [dreg:s8], $0x7FFFF;
	_ =	strace $0x90000046  }
0xba: {  	s29 =	simm.s32 $0x9;
	_ =	strace $0x80000048  }
0xbb: {  	_ =	swait.ge [sflag:s29], $0x1  }
0xbc: {  	[sflag:s29] =	ssyncadd.s32 $0xFFFFFFFF  }
0xbd: {  	_ =	strace $0x90000048  }
0xbe: {  	_ =	sfence  }
0xbf: {  	s30 =	sld [smem:$0x0];
	_ =	sdelay $0x2  }
0xc0: {  	s31 =	sshll.u32 s1, $0xD;
	s1 =	sshrl.u32 s1, $0x2  }
0xc1: {  	s3 =	sand.u32 $0x4000, s31;
	s1 =	sadd.s32 s1, s30  }
0xc2: {  	s0 =	sor.u32 s3, s0;
	s1 =	sshll.u32 s1, $0x11  }
0xc3: {  	s0 =	sor.u32 s1, s0  }
0xc4: {  	s0 =	sadd.s32 $0x8F2B, s0  }
0xc5: {  	[sflag:s0] =	ssyncadd.remote.s32 $0x1  }
0xc6: {  	_ =	sfence.sel $0xFFFF  }
0xc7: {  	[dreg:$0x0] =	wrdreg $0xFFFFFFFF;
	(pc) =	sbr.abs _section_cstart, $3  }
0xc8: {  	[dreg:$0x1] =	wrdreg $0xFFFFFFFF  }
0xc9: {  	_ =	task.clear_ibuf [dreg:s8], $0x2FFFF;
	_ =	strace $0x9FFFFFFF  }
0xca: {  	(tm) =	ssettm $0x7FFFFFFF  }
0xcb: {  	_ =	shalt  }
tec
execute0_lowered:
.L_overlay_start_1:
0x0: {  	(tag) =	ssettag $0x1  }
0x1: {  	s0 =	rddreg [dreg:$0x0]  }
0x2: {  	s2 =	rddreg [dreg:$0x1]  }
0x3: {  	s4 =	rddreg [dreg:$0x2]  }
0x4: {  	s1 =	rddreg [dreg:$0x3]  }
0x5: {  	s3 =	srdreg.scid;
	s8 =	stileid.u32;
	s16 =	simm.s32 $0x600  }
0x6: {  	s23 =	simm.s32 $0x1;
	s24 =	simm.s32 $0x80;
	s28 =	simm.s32 $0x200  }
0x7: {  	s30 =	simm.s32 $0x2;
	s31 =	simm.s32 $0x4600;
	s7 =	smul.u32 $0x50000, s8  }
0x8: {  	s15 =	simm.s32 $0x300;
	s13 =	simm.s32 $0x3;
	s19 =	smul.u32 $0xA00, s8  }
0x9: {  	s5 =	sand.u32 $0x1, s3;
	s3 =	simm.s32 $0x0;
	s21 =	smul.u32 $0x500, s8  }
0xa: {  	s22 =	smul.u32 $0x2800, s8;
	s8 =	simm.s32 $0x9;
	[smem:$0x7FF] =	sst s3  }
0xb: {  	s6 =	smul.u32 $0x28000, s5;
	s5 =	ssub.s32 $0x2, s5;
	_ =	strace $0x80000047  }
0xc: {  	s18 =	sshrl.u32 s5, $0x1;
	s7 =	sshrl.u32 s7, $0x2;
	[dreg:$0xa] =	wrdreg s22  }
0xd: {  	s0 =	sadd.s32 s6, s0;
	s5 =	ssub.s32 s5, s18;
	s9 =	sadd.s32 s7, s1  }
0xe: {  	s18 =	simm.s32 $0x400;
	s6 =	simm.s32 $0x8;
	s7 =	sadd.s32 $0x4000, s9  }
0xf: {  	s20 =	sadd.s32 $0x8000, s9;
	s10 =	sadd.s32 $0xC000, s9;
	[dreg:$0x5] =	wrdreg s9  }
0x10: {  	s9 =	sadd.s32 $0x10000, s9;
	s11 =	sadd.s32 $0x1400, s0;
	[dreg:$0x6] =	wrdreg s7  }
0x11: {  	s12 =	sadd.s32 $0x51400, s0;
	s14 =	sadd.s32 $0xA1400, s0;
	[dreg:$0x7] =	wrdreg s20  }
0x12: {  	s0 =	sadd.s32 $0xF1400, s0;
	s25 =	smax.u32 s5, $0x1;
	[dreg:$0x8] =	wrdreg s10  }
0x13: {  	s5 =	simm.s32 $0x0;
	[dreg:$0x9] =	wrdreg s9;
	s9 =	sadd.s32 s2, s19  }
.Ltmp0:
0x14: {  	s10 =	sadd.s32 s4, s21;
	[dreg:$0xb] =	wrdreg s25;
	(pc) =	sbr.rel .LBB2_1-.Ltmp0, $4  }
0x15: {  	s20 =	simm.s32 $0x100;
	s0 =	sadd.s32 s22, s0;
	s2 =	simm.s32 $0x7  }
0x16: {  	s7 =	simm.s32 $0x4;
	s26 =	sadd.s32 $0x20, s9;
	[dreg:$0xe] =	wrdreg s0  }
0x17: {  	s19 =	simm.s32 $0x380;
	s29 =	sadd.s32 $0x10, s10;
	[dreg:$0xc] =	wrdreg s26  }
0x18: {  	v0 =	vimm.f32 $0.0e+00;
	s0 =	simm.s32 $0x6;
	[dreg:$0xd] =	wrdreg s29;
	s26 =	simm.s32 $0x5  }
.LBB2_40:
0x19: {  	[spmem:s1] =	stream.indirect.scatter.add.f32 [tilespmem:s31], [sflag:$0x8], $0x80, s19, s24, $0xb8;
	[tilespmem:$0x1C600] =	vst v63  }
0x1a: {  	_ =	swait.ge [sflag:s6], $0x4000  }
0x1b: {  	[sflag:s6] =	ssyncset.done $0x0  }
0x1c: {  	[sflag:s6] =	ssyncadd.s32 $0xFFFFC000  }
0x1d: {  	[bflag:$0x0] =	sbarrier.arrive $0xFFFF  }
0x1e: {  	s4 =	rddreg [dreg:$0xe]  }
0x1f: {  	s5 =	rddreg [dreg:$0x10]  }
0x20: {  	s8 =	rddreg [dreg:$0x11]  }
0x21: {  	[hbm:s4], [sflag:s5] =	dma.local [spmem:s8], $0x2800  }
0x22: {  	s8 =	simm.s32 $0x9  }
0x23: {  	_ =	swait.ge [sflag:s8], $0x2800  }
0x24: {  	s25 =	rddreg [dreg:$0xf]  }
0x25: {  	s29 =	rddreg [dreg:$0xb];
	s5 =	sadd.s32 $0x1, s25  }
0x26: {  	p0 =	sne.s32 s5, s29  }
.Ltmp1:
0x27: {  	_ = 	snop;
	(pc) =	sbr.rel @!p0 .LBB2_41-.Ltmp1, $3  }
0x28: {  	[sflag:s8] =	ssyncset.done $0x0  }
0x29: {  	[sflag:s8] =	ssyncadd.s32 $0xFFFFD800  }
0x2a: {  	[bflag:$0x0] =	sbarrier.arrive $0xFFFF;
	_ =	sdelay $0x1  }
.LBB2_1:
0x2b: {  	[dreg:$0xf] =	wrdreg s5;
	s4 =	simm.s32 $0x0;
	s5 =	simm.s32 $0x200  }
.LBB2_2:
0x2c: {  	p0 =	sne.s32 s5, $0xFE00;
	[tilespmem:s4+$0x670] =	vst v0  }
0x2d: {  	[tilespmem:s4+$0x600] =	vst v0  }
0x2e: {  	[tilespmem:s4+$0x610] =	vst v0  }
.Ltmp2:
0x2f: {  	[tilespmem:s4+$0x620] =	vst v0;
	(pc) =	sbr.rel @p0 .LBB2_2-.Ltmp2, $4  }
0x30: {  	[tilespmem:s4+$0x630] =	vst v0  }
0x31: {  	[tilespmem:s4+$0x640] =	vst v0  }
0x32: {  	[tilespmem:s4+$0x650] =	vst v0  }
0x33: {  	[tilespmem:s4+$0x660] =	vst v0;
	s4 =	sshra.s32 s5, $0x2;
	s5 =	sadd.s32 $0x200, s5  }
0x34: {  	[tilespmem:s4+$0x670] =	vst v0  }
0x35: {  	[tilespmem:s4+$0x600] =	vst v0  }
0x36: {  	[tilespmem:s4+$0x610] =	vst v0  }
0x37: {  	[tilespmem:s4+$0x620] =	vst v0  }
0x38: {  	[tilespmem:s4+$0x630] =	vst v0  }
0x39: {  	[tilespmem:s4+$0x640] =	vst v0  }
0x3a: {  	[tilespmem:s4+$0x650] =	vst v0  }
0x3b: {  	[tilespmem:s4+$0x660] =	vst v0;
	s29 =	rddreg [dreg:$0x5]  }
0x3c: {  	[spmem:s29] =	stream.linear.scatter [tilespmem:s16], [sflag:$0x9], $0x4000, $0x38;
	[tilespmem:$0x1C600] =	vst v63  }
0x3d: {  	_ =	swait.ge [sflag:s8], $0x4000  }
0x3e: {  	[sflag:s8] =	ssyncset.done $0x0  }
0x3f: {  	s5 =	rddreg [dreg:$0x6];
	[sflag:s8] =	ssyncadd.s32 $0xFFFFC000  }
0x40: {  	[spmem:s5] =	stream.linear.scatter [tilespmem:s16], [sflag:$0x9], $0x4000, $0x38;
	[tilespmem:$0x1C600] =	vst v63  }
0x41: {  	_ =	swait.ge [sflag:s8], $0x4000  }
0x42: {  	[sflag:s8] =	ssyncset.done $0x0  }
0x43: {  	s17 =	rddreg [dreg:$0x7];
	[sflag:s8] =	ssyncadd.s32 $0xFFFFC000  }
0x44: {  	[spmem:s17] =	stream.linear.scatter [tilespmem:s16], [sflag:$0x9], $0x4000, $0x38;
	[tilespmem:$0x1C600] =	vst v63  }
0x45: {  	_ =	swait.ge [sflag:s8], $0x4000  }
0x46: {  	[sflag:s8] =	ssyncset.done $0x0  }
0x47: {  	s21 =	rddreg [dreg:$0x8];
	[sflag:s8] =	ssyncadd.s32 $0xFFFFC000  }
0x48: {  	[spmem:s21] =	stream.linear.scatter [tilespmem:s16], [sflag:$0x9], $0x4000, $0x38;
	[tilespmem:$0x1C600] =	vst v63  }
0x49: {  	_ =	swait.ge [sflag:s8], $0x4000  }
0x4a: {  	[sflag:s8] =	ssyncset.done $0x0  }
0x4b: {  	s22 =	rddreg [dreg:$0x9];
	[sflag:s8] =	ssyncadd.s32 $0xFFFFC000  }
0x4c: {  	[spmem:s22] =	stream.linear.scatter [tilespmem:s16], [sflag:$0x9], $0x4000, $0x38;
	[tilespmem:$0x1C600] =	vst v63  }
0x4d: {  	_ =	swait.ge [sflag:s8], $0x4000  }
0x4e: {  	[sflag:s8] =	ssyncset.done $0x0  }
0x4f: {  	[sflag:s8] =	ssyncadd.s32 $0xFFFFC000  }
0x50: {  	s4 =	simm.s32 $0x0;
	[bflag:$0x0] =	sbarrier.arrive $0xFFFF  }
0x51: {  	[tilespmem:s4], [sflag:$0x1] =	stream.linear.gather [hbm4b:s9+s4], $0x100, $0x38;
	[tilespmem:$0x1C600] =	vst v63  }
0x52: {  	_ = 	snop  }
0x53: {  	[tilespmem:s18], [sflag:$0x1] =	stream.linear.gather [hbm4b:s10+s4], $0x80, $0x38;
	[tilespmem:$0x1C600] =	vst v63  }
0x54: {  	s5 =	rddreg [dreg:$0xc]  }
0x55: {  	[tilespmem:s20], [sflag:$0x2] =	stream.linear.gather [hbm4b:s5+s4], $0x100, $0x38;
	[tilespmem:$0x1C600] =	vst v63  }
0x56: {  	s29 =	simm.s32 $0x480;
	s25 =	rddreg [dreg:$0xd]  }
0x57: {  	[tilespmem:s29], [sflag:$0x2] =	stream.linear.gather [hbm4b:s25+s4], $0x80, $0x38;
	[tilespmem:$0x1C600] =	vst v63  }
0x58: {  	_ =	swait.ge [sflag:s23], $0x100  }
0x59: {  	[sflag:s23] =	ssyncset.done $0x0  }
0x5a: {  	[sflag:s23] =	ssyncadd.s32 $0xFFFFFF00  }
0x5b: {  	_ =	swait.ge [sflag:s23], $0x80  }
0x5c: {  	[sflag:s23] =	ssyncset.done $0x0  }
0x5d: {  	s21 =	simm.s32 $0x0;
	[sflag:s23] =	ssyncadd.s32 $0xFFFFFF80  }
0x5e: {  	[tilespmem:s16], [sflag:$0x5] =	stream.indirect.gather [hbm4b:s11+s24], $0x80, s4, s24, $0xb8;
	[tilespmem:$0x1C600] =	vst v63  }
.LBB2_4:
0x5f: {  	_ =	swait.ge [sflag:s26], $0x4000  }
0x60: {  	v1 =	vmov s4;
	[sflag:s26] =	ssyncset.done $0x0  }
0x61: {  	s17 =	simm.s32 $0x640;
	[sflag:s26] =	ssyncadd.s32 $0xFFFFC000  }
0x62: {  	v5 =	vld [tilespmem:s17+$0x30]  }
0x63: {  	v8 =	vld [tilespmem:s17+$0x10]  }
0x64: {  	v6 =	vld [tilespmem:s17+$0xFFFFFFC0]  }
0x65: {  	v2 =	vld.idx.msk [tilespmem:v1+s18+$0x0], $0xffff  }
0x66: {  	v10 =	vld [tilespmem:s17+$0xFFFFFFE0]  }
0x67: {  	v3 =	vld [tilespmem:s17+$0x20]  }
0x68: {  	v4 =	vld [tilespmem:s17+$0xFFFFFFD0]  }
0x69: {  	v1 =	vld [tilespmem:s17+$0xFFFFFFF0]  }
0x6a: {  	v9 =	vmul.f32 v5, v2;
	v5 =	vld [tilespmem:s17+$0x0]  }
0x6b: {  	v7 =	vmul.f32 v6, v2  }
0x6c: {  	s5 =	simm.s32 $0x1;
	s22 =	simm.s32 $0x640;
	v6 =	vmul.f32 v10, v2;
	v8 =	vmul.f32 v8, v2  }
.LBB2_5:
0x6d: {  	p0 =	sne.s32 s5, $0x7F  }
0x6e: {  	v4 =	vmul.f32 v4, v2;
	v3 =	vmul.f32 v3, v2;
	[tilespmem:s17+$0x30] =	vst v9;
	s22 =	sadd.s32 $0x80, s22;
	s25 =	smov.u32 s5;
	s5 =	sadd.s32 $0x1, s5  }
0x6f: {  	[tilespmem:s17+$0xFFFFFFC0] =	vst v7;
	v7 =	vmul.f32 v1, v2;
	v2 =	vmul.f32 v5, v2  }
0x70: {  	[tilespmem:s17+$0x10] =	vst v8  }
0x71: {  	v5 =	vmov s25;
	[tilespmem:s17+$0xFFFFFFE0] =	vst v6  }
0x72: {  	v1 =	vld [tilespmem:s22+$0xFFFFFFF0];
	[tilespmem:s17+$0xFFFFFFF0] =	vst v7  }
0x73: {  	v6 =	vld [tilespmem:s22+$0x30];
	[tilespmem:s17+$0x0] =	vst v2  }
0x74: {  	v8 =	vld [tilespmem:s22+$0x10];
	[tilespmem:s17+$0x20] =	vst v3  }
0x75: {  	v7 =	vld [tilespmem:s22+$0xFFFFFFC0];
	[tilespmem:s17+$0xFFFFFFD0] =	vst v4;
	s17 =	smov.u32 s22  }
0x76: {  	v2 =	vld.idx.msk [tilespmem:v5+s18+$0x0], $0xffff  }
0x77: {  	v10 =	vld [tilespmem:s22+$0xFFFFFFE0]  }
0x78: {  	v3 =	vld [tilespmem:s22+$0x20]  }
.Ltmp3:
0x79: {  	v4 =	vld [tilespmem:s22+$0xFFFFFFD0];
	(pc) =	sbr.rel @p0 .LBB2_5-.Ltmp3, $3  }
0x7a: {  	v5 =	vld [tilespmem:s22+$0x0];
	_ =	sdelay $0x1  }
0x7b: {  	v7 =	vmul.f32 v7, v2;
	v9 =	vmul.f32 v6, v2  }
0x7c: {  	v8 =	vmul.f32 v8, v2;
	v6 =	vmul.f32 v10, v2  }
0x7d: {  	[tilespmem:s17+$0x30] =	vst v9  }
0x7e: {  	[tilespmem:s17+$0xFFFFFFC0] =	vst v7  }
0x7f: {  	v1 =	vmul.f32 v1, v2;
	[tilespmem:s17+$0x10] =	vst v8  }
0x80: {  	v3 =	vmul.f32 v3, v2;
	[tilespmem:s17+$0xFFFFFFE0] =	vst v6  }
0x81: {  	v5 =	vmul.f32 v5, v2;
	[tilespmem:s17+$0xFFFFFFF0] =	vst v1  }
0x82: {  	v1 =	vmul.f32 v4, v2;
	[tilespmem:s17+$0x20] =	vst v3  }
0x83: {  	p0 =	seq.s32 s21, $0x0;
	[tilespmem:s17+$0x0] =	vst v5  }
0x84: {  	s5 =	simm.s32 @!p0 $0x8;
	[tilespmem:s17+$0xFFFFFFD0] =	vst v1;
	s17 =	sshll.u32 s21, $0x2  }
0x85: {  	_ =	swait.ge @!p0 [sflag:s5], $0x4000;
	s22 =	sor.u32 $0x2, s17  }
0x86: {  	[sflag:s5] =	ssyncset.done @!p0 $0x0;
	s25 =	sshll.u32 s22, $0x5  }
0x87: {  	[sflag:s5] =	ssyncadd.s32 @!p0 $0xFFFFC000;
	s8 =	sadd.s32 s9, s25;
	s25 =	simm.s32 $0x0  }
0x88: {  	[tilespmem:s28], [sflag:$0x3] =	stream.linear.gather [hbm4b:s8+s25], $0x100, $0x38;
	[tilespmem:$0x1C600] =	vst v63  }
0x89: {  	s8 =	sshll.u32 s21, $0x6  }
0x8a: {  	s22 =	sshll.u32 s22, $0x4;
	s5 =	sand.u32 $0x780, s8  }
0x8b: {  	s29 =	sand.u32 $0x60, s22;
	s22 =	sadd.s32 s10, s5  }
0x8c: {  	s8 =	simm.s32 $0x500;
	s5 =	sadd.s32 s29, s22  }
0x8d: {  	[tilespmem:s8], [sflag:$0x3] =	stream.linear.gather [hbm4b:s5+s25], $0x80, $0x38;
	[tilespmem:$0x1C600] =	vst v63  }
0x8e: {  	_ =	swait.ge [sflag:s30], $0x100  }
0x8f: {  	[sflag:s30] =	ssyncset.done $0x0  }
0x90: {  	[sflag:s30] =	ssyncadd.s32 $0xFFFFFF00  }
0x91: {  	_ =	swait.ge [sflag:s30], $0x80  }
0x92: {  	[sflag:s30] =	ssyncset.done $0x0  }
0x93: {  	[sflag:s30] =	ssyncadd.s32 $0xFFFFFF80  }
0x94: {  	v1 =	vmov s25;
	[tilespmem:s31], [sflag:$0x6] =	stream.indirect.gather [hbm4b:s11+s24], $0x80, s20, s24, $0xb8;
	[tilespmem:$0x1C600] =	vst v63  }
0x95: {  	v1 =	vand.u32 $0x7F, v1  }
0x96: {  	v1 =	vor.u32 $0x80, v1;
	[spmem:s1] =	stream.indirect.scatter.add.f32 [tilespmem:s16], [sflag:$0x7], $0x80, s24, s24, $0xb8;
	[tilespmem:$0x1C600] =	vst v63  }
0x97: {  	v1 =	vbroadcast v1, $0x0;
	_ =	swait.ge [sflag:s0], $0x4000  }
0x98: {  	[sflag:s0] =	ssyncset.done $0x0  }
0x99: {  	s29 =	simm.s32 $0x4640;
	[sflag:s0] =	ssyncadd.s32 $0xFFFFC000  }
0x9a: {  	v5 =	vld [tilespmem:s29+$0x30]  }
0x9b: {  	v8 =	vld [tilespmem:s29+$0x10]  }
0x9c: {  	v6 =	vld [tilespmem:s29+$0xFFFFFFC0]  }
0x9d: {  	v2 =	vld.idx.msk [tilespmem:v1+s18+$0x0], $0xffff  }
0x9e: {  	v11 =	vld [tilespmem:s29+$0xFFFFFFE0]  }
0x9f: {  	v1 =	vld [tilespmem:s29+$0xFFFFFFF0]  }
0xa0: {  	v3 =	vld [tilespmem:s29+$0x20]  }
0xa1: {  	v4 =	vld [tilespmem:s29+$0xFFFFFFD0]  }
0xa2: {  	v9 =	vmul.f32 v5, v2;
	v5 =	vld [tilespmem:s29+$0x0]  }
0xa3: {  	s8 =	simm.s32 $0x1;
	v7 =	vmul.f32 v6, v2  }
0xa4: {  	s5 =	simm.s32 $0x2;
	s25 =	simm.s32 $0x4640;
	v10 =	vmov s8;
	v6 =	vmul.f32 v11, v2;
	v8 =	vmul.f32 v8, v2  }
.LBB2_7:
0xa5: {  	p0 =	sne.s32 s5, $0x7F  }
0xa6: {  	v10 =	vand.u32 $0x7F, v10;
	v4 =	vmul.f32 v4, v2;
	v3 =	vmul.f32 v3, v2;
	[tilespmem:s29+$0x30] =	vst v9;
	s25 =	sadd.s32 $0x80, s25;
	s8 =	smov.u32 s5;
	s5 =	sadd.s32 $0x1, s5  }
0xa7: {  	v9 =	vor.u32 $0x80, v10;
	[tilespmem:s29+$0xFFFFFFC0] =	vst v7;
	v7 =	vmul.f32 v1, v2;
	v2 =	vmul.f32 v5, v2  }
0xa8: {  	v5 =	vbroadcast v9, $0x0;
	[tilespmem:s29+$0x10] =	vst v8  }
0xa9: {  	[tilespmem:s29+$0xFFFFFFE0] =	vst v6  }
0xaa: {  	v1 =	vld [tilespmem:s25+$0xFFFFFFF0];
	[tilespmem:s29+$0xFFFFFFF0] =	vst v7  }
0xab: {  	v6 =	vld [tilespmem:s25+$0x30];
	[tilespmem:s29+$0x0] =	vst v2  }
0xac: {  	v8 =	vld [tilespmem:s25+$0x10];
	[tilespmem:s29+$0x20] =	vst v3  }
0xad: {  	v7 =	vld [tilespmem:s25+$0xFFFFFFC0];
	[tilespmem:s29+$0xFFFFFFD0] =	vst v4;
	s29 =	smov.u32 s25  }
0xae: {  	v2 =	vld.idx.msk [tilespmem:v5+s18+$0x0], $0xffff  }
0xaf: {  	v11 =	vld [tilespmem:s25+$0xFFFFFFE0]  }
0xb0: {  	v3 =	vld [tilespmem:s25+$0x20]  }
.Ltmp4:
0xb1: {  	v4 =	vld [tilespmem:s25+$0xFFFFFFD0];
	(pc) =	sbr.rel @p0 .LBB2_7-.Ltmp4, $3  }
0xb2: {  	v5 =	vld [tilespmem:s25+$0x0];
	_ =	sdelay $0x1  }
0xb3: {  	v7 =	vmul.f32 v7, v2;
	v9 =	vmul.f32 v6, v2  }
0xb4: {  	v10 =	vmov s8;
	v8 =	vmul.f32 v8, v2;
	v6 =	vmul.f32 v11, v2  }
0xb5: {  	[tilespmem:s29+$0xFFFFFFC0] =	vst v7;
	v7 =	vand.u32 $0x7F, v10  }
0xb6: {  	[tilespmem:s29+$0x30] =	vst v9;
	v7 =	vor.u32 $0x80, v7  }
0xb7: {  	v1 =	vmul.f32 v1, v2;
	[tilespmem:s29+$0xFFFFFFE0] =	vst v6;
	v6 =	vbroadcast v7, $0x0  }
0xb8: {  	s5 =	sadd.s32 $0x80, s25;
	[tilespmem:s29+$0x10] =	vst v8;
	v5 =	vmul.f32 v5, v2  }
0xb9: {  	v3 =	vmul.f32 v3, v2;
	v7 =	vld [tilespmem:s5+$0xFFFFFFF0];
	[tilespmem:s29+$0xFFFFFFF0] =	vst v1  }
0xba: {  	v2 =	vmul.f32 v4, v2;
	v1 =	vld [tilespmem:s5+$0x30];
	[tilespmem:s29+$0x0] =	vst v5  }
0xbb: {  	v4 =	vld [tilespmem:s5+$0x10];
	[tilespmem:s29+$0x20] =	vst v3  }
0xbc: {  	v3 =	vld [tilespmem:s5+$0xFFFFFFC0];
	[tilespmem:s29+$0xFFFFFFD0] =	vst v2  }
0xbd: {  	v2 =	vld.idx.msk [tilespmem:v6+s18+$0x0], $0xffff;
	_ =	sdelay $0x2  }
0xbe: {  	v5 =	vld [tilespmem:s5+$0xFFFFFFE0];
	_ =	sdelay $0x1  }
0xbf: {  	v6 =	vld [tilespmem:s5+$0x0];
	v1 =	vmul.f32 v1, v2  }
0xc0: {  	v8 =	vld [tilespmem:s5+$0x20];
	v3 =	vmul.f32 v3, v2  }
0xc1: {  	v9 =	vld [tilespmem:s5+$0xFFFFFFD0];
	v4 =	vmul.f32 v4, v2;
	[tilespmem:s5+$0x30] =	vst v1  }
0xc2: {  	v1 =	vmul.f32 v5, v2;
	[tilespmem:s5+$0xFFFFFFC0] =	vst v3  }
0xc3: {  	v3 =	vmul.f32 v7, v2;
	[tilespmem:s5+$0x10] =	vst v4  }
0xc4: {  	v4 =	vmul.f32 v6, v2;
	[tilespmem:s5+$0xFFFFFFE0] =	vst v1  }
0xc5: {  	v1 =	vmul.f32 v8, v2;
	[tilespmem:s5+$0xFFFFFFF0] =	vst v3  }
0xc6: {  	v2 =	vmul.f32 v9, v2;
	[tilespmem:s5+$0x0] =	vst v4  }
0xc7: {  	[tilespmem:s5+$0x20] =	vst v1  }
0xc8: {  	s25 =	sor.u32 $0x3, s17;
	[tilespmem:s5+$0xFFFFFFD0] =	vst v2  }
0xc9: {  	s8 =	sshll.u32 s25, $0x5;
	_ =	swait.ge [sflag:s2], $0x4000  }
0xca: {  	s8 =	sadd.s32 s9, s8;
	s5 =	sshll.u32 s25, $0x4;
	[sflag:s2] =	ssyncset.done $0x0  }
0xcb: {  	s29 =	simm.s32 $0x0;
	s5 =	sand.u32 $0x70, s5;
	[sflag:s2] =	ssyncadd.s32 $0xFFFFC000  }
0xcc: {  	[tilespmem:s15], [sflag:$0x4] =	stream.linear.gather [hbm4b:s8+s29], $0x100, $0x38;
	[tilespmem:$0x1C600] =	vst v63  }
0xcd: {  	s5 =	sadd.s32 s5, s22;
	s22 =	simm.s32 $0x580  }
0xce: {  	[tilespmem:s22], [sflag:$0x4] =	stream.linear.gather [hbm4b:s5+s29], $0x80, $0x38;
	[tilespmem:$0x1C600] =	vst v63  }
0xcf: {  	_ =	swait.ge [sflag:s13], $0x100  }
0xd0: {  	[sflag:s13] =	ssyncset.done $0x0  }
0xd1: {  	[sflag:s13] =	ssyncadd.s32 $0xFFFFFF00  }
0xd2: {  	_ =	swait.ge [sflag:s13], $0x80  }
0xd3: {  	[sflag:s13] =	ssyncset.done $0x0  }
0xd4: {  	[sflag:s13] =	ssyncadd.s32 $0xFFFFFF80  }
0xd5: {  	v1 =	vmov s29;
	[tilespmem:s16], [sflag:$0x5] =	stream.indirect.gather [hbm4b:s11+s24], $0x80, s28, s24, $0xb8;
	[tilespmem:$0x1C600] =	vst v63  }
0xd6: {  	s25 =	simm.s32 $0x180;
	v1 =	vand.u32 $0x7F, v1  }
0xd7: {  	v1 =	vor.u32 $0x100, v1;
	[spmem:s1] =	stream.indirect.scatter.add.f32 [tilespmem:s31], [sflag:$0x8], $0x80, s25, s24, $0xb8;
	[tilespmem:$0x1C600] =	vst v63  }
0xd8: {  	v1 =	vbroadcast v1, $0x0;
	_ =	swait.ge [sflag:s26], $0x4000  }
0xd9: {  	[sflag:s26] =	ssyncset.done $0x0  }
0xda: {  	s22 =	simm.s32 $0x640;
	[sflag:s26] =	ssyncadd.s32 $0xFFFFC000  }
0xdb: {  	v5 =	vld [tilespmem:s22+$0x30]  }
0xdc: {  	v8 =	vld [tilespmem:s22+$0x10]  }
0xdd: {  	v6 =	vld [tilespmem:s22+$0xFFFFFFC0]  }
0xde: {  	v2 =	vld.idx.msk [tilespmem:v1+s18+$0x0], $0xffff  }
0xdf: {  	v11 =	vld [tilespmem:s22+$0xFFFFFFE0]  }
0xe0: {  	v1 =	vld [tilespmem:s22+$0xFFFFFFF0]  }
0xe1: {  	v3 =	vld [tilespmem:s22+$0x20]  }
0xe2: {  	v4 =	vld [tilespmem:s22+$0xFFFFFFD0]  }
0xe3: {  	v9 =	vmul.f32 v5, v2;
	v5 =	vld [tilespmem:s22+$0x0]  }
0xe4: {  	s29 =	simm.s32 $0x1;
	v7 =	vmul.f32 v6, v2  }
0xe5: {  	s5 =	simm.s32 $0x2;
	v10 =	vmov s29;
	s25 =	simm.s32 $0x640;
	v6 =	vmul.f32 v11, v2;
	v8 =	vmul.f32 v8, v2  }
.LBB2_9:
0xe6: {  	p0 =	sne.s32 s5, $0x7F  }
0xe7: {  	v10 =	vand.u32 $0x7F, v10;
	v4 =	vmul.f32 v4, v2;
	v3 =	vmul.f32 v3, v2;
	[tilespmem:s22+$0x30] =	vst v9;
	s25 =	sadd.s32 $0x80, s25;
	s8 =	smov.u32 s5;
	s5 =	sadd.s32 $0x1, s5  }
0xe8: {  	v9 =	vor.u32 $0x100, v10;
	[tilespmem:s22+$0xFFFFFFC0] =	vst v7;
	v7 =	vmul.f32 v1, v2;
	v2 =	vmul.f32 v5, v2  }
0xe9: {  	v5 =	vbroadcast v9, $0x0;
	[tilespmem:s22+$0x10] =	vst v8  }
0xea: {  	[tilespmem:s22+$0xFFFFFFE0] =	vst v6  }
0xeb: {  	v1 =	vld [tilespmem:s25+$0xFFFFFFF0];
	[tilespmem:s22+$0xFFFFFFF0] =	vst v7  }
0xec: {  	v6 =	vld [tilespmem:s25+$0x30];
	[tilespmem:s22+$0x0] =	vst v2  }
0xed: {  	v8 =	vld [tilespmem:s25+$0x10];
	[tilespmem:s22+$0x20] =	vst v3  }
0xee: {  	v7 =	vld [tilespmem:s25+$0xFFFFFFC0];
	[tilespmem:s22+$0xFFFFFFD0] =	vst v4;
	s22 =	smov.u32 s25  }
0xef: {  	v2 =	vld.idx.msk [tilespmem:v5+s18+$0x0], $0xffff  }
0xf0: {  	v11 =	vld [tilespmem:s25+$0xFFFFFFE0]  }
0xf1: {  	v3 =	vld [tilespmem:s25+$0x20]  }
.Ltmp5:
0xf2: {  	v4 =	vld [tilespmem:s25+$0xFFFFFFD0];
	(pc) =	sbr.rel @p0 .LBB2_9-.Ltmp5, $3  }
0xf3: {  	v5 =	vld [tilespmem:s25+$0x0];
	_ =	sdelay $0x1  }
0xf4: {  	v7 =	vmul.f32 v7, v2;
	v9 =	vmul.f32 v6, v2  }
0xf5: {  	v10 =	vmov s8;
	v8 =	vmul.f32 v8, v2;
	v6 =	vmul.f32 v11, v2  }
0xf6: {  	[tilespmem:s22+$0xFFFFFFC0] =	vst v7;
	v7 =	vand.u32 $0x7F, v10  }
0xf7: {  	[tilespmem:s22+$0x30] =	vst v9;
	v7 =	vor.u32 $0x100, v7  }
0xf8: {  	v1 =	vmul.f32 v1, v2;
	[tilespmem:s22+$0xFFFFFFE0] =	vst v6;
	v6 =	vbroadcast v7, $0x0  }
0xf9: {  	s5 =	sadd.s32 $0x80, s25;
	[tilespmem:s22+$0x10] =	vst v8;
	v5 =	vmul.f32 v5, v2  }
0xfa: {  	v3 =	vmul.f32 v3, v2;
	v7 =	vld [tilespmem:s5+$0xFFFFFFF0];
	[tilespmem:s22+$0xFFFFFFF0] =	vst v1  }
0xfb: {  	v2 =	vmul.f32 v4, v2;
	v1 =	vld [tilespmem:s5+$0x30];
	[tilespmem:s22+$0x0] =	vst v5  }
0xfc: {  	v4 =	vld [tilespmem:s5+$0x10];
	[tilespmem:s22+$0x20] =	vst v3  }
0xfd: {  	v3 =	vld [tilespmem:s5+$0xFFFFFFC0];
	[tilespmem:s22+$0xFFFFFFD0] =	vst v2  }
0xfe: {  	v2 =	vld.idx.msk [tilespmem:v6+s18+$0x0], $0xffff;
	_ =	sdelay $0x2  }
0xff: {  	v5 =	vld [tilespmem:s5+$0xFFFFFFE0];
	_ =	sdelay $0x1  }
0x100: {  	v6 =	vld [tilespmem:s5+$0x0];
	v1 =	vmul.f32 v1, v2  }
0x101: {  	v8 =	vld [tilespmem:s5+$0x20];
	v3 =	vmul.f32 v3, v2  }
0x102: {  	v9 =	vld [tilespmem:s5+$0xFFFFFFD0];
	v4 =	vmul.f32 v4, v2;
	[tilespmem:s5+$0x30] =	vst v1  }
0x103: {  	v1 =	vmul.f32 v5, v2;
	[tilespmem:s5+$0xFFFFFFC0] =	vst v3  }
0x104: {  	v3 =	vmul.f32 v7, v2;
	[tilespmem:s5+$0x10] =	vst v4  }
0x105: {  	v4 =	vmul.f32 v6, v2;
	[tilespmem:s5+$0xFFFFFFE0] =	vst v1  }
0x106: {  	v1 =	vmul.f32 v8, v2;
	[tilespmem:s5+$0xFFFFFFF0] =	vst v3  }
0x107: {  	v2 =	vmul.f32 v9, v2;
	[tilespmem:s5+$0x0] =	vst v4  }
0x108: {  	[tilespmem:s5+$0x20] =	vst v1  }
0x109: {  	p0 =	seq.s32 s21, $0x13;
	[tilespmem:s5+$0xFFFFFFD0] =	vst v2  }
0x10a: {  	s5 =	sadd.s32 @!p0 $0x4, s17;
	_ =	swait.ge [sflag:s6], $0x4000  }
0x10b: {  	s22 =	simm.s32 @!p0 $0x0;
	s8 =	sshll.u32 @!p0 s5, $0x5;
	[sflag:s6] =	ssyncset.done $0x0  }
0x10c: {  	s5 =	sshll.u32 @!p0 s5, $0x4;
	s8 =	sadd.s32 @!p0 s9, s8;
	[sflag:s6] =	ssyncadd.s32 $0xFFFFC000  }
0x10d: {  	[tilespmem:s22], [sflag:$0x1] =	stream.linear.gather @!p0 [hbm4b:s8+s22], $0x100, $0x38;
	[tilespmem:$0x1C600] =	vst v63  }
0x10e: {  	s5 =	sadd.s32 @!p0 s10, s5;
	s8 =	simm.s32 @!p0 $0x400  }
0x10f: {  	[tilespmem:s8], [sflag:$0x1] =	stream.linear.gather @!p0 [hbm4b:s5+s22], $0x80, $0x38;
	[tilespmem:$0x1C600] =	vst v63  }
0x110: {  	_ =	swait.ge [sflag:s7], $0x100  }
0x111: {  	[sflag:s7] =	ssyncset.done $0x0  }
0x112: {  	[sflag:s7] =	ssyncadd.s32 $0xFFFFFF00  }
0x113: {  	_ =	swait.ge [sflag:s7], $0x80  }
0x114: {  	[sflag:s7] =	ssyncset.done $0x0  }
0x115: {  	s22 =	simm.s32 $0x0;
	[sflag:s7] =	ssyncadd.s32 $0xFFFFFF80  }
0x116: {  	v1 =	vmov s22;
	[tilespmem:s31], [sflag:$0x6] =	stream.indirect.gather [hbm4b:s11+s24], $0x80, s15, s24, $0xb8;
	[tilespmem:$0x1C600] =	vst v63  }
0x117: {  	s25 =	simm.s32 $0x280;
	v1 =	vand.u32 $0x7F, v1  }
0x118: {  	v1 =	vor.u32 $0x180, v1;
	[spmem:s1] =	stream.indirect.scatter.add.f32 [tilespmem:s16], [sflag:$0x7], $0x80, s25, s24, $0xb8;
	[tilespmem:$0x1C600] =	vst v63  }
0x119: {  	v1 =	vbroadcast v1, $0x0;
	_ =	swait.ge [sflag:s0], $0x4000  }
0x11a: {  	[sflag:s0] =	ssyncset.done $0x0  }
0x11b: {  	s22 =	simm.s32 $0x4640;
	[sflag:s0] =	ssyncadd.s32 $0xFFFFC000  }
0x11c: {  	v5 =	vld [tilespmem:s22+$0x30]  }
0x11d: {  	v8 =	vld [tilespmem:s22+$0x10]  }
0x11e: {  	v6 =	vld [tilespmem:s22+$0xFFFFFFC0]  }
0x11f: {  	v2 =	vld.idx.msk [tilespmem:v1+s18+$0x0], $0xffff  }
0x120: {  	v11 =	vld [tilespmem:s22+$0xFFFFFFE0]  }
0x121: {  	v1 =	vld [tilespmem:s22+$0xFFFFFFF0]  }
0x122: {  	v3 =	vld [tilespmem:s22+$0x20]  }
0x123: {  	v4 =	vld [tilespmem:s22+$0xFFFFFFD0]  }
0x124: {  	v9 =	vmul.f32 v5, v2;
	v5 =	vld [tilespmem:s22+$0x0]  }
0x125: {  	s29 =	simm.s32 $0x1;
	v7 =	vmul.f32 v6, v2  }
0x126: {  	v10 =	vmov s29;
	s5 =	simm.s32 $0x2;
	s25 =	simm.s32 $0x4640;
	v6 =	vmul.f32 v11, v2;
	v8 =	vmul.f32 v8, v2  }
.LBB2_11:
0x127: {  	p1 =	sne.s32 s5, $0x7F  }
0x128: {  	v10 =	vand.u32 $0x7F, v10;
	v4 =	vmul.f32 v4, v2;
	v3 =	vmul.f32 v3, v2;
	[tilespmem:s22+$0x30] =	vst v9;
	s25 =	sadd.s32 $0x80, s25;
	s8 =	smov.u32 s5;
	s5 =	sadd.s32 $0x1, s5  }
0x129: {  	v9 =	vor.u32 $0x180, v10;
	[tilespmem:s22+$0xFFFFFFC0] =	vst v7;
	v7 =	vmul.f32 v1, v2;
	v2 =	vmul.f32 v5, v2  }
0x12a: {  	v5 =	vbroadcast v9, $0x0;
	[tilespmem:s22+$0x10] =	vst v8  }
0x12b: {  	[tilespmem:s22+$0xFFFFFFE0] =	vst v6  }
0x12c: {  	v1 =	vld [tilespmem:s25+$0xFFFFFFF0];
	[tilespmem:s22+$0xFFFFFFF0] =	vst v7  }
0x12d: {  	v6 =	vld [tilespmem:s25+$0x30];
	[tilespmem:s22+$0x0] =	vst v2  }
0x12e: {  	v8 =	vld [tilespmem:s25+$0x10];
	[tilespmem:s22+$0x20] =	vst v3  }
0x12f: {  	v7 =	vld [tilespmem:s25+$0xFFFFFFC0];
	[tilespmem:s22+$0xFFFFFFD0] =	vst v4;
	s22 =	smov.u32 s25  }
0x130: {  	v2 =	vld.idx.msk [tilespmem:v5+s18+$0x0], $0xffff  }
0x131: {  	v11 =	vld [tilespmem:s25+$0xFFFFFFE0]  }
0x132: {  	v3 =	vld [tilespmem:s25+$0x20]  }
.Ltmp6:
0x133: {  	v4 =	vld [tilespmem:s25+$0xFFFFFFD0];
	(pc) =	sbr.rel @p1 .LBB2_11-.Ltmp6, $3  }
0x134: {  	v5 =	vld [tilespmem:s25+$0x0];
	_ =	sdelay $0x1  }
0x135: {  	v7 =	vmul.f32 v7, v2;
	v9 =	vmul.f32 v6, v2  }
0x136: {  	v10 =	vmov s8;
	v8 =	vmul.f32 v8, v2;
	v6 =	vmul.f32 v11, v2  }
0x137: {  	[tilespmem:s22+$0x30] =	vst v9;
	v57 =	vand.u32 $0x7F, v10  }
0x138: {  	[tilespmem:s22+$0xFFFFFFC0] =	vst v7;
	v7 =	vor.u32 $0x180, v57  }
0x139: {  	v1 =	vmul.f32 v1, v2;
	[tilespmem:s22+$0x10] =	vst v8;
	v58 =	vbroadcast v7, $0x0  }
0x13a: {  	s5 =	sadd.s32 $0x80, s25;
	[tilespmem:s22+$0xFFFFFFE0] =	vst v6;
	v5 =	vmul.f32 v5, v2  }
0x13b: {  	v3 =	vmul.f32 v3, v2;
	v59 =	vld [tilespmem:s5+$0xFFFFFFF0];
	[tilespmem:s22+$0xFFFFFFF0] =	vst v1  }
0x13c: {  	v2 =	vmul.f32 v4, v2;
	v1 =	vld [tilespmem:s5+$0x30];
	[tilespmem:s22+$0x0] =	vst v5  }
0x13d: {  	v60 =	vld [tilespmem:s5+$0x10];
	[tilespmem:s22+$0x20] =	vst v3  }
0x13e: {  	v3 =	vld [tilespmem:s5+$0xFFFFFFC0];
	[tilespmem:s22+$0xFFFFFFD0] =	vst v2  }
0x13f: {  	v2 =	vld.idx.msk [tilespmem:v58+s18+$0x0], $0xffff;
	_ =	sdelay $0x2  }
0x140: {  	v61 =	vld [tilespmem:s5+$0x0]  }
0x141: {  	v5 =	vld [tilespmem:s5+$0xFFFFFFE0]  }
0x142: {  	v1 =	vmul.f32 v1, v2  }
0x143: {  	v8 =	vld [tilespmem:s5+$0x20];
	v3 =	vmul.f32 v3, v2  }
0x144: {  	v62 =	vld [tilespmem:s5+$0xFFFFFFD0];
	v4 =	vmul.f32 v60, v2;
	[tilespmem:s5+$0x30] =	vst v1  }
0x145: {  	v63 =	vmul.f32 v61, v2;
	[tilespmem:s5+$0xFFFFFFC0] =	vst v3  }
0x146: {  	v1 =	vmul.f32 v5, v2;
	[tilespmem:s5+$0x10] =	vst v4  }
0x147: {  	v3 =	vmul.f32 v59, v2;
	[tilespmem:s5+$0x0] =	vst v63  }
0x148: {  	[tilespmem:s5+$0xFFFFFFE0] =	vst v1;
	v1 =	vmul.f32 v8, v2  }
0x149: {  	[tilespmem:s5+$0xFFFFFFF0] =	vst v3;
	v2 =	vmul.f32 v62, v2  }
.Ltmp7:
0x14a: {  	[tilespmem:s5+$0x20] =	vst v1;
	(pc) =	sbr.rel @p0 .LBB2_14-.Ltmp7, $4  }
0x14b: {  	[tilespmem:s5+$0xFFFFFFD0] =	vst v2  }
0x14c: {  	_ =	swait.ge [sflag:s2], $0x4000  }
0x14d: {  	[sflag:s2] =	ssyncset.done $0x0  }
0x14e: {  	[sflag:s2] =	ssyncadd.s32 $0xFFFFC000  }
0x14f: {  	s5 =	sadd.s32 $0x5, s17  }
0x150: {  	s8 =	sshll.u32 s5, $0x5  }
0x151: {  	s5 =	sshll.u32 s5, $0x4;
	s8 =	sadd.s32 s9, s8  }
0x152: {  	[tilespmem:s20], [sflag:$0x2] =	stream.linear.gather [hbm4b:s8+s3], $0x100, $0x38;
	[tilespmem:$0x1C600] =	vst v63  }
0x153: {  	s29 =	simm.s32 $0x480;
	s5 =	sadd.s32 s10, s5  }
0x154: {  	[tilespmem:s29], [sflag:$0x2] =	stream.linear.gather [hbm4b:s5+s3], $0x80, $0x38;
	[tilespmem:$0x1C600] =	vst v63  }
0x155: {  	_ =	swait.ge [sflag:s23], $0x100  }
0x156: {  	[sflag:s23] =	ssyncset.done $0x0  }
0x157: {  	[sflag:s23] =	ssyncadd.s32 $0xFFFFFF00  }
0x158: {  	_ =	swait.ge [sflag:s23], $0x80  }
.Ltmp8:
0x159: {  	[sflag:s23] =	ssyncset.done $0x0;
	(pc) =	sbr.rel .LBB2_4-.Ltmp8, $4  }
0x15a: {  	[sflag:s23] =	ssyncadd.s32 $0xFFFFFF80  }
0x15b: {  	[tilespmem:s16], [sflag:$0x5] =	stream.indirect.gather [hbm4b:s11+s24], $0x80, s3, s24, $0xb8;
	[tilespmem:$0x1C600] =	vst v63  }
0x15c: {  	s21 =	sadd.s32 $0x1, s21  }
0x15d: {  	[spmem:s1] =	stream.indirect.scatter.add.f32 [tilespmem:s31], [sflag:$0x8], $0x80, s19, s24, $0xb8;
	[tilespmem:$0x1C600] =	vst v63  }
.LBB2_14:
0x15e: {  	[spmem:s1] =	stream.indirect.scatter.add.f32 [tilespmem:s31], [sflag:$0x8], $0x80, s19, s24, $0xb8;
	[tilespmem:$0x1C600] =	vst v63  }
0x15f: {  	_ =	swait.ge [sflag:s6], $0x4000  }
0x160: {  	[sflag:s6] =	ssyncset.done $0x0  }
0x161: {  	[sflag:s6] =	ssyncadd.s32 $0xFFFFC000  }
0x162: {  	s4 =	stileid.u32;
	[bflag:$0x0] =	sbarrier.arrive $0xFFFF  }
0x163: {  	s4 =	sshll.u32 s4, $0x6;
	s5 =	rddreg [dreg:$0xa]  }
0x164: {  	s8 =	sor.u32 $0x1C09, s4;
	s29 =	rddreg [dreg:$0x5]  }
0x165: {  	[dreg:$0x10] =	wrdreg s8;
	s4 =	sshrl.u32 s29, $0x3  }
0x166: {  	s5 =	sadd.s32 s5, s12;
	[dreg:$0x11] =	wrdreg s4  }
0x167: {  	[hbm:s5], [sflag:s8] =	dma.local [spmem:s4], $0x2800  }
0x168: {  	s8 =	simm.s32 $0x9  }
0x169: {  	_ =	swait.ge [sflag:s8], $0x2800  }
0x16a: {  	[sflag:s8] =	ssyncset.done $0x0  }
0x16b: {  	[sflag:s8] =	ssyncadd.s32 $0xFFFFD800  }
0x16c: {  	s4 =	simm.s32 $0x0;
	s5 =	simm.s32 $0x200;
	[bflag:$0x0] =	sbarrier.arrive $0xFFFF  }
.LBB2_15:
0x16d: {  	p0 =	sne.s32 s5, $0xFE00;
	[tilespmem:s4+$0x670] =	vst v0  }
0x16e: {  	[tilespmem:s4+$0x600] =	vst v0  }
0x16f: {  	[tilespmem:s4+$0x610] =	vst v0  }
.Ltmp9:
0x170: {  	[tilespmem:s4+$0x620] =	vst v0;
	(pc) =	sbr.rel @p0 .LBB2_15-.Ltmp9, $4  }
0x171: {  	[tilespmem:s4+$0x630] =	vst v0  }
0x172: {  	[tilespmem:s4+$0x640] =	vst v0  }
0x173: {  	[tilespmem:s4+$0x650] =	vst v0  }
0x174: {  	[tilespmem:s4+$0x660] =	vst v0;
	s4 =	sshra.s32 s5, $0x2;
	s5 =	sadd.s32 $0x200, s5  }
0x175: {  	[tilespmem:s4+$0x670] =	vst v0  }
0x176: {  	[tilespmem:s4+$0x600] =	vst v0  }
0x177: {  	[tilespmem:s4+$0x610] =	vst v0  }
0x178: {  	[tilespmem:s4+$0x620] =	vst v0  }
0x179: {  	[tilespmem:s4+$0x630] =	vst v0  }
0x17a: {  	[tilespmem:s4+$0x640] =	vst v0  }
0x17b: {  	[tilespmem:s4+$0x650] =	vst v0  }
0x17c: {  	[tilespmem:s4+$0x660] =	vst v0;
	s29 =	rddreg [dreg:$0x5]  }
0x17d: {  	[spmem:s29] =	stream.linear.scatter [tilespmem:s16], [sflag:$0x9], $0x4000, $0x38;
	[tilespmem:$0x1C600] =	vst v63  }
0x17e: {  	_ =	swait.ge [sflag:s8], $0x4000  }
0x17f: {  	[sflag:s8] =	ssyncset.done $0x0  }
0x180: {  	s5 =	rddreg [dreg:$0x6];
	[sflag:s8] =	ssyncadd.s32 $0xFFFFC000  }
0x181: {  	[spmem:s5] =	stream.linear.scatter [tilespmem:s16], [sflag:$0x9], $0x4000, $0x38;
	[tilespmem:$0x1C600] =	vst v63  }
0x182: {  	_ =	swait.ge [sflag:s8], $0x4000  }
0x183: {  	[sflag:s8] =	ssyncset.done $0x0  }
0x184: {  	s17 =	rddreg [dreg:$0x7];
	[sflag:s8] =	ssyncadd.s32 $0xFFFFC000  }
0x185: {  	[spmem:s17] =	stream.linear.scatter [tilespmem:s16], [sflag:$0x9], $0x4000, $0x38;
	[tilespmem:$0x1C600] =	vst v63  }
0x186: {  	_ =	swait.ge [sflag:s8], $0x4000  }
0x187: {  	[sflag:s8] =	ssyncset.done $0x0  }
0x188: {  	s21 =	rddreg [dreg:$0x8];
	[sflag:s8] =	ssyncadd.s32 $0xFFFFC000  }
0x189: {  	[spmem:s21] =	stream.linear.scatter [tilespmem:s16], [sflag:$0x9], $0x4000, $0x38;
	[tilespmem:$0x1C600] =	vst v63  }
0x18a: {  	_ =	swait.ge [sflag:s8], $0x4000  }
0x18b: {  	[sflag:s8] =	ssyncset.done $0x0  }
0x18c: {  	s22 =	rddreg [dreg:$0x9];
	[sflag:s8] =	ssyncadd.s32 $0xFFFFC000  }
0x18d: {  	[spmem:s22] =	stream.linear.scatter [tilespmem:s16], [sflag:$0x9], $0x4000, $0x38;
	[tilespmem:$0x1C600] =	vst v63  }
0x18e: {  	_ =	swait.ge [sflag:s8], $0x4000  }
0x18f: {  	[sflag:s8] =	ssyncset.done $0x0  }
0x190: {  	[sflag:s8] =	ssyncadd.s32 $0xFFFFC000  }
0x191: {  	s4 =	simm.s32 $0x0;
	[bflag:$0x0] =	sbarrier.arrive $0xFFFF  }
0x192: {  	[tilespmem:s4], [sflag:$0x1] =	stream.linear.gather [hbm4b:s9+s4], $0x100, $0x38;
	[tilespmem:$0x1C600] =	vst v63  }
0x193: {  	_ = 	snop  }
0x194: {  	[tilespmem:s18], [sflag:$0x1] =	stream.linear.gather [hbm4b:s10+s4], $0x80, $0x38;
	[tilespmem:$0x1C600] =	vst v63  }
0x195: {  	s5 =	rddreg [dreg:$0xc]  }
0x196: {  	[tilespmem:s20], [sflag:$0x2] =	stream.linear.gather [hbm4b:s5+s4], $0x100, $0x38;
	[tilespmem:$0x1C600] =	vst v63  }
0x197: {  	s29 =	simm.s32 $0x480;
	s25 =	rddreg [dreg:$0xd]  }
0x198: {  	[tilespmem:s29], [sflag:$0x2] =	stream.linear.gather [hbm4b:s25+s4], $0x80, $0x38;
	[tilespmem:$0x1C600] =	vst v63  }
0x199: {  	_ =	swait.ge [sflag:s23], $0x100  }
0x19a: {  	[sflag:s23] =	ssyncset.done $0x0  }
0x19b: {  	[sflag:s23] =	ssyncadd.s32 $0xFFFFFF00  }
0x19c: {  	_ =	swait.ge [sflag:s23], $0x80  }
0x19d: {  	[sflag:s23] =	ssyncset.done $0x0  }
0x19e: {  	s21 =	simm.s32 $0x0;
	[sflag:s23] =	ssyncadd.s32 $0xFFFFFF80  }
0x19f: {  	[tilespmem:s16], [sflag:$0x5] =	stream.indirect.gather [hbm4b:s12+s24], $0x80, s4, s24, $0xb8;
	[tilespmem:$0x1C600] =	vst v63  }
.LBB2_17:
0x1a0: {  	_ =	swait.ge [sflag:s26], $0x4000  }
0x1a1: {  	v1 =	vmov s4;
	[sflag:s26] =	ssyncset.done $0x0  }
0x1a2: {  	s17 =	simm.s32 $0x640;
	[sflag:s26] =	ssyncadd.s32 $0xFFFFC000  }
0x1a3: {  	v5 =	vld [tilespmem:s17+$0x30]  }
0x1a4: {  	v8 =	vld [tilespmem:s17+$0x10]  }
0x1a5: {  	v6 =	vld [tilespmem:s17+$0xFFFFFFC0]  }
0x1a6: {  	v2 =	vld.idx.msk [tilespmem:v1+s18+$0x0], $0xffff  }
0x1a7: {  	v10 =	vld [tilespmem:s17+$0xFFFFFFE0]  }
0x1a8: {  	v3 =	vld [tilespmem:s17+$0x20]  }
0x1a9: {  	v4 =	vld [tilespmem:s17+$0xFFFFFFD0]  }
0x1aa: {  	v1 =	vld [tilespmem:s17+$0xFFFFFFF0]  }
0x1ab: {  	v9 =	vmul.f32 v5, v2;
	v5 =	vld [tilespmem:s17+$0x0]  }
0x1ac: {  	v7 =	vmul.f32 v6, v2  }
0x1ad: {  	s5 =	simm.s32 $0x1;
	s22 =	simm.s32 $0x640;
	v6 =	vmul.f32 v10, v2;
	v8 =	vmul.f32 v8, v2  }
.LBB2_18:
0x1ae: {  	p0 =	sne.s32 s5, $0x7F  }
0x1af: {  	v4 =	vmul.f32 v4, v2;
	v3 =	vmul.f32 v3, v2;
	[tilespmem:s17+$0x30] =	vst v9;
	s22 =	sadd.s32 $0x80, s22;
	s8 =	smov.u32 s5;
	s5 =	sadd.s32 $0x1, s5  }
0x1b0: {  	[tilespmem:s17+$0xFFFFFFC0] =	vst v7;
	v7 =	vmul.f32 v1, v2;
	v2 =	vmul.f32 v5, v2  }
0x1b1: {  	[tilespmem:s17+$0x10] =	vst v8  }
0x1b2: {  	v5 =	vmov s8;
	[tilespmem:s17+$0xFFFFFFE0] =	vst v6  }
0x1b3: {  	v1 =	vld [tilespmem:s22+$0xFFFFFFF0];
	[tilespmem:s17+$0xFFFFFFF0] =	vst v7  }
0x1b4: {  	v6 =	vld [tilespmem:s22+$0x30];
	[tilespmem:s17+$0x0] =	vst v2  }
0x1b5: {  	v8 =	vld [tilespmem:s22+$0x10];
	[tilespmem:s17+$0x20] =	vst v3  }
0x1b6: {  	v7 =	vld [tilespmem:s22+$0xFFFFFFC0];
	[tilespmem:s17+$0xFFFFFFD0] =	vst v4;
	s17 =	smov.u32 s22  }
0x1b7: {  	v2 =	vld.idx.msk [tilespmem:v5+s18+$0x0], $0xffff  }
0x1b8: {  	v10 =	vld [tilespmem:s22+$0xFFFFFFE0]  }
0x1b9: {  	v3 =	vld [tilespmem:s22+$0x20]  }
.Ltmp10:
0x1ba: {  	v4 =	vld [tilespmem:s22+$0xFFFFFFD0];
	(pc) =	sbr.rel @p0 .LBB2_18-.Ltmp10, $3  }
0x1bb: {  	v5 =	vld [tilespmem:s22+$0x0];
	_ =	sdelay $0x1  }
0x1bc: {  	v7 =	vmul.f32 v7, v2;
	v9 =	vmul.f32 v6, v2  }
0x1bd: {  	v8 =	vmul.f32 v8, v2;
	v6 =	vmul.f32 v10, v2  }
0x1be: {  	[tilespmem:s17+$0x30] =	vst v9  }
0x1bf: {  	[tilespmem:s17+$0xFFFFFFC0] =	vst v7  }
0x1c0: {  	v1 =	vmul.f32 v1, v2;
	[tilespmem:s17+$0x10] =	vst v8  }
0x1c1: {  	v3 =	vmul.f32 v3, v2;
	[tilespmem:s17+$0xFFFFFFE0] =	vst v6  }
0x1c2: {  	v5 =	vmul.f32 v5, v2;
	[tilespmem:s17+$0xFFFFFFF0] =	vst v1  }
0x1c3: {  	v1 =	vmul.f32 v4, v2;
	[tilespmem:s17+$0x20] =	vst v3  }
0x1c4: {  	p0 =	seq.s32 s21, $0x0;
	[tilespmem:s17+$0x0] =	vst v5  }
0x1c5: {  	s5 =	simm.s32 @!p0 $0x8;
	[tilespmem:s17+$0xFFFFFFD0] =	vst v1;
	s17 =	sshll.u32 s21, $0x2  }
0x1c6: {  	_ =	swait.ge @!p0 [sflag:s5], $0x4000;
	s8 =	sor.u32 $0x2, s17  }
0x1c7: {  	[sflag:s5] =	ssyncset.done @!p0 $0x0;
	s22 =	sshll.u32 s8, $0x5  }
0x1c8: {  	s25 =	simm.s32 $0x0;
	[sflag:s5] =	ssyncadd.s32 @!p0 $0xFFFFC000;
	s22 =	sadd.s32 s9, s22  }
0x1c9: {  	[tilespmem:s28], [sflag:$0x3] =	stream.linear.gather [hbm4b:s22+s25], $0x100, $0x38;
	[tilespmem:$0x1C600] =	vst v63  }
0x1ca: {  	s22 =	sshll.u32 s21, $0x6  }
0x1cb: {  	s8 =	sshll.u32 s8, $0x4;
	s5 =	sand.u32 $0x780, s22  }
0x1cc: {  	s8 =	sand.u32 $0x60, s8;
	s22 =	sadd.s32 s10, s5  }
0x1cd: {  	s5 =	sadd.s32 s8, s22;
	s8 =	simm.s32 $0x500  }
0x1ce: {  	[tilespmem:s8], [sflag:$0x3] =	stream.linear.gather [hbm4b:s5+s25], $0x80, $0x38;
	[tilespmem:$0x1C600] =	vst v63  }
0x1cf: {  	_ =	swait.ge [sflag:s30], $0x100  }
0x1d0: {  	[sflag:s30] =	ssyncset.done $0x0  }
0x1d1: {  	[sflag:s30] =	ssyncadd.s32 $0xFFFFFF00  }
0x1d2: {  	_ =	swait.ge [sflag:s30], $0x80  }
0x1d3: {  	[sflag:s30] =	ssyncset.done $0x0  }
0x1d4: {  	[sflag:s30] =	ssyncadd.s32 $0xFFFFFF80  }
0x1d5: {  	v1 =	vmov s25;
	[tilespmem:s31], [sflag:$0x6] =	stream.indirect.gather [hbm4b:s12+s24], $0x80, s20, s24, $0xb8;
	[tilespmem:$0x1C600] =	vst v63  }
0x1d6: {  	v1 =	vand.u32 $0x7F, v1  }
0x1d7: {  	v1 =	vor.u32 $0x80, v1;
	[spmem:s1] =	stream.indirect.scatter.add.f32 [tilespmem:s16], [sflag:$0x7], $0x80, s24, s24, $0xb8;
	[tilespmem:$0x1C600] =	vst v63  }
0x1d8: {  	v1 =	vbroadcast v1, $0x0;
	_ =	swait.ge [sflag:s0], $0x4000  }
0x1d9: {  	[sflag:s0] =	ssyncset.done $0x0  }
0x1da: {  	s29 =	simm.s32 $0x4640;
	[sflag:s0] =	ssyncadd.s32 $0xFFFFC000  }
0x1db: {  	v5 =	vld [tilespmem:s29+$0x30]  }
0x1dc: {  	v8 =	vld [tilespmem:s29+$0x10]  }
0x1dd: {  	v6 =	vld [tilespmem:s29+$0xFFFFFFC0]  }
0x1de: {  	v2 =	vld.idx.msk [tilespmem:v1+s18+$0x0], $0xffff  }
0x1df: {  	v11 =	vld [tilespmem:s29+$0xFFFFFFE0]  }
0x1e0: {  	v1 =	vld [tilespmem:s29+$0xFFFFFFF0]  }
0x1e1: {  	v3 =	vld [tilespmem:s29+$0x20]  }
0x1e2: {  	v4 =	vld [tilespmem:s29+$0xFFFFFFD0]  }
0x1e3: {  	v9 =	vmul.f32 v5, v2;
	v5 =	vld [tilespmem:s29+$0x0]  }
0x1e4: {  	s25 =	simm.s32 $0x1;
	v7 =	vmul.f32 v6, v2  }
0x1e5: {  	s5 =	simm.s32 $0x2;
	v10 =	vmov s25;
	s25 =	simm.s32 $0x4640;
	v6 =	vmul.f32 v11, v2;
	v8 =	vmul.f32 v8, v2  }
.LBB2_20:
0x1e6: {  	p0 =	sne.s32 s5, $0x7F  }
0x1e7: {  	v10 =	vand.u32 $0x7F, v10;
	v4 =	vmul.f32 v4, v2;
	v3 =	vmul.f32 v3, v2;
	[tilespmem:s29+$0x30] =	vst v9;
	s25 =	sadd.s32 $0x80, s25;
	s8 =	smov.u32 s5;
	s5 =	sadd.s32 $0x1, s5  }
0x1e8: {  	v9 =	vor.u32 $0x80, v10;
	[tilespmem:s29+$0xFFFFFFC0] =	vst v7;
	v7 =	vmul.f32 v1, v2;
	v2 =	vmul.f32 v5, v2  }
0x1e9: {  	v5 =	vbroadcast v9, $0x0;
	[tilespmem:s29+$0x10] =	vst v8  }
0x1ea: {  	[tilespmem:s29+$0xFFFFFFE0] =	vst v6  }
0x1eb: {  	v1 =	vld [tilespmem:s25+$0xFFFFFFF0];
	[tilespmem:s29+$0xFFFFFFF0] =	vst v7  }
0x1ec: {  	v6 =	vld [tilespmem:s25+$0x30];
	[tilespmem:s29+$0x0] =	vst v2  }
0x1ed: {  	v8 =	vld [tilespmem:s25+$0x10];
	[tilespmem:s29+$0x20] =	vst v3  }
0x1ee: {  	v7 =	vld [tilespmem:s25+$0xFFFFFFC0];
	[tilespmem:s29+$0xFFFFFFD0] =	vst v4;
	s29 =	smov.u32 s25  }
0x1ef: {  	v2 =	vld.idx.msk [tilespmem:v5+s18+$0x0], $0xffff  }
0x1f0: {  	v11 =	vld [tilespmem:s25+$0xFFFFFFE0]  }
0x1f1: {  	v3 =	vld [tilespmem:s25+$0x20]  }
.Ltmp11:
0x1f2: {  	v4 =	vld [tilespmem:s25+$0xFFFFFFD0];
	(pc) =	sbr.rel @p0 .LBB2_20-.Ltmp11, $3  }
0x1f3: {  	v5 =	vld [tilespmem:s25+$0x0];
	_ =	sdelay $0x1  }
0x1f4: {  	v7 =	vmul.f32 v7, v2;
	v9 =	vmul.f32 v6, v2  }
0x1f5: {  	v10 =	vmov s8;
	v8 =	vmul.f32 v8, v2;
	v6 =	vmul.f32 v11, v2  }
0x1f6: {  	[tilespmem:s29+$0xFFFFFFC0] =	vst v7;
	v7 =	vand.u32 $0x7F, v10  }
0x1f7: {  	[tilespmem:s29+$0x30] =	vst v9;
	v7 =	vor.u32 $0x80, v7  }
0x1f8: {  	v1 =	vmul.f32 v1, v2;
	[tilespmem:s29+$0xFFFFFFE0] =	vst v6;
	v6 =	vbroadcast v7, $0x0  }
0x1f9: {  	s5 =	sadd.s32 $0x80, s25;
	[tilespmem:s29+$0x10] =	vst v8;
	v5 =	vmul.f32 v5, v2  }
0x1fa: {  	v3 =	vmul.f32 v3, v2;
	v7 =	vld [tilespmem:s5+$0xFFFFFFF0];
	[tilespmem:s29+$0xFFFFFFF0] =	vst v1  }
0x1fb: {  	v2 =	vmul.f32 v4, v2;
	v1 =	vld [tilespmem:s5+$0x30];
	[tilespmem:s29+$0x0] =	vst v5  }
0x1fc: {  	v4 =	vld [tilespmem:s5+$0x10];
	[tilespmem:s29+$0x20] =	vst v3  }
0x1fd: {  	v3 =	vld [tilespmem:s5+$0xFFFFFFC0];
	[tilespmem:s29+$0xFFFFFFD0] =	vst v2  }
0x1fe: {  	v2 =	vld.idx.msk [tilespmem:v6+s18+$0x0], $0xffff;
	_ =	sdelay $0x2  }
0x1ff: {  	v5 =	vld [tilespmem:s5+$0xFFFFFFE0];
	_ =	sdelay $0x1  }
0x200: {  	v6 =	vld [tilespmem:s5+$0x0];
	v1 =	vmul.f32 v1, v2  }
0x201: {  	v8 =	vld [tilespmem:s5+$0x20];
	v3 =	vmul.f32 v3, v2  }
0x202: {  	v9 =	vld [tilespmem:s5+$0xFFFFFFD0];
	v4 =	vmul.f32 v4, v2;
	[tilespmem:s5+$0x30] =	vst v1  }
0x203: {  	v1 =	vmul.f32 v5, v2;
	[tilespmem:s5+$0xFFFFFFC0] =	vst v3  }
0x204: {  	v3 =	vmul.f32 v7, v2;
	[tilespmem:s5+$0x10] =	vst v4  }
0x205: {  	v4 =	vmul.f32 v6, v2;
	[tilespmem:s5+$0xFFFFFFE0] =	vst v1  }
0x206: {  	v1 =	vmul.f32 v8, v2;
	[tilespmem:s5+$0xFFFFFFF0] =	vst v3  }
0x207: {  	v2 =	vmul.f32 v9, v2;
	[tilespmem:s5+$0x0] =	vst v4  }
0x208: {  	[tilespmem:s5+$0x20] =	vst v1  }
0x209: {  	s25 =	sor.u32 $0x3, s17;
	[tilespmem:s5+$0xFFFFFFD0] =	vst v2  }
0x20a: {  	s8 =	sshll.u32 s25, $0x5;
	_ =	swait.ge [sflag:s2], $0x4000  }
0x20b: {  	s8 =	sadd.s32 s9, s8;
	s5 =	sshll.u32 s25, $0x4;
	[sflag:s2] =	ssyncset.done $0x0  }
0x20c: {  	s29 =	simm.s32 $0x0;
	s5 =	sand.u32 $0x70, s5;
	[sflag:s2] =	ssyncadd.s32 $0xFFFFC000  }
0x20d: {  	[tilespmem:s15], [sflag:$0x4] =	stream.linear.gather [hbm4b:s8+s29], $0x100, $0x38;
	[tilespmem:$0x1C600] =	vst v63  }
0x20e: {  	s5 =	sadd.s32 s5, s22;
	s22 =	simm.s32 $0x580  }
0x20f: {  	[tilespmem:s22], [sflag:$0x4] =	stream.linear.gather [hbm4b:s5+s29], $0x80, $0x38;
	[tilespmem:$0x1C600] =	vst v63  }
0x210: {  	_ =	swait.ge [sflag:s13], $0x100  }
0x211: {  	[sflag:s13] =	ssyncset.done $0x0  }
0x212: {  	[sflag:s13] =	ssyncadd.s32 $0xFFFFFF00  }
0x213: {  	_ =	swait.ge [sflag:s13], $0x80  }
0x214: {  	[sflag:s13] =	ssyncset.done $0x0  }
0x215: {  	[sflag:s13] =	ssyncadd.s32 $0xFFFFFF80  }
0x216: {  	v1 =	vmov s29;
	[tilespmem:s16], [sflag:$0x5] =	stream.indirect.gather [hbm4b:s12+s24], $0x80, s28, s24, $0xb8;
	[tilespmem:$0x1C600] =	vst v63  }
0x217: {  	s25 =	simm.s32 $0x180;
	v1 =	vand.u32 $0x7F, v1  }
0x218: {  	v1 =	vor.u32 $0x100, v1;
	[spmem:s1] =	stream.indirect.scatter.add.f32 [tilespmem:s31], [sflag:$0x8], $0x80, s25, s24, $0xb8;
	[tilespmem:$0x1C600] =	vst v63  }
0x219: {  	v1 =	vbroadcast v1, $0x0;
	_ =	swait.ge [sflag:s26], $0x4000  }
0x21a: {  	[sflag:s26] =	ssyncset.done $0x0  }
0x21b: {  	s22 =	simm.s32 $0x640;
	[sflag:s26] =	ssyncadd.s32 $0xFFFFC000  }
0x21c: {  	v5 =	vld [tilespmem:s22+$0x30]  }
0x21d: {  	v8 =	vld [tilespmem:s22+$0x10]  }
0x21e: {  	v6 =	vld [tilespmem:s22+$0xFFFFFFC0]  }
0x21f: {  	v2 =	vld.idx.msk [tilespmem:v1+s18+$0x0], $0xffff  }
0x220: {  	v11 =	vld [tilespmem:s22+$0xFFFFFFE0]  }
0x221: {  	v1 =	vld [tilespmem:s22+$0xFFFFFFF0]  }
0x222: {  	v3 =	vld [tilespmem:s22+$0x20]  }
0x223: {  	v4 =	vld [tilespmem:s22+$0xFFFFFFD0]  }
0x224: {  	v9 =	vmul.f32 v5, v2;
	v5 =	vld [tilespmem:s22+$0x0]  }
0x225: {  	s29 =	simm.s32 $0x1;
	v7 =	vmul.f32 v6, v2  }
0x226: {  	s5 =	simm.s32 $0x2;
	v10 =	vmov s29;
	s25 =	simm.s32 $0x640;
	v6 =	vmul.f32 v11, v2;
	v8 =	vmul.f32 v8, v2  }
.LBB2_22:
0x227: {  	p0 =	sne.s32 s5, $0x7F  }
0x228: {  	v10 =	vand.u32 $0x7F, v10;
	v4 =	vmul.f32 v4, v2;
	v3 =	vmul.f32 v3, v2;
	[tilespmem:s22+$0x30] =	vst v9;
	s25 =	sadd.s32 $0x80, s25;
	s8 =	smov.u32 s5;
	s5 =	sadd.s32 $0x1, s5  }
0x229: {  	v9 =	vor.u32 $0x100, v10;
	[tilespmem:s22+$0xFFFFFFC0] =	vst v7;
	v7 =	vmul.f32 v1, v2;
	v2 =	vmul.f32 v5, v2  }
0x22a: {  	v5 =	vbroadcast v9, $0x0;
	[tilespmem:s22+$0x10] =	vst v8  }
0x22b: {  	[tilespmem:s22+$0xFFFFFFE0] =	vst v6  }
0x22c: {  	v1 =	vld [tilespmem:s25+$0xFFFFFFF0];
	[tilespmem:s22+$0xFFFFFFF0] =	vst v7  }
0x22d: {  	v6 =	vld [tilespmem:s25+$0x30];
	[tilespmem:s22+$0x0] =	vst v2  }
0x22e: {  	v8 =	vld [tilespmem:s25+$0x10];
	[tilespmem:s22+$0x20] =	vst v3  }
0x22f: {  	v7 =	vld [tilespmem:s25+$0xFFFFFFC0];
	[tilespmem:s22+$0xFFFFFFD0] =	vst v4;
	s22 =	smov.u32 s25  }
0x230: {  	v2 =	vld.idx.msk [tilespmem:v5+s18+$0x0], $0xffff  }
0x231: {  	v11 =	vld [tilespmem:s25+$0xFFFFFFE0]  }
0x232: {  	v3 =	vld [tilespmem:s25+$0x20]  }
.Ltmp12:
0x233: {  	v4 =	vld [tilespmem:s25+$0xFFFFFFD0];
	(pc) =	sbr.rel @p0 .LBB2_22-.Ltmp12, $3  }
0x234: {  	v5 =	vld [tilespmem:s25+$0x0];
	_ =	sdelay $0x1  }
0x235: {  	v7 =	vmul.f32 v7, v2;
	v9 =	vmul.f32 v6, v2  }
0x236: {  	v10 =	vmov s8;
	v8 =	vmul.f32 v8, v2;
	v6 =	vmul.f32 v11, v2  }
0x237: {  	[tilespmem:s22+$0xFFFFFFC0] =	vst v7;
	v7 =	vand.u32 $0x7F, v10  }
0x238: {  	[tilespmem:s22+$0x30] =	vst v9;
	v7 =	vor.u32 $0x100, v7  }
0x239: {  	v1 =	vmul.f32 v1, v2;
	[tilespmem:s22+$0xFFFFFFE0] =	vst v6;
	v6 =	vbroadcast v7, $0x0  }
0x23a: {  	s5 =	sadd.s32 $0x80, s25;
	[tilespmem:s22+$0x10] =	vst v8;
	v5 =	vmul.f32 v5, v2  }
0x23b: {  	v3 =	vmul.f32 v3, v2;
	v7 =	vld [tilespmem:s5+$0xFFFFFFF0];
	[tilespmem:s22+$0xFFFFFFF0] =	vst v1  }
0x23c: {  	v2 =	vmul.f32 v4, v2;
	v1 =	vld [tilespmem:s5+$0x30];
	[tilespmem:s22+$0x0] =	vst v5  }
0x23d: {  	v4 =	vld [tilespmem:s5+$0x10];
	[tilespmem:s22+$0x20] =	vst v3  }
0x23e: {  	v3 =	vld [tilespmem:s5+$0xFFFFFFC0];
	[tilespmem:s22+$0xFFFFFFD0] =	vst v2  }
0x23f: {  	v2 =	vld.idx.msk [tilespmem:v6+s18+$0x0], $0xffff;
	_ =	sdelay $0x2  }
0x240: {  	v5 =	vld [tilespmem:s5+$0xFFFFFFE0];
	_ =	sdelay $0x1  }
0x241: {  	v6 =	vld [tilespmem:s5+$0x0];
	v1 =	vmul.f32 v1, v2  }
0x242: {  	v8 =	vld [tilespmem:s5+$0x20];
	v3 =	vmul.f32 v3, v2  }
0x243: {  	v9 =	vld [tilespmem:s5+$0xFFFFFFD0];
	v4 =	vmul.f32 v4, v2;
	[tilespmem:s5+$0x30] =	vst v1  }
0x244: {  	v1 =	vmul.f32 v5, v2;
	[tilespmem:s5+$0xFFFFFFC0] =	vst v3  }
0x245: {  	v3 =	vmul.f32 v7, v2;
	[tilespmem:s5+$0x10] =	vst v4  }
0x246: {  	v4 =	vmul.f32 v6, v2;
	[tilespmem:s5+$0xFFFFFFE0] =	vst v1  }
0x247: {  	v1 =	vmul.f32 v8, v2;
	[tilespmem:s5+$0xFFFFFFF0] =	vst v3  }
0x248: {  	v2 =	vmul.f32 v9, v2;
	[tilespmem:s5+$0x0] =	vst v4  }
0x249: {  	[tilespmem:s5+$0x20] =	vst v1  }
0x24a: {  	p0 =	seq.s32 s21, $0x13;
	[tilespmem:s5+$0xFFFFFFD0] =	vst v2  }
0x24b: {  	s5 =	sadd.s32 @!p0 $0x4, s17;
	_ =	swait.ge [sflag:s6], $0x4000  }
0x24c: {  	s22 =	simm.s32 @!p0 $0x0;
	s8 =	sshll.u32 @!p0 s5, $0x5;
	[sflag:s6] =	ssyncset.done $0x0  }
0x24d: {  	s5 =	sshll.u32 @!p0 s5, $0x4;
	s8 =	sadd.s32 @!p0 s9, s8;
	[sflag:s6] =	ssyncadd.s32 $0xFFFFC000  }
0x24e: {  	[tilespmem:s22], [sflag:$0x1] =	stream.linear.gather @!p0 [hbm4b:s8+s22], $0x100, $0x38;
	[tilespmem:$0x1C600] =	vst v63  }
0x24f: {  	s5 =	sadd.s32 @!p0 s10, s5;
	s8 =	simm.s32 @!p0 $0x400  }
0x250: {  	[tilespmem:s8], [sflag:$0x1] =	stream.linear.gather @!p0 [hbm4b:s5+s22], $0x80, $0x38;
	[tilespmem:$0x1C600] =	vst v63  }
0x251: {  	_ =	swait.ge [sflag:s7], $0x100  }
0x252: {  	[sflag:s7] =	ssyncset.done $0x0  }
0x253: {  	[sflag:s7] =	ssyncadd.s32 $0xFFFFFF00  }
0x254: {  	_ =	swait.ge [sflag:s7], $0x80  }
0x255: {  	[sflag:s7] =	ssyncset.done $0x0  }
0x256: {  	s22 =	simm.s32 $0x0;
	[sflag:s7] =	ssyncadd.s32 $0xFFFFFF80  }
0x257: {  	v1 =	vmov s22;
	[tilespmem:s31], [sflag:$0x6] =	stream.indirect.gather [hbm4b:s12+s24], $0x80, s15, s24, $0xb8;
	[tilespmem:$0x1C600] =	vst v63  }
0x258: {  	s25 =	simm.s32 $0x280;
	v1 =	vand.u32 $0x7F, v1  }
0x259: {  	v1 =	vor.u32 $0x180, v1;
	[spmem:s1] =	stream.indirect.scatter.add.f32 [tilespmem:s16], [sflag:$0x7], $0x80, s25, s24, $0xb8;
	[tilespmem:$0x1C600] =	vst v63  }
0x25a: {  	v1 =	vbroadcast v1, $0x0;
	_ =	swait.ge [sflag:s0], $0x4000  }
0x25b: {  	[sflag:s0] =	ssyncset.done $0x0  }
0x25c: {  	s22 =	simm.s32 $0x4640;
	[sflag:s0] =	ssyncadd.s32 $0xFFFFC000  }
0x25d: {  	v5 =	vld [tilespmem:s22+$0x30]  }
0x25e: {  	v8 =	vld [tilespmem:s22+$0x10]  }
0x25f: {  	v6 =	vld [tilespmem:s22+$0xFFFFFFC0]  }
0x260: {  	v2 =	vld.idx.msk [tilespmem:v1+s18+$0x0], $0xffff  }
0x261: {  	v11 =	vld [tilespmem:s22+$0xFFFFFFE0]  }
0x262: {  	v1 =	vld [tilespmem:s22+$0xFFFFFFF0]  }
0x263: {  	v3 =	vld [tilespmem:s22+$0x20]  }
0x264: {  	v4 =	vld [tilespmem:s22+$0xFFFFFFD0]  }
0x265: {  	v9 =	vmul.f32 v5, v2;
	v5 =	vld [tilespmem:s22+$0x0]  }
0x266: {  	s29 =	simm.s32 $0x1;
	v7 =	vmul.f32 v6, v2  }
0x267: {  	v10 =	vmov s29;
	s5 =	simm.s32 $0x2;
	s25 =	simm.s32 $0x4640;
	v6 =	vmul.f32 v11, v2;
	v8 =	vmul.f32 v8, v2  }
.LBB2_24:
0x268: {  	p1 =	sne.s32 s5, $0x7F  }
0x269: {  	v10 =	vand.u32 $0x7F, v10;
	v4 =	vmul.f32 v4, v2;
	v3 =	vmul.f32 v3, v2;
	[tilespmem:s22+$0x30] =	vst v9;
	s25 =	sadd.s32 $0x80, s25;
	s8 =	smov.u32 s5;
	s5 =	sadd.s32 $0x1, s5  }
0x26a: {  	v9 =	vor.u32 $0x180, v10;
	[tilespmem:s22+$0xFFFFFFC0] =	vst v7;
	v7 =	vmul.f32 v1, v2;
	v2 =	vmul.f32 v5, v2  }
0x26b: {  	v5 =	vbroadcast v9, $0x0;
	[tilespmem:s22+$0x10] =	vst v8  }
0x26c: {  	[tilespmem:s22+$0xFFFFFFE0] =	vst v6  }
0x26d: {  	v1 =	vld [tilespmem:s25+$0xFFFFFFF0];
	[tilespmem:s22+$0xFFFFFFF0] =	vst v7  }
0x26e: {  	v6 =	vld [tilespmem:s25+$0x30];
	[tilespmem:s22+$0x0] =	vst v2  }
0x26f: {  	v8 =	vld [tilespmem:s25+$0x10];
	[tilespmem:s22+$0x20] =	vst v3  }
0x270: {  	v7 =	vld [tilespmem:s25+$0xFFFFFFC0];
	[tilespmem:s22+$0xFFFFFFD0] =	vst v4;
	s22 =	smov.u32 s25  }
0x271: {  	v2 =	vld.idx.msk [tilespmem:v5+s18+$0x0], $0xffff  }
0x272: {  	v11 =	vld [tilespmem:s25+$0xFFFFFFE0]  }
0x273: {  	v3 =	vld [tilespmem:s25+$0x20]  }
.Ltmp13:
0x274: {  	v4 =	vld [tilespmem:s25+$0xFFFFFFD0];
	(pc) =	sbr.rel @p1 .LBB2_24-.Ltmp13, $3  }
0x275: {  	v5 =	vld [tilespmem:s25+$0x0];
	_ =	sdelay $0x1  }
0x276: {  	v7 =	vmul.f32 v7, v2;
	v9 =	vmul.f32 v6, v2  }
0x277: {  	v10 =	vmov s8;
	v8 =	vmul.f32 v8, v2;
	v6 =	vmul.f32 v11, v2  }
0x278: {  	[tilespmem:s22+$0x30] =	vst v9;
	v57 =	vand.u32 $0x7F, v10  }
0x279: {  	[tilespmem:s22+$0xFFFFFFC0] =	vst v7;
	v7 =	vor.u32 $0x180, v57  }
0x27a: {  	v1 =	vmul.f32 v1, v2;
	[tilespmem:s22+$0x10] =	vst v8;
	v58 =	vbroadcast v7, $0x0  }
0x27b: {  	s5 =	sadd.s32 $0x80, s25;
	[tilespmem:s22+$0xFFFFFFE0] =	vst v6;
	v5 =	vmul.f32 v5, v2  }
0x27c: {  	v3 =	vmul.f32 v3, v2;
	v59 =	vld [tilespmem:s5+$0xFFFFFFF0];
	[tilespmem:s22+$0xFFFFFFF0] =	vst v1  }
0x27d: {  	v2 =	vmul.f32 v4, v2;
	v1 =	vld [tilespmem:s5+$0x30];
	[tilespmem:s22+$0x0] =	vst v5  }
0x27e: {  	v60 =	vld [tilespmem:s5+$0x10];
	[tilespmem:s22+$0x20] =	vst v3  }
0x27f: {  	v3 =	vld [tilespmem:s5+$0xFFFFFFC0];
	[tilespmem:s22+$0xFFFFFFD0] =	vst v2  }
0x280: {  	v2 =	vld.idx.msk [tilespmem:v58+s18+$0x0], $0xffff;
	_ =	sdelay $0x2  }
0x281: {  	v61 =	vld [tilespmem:s5+$0x0]  }
0x282: {  	v5 =	vld [tilespmem:s5+$0xFFFFFFE0]  }
0x283: {  	v1 =	vmul.f32 v1, v2  }
0x284: {  	v8 =	vld [tilespmem:s5+$0x20];
	v3 =	vmul.f32 v3, v2  }
0x285: {  	v62 =	vld [tilespmem:s5+$0xFFFFFFD0];
	v4 =	vmul.f32 v60, v2;
	[tilespmem:s5+$0x30] =	vst v1  }
0x286: {  	v63 =	vmul.f32 v61, v2;
	[tilespmem:s5+$0xFFFFFFC0] =	vst v3  }
0x287: {  	v1 =	vmul.f32 v5, v2;
	[tilespmem:s5+$0x10] =	vst v4  }
0x288: {  	v3 =	vmul.f32 v59, v2;
	[tilespmem:s5+$0x0] =	vst v63  }
0x289: {  	[tilespmem:s5+$0xFFFFFFE0] =	vst v1;
	v1 =	vmul.f32 v8, v2  }
0x28a: {  	[tilespmem:s5+$0xFFFFFFF0] =	vst v3;
	v2 =	vmul.f32 v62, v2  }
.Ltmp14:
0x28b: {  	[tilespmem:s5+$0x20] =	vst v1;
	(pc) =	sbr.rel @p0 .LBB2_27-.Ltmp14, $4  }
0x28c: {  	[tilespmem:s5+$0xFFFFFFD0] =	vst v2  }
0x28d: {  	_ =	swait.ge [sflag:s2], $0x4000  }
0x28e: {  	[sflag:s2] =	ssyncset.done $0x0  }
0x28f: {  	[sflag:s2] =	ssyncadd.s32 $0xFFFFC000  }
0x290: {  	s5 =	sadd.s32 $0x5, s17  }
0x291: {  	s8 =	sshll.u32 s5, $0x5  }
0x292: {  	s5 =	sshll.u32 s5, $0x4;
	s8 =	sadd.s32 s9, s8  }
0x293: {  	[tilespmem:s20], [sflag:$0x2] =	stream.linear.gather [hbm4b:s8+s3], $0x100, $0x38;
	[tilespmem:$0x1C600] =	vst v63  }
0x294: {  	s29 =	simm.s32 $0x480;
	s5 =	sadd.s32 s10, s5  }
0x295: {  	[tilespmem:s29], [sflag:$0x2] =	stream.linear.gather [hbm4b:s5+s3], $0x80, $0x38;
	[tilespmem:$0x1C600] =	vst v63  }
0x296: {  	_ =	swait.ge [sflag:s23], $0x100  }
0x297: {  	[sflag:s23] =	ssyncset.done $0x0  }
0x298: {  	[sflag:s23] =	ssyncadd.s32 $0xFFFFFF00  }
0x299: {  	_ =	swait.ge [sflag:s23], $0x80  }
.Ltmp15:
0x29a: {  	[sflag:s23] =	ssyncset.done $0x0;
	(pc) =	sbr.rel .LBB2_17-.Ltmp15, $4  }
0x29b: {  	[sflag:s23] =	ssyncadd.s32 $0xFFFFFF80  }
0x29c: {  	[tilespmem:s16], [sflag:$0x5] =	stream.indirect.gather [hbm4b:s12+s24], $0x80, s3, s24, $0xb8;
	[tilespmem:$0x1C600] =	vst v63  }
0x29d: {  	s21 =	sadd.s32 $0x1, s21  }
0x29e: {  	[spmem:s1] =	stream.indirect.scatter.add.f32 [tilespmem:s31], [sflag:$0x8], $0x80, s19, s24, $0xb8;
	[tilespmem:$0x1C600] =	vst v63  }
.LBB2_27:
0x29f: {  	[spmem:s1] =	stream.indirect.scatter.add.f32 [tilespmem:s31], [sflag:$0x8], $0x80, s19, s24, $0xb8;
	[tilespmem:$0x1C600] =	vst v63  }
0x2a0: {  	_ =	swait.ge [sflag:s6], $0x4000  }
0x2a1: {  	[sflag:s6] =	ssyncset.done $0x0  }
0x2a2: {  	[sflag:s6] =	ssyncadd.s32 $0xFFFFC000  }
0x2a3: {  	[bflag:$0x0] =	sbarrier.arrive $0xFFFF  }
0x2a4: {  	s4 =	rddreg [dreg:$0xa]  }
0x2a5: {  	s5 =	rddreg [dreg:$0x10]  }
0x2a6: {  	s8 =	rddreg [dreg:$0x11];
	s4 =	sadd.s32 s4, s14  }
0x2a7: {  	[hbm:s4], [sflag:s5] =	dma.local [spmem:s8], $0x2800  }
0x2a8: {  	s8 =	simm.s32 $0x9  }
0x2a9: {  	_ =	swait.ge [sflag:s8], $0x2800  }
0x2aa: {  	[sflag:s8] =	ssyncset.done $0x0  }
0x2ab: {  	[sflag:s8] =	ssyncadd.s32 $0xFFFFD800  }
0x2ac: {  	s4 =	simm.s32 $0x0;
	s5 =	simm.s32 $0x200;
	[bflag:$0x0] =	sbarrier.arrive $0xFFFF  }
.LBB2_28:
0x2ad: {  	p0 =	sne.s32 s5, $0xFE00;
	[tilespmem:s4+$0x670] =	vst v0  }
0x2ae: {  	[tilespmem:s4+$0x600] =	vst v0  }
0x2af: {  	[tilespmem:s4+$0x610] =	vst v0  }
.Ltmp16:
0x2b0: {  	[tilespmem:s4+$0x620] =	vst v0;
	(pc) =	sbr.rel @p0 .LBB2_28-.Ltmp16, $4  }
0x2b1: {  	[tilespmem:s4+$0x630] =	vst v0  }
0x2b2: {  	[tilespmem:s4+$0x640] =	vst v0  }
0x2b3: {  	[tilespmem:s4+$0x650] =	vst v0  }
0x2b4: {  	[tilespmem:s4+$0x660] =	vst v0;
	s4 =	sshra.s32 s5, $0x2;
	s5 =	sadd.s32 $0x200, s5  }
0x2b5: {  	[tilespmem:s4+$0x670] =	vst v0  }
0x2b6: {  	[tilespmem:s4+$0x600] =	vst v0  }
0x2b7: {  	[tilespmem:s4+$0x610] =	vst v0  }
0x2b8: {  	[tilespmem:s4+$0x620] =	vst v0  }
0x2b9: {  	[tilespmem:s4+$0x630] =	vst v0  }
0x2ba: {  	[tilespmem:s4+$0x640] =	vst v0  }
0x2bb: {  	[tilespmem:s4+$0x650] =	vst v0  }
0x2bc: {  	[tilespmem:s4+$0x660] =	vst v0;
	s29 =	rddreg [dreg:$0x5]  }
0x2bd: {  	[spmem:s29] =	stream.linear.scatter [tilespmem:s16], [sflag:$0x9], $0x4000, $0x38;
	[tilespmem:$0x1C600] =	vst v63  }
0x2be: {  	_ =	swait.ge [sflag:s8], $0x4000  }
0x2bf: {  	[sflag:s8] =	ssyncset.done $0x0  }
0x2c0: {  	s5 =	rddreg [dreg:$0x6];
	[sflag:s8] =	ssyncadd.s32 $0xFFFFC000  }
0x2c1: {  	[spmem:s5] =	stream.linear.scatter [tilespmem:s16], [sflag:$0x9], $0x4000, $0x38;
	[tilespmem:$0x1C600] =	vst v63  }
0x2c2: {  	_ =	swait.ge [sflag:s8], $0x4000  }
0x2c3: {  	[sflag:s8] =	ssyncset.done $0x0  }
0x2c4: {  	s17 =	rddreg [dreg:$0x7];
	[sflag:s8] =	ssyncadd.s32 $0xFFFFC000  }
0x2c5: {  	[spmem:s17] =	stream.linear.scatter [tilespmem:s16], [sflag:$0x9], $0x4000, $0x38;
	[tilespmem:$0x1C600] =	vst v63  }
0x2c6: {  	_ =	swait.ge [sflag:s8], $0x4000  }
0x2c7: {  	[sflag:s8] =	ssyncset.done $0x0  }
0x2c8: {  	s21 =	rddreg [dreg:$0x8];
	[sflag:s8] =	ssyncadd.s32 $0xFFFFC000  }
0x2c9: {  	[spmem:s21] =	stream.linear.scatter [tilespmem:s16], [sflag:$0x9], $0x4000, $0x38;
	[tilespmem:$0x1C600] =	vst v63  }
0x2ca: {  	_ =	swait.ge [sflag:s8], $0x4000  }
0x2cb: {  	[sflag:s8] =	ssyncset.done $0x0  }
0x2cc: {  	s22 =	rddreg [dreg:$0x9];
	[sflag:s8] =	ssyncadd.s32 $0xFFFFC000  }
0x2cd: {  	[spmem:s22] =	stream.linear.scatter [tilespmem:s16], [sflag:$0x9], $0x4000, $0x38;
	[tilespmem:$0x1C600] =	vst v63  }
0x2ce: {  	_ =	swait.ge [sflag:s8], $0x4000  }
0x2cf: {  	[sflag:s8] =	ssyncset.done $0x0  }
0x2d0: {  	[sflag:s8] =	ssyncadd.s32 $0xFFFFC000  }
0x2d1: {  	s4 =	simm.s32 $0x0;
	[bflag:$0x0] =	sbarrier.arrive $0xFFFF  }
0x2d2: {  	[tilespmem:s4], [sflag:$0x1] =	stream.linear.gather [hbm4b:s9+s4], $0x100, $0x38;
	[tilespmem:$0x1C600] =	vst v63  }
0x2d3: {  	_ = 	snop  }
0x2d4: {  	[tilespmem:s18], [sflag:$0x1] =	stream.linear.gather [hbm4b:s10+s4], $0x80, $0x38;
	[tilespmem:$0x1C600] =	vst v63  }
0x2d5: {  	s5 =	rddreg [dreg:$0xc]  }
0x2d6: {  	[tilespmem:s20], [sflag:$0x2] =	stream.linear.gather [hbm4b:s5+s4], $0x100, $0x38;
	[tilespmem:$0x1C600] =	vst v63  }
0x2d7: {  	s29 =	simm.s32 $0x480;
	s25 =	rddreg [dreg:$0xd]  }
0x2d8: {  	[tilespmem:s29], [sflag:$0x2] =	stream.linear.gather [hbm4b:s25+s4], $0x80, $0x38;
	[tilespmem:$0x1C600] =	vst v63  }
0x2d9: {  	_ =	swait.ge [sflag:s23], $0x100  }
0x2da: {  	[sflag:s23] =	ssyncset.done $0x0  }
0x2db: {  	[sflag:s23] =	ssyncadd.s32 $0xFFFFFF00  }
0x2dc: {  	_ =	swait.ge [sflag:s23], $0x80  }
0x2dd: {  	[sflag:s23] =	ssyncset.done $0x0  }
0x2de: {  	s21 =	simm.s32 $0x0;
	[sflag:s23] =	ssyncadd.s32 $0xFFFFFF80  }
0x2df: {  	[tilespmem:s16], [sflag:$0x5] =	stream.indirect.gather [hbm4b:s14+s24], $0x80, s4, s24, $0xb8;
	[tilespmem:$0x1C600] =	vst v63  }
.LBB2_30:
0x2e0: {  	_ =	swait.ge [sflag:s26], $0x4000  }
0x2e1: {  	v1 =	vmov s4;
	[sflag:s26] =	ssyncset.done $0x0  }
0x2e2: {  	s17 =	simm.s32 $0x640;
	[sflag:s26] =	ssyncadd.s32 $0xFFFFC000  }
0x2e3: {  	v5 =	vld [tilespmem:s17+$0x30]  }
0x2e4: {  	v8 =	vld [tilespmem:s17+$0x10]  }
0x2e5: {  	v6 =	vld [tilespmem:s17+$0xFFFFFFC0]  }
0x2e6: {  	v2 =	vld.idx.msk [tilespmem:v1+s18+$0x0], $0xffff  }
0x2e7: {  	v10 =	vld [tilespmem:s17+$0xFFFFFFE0]  }
0x2e8: {  	v3 =	vld [tilespmem:s17+$0x20]  }
0x2e9: {  	v4 =	vld [tilespmem:s17+$0xFFFFFFD0]  }
0x2ea: {  	v1 =	vld [tilespmem:s17+$0xFFFFFFF0]  }
0x2eb: {  	v9 =	vmul.f32 v5, v2;
	v5 =	vld [tilespmem:s17+$0x0]  }
0x2ec: {  	v7 =	vmul.f32 v6, v2  }
0x2ed: {  	s5 =	simm.s32 $0x1;
	s22 =	simm.s32 $0x640;
	v6 =	vmul.f32 v10, v2;
	v8 =	vmul.f32 v8, v2  }
.LBB2_31:
0x2ee: {  	p0 =	sne.s32 s5, $0x7F  }
0x2ef: {  	v4 =	vmul.f32 v4, v2;
	v3 =	vmul.f32 v3, v2;
	[tilespmem:s17+$0x30] =	vst v9;
	s22 =	sadd.s32 $0x80, s22;
	s8 =	smov.u32 s5;
	s5 =	sadd.s32 $0x1, s5  }
0x2f0: {  	[tilespmem:s17+$0xFFFFFFC0] =	vst v7;
	v7 =	vmul.f32 v1, v2;
	v2 =	vmul.f32 v5, v2  }
0x2f1: {  	[tilespmem:s17+$0x10] =	vst v8  }
0x2f2: {  	v5 =	vmov s8;
	[tilespmem:s17+$0xFFFFFFE0] =	vst v6  }
0x2f3: {  	v1 =	vld [tilespmem:s22+$0xFFFFFFF0];
	[tilespmem:s17+$0xFFFFFFF0] =	vst v7  }
0x2f4: {  	v6 =	vld [tilespmem:s22+$0x30];
	[tilespmem:s17+$0x0] =	vst v2  }
0x2f5: {  	v8 =	vld [tilespmem:s22+$0x10];
	[tilespmem:s17+$0x20] =	vst v3  }
0x2f6: {  	v7 =	vld [tilespmem:s22+$0xFFFFFFC0];
	[tilespmem:s17+$0xFFFFFFD0] =	vst v4;
	s17 =	smov.u32 s22  }
0x2f7: {  	v2 =	vld.idx.msk [tilespmem:v5+s18+$0x0], $0xffff  }
0x2f8: {  	v10 =	vld [tilespmem:s22+$0xFFFFFFE0]  }
0x2f9: {  	v3 =	vld [tilespmem:s22+$0x20]  }
.Ltmp17:
0x2fa: {  	v4 =	vld [tilespmem:s22+$0xFFFFFFD0];
	(pc) =	sbr.rel @p0 .LBB2_31-.Ltmp17, $3  }
0x2fb: {  	v5 =	vld [tilespmem:s22+$0x0];
	_ =	sdelay $0x1  }
0x2fc: {  	v7 =	vmul.f32 v7, v2;
	v9 =	vmul.f32 v6, v2  }
0x2fd: {  	v8 =	vmul.f32 v8, v2;
	v6 =	vmul.f32 v10, v2  }
0x2fe: {  	[tilespmem:s17+$0x30] =	vst v9  }
0x2ff: {  	[tilespmem:s17+$0xFFFFFFC0] =	vst v7  }
0x300: {  	v1 =	vmul.f32 v1, v2;
	[tilespmem:s17+$0x10] =	vst v8  }
0x301: {  	v3 =	vmul.f32 v3, v2;
	[tilespmem:s17+$0xFFFFFFE0] =	vst v6  }
0x302: {  	v5 =	vmul.f32 v5, v2;
	[tilespmem:s17+$0xFFFFFFF0] =	vst v1  }
0x303: {  	v1 =	vmul.f32 v4, v2;
	[tilespmem:s17+$0x20] =	vst v3  }
0x304: {  	p0 =	seq.s32 s21, $0x0;
	[tilespmem:s17+$0x0] =	vst v5  }
0x305: {  	s5 =	simm.s32 @!p0 $0x8;
	[tilespmem:s17+$0xFFFFFFD0] =	vst v1;
	s17 =	sshll.u32 s21, $0x2  }
0x306: {  	_ =	swait.ge @!p0 [sflag:s5], $0x4000;
	s8 =	sor.u32 $0x2, s17  }
0x307: {  	[sflag:s5] =	ssyncset.done @!p0 $0x0;
	s22 =	sshll.u32 s8, $0x5  }
0x308: {  	s25 =	simm.s32 $0x0;
	[sflag:s5] =	ssyncadd.s32 @!p0 $0xFFFFC000;
	s22 =	sadd.s32 s9, s22  }
0x309: {  	[tilespmem:s28], [sflag:$0x3] =	stream.linear.gather [hbm4b:s22+s25], $0x100, $0x38;
	[tilespmem:$0x1C600] =	vst v63  }
0x30a: {  	s22 =	sshll.u32 s21, $0x6  }
0x30b: {  	s8 =	sshll.u32 s8, $0x4;
	s5 =	sand.u32 $0x780, s22  }
0x30c: {  	s8 =	sand.u32 $0x60, s8;
	s22 =	sadd.s32 s10, s5  }
0x30d: {  	s5 =	sadd.s32 s8, s22;
	s8 =	simm.s32 $0x500  }
0x30e: {  	[tilespmem:s8], [sflag:$0x3] =	stream.linear.gather [hbm4b:s5+s25], $0x80, $0x38;
	[tilespmem:$0x1C600] =	vst v63  }
0x30f: {  	_ =	swait.ge [sflag:s30], $0x100  }
0x310: {  	[sflag:s30] =	ssyncset.done $0x0  }
0x311: {  	[sflag:s30] =	ssyncadd.s32 $0xFFFFFF00  }
0x312: {  	_ =	swait.ge [sflag:s30], $0x80  }
0x313: {  	[sflag:s30] =	ssyncset.done $0x0  }
0x314: {  	[sflag:s30] =	ssyncadd.s32 $0xFFFFFF80  }
0x315: {  	v1 =	vmov s25;
	[tilespmem:s31], [sflag:$0x6] =	stream.indirect.gather [hbm4b:s14+s24], $0x80, s20, s24, $0xb8;
	[tilespmem:$0x1C600] =	vst v63  }
0x316: {  	v1 =	vand.u32 $0x7F, v1  }
0x317: {  	v1 =	vor.u32 $0x80, v1;
	[spmem:s1] =	stream.indirect.scatter.add.f32 [tilespmem:s16], [sflag:$0x7], $0x80, s24, s24, $0xb8;
	[tilespmem:$0x1C600] =	vst v63  }
0x318: {  	v1 =	vbroadcast v1, $0x0;
	_ =	swait.ge [sflag:s0], $0x4000  }
0x319: {  	[sflag:s0] =	ssyncset.done $0x0  }
0x31a: {  	s29 =	simm.s32 $0x4640;
	[sflag:s0] =	ssyncadd.s32 $0xFFFFC000  }
0x31b: {  	v5 =	vld [tilespmem:s29+$0x30]  }
0x31c: {  	v8 =	vld [tilespmem:s29+$0x10]  }
0x31d: {  	v6 =	vld [tilespmem:s29+$0xFFFFFFC0]  }
0x31e: {  	v2 =	vld.idx.msk [tilespmem:v1+s18+$0x0], $0xffff  }
0x31f: {  	v11 =	vld [tilespmem:s29+$0xFFFFFFE0]  }
0x320: {  	v1 =	vld [tilespmem:s29+$0xFFFFFFF0]  }
0x321: {  	v3 =	vld [tilespmem:s29+$0x20]  }
0x322: {  	v4 =	vld [tilespmem:s29+$0xFFFFFFD0]  }
0x323: {  	v9 =	vmul.f32 v5, v2;
	v5 =	vld [tilespmem:s29+$0x0]  }
0x324: {  	s25 =	simm.s32 $0x1;
	v7 =	vmul.f32 v6, v2  }
0x325: {  	s5 =	simm.s32 $0x2;
	v10 =	vmov s25;
	s25 =	simm.s32 $0x4640;
	v6 =	vmul.f32 v11, v2;
	v8 =	vmul.f32 v8, v2  }
.LBB2_33:
0x326: {  	p0 =	sne.s32 s5, $0x7F  }
0x327: {  	v10 =	vand.u32 $0x7F, v10;
	v4 =	vmul.f32 v4, v2;
	v3 =	vmul.f32 v3, v2;
	[tilespmem:s29+$0x30] =	vst v9;
	s25 =	sadd.s32 $0x80, s25;
	s8 =	smov.u32 s5;
	s5 =	sadd.s32 $0x1, s5  }
0x328: {  	v9 =	vor.u32 $0x80, v10;
	[tilespmem:s29+$0xFFFFFFC0] =	vst v7;
	v7 =	vmul.f32 v1, v2;
	v2 =	vmul.f32 v5, v2  }
0x329: {  	v5 =	vbroadcast v9, $0x0;
	[tilespmem:s29+$0x10] =	vst v8  }
0x32a: {  	[tilespmem:s29+$0xFFFFFFE0] =	vst v6  }
0x32b: {  	v1 =	vld [tilespmem:s25+$0xFFFFFFF0];
	[tilespmem:s29+$0xFFFFFFF0] =	vst v7  }
0x32c: {  	v6 =	vld [tilespmem:s25+$0x30];
	[tilespmem:s29+$0x0] =	vst v2  }
0x32d: {  	v8 =	vld [tilespmem:s25+$0x10];
	[tilespmem:s29+$0x20] =	vst v3  }
0x32e: {  	v7 =	vld [tilespmem:s25+$0xFFFFFFC0];
	[tilespmem:s29+$0xFFFFFFD0] =	vst v4;
	s29 =	smov.u32 s25  }
0x32f: {  	v2 =	vld.idx.msk [tilespmem:v5+s18+$0x0], $0xffff  }
0x330: {  	v11 =	vld [tilespmem:s25+$0xFFFFFFE0]  }
0x331: {  	v3 =	vld [tilespmem:s25+$0x20]  }
.Ltmp18:
0x332: {  	v4 =	vld [tilespmem:s25+$0xFFFFFFD0];
	(pc) =	sbr.rel @p0 .LBB2_33-.Ltmp18, $3  }
0x333: {  	v5 =	vld [tilespmem:s25+$0x0];
	_ =	sdelay $0x1  }
0x334: {  	v7 =	vmul.f32 v7, v2;
	v9 =	vmul.f32 v6, v2  }
0x335: {  	v10 =	vmov s8;
	v8 =	vmul.f32 v8, v2;
	v6 =	vmul.f32 v11, v2  }
0x336: {  	[tilespmem:s29+$0xFFFFFFC0] =	vst v7;
	v7 =	vand.u32 $0x7F, v10  }
0x337: {  	[tilespmem:s29+$0x30] =	vst v9;
	v7 =	vor.u32 $0x80, v7  }
0x338: {  	v1 =	vmul.f32 v1, v2;
	[tilespmem:s29+$0xFFFFFFE0] =	vst v6;
	v6 =	vbroadcast v7, $0x0  }
0x339: {  	s5 =	sadd.s32 $0x80, s25;
	[tilespmem:s29+$0x10] =	vst v8;
	v5 =	vmul.f32 v5, v2  }
0x33a: {  	v3 =	vmul.f32 v3, v2;
	v7 =	vld [tilespmem:s5+$0xFFFFFFF0];
	[tilespmem:s29+$0xFFFFFFF0] =	vst v1  }
0x33b: {  	v2 =	vmul.f32 v4, v2;
	v1 =	vld [tilespmem:s5+$0x30];
	[tilespmem:s29+$0x0] =	vst v5  }
0x33c: {  	v4 =	vld [tilespmem:s5+$0x10];
	[tilespmem:s29+$0x20] =	vst v3  }
0x33d: {  	v3 =	vld [tilespmem:s5+$0xFFFFFFC0];
	[tilespmem:s29+$0xFFFFFFD0] =	vst v2  }
0x33e: {  	v2 =	vld.idx.msk [tilespmem:v6+s18+$0x0], $0xffff;
	_ =	sdelay $0x2  }
0x33f: {  	v5 =	vld [tilespmem:s5+$0xFFFFFFE0];
	_ =	sdelay $0x1  }
0x340: {  	v6 =	vld [tilespmem:s5+$0x0];
	v1 =	vmul.f32 v1, v2  }
0x341: {  	v8 =	vld [tilespmem:s5+$0x20];
	v3 =	vmul.f32 v3, v2  }
0x342: {  	v9 =	vld [tilespmem:s5+$0xFFFFFFD0];
	v4 =	vmul.f32 v4, v2;
	[tilespmem:s5+$0x30] =	vst v1  }
0x343: {  	v1 =	vmul.f32 v5, v2;
	[tilespmem:s5+$0xFFFFFFC0] =	vst v3  }
0x344: {  	v3 =	vmul.f32 v7, v2;
	[tilespmem:s5+$0x10] =	vst v4  }
0x345: {  	v4 =	vmul.f32 v6, v2;
	[tilespmem:s5+$0xFFFFFFE0] =	vst v1  }
0x346: {  	v1 =	vmul.f32 v8, v2;
	[tilespmem:s5+$0xFFFFFFF0] =	vst v3  }
0x347: {  	v2 =	vmul.f32 v9, v2;
	[tilespmem:s5+$0x0] =	vst v4  }
0x348: {  	[tilespmem:s5+$0x20] =	vst v1  }
0x349: {  	s25 =	sor.u32 $0x3, s17;
	[tilespmem:s5+$0xFFFFFFD0] =	vst v2  }
0x34a: {  	s8 =	sshll.u32 s25, $0x5;
	_ =	swait.ge [sflag:s2], $0x4000  }
0x34b: {  	s8 =	sadd.s32 s9, s8;
	s5 =	sshll.u32 s25, $0x4;
	[sflag:s2] =	ssyncset.done $0x0  }
0x34c: {  	s29 =	simm.s32 $0x0;
	s5 =	sand.u32 $0x70, s5;
	[sflag:s2] =	ssyncadd.s32 $0xFFFFC000  }
0x34d: {  	[tilespmem:s15], [sflag:$0x4] =	stream.linear.gather [hbm4b:s8+s29], $0x100, $0x38;
	[tilespmem:$0x1C600] =	vst v63  }
0x34e: {  	s5 =	sadd.s32 s5, s22;
	s22 =	simm.s32 $0x580  }
0x34f: {  	[tilespmem:s22], [sflag:$0x4] =	stream.linear.gather [hbm4b:s5+s29], $0x80, $0x38;
	[tilespmem:$0x1C600] =	vst v63  }
0x350: {  	_ =	swait.ge [sflag:s13], $0x100  }
0x351: {  	[sflag:s13] =	ssyncset.done $0x0  }
0x352: {  	[sflag:s13] =	ssyncadd.s32 $0xFFFFFF00  }
0x353: {  	_ =	swait.ge [sflag:s13], $0x80  }
0x354: {  	[sflag:s13] =	ssyncset.done $0x0  }
0x355: {  	[sflag:s13] =	ssyncadd.s32 $0xFFFFFF80  }
0x356: {  	v1 =	vmov s29;
	[tilespmem:s16], [sflag:$0x5] =	stream.indirect.gather [hbm4b:s14+s24], $0x80, s28, s24, $0xb8;
	[tilespmem:$0x1C600] =	vst v63  }
0x357: {  	s25 =	simm.s32 $0x180;
	v1 =	vand.u32 $0x7F, v1  }
0x358: {  	v1 =	vor.u32 $0x100, v1;
	[spmem:s1] =	stream.indirect.scatter.add.f32 [tilespmem:s31], [sflag:$0x8], $0x80, s25, s24, $0xb8;
	[tilespmem:$0x1C600] =	vst v63  }
0x359: {  	v1 =	vbroadcast v1, $0x0;
	_ =	swait.ge [sflag:s26], $0x4000  }
0x35a: {  	[sflag:s26] =	ssyncset.done $0x0  }
0x35b: {  	s22 =	simm.s32 $0x640;
	[sflag:s26] =	ssyncadd.s32 $0xFFFFC000  }
0x35c: {  	v5 =	vld [tilespmem:s22+$0x30]  }
0x35d: {  	v8 =	vld [tilespmem:s22+$0x10]  }
0x35e: {  	v6 =	vld [tilespmem:s22+$0xFFFFFFC0]  }
0x35f: {  	v2 =	vld.idx.msk [tilespmem:v1+s18+$0x0], $0xffff  }
0x360: {  	v11 =	vld [tilespmem:s22+$0xFFFFFFE0]  }
0x361: {  	v1 =	vld [tilespmem:s22+$0xFFFFFFF0]  }
0x362: {  	v3 =	vld [tilespmem:s22+$0x20]  }
0x363: {  	v4 =	vld [tilespmem:s22+$0xFFFFFFD0]  }
0x364: {  	v9 =	vmul.f32 v5, v2;
	v5 =	vld [tilespmem:s22+$0x0]  }
0x365: {  	s29 =	simm.s32 $0x1;
	v7 =	vmul.f32 v6, v2  }
0x366: {  	s5 =	simm.s32 $0x2;
	v10 =	vmov s29;
	s25 =	simm.s32 $0x640;
	v6 =	vmul.f32 v11, v2;
	v8 =	vmul.f32 v8, v2  }
.LBB2_35:
0x367: {  	p0 =	sne.s32 s5, $0x7F  }
0x368: {  	v10 =	vand.u32 $0x7F, v10;
	v4 =	vmul.f32 v4, v2;
	v3 =	vmul.f32 v3, v2;
	[tilespmem:s22+$0x30] =	vst v9;
	s25 =	sadd.s32 $0x80, s25;
	s8 =	smov.u32 s5;
	s5 =	sadd.s32 $0x1, s5  }
0x369: {  	v9 =	vor.u32 $0x100, v10;
	[tilespmem:s22+$0xFFFFFFC0] =	vst v7;
	v7 =	vmul.f32 v1, v2;
	v2 =	vmul.f32 v5, v2  }
0x36a: {  	v5 =	vbroadcast v9, $0x0;
	[tilespmem:s22+$0x10] =	vst v8  }
0x36b: {  	[tilespmem:s22+$0xFFFFFFE0] =	vst v6  }
0x36c: {  	v1 =	vld [tilespmem:s25+$0xFFFFFFF0];
	[tilespmem:s22+$0xFFFFFFF0] =	vst v7  }
0x36d: {  	v6 =	vld [tilespmem:s25+$0x30];
	[tilespmem:s22+$0x0] =	vst v2  }
0x36e: {  	v8 =	vld [tilespmem:s25+$0x10];
	[tilespmem:s22+$0x20] =	vst v3  }
0x36f: {  	v7 =	vld [tilespmem:s25+$0xFFFFFFC0];
	[tilespmem:s22+$0xFFFFFFD0] =	vst v4;
	s22 =	smov.u32 s25  }
0x370: {  	v2 =	vld.idx.msk [tilespmem:v5+s18+$0x0], $0xffff  }
0x371: {  	v11 =	vld [tilespmem:s25+$0xFFFFFFE0]  }
0x372: {  	v3 =	vld [tilespmem:s25+$0x20]  }
.Ltmp19:
0x373: {  	v4 =	vld [tilespmem:s25+$0xFFFFFFD0];
	(pc) =	sbr.rel @p0 .LBB2_35-.Ltmp19, $3  }
0x374: {  	v5 =	vld [tilespmem:s25+$0x0];
	_ =	sdelay $0x1  }
0x375: {  	v7 =	vmul.f32 v7, v2;
	v9 =	vmul.f32 v6, v2  }
0x376: {  	v10 =	vmov s8;
	v8 =	vmul.f32 v8, v2;
	v6 =	vmul.f32 v11, v2  }
0x377: {  	[tilespmem:s22+$0xFFFFFFC0] =	vst v7;
	v7 =	vand.u32 $0x7F, v10  }
0x378: {  	[tilespmem:s22+$0x30] =	vst v9;
	v7 =	vor.u32 $0x100, v7  }
0x379: {  	v1 =	vmul.f32 v1, v2;
	[tilespmem:s22+$0xFFFFFFE0] =	vst v6;
	v6 =	vbroadcast v7, $0x0  }
0x37a: {  	s5 =	sadd.s32 $0x80, s25;
	[tilespmem:s22+$0x10] =	vst v8;
	v5 =	vmul.f32 v5, v2  }
0x37b: {  	v3 =	vmul.f32 v3, v2;
	v7 =	vld [tilespmem:s5+$0xFFFFFFF0];
	[tilespmem:s22+$0xFFFFFFF0] =	vst v1  }
0x37c: {  	v2 =	vmul.f32 v4, v2;
	v1 =	vld [tilespmem:s5+$0x30];
	[tilespmem:s22+$0x0] =	vst v5  }
0x37d: {  	v4 =	vld [tilespmem:s5+$0x10];
	[tilespmem:s22+$0x20] =	vst v3  }
0x37e: {  	v3 =	vld [tilespmem:s5+$0xFFFFFFC0];
	[tilespmem:s22+$0xFFFFFFD0] =	vst v2  }
0x37f: {  	v2 =	vld.idx.msk [tilespmem:v6+s18+$0x0], $0xffff;
	_ =	sdelay $0x2  }
0x380: {  	v5 =	vld [tilespmem:s5+$0xFFFFFFE0];
	_ =	sdelay $0x1  }
0x381: {  	v6 =	vld [tilespmem:s5+$0x0];
	v1 =	vmul.f32 v1, v2  }
0x382: {  	v8 =	vld [tilespmem:s5+$0x20];
	v3 =	vmul.f32 v3, v2  }
0x383: {  	v9 =	vld [tilespmem:s5+$0xFFFFFFD0];
	v4 =	vmul.f32 v4, v2;
	[tilespmem:s5+$0x30] =	vst v1  }
0x384: {  	v1 =	vmul.f32 v5, v2;
	[tilespmem:s5+$0xFFFFFFC0] =	vst v3  }
0x385: {  	v3 =	vmul.f32 v7, v2;
	[tilespmem:s5+$0x10] =	vst v4  }
0x386: {  	v4 =	vmul.f32 v6, v2;
	[tilespmem:s5+$0xFFFFFFE0] =	vst v1  }
0x387: {  	v1 =	vmul.f32 v8, v2;
	[tilespmem:s5+$0xFFFFFFF0] =	vst v3  }
0x388: {  	v2 =	vmul.f32 v9, v2;
	[tilespmem:s5+$0x0] =	vst v4  }
0x389: {  	[tilespmem:s5+$0x20] =	vst v1  }
0x38a: {  	p0 =	seq.s32 s21, $0x13;
	[tilespmem:s5+$0xFFFFFFD0] =	vst v2  }
0x38b: {  	s5 =	sadd.s32 @!p0 $0x4, s17;
	_ =	swait.ge [sflag:s6], $0x4000  }
0x38c: {  	s22 =	simm.s32 @!p0 $0x0;
	s8 =	sshll.u32 @!p0 s5, $0x5;
	[sflag:s6] =	ssyncset.done $0x0  }
0x38d: {  	s5 =	sshll.u32 @!p0 s5, $0x4;
	s8 =	sadd.s32 @!p0 s9, s8;
	[sflag:s6] =	ssyncadd.s32 $0xFFFFC000  }
0x38e: {  	[tilespmem:s22], [sflag:$0x1] =	stream.linear.gather @!p0 [hbm4b:s8+s22], $0x100, $0x38;
	[tilespmem:$0x1C600] =	vst v63  }
0x38f: {  	s5 =	sadd.s32 @!p0 s10, s5;
	s8 =	simm.s32 @!p0 $0x400  }
0x390: {  	[tilespmem:s8], [sflag:$0x1] =	stream.linear.gather @!p0 [hbm4b:s5+s22], $0x80, $0x38;
	[tilespmem:$0x1C600] =	vst v63  }
0x391: {  	_ =	swait.ge [sflag:s7], $0x100  }
0x392: {  	[sflag:s7] =	ssyncset.done $0x0  }
0x393: {  	[sflag:s7] =	ssyncadd.s32 $0xFFFFFF00  }
0x394: {  	_ =	swait.ge [sflag:s7], $0x80  }
0x395: {  	[sflag:s7] =	ssyncset.done $0x0  }
0x396: {  	s22 =	simm.s32 $0x0;
	[sflag:s7] =	ssyncadd.s32 $0xFFFFFF80  }
0x397: {  	v1 =	vmov s22;
	[tilespmem:s31], [sflag:$0x6] =	stream.indirect.gather [hbm4b:s14+s24], $0x80, s15, s24, $0xb8;
	[tilespmem:$0x1C600] =	vst v63  }
0x398: {  	s25 =	simm.s32 $0x280;
	v1 =	vand.u32 $0x7F, v1  }
0x399: {  	v1 =	vor.u32 $0x180, v1;
	[spmem:s1] =	stream.indirect.scatter.add.f32 [tilespmem:s16], [sflag:$0x7], $0x80, s25, s24, $0xb8;
	[tilespmem:$0x1C600] =	vst v63  }
0x39a: {  	v1 =	vbroadcast v1, $0x0;
	_ =	swait.ge [sflag:s0], $0x4000  }
0x39b: {  	[sflag:s0] =	ssyncset.done $0x0  }
0x39c: {  	s22 =	simm.s32 $0x4640;
	[sflag:s0] =	ssyncadd.s32 $0xFFFFC000  }
0x39d: {  	v5 =	vld [tilespmem:s22+$0x30]  }
0x39e: {  	v8 =	vld [tilespmem:s22+$0x10]  }
0x39f: {  	v6 =	vld [tilespmem:s22+$0xFFFFFFC0]  }
0x3a0: {  	v2 =	vld.idx.msk [tilespmem:v1+s18+$0x0], $0xffff  }
0x3a1: {  	v11 =	vld [tilespmem:s22+$0xFFFFFFE0]  }
0x3a2: {  	v1 =	vld [tilespmem:s22+$0xFFFFFFF0]  }
0x3a3: {  	v3 =	vld [tilespmem:s22+$0x20]  }
0x3a4: {  	v4 =	vld [tilespmem:s22+$0xFFFFFFD0]  }
0x3a5: {  	v9 =	vmul.f32 v5, v2;
	v5 =	vld [tilespmem:s22+$0x0]  }
0x3a6: {  	s29 =	simm.s32 $0x1;
	v7 =	vmul.f32 v6, v2  }
0x3a7: {  	v10 =	vmov s29;
	s5 =	simm.s32 $0x2;
	s25 =	simm.s32 $0x4640;
	v6 =	vmul.f32 v11, v2;
	v8 =	vmul.f32 v8, v2  }
.LBB2_37:
0x3a8: {  	p1 =	sne.s32 s5, $0x7F  }
0x3a9: {  	v10 =	vand.u32 $0x7F, v10;
	v4 =	vmul.f32 v4, v2;
	v3 =	vmul.f32 v3, v2;
	[tilespmem:s22+$0x30] =	vst v9;
	s25 =	sadd.s32 $0x80, s25;
	s8 =	smov.u32 s5;
	s5 =	sadd.s32 $0x1, s5  }
0x3aa: {  	v9 =	vor.u32 $0x180, v10;
	[tilespmem:s22+$0xFFFFFFC0] =	vst v7;
	v7 =	vmul.f32 v1, v2;
	v2 =	vmul.f32 v5, v2  }
0x3ab: {  	v5 =	vbroadcast v9, $0x0;
	[tilespmem:s22+$0x10] =	vst v8  }
0x3ac: {  	[tilespmem:s22+$0xFFFFFFE0] =	vst v6  }
0x3ad: {  	v1 =	vld [tilespmem:s25+$0xFFFFFFF0];
	[tilespmem:s22+$0xFFFFFFF0] =	vst v7  }
0x3ae: {  	v6 =	vld [tilespmem:s25+$0x30];
	[tilespmem:s22+$0x0] =	vst v2  }
0x3af: {  	v8 =	vld [tilespmem:s25+$0x10];
	[tilespmem:s22+$0x20] =	vst v3  }
0x3b0: {  	v7 =	vld [tilespmem:s25+$0xFFFFFFC0];
	[tilespmem:s22+$0xFFFFFFD0] =	vst v4;
	s22 =	smov.u32 s25  }
0x3b1: {  	v2 =	vld.idx.msk [tilespmem:v5+s18+$0x0], $0xffff  }
0x3b2: {  	v11 =	vld [tilespmem:s25+$0xFFFFFFE0]  }
0x3b3: {  	v3 =	vld [tilespmem:s25+$0x20]  }
.Ltmp20:
0x3b4: {  	v4 =	vld [tilespmem:s25+$0xFFFFFFD0];
	(pc) =	sbr.rel @p1 .LBB2_37-.Ltmp20, $3  }
0x3b5: {  	v5 =	vld [tilespmem:s25+$0x0];
	_ =	sdelay $0x1  }
0x3b6: {  	v7 =	vmul.f32 v7, v2;
	v9 =	vmul.f32 v6, v2  }
0x3b7: {  	v10 =	vmov s8;
	v8 =	vmul.f32 v8, v2;
	v6 =	vmul.f32 v11, v2  }
0x3b8: {  	[tilespmem:s22+$0x30] =	vst v9;
	v57 =	vand.u32 $0x7F, v10  }
0x3b9: {  	[tilespmem:s22+$0xFFFFFFC0] =	vst v7;
	v7 =	vor.u32 $0x180, v57  }
0x3ba: {  	v1 =	vmul.f32 v1, v2;
	[tilespmem:s22+$0x10] =	vst v8;
	v58 =	vbroadcast v7, $0x0  }
0x3bb: {  	s5 =	sadd.s32 $0x80, s25;
	[tilespmem:s22+$0xFFFFFFE0] =	vst v6;
	v5 =	vmul.f32 v5, v2  }
0x3bc: {  	v3 =	vmul.f32 v3, v2;
	v59 =	vld [tilespmem:s5+$0xFFFFFFF0];
	[tilespmem:s22+$0xFFFFFFF0] =	vst v1  }
0x3bd: {  	v2 =	vmul.f32 v4, v2;
	v1 =	vld [tilespmem:s5+$0x30];
	[tilespmem:s22+$0x0] =	vst v5  }
0x3be: {  	v60 =	vld [tilespmem:s5+$0x10];
	[tilespmem:s22+$0x20] =	vst v3  }
0x3bf: {  	v3 =	vld [tilespmem:s5+$0xFFFFFFC0];
	[tilespmem:s22+$0xFFFFFFD0] =	vst v2  }
0x3c0: {  	v2 =	vld.idx.msk [tilespmem:v58+s18+$0x0], $0xffff;
	_ =	sdelay $0x2  }
0x3c1: {  	v61 =	vld [tilespmem:s5+$0x0]  }
0x3c2: {  	v5 =	vld [tilespmem:s5+$0xFFFFFFE0]  }
0x3c3: {  	v1 =	vmul.f32 v1, v2  }
0x3c4: {  	v8 =	vld [tilespmem:s5+$0x20];
	v3 =	vmul.f32 v3, v2  }
0x3c5: {  	v62 =	vld [tilespmem:s5+$0xFFFFFFD0];
	v4 =	vmul.f32 v60, v2;
	[tilespmem:s5+$0x30] =	vst v1  }
0x3c6: {  	v63 =	vmul.f32 v61, v2;
	[tilespmem:s5+$0xFFFFFFC0] =	vst v3  }
0x3c7: {  	v1 =	vmul.f32 v5, v2;
	[tilespmem:s5+$0x10] =	vst v4  }
0x3c8: {  	v3 =	vmul.f32 v59, v2;
	[tilespmem:s5+$0x0] =	vst v63  }
0x3c9: {  	[tilespmem:s5+$0xFFFFFFE0] =	vst v1;
	v1 =	vmul.f32 v8, v2  }
0x3ca: {  	[tilespmem:s5+$0xFFFFFFF0] =	vst v3;
	v2 =	vmul.f32 v62, v2  }
.Ltmp21:
0x3cb: {  	[tilespmem:s5+$0x20] =	vst v1;
	(pc) =	sbr.rel @p0 .LBB2_40-.Ltmp21, $4  }
0x3cc: {  	[tilespmem:s5+$0xFFFFFFD0] =	vst v2  }
0x3cd: {  	_ =	swait.ge [sflag:s2], $0x4000  }
0x3ce: {  	[sflag:s2] =	ssyncset.done $0x0  }
0x3cf: {  	[sflag:s2] =	ssyncadd.s32 $0xFFFFC000  }
0x3d0: {  	s5 =	sadd.s32 $0x5, s17  }
0x3d1: {  	s8 =	sshll.u32 s5, $0x5  }
0x3d2: {  	s5 =	sshll.u32 s5, $0x4;
	s8 =	sadd.s32 s9, s8  }
0x3d3: {  	[tilespmem:s20], [sflag:$0x2] =	stream.linear.gather [hbm4b:s8+s3], $0x100, $0x38;
	[tilespmem:$0x1C600] =	vst v63  }
0x3d4: {  	s29 =	simm.s32 $0x480;
	s5 =	sadd.s32 s10, s5  }
0x3d5: {  	[tilespmem:s29], [sflag:$0x2] =	stream.linear.gather [hbm4b:s5+s3], $0x80, $0x38;
	[tilespmem:$0x1C600] =	vst v63  }
0x3d6: {  	_ =	swait.ge [sflag:s23], $0x100  }
0x3d7: {  	[sflag:s23] =	ssyncset.done $0x0  }
0x3d8: {  	[sflag:s23] =	ssyncadd.s32 $0xFFFFFF00  }
0x3d9: {  	_ =	swait.ge [sflag:s23], $0x80  }
.Ltmp22:
0x3da: {  	[sflag:s23] =	ssyncset.done $0x0;
	(pc) =	sbr.rel .LBB2_30-.Ltmp22, $4  }
0x3db: {  	[sflag:s23] =	ssyncadd.s32 $0xFFFFFF80  }
0x3dc: {  	[tilespmem:s16], [sflag:$0x5] =	stream.indirect.gather [hbm4b:s14+s24], $0x80, s3, s24, $0xb8;
	[tilespmem:$0x1C600] =	vst v63  }
0x3dd: {  	s21 =	sadd.s32 $0x1, s21  }
0x3de: {  	[spmem:s1] =	stream.indirect.scatter.add.f32 [tilespmem:s31], [sflag:$0x8], $0x80, s19, s24, $0xb8;
	[tilespmem:$0x1C600] =	vst v63  }
.LBB2_41:
0x3df: {  	_ =	sfence.sel $0x180000  }
0x3e0: {  	[bflag:$0x0] =	sbarrier.arrive $0xFFFF  }
0x3e1: {  	_ =	strace $0x90000047  }
0x3e2: {  	s0 =	stileid.u32;
	[bflag:$0x2] =	sbarrier.arrive $0xFFFF  }
0x3e3: {  	p0 =	sne.s32 s0, $0x0;
	s0 =	rddreg [dreg:$0x4]  }
0x3e4: {  	s0 =	sadd.s32 @!p0 $0x100000, s0  }
0x3e5: {  	[sflag:s0] =	ssyncadd.tile.s32 @!p0 $0x1;
	_ =	shalt  }
.Lfunc_end2:
_tile_overlayer_lowered:
.L_overlay_start_2:
0x3e6: {  	(tag) =	ssettag $0x2  }
0x3e7: {  	s0 =	rddreg [dreg:$0x0];
	s2 =	stileid.u32  }
0x3e8: {  	s1 =	rddreg [dreg:$0x1];
	p0 =	sne.s32 s2, $0x0  }
0x3e9: {  	s3 =	rddreg [dreg:$0x2];
	[bflag:$0x3] =	sbarrier.arrive $0xFFFF;
	s2 =	simm.s32 @!p0 $0x1C09  }
0x3ea: {  	[timem:s3], [sflag:s2] =	dma.local @!p0 [hbm:s0], s1  }
0x3eb: {  	s0 =	simm.s32 @!p0 $0x9  }
0x3ec: {  	_ =	swait.ge @!p0 [sflag:s0], s1  }
0x3ed: {  	s1 =	ssub.s32 @!p0 $0x0, s1;
	[sflag:s0] =	ssyncset.done @!p0 $0x0  }
0x3ee: {  	[sflag:s0] =	ssyncadd.s32 @!p0 s1  }
0x3ef: {  	[bflag:$0x3] =	sbarrier.arrive $0xFFFF  }
0x3f0: {  	_ =	shalt  }

</sc_bundles>
